<compile_context>
chip_gen: v7x
topology: tpu7x:2x2x1
jax: 0.10.2.dev20260603
libtpu: 0.0.44.dev20260713+nightly
codegen_flags: <defaults>
</compile_context>

<pallas_src>
import functools

import jax
import jax.numpy as jnp
from jax import lax
from jax.experimental import pallas as pl
from jax.experimental.pallas import tpu as pltpu
from jax.experimental.pallas import tpu_sc as plsc

_XD, _YD, _ZD = 100, 88, 80
_C = 64
_B = 512
_VOL = _XD * _YD * _ZD
_NC, _NS = 2, 16
_NW = _NC * _NS
_BPW = _B // _NW
_MARGIN = 1.0
_SCALE = 100.0 / (2.0 * 2 * _B)


def _sqrt16(x):
    i = lax.bitcast_convert_type(x, jnp.int32)
    i = jnp.int32(0x5F3759DF) - lax.shift_right_logical(i, 1)
    y = lax.bitcast_convert_type(i, jnp.float32)
    half_x = x * jnp.float32(0.5)
    for _ in range(3):
        y = y * (jnp.float32(1.5) - half_x * y * y)
    return x * y


def _body(fix_hbm, mov_hbm, fpts, ppts, npts,
          parts_hbm, pos_hbm, neg_hbm,
          cx, cy, cz, idxv, gf, gm, outv, sem):
    cid = lax.axis_index("c")
    sid = lax.axis_index("s")
    wid = sid * _NC + cid
    base = wid * _BPW

    def load_off(pts_hbm):
        pltpu.sync_copy(pts_hbm.at[0, pl.ds(base, _BPW)], cx)
        pltpu.sync_copy(pts_hbm.at[1, pl.ds(base, _BPW)], cy)
        pltpu.sync_copy(pts_hbm.at[2, pl.ds(base, _BPW)], cz)
        x = cx[...] % jnp.int32(_XD)
        y = cy[...] % jnp.int32(_YD)
        z = cz[...] % jnp.int32(_ZD)
        return x * jnp.int32(_YD * _ZD) + y * jnp.int32(_ZD) + z

    def gather(tab_hbm, off, dst):
        for ch in range(_C):
            idxv[pl.ds(ch * 16, 16)] = off + jnp.int32(ch * _VOL)
        handles = []
        for k in range(8):
            handles.append(pltpu.async_copy(
                tab_hbm.at[idxv.at[pl.ds(k * 128, 128)]],
                dst.at[pl.ds(k * 128, 128)], sem))
        for h in handles:
            h.wait()

    foff = load_off(fpts)
    gather(fix_hbm, foff, gf)
    poff = load_off(ppts)
    gather(mov_hbm, poff, gm)
    acc_pos = jnp.zeros((16,), jnp.float32)
    for ch in range(_C):
        d = gf[pl.ds(ch * 16, 16)] - gm[pl.ds(ch * 16, 16)]
        acc_pos = acc_pos + d * d

    noff = load_off(npts)
    gather(mov_hbm, noff, gm)
    acc_neg = jnp.zeros((16,), jnp.float32)
    for ch in range(_C):
        d = gf[pl.ds(ch * 16, 16)] - gm[pl.ds(ch * 16, 16)]
        acc_neg = acc_neg + d * d

    pos_dis = _sqrt16(acc_pos)
    neg_dis = _sqrt16(acc_neg)
    hinge = jnp.maximum(jnp.float32(0.0), jnp.float32(_MARGIN) - neg_dis)
    part = (acc_pos + hinge * hinge) * jnp.float32(_SCALE)

    outv[...] = pos_dis
    pltpu.sync_copy(outv, pos_hbm.at[pl.ds(base, _BPW)])
    outv[...] = neg_dis
    pltpu.sync_copy(outv, neg_hbm.at[pl.ds(base, _BPW)])
    outv[...] = part
    pltpu.sync_copy(outv, parts_hbm.at[wid])


_sc_call = functools.partial(
    pl.kernel,
    mesh=plsc.VectorSubcoreMesh(core_axis_name="c", subcore_axis_name="s"),
    out_type=[
        jax.ShapeDtypeStruct((_NW, _BPW), jnp.float32),
        jax.ShapeDtypeStruct((_B,), jnp.float32),
        jax.ShapeDtypeStruct((_B,), jnp.float32),
    ],
    scratch_types=[
        pltpu.VMEM((_BPW,), jnp.int32),
        pltpu.VMEM((_BPW,), jnp.int32),
        pltpu.VMEM((_BPW,), jnp.int32),
        pltpu.VMEM((_C * _BPW,), jnp.int32),
        pltpu.VMEM((_C * _BPW,), jnp.float32),
        pltpu.VMEM((_C * _BPW,), jnp.float32),
        pltpu.VMEM((_BPW,), jnp.float32),
        pltpu.SemaphoreType.DMA,
    ],
)(_body)


@jax.jit
def kernel(fix_image_feature, moving_image_feature, fixed_points,
           positive_points, negative_points):
    fix_flat = fix_image_feature.reshape(-1)
    mov_flat = moving_image_feature.reshape(-1)
    fpts = fixed_points.astype(jnp.int32).T
    ppts = positive_points.astype(jnp.int32).T
    npts = negative_points.astype(jnp.int32).T
    parts, pos_dis, neg_dis = _sc_call(fix_flat, mov_flat, fpts, ppts, npts)
    loss = jnp.sum(parts)
    return (loss, pos_dis, neg_dis)

# --- scband reference (transcript-rebuilt; emitter-appended) ---
"""Pipeline reference for scband-correspondence-contrastive-loss-39977555591343 (READ-ONLY COPY).

The authoritative reference and input builder live on the scoring server;
editing this copy changes nothing except your own understanding.
"""

import jax, jax.numpy as jnp
import numpy as np

CROP_HALF_SIZE = jnp.array([100, 88, 80], dtype=jnp.int64)
MARGIN = 1.0
BATCH = 512


def setup_inputs(seed: int = 0) -> dict:
    key = jax.random.key(seed)
    k1, k2, k3, k4, k5 = jax.random.split(key, 5)
    fix_image_feature = jax.random.normal(k1, (1, 64, 100, 88, 80), dtype=jnp.float32)
    moving_image_feature = jax.random.normal(k2, (1, 64, 100, 88, 80), dtype=jnp.float32)
    fixed_points = jax.random.randint(k3, (512, 3), 0, 200).astype(jnp.int64)
    positive_points = jax.random.randint(k4, (512, 3), 0, 200).astype(jnp.int64)
    negative_points = jax.random.randint(k5, (512, 3), 0, 200).astype(jnp.int64)
    return {
        "fix_image_feature": fix_image_feature,
        "moving_image_feature": moving_image_feature,
        "fixed_points": fixed_points,
        "positive_points": positive_points,
        "negative_points": negative_points,
    }


def _redirect(pts):
    # point_redirection: componentwise modulo crop_half_size
    return pts % CROP_HALF_SIZE[None, :]


def _gather(vol, pts):
    # vol: [C, X, Y, Z], pts: [B, 3] -> [C, B]
    return vol[:, pts[:, 0], pts[:, 1], pts[:, 2]]


def reference(fix_image_feature, moving_image_feature, fixed_points, positive_points, negative_points):
    fp = _redirect(fixed_points)
    pp = _redirect(positive_points)
    npts = _redirect(negative_points)
    fix = fix_image_feature[0]   # [C, X, Y, Z]
    mov = moving_image_feature[0]
    f_feat = _gather(fix, fp)    # [C, B]
    p_feat = _gather(mov, pp)    # [C, B]
    n_feat = _gather(mov, npts)  # [C, B]
    pos_d2 = jnp.sum((f_feat - p_feat) ** 2, axis=0)  # [B]
    neg_d2 = jnp.sum((f_feat - n_feat) ** 2, axis=0)  # [B]
    pos_dis = jnp.sqrt(pos_d2)
    neg_dis = jnp.sqrt(neg_d2)
    hinge = jnp.maximum(0.0, MARGIN - neg_dis) ** 2
    cnt = 2 * BATCH
    loss = (jnp.sum(pos_d2) + jnp.sum(hinge)) / (2 * cnt) * 100.0
    return (loss, pos_dis, neg_dis)

if __name__ == "__main__":
    import jax
    _d = setup_inputs()
    print(jax.jit(kernel)(*tuple(_d.values())))

</pallas_src>

<mosaic_0001>
#map = affine_map<(d0, d1) -> (0)>
#map1 = affine_map<(d0, d1) -> (0, 0)>
module attributes {stable_mosaic.version = 14 : i64} {
  func.func @_body(%arg0: i32, %arg1: i32, %arg2: memref<45056000xf32, #tpu.memory_space<hbm>>, %arg3: memref<45056000xf32, #tpu.memory_space<hbm>>, %arg4: memref<3x512xi32, #tpu.memory_space<hbm>>, %arg5: memref<3x512xi32, #tpu.memory_space<hbm>>, %arg6: memref<3x512xi32, #tpu.memory_space<hbm>>, %arg7: memref<32x16xf32, #tpu.memory_space<hbm>>, %arg8: memref<512xf32, #tpu.memory_space<hbm>>, %arg9: memref<512xf32, #tpu.memory_space<hbm>>, %arg10: memref<16xi32, #tpu.memory_space<vmem>>, %arg11: memref<16xi32, #tpu.memory_space<vmem>>, %arg12: memref<16xi32, #tpu.memory_space<vmem>>, %arg13: memref<1024xi32, #tpu.memory_space<vmem>>, %arg14: memref<1024xf32, #tpu.memory_space<vmem>>, %arg15: memref<1024xf32, #tpu.memory_space<vmem>>, %arg16: memref<16xf32, #tpu.memory_space<vmem>>, %arg17: memref<!tpu.dma_semaphore, #tpu.memory_space<semaphore_mem>>) attributes {dimension_semantics = [#tpu.dimension_semantics<core_parallel>, #tpu.dimension_semantics<subcore_parallel>], iteration_bounds = array<i64: 2, 16>, scalar_prefetch = 0 : i64, scratch_operands = 8 : i64, tpu.core_type = #tpu.core_type<sc_vector_subcore>, window_params = [{transform_indices = #map}, {transform_indices = #map}, {transform_indices = #map1}, {transform_indices = #map1}, {transform_indices = #map1}, {transform_indices = #map1}, {transform_indices = #map}, {transform_indices = #map}]} {
    %mul3A = arith.constant 2 : i32
    %mul3A_0 = arith.muli %arg1, %mul3A : i32
    %add3A = arith.addi %mul3A_0, %arg0 : i32
    %mul3A_1 = arith.constant 16 : i32
    %mul3A_2 = arith.muli %add3A, %mul3A_1 : i32
    %run_scoped3A = arith.constant 0 : i32
    "tpu.region"() ({
      %run_scoped3A_3115 = tpu.sem_alloc : memref<!tpu.dma_semaphore, #tpu.memory_space<semaphore_mem>>
      %dma_start3A_3116 = tpu.memref_slice %arg4[%run_scoped3A, %mul3A_2] : memref<3x512xi32, #tpu.memory_space<hbm>> -> memref<1x16xi32, #tpu.memory_space<hbm>>
      %dma_start3A_3117 = tpu.memref_squeeze %dma_start3A_3116 : memref<1x16xi32, #tpu.memory_space<hbm>> -> memref<16xi32, #tpu.memory_space<hbm>>
      %dma_start3A_3118 = tpu.memref_slice %arg4[%run_scoped3A, %mul3A_2] : memref<3x512xi32, #tpu.memory_space<hbm>> -> memref<1x16xi32, #tpu.memory_space<hbm>>
      %dma_start3A_3119 = tpu.memref_squeeze %dma_start3A_3118 : memref<1x16xi32, #tpu.memory_space<hbm>> -> memref<16xi32, #tpu.memory_space<hbm>>
      tpu.enqueue_dma source(%dma_start3A_3119 : memref<16xi32, #tpu.memory_space<hbm>>) target(%arg10 : memref<16xi32, #tpu.memory_space<vmem>>) target_semaphore(%run_scoped3A_3115 : memref<!tpu.dma_semaphore, #tpu.memory_space<semaphore_mem>>)
      %dma_wait3A_3120 = tpu.memref_slice %arg4[%run_scoped3A, %mul3A_2] : memref<3x512xi32, #tpu.memory_space<hbm>> -> memref<1x16xi32, #tpu.memory_space<hbm>>
      %dma_wait3A_3121 = tpu.memref_squeeze %dma_wait3A_3120 : memref<1x16xi32, #tpu.memory_space<hbm>> -> memref<16xi32, #tpu.memory_space<hbm>>
      %dma_wait3A_3122 = tpu.memref_slice %arg4[%run_scoped3A, %mul3A_2] : memref<3x512xi32, #tpu.memory_space<hbm>> -> memref<1x16xi32, #tpu.memory_space<hbm>>
      %dma_wait3A_3123 = tpu.memref_squeeze %dma_wait3A_3122 : memref<1x16xi32, #tpu.memory_space<hbm>> -> memref<16xi32, #tpu.memory_space<hbm>>
      tpu.wait_dma2 semaphore(%run_scoped3A_3115 : memref<!tpu.dma_semaphore, #tpu.memory_space<semaphore_mem>>) src(%dma_wait3A_3123 : memref<16xi32, #tpu.memory_space<hbm>>) dst(%arg10 : memref<16xi32, #tpu.memory_space<vmem>>)
      tpu.yield
    }) : () -> ()
    %run_scoped3A_3 = arith.constant 1 : i32
    "tpu.region"() ({
      %run_scoped3A_3115 = tpu.sem_alloc : memref<!tpu.dma_semaphore, #tpu.memory_space<semaphore_mem>>
      %dma_start3A_3116 = tpu.memref_slice %arg4[%run_scoped3A_3, %mul3A_2] : memref<3x512xi32, #tpu.memory_space<hbm>> -> memref<1x16xi32, #tpu.memory_space<hbm>>
      %dma_start3A_3117 = tpu.memref_squeeze %dma_start3A_3116 : memref<1x16xi32, #tpu.memory_space<hbm>> -> memref<16xi32, #tpu.memory_space<hbm>>
      %dma_start3A_3118 = tpu.memref_slice %arg4[%run_scoped3A_3, %mul3A_2] : memref<3x512xi32, #tpu.memory_space<hbm>> -> memref<1x16xi32, #tpu.memory_space<hbm>>
      %dma_start3A_3119 = tpu.memref_squeeze %dma_start3A_3118 : memref<1x16xi32, #tpu.memory_space<hbm>> -> memref<16xi32, #tpu.memory_space<hbm>>
      tpu.enqueue_dma source(%dma_start3A_3119 : memref<16xi32, #tpu.memory_space<hbm>>) target(%arg11 : memref<16xi32, #tpu.memory_space<vmem>>) target_semaphore(%run_scoped3A_3115 : memref<!tpu.dma_semaphore, #tpu.memory_space<semaphore_mem>>)
      %dma_wait3A_3120 = tpu.memref_slice %arg4[%run_scoped3A_3, %mul3A_2] : memref<3x512xi32, #tpu.memory_space<hbm>> -> memref<1x16xi32, #tpu.memory_space<hbm>>
      %dma_wait3A_3121 = tpu.memref_squeeze %dma_wait3A_3120 : memref<1x16xi32, #tpu.memory_space<hbm>> -> memref<16xi32, #tpu.memory_space<hbm>>
      %dma_wait3A_3122 = tpu.memref_slice %arg4[%run_scoped3A_3, %mul3A_2] : memref<3x512xi32, #tpu.memory_space<hbm>> -> memref<1x16xi32, #tpu.memory_space<hbm>>
      %dma_wait3A_3123 = tpu.memref_squeeze %dma_wait3A_3122 : memref<1x16xi32, #tpu.memory_space<hbm>> -> memref<16xi32, #tpu.memory_space<hbm>>
      tpu.wait_dma2 semaphore(%run_scoped3A_3115 : memref<!tpu.dma_semaphore, #tpu.memory_space<semaphore_mem>>) src(%dma_wait3A_3123 : memref<16xi32, #tpu.memory_space<hbm>>) dst(%arg11 : memref<16xi32, #tpu.memory_space<vmem>>)
      tpu.yield
    }) : () -> ()
    %run_scoped3A_4 = arith.constant 2 : i32
    "tpu.region"() ({
      %run_scoped3A_3115 = tpu.sem_alloc : memref<!tpu.dma_semaphore, #tpu.memory_space<semaphore_mem>>
      %dma_start3A_3116 = tpu.memref_slice %arg4[%run_scoped3A_4, %mul3A_2] : memref<3x512xi32, #tpu.memory_space<hbm>> -> memref<1x16xi32, #tpu.memory_space<hbm>>
      %dma_start3A_3117 = tpu.memref_squeeze %dma_start3A_3116 : memref<1x16xi32, #tpu.memory_space<hbm>> -> memref<16xi32, #tpu.memory_space<hbm>>
      %dma_start3A_3118 = tpu.memref_slice %arg4[%run_scoped3A_4, %mul3A_2] : memref<3x512xi32, #tpu.memory_space<hbm>> -> memref<1x16xi32, #tpu.memory_space<hbm>>
      %dma_start3A_3119 = tpu.memref_squeeze %dma_start3A_3118 : memref<1x16xi32, #tpu.memory_space<hbm>> -> memref<16xi32, #tpu.memory_space<hbm>>
      tpu.enqueue_dma source(%dma_start3A_3119 : memref<16xi32, #tpu.memory_space<hbm>>) target(%arg12 : memref<16xi32, #tpu.memory_space<vmem>>) target_semaphore(%run_scoped3A_3115 : memref<!tpu.dma_semaphore, #tpu.memory_space<semaphore_mem>>)
      %dma_wait3A_3120 = tpu.memref_slice %arg4[%run_scoped3A_4, %mul3A_2] : memref<3x512xi32, #tpu.memory_space<hbm>> -> memref<1x16xi32, #tpu.memory_space<hbm>>
      %dma_wait3A_3121 = tpu.memref_squeeze %dma_wait3A_3120 : memref<1x16xi32, #tpu.memory_space<hbm>> -> memref<16xi32, #tpu.memory_space<hbm>>
      %dma_wait3A_3122 = tpu.memref_slice %arg4[%run_scoped3A_4, %mul3A_2] : memref<3x512xi32, #tpu.memory_space<hbm>> -> memref<1x16xi32, #tpu.memory_space<hbm>>
      %dma_wait3A_3123 = tpu.memref_squeeze %dma_wait3A_3122 : memref<1x16xi32, #tpu.memory_space<hbm>> -> memref<16xi32, #tpu.memory_space<hbm>>
      tpu.wait_dma2 semaphore(%run_scoped3A_3115 : memref<!tpu.dma_semaphore, #tpu.memory_space<semaphore_mem>>) src(%dma_wait3A_3123 : memref<16xi32, #tpu.memory_space<hbm>>) dst(%arg12 : memref<16xi32, #tpu.memory_space<vmem>>)
      tpu.yield
    }) : () -> ()
    %get3A = arith.constant 0 : index
    %get3A_5 = tpu.vector_load %arg10[%get3A] {strides = array<i32>} : memref<16xi32, #tpu.memory_space<vmem>>, vector<16xi32>,
    %get3A_6 = vector.shape_cast %get3A_5 : vector<16xi32> to vector<16xi32>
    %jit3A = arith.constant 100 : i32
    %eq3A = arith.constant 0 : i32
    %eq3A_7 = arith.cmpi eq, %jit3A, %eq3A : i32
    %jit3A_8 = arith.constant 1 : i32
    %select_n3A = arith.select %eq3A_7, %jit3A_8, %jit3A : i32
    %rem3A = vector.broadcast %select_n3A : i32 to vector<16xi32>
    %rem3A_9 = arith.remsi %get3A_6, %rem3A : vector<16xi32>
    %ne3A = arith.constant 0 : i32
    %ne3A_10 = vector.broadcast %ne3A : i32 to vector<16xi32>
    %ne3A_11 = arith.cmpi ne, %rem3A_9, %ne3A_10 : vector<16xi32>
    %lt3A = arith.constant 0 : i32
    %lt3A_12 = vector.broadcast %lt3A : i32 to vector<16xi32>
    %lt3A_13 = arith.cmpi slt, %rem3A_9, %lt3A_12 : vector<16xi32>
    %lt3A_14 = arith.constant 0 : i32
    %lt3A_15 = arith.cmpi slt, %select_n3A, %lt3A_14 : i32
    %ne3A_16 = vector.broadcast %lt3A_15 : i1 to vector<16xi1>
    %ne3A_17 = vector.broadcast %ne3A_16 : vector<16xi1> to vector<16xi1>
    %ne3A_18 = arith.xori %lt3A_13, %ne3A_17 : vector<16xi1>
    %and3A = arith.andi %ne3A_18, %ne3A_11 : vector<16xi1>
    %add3A_19 = vector.broadcast %select_n3A : i32 to vector<16xi32>
    %add3A_20 = arith.addi %rem3A_9, %add3A_19 : vector<16xi32>
    %select_n3A_21 = arith.select %and3A, %add3A_20, %rem3A_9 : vector<16xi1>, vector<16xi32>
    %get3A_22 = arith.constant 0 : index
    %get3A_23 = tpu.vector_load %arg11[%get3A_22] {strides = array<i32>} : memref<16xi32, #tpu.memory_space<vmem>>, vector<16xi32>,
    %get3A_24 = vector.shape_cast %get3A_23 : vector<16xi32> to vector<16xi32>
    %jit3A_25 = arith.constant 88 : i32
    %eq3A_26 = arith.constant 0 : i32
    %eq3A_27 = arith.cmpi eq, %jit3A_25, %eq3A_26 : i32
    %jit3A_28 = arith.constant 1 : i32
    %select_n3A_29 = arith.select %eq3A_27, %jit3A_28, %jit3A_25 : i32
    %rem3A_30 = vector.broadcast %select_n3A_29 : i32 to vector<16xi32>
    %rem3A_31 = arith.remsi %get3A_24, %rem3A_30 : vector<16xi32>
    %ne3A_32 = arith.constant 0 : i32
    %ne3A_33 = vector.broadcast %ne3A_32 : i32 to vector<16xi32>
    %ne3A_34 = arith.cmpi ne, %rem3A_31, %ne3A_33 : vector<16xi32>
    %lt3A_35 = arith.constant 0 : i32
    %lt3A_36 = vector.broadcast %lt3A_35 : i32 to vector<16xi32>
    %lt3A_37 = arith.cmpi slt, %rem3A_31, %lt3A_36 : vector<16xi32>
    %lt3A_38 = arith.constant 0 : i32
    %lt3A_39 = arith.cmpi slt, %select_n3A_29, %lt3A_38 : i32
    %ne3A_40 = vector.broadcast %lt3A_39 : i1 to vector<16xi1>
    %ne3A_41 = vector.broadcast %ne3A_40 : vector<16xi1> to vector<16xi1>
    %ne3A_42 = arith.xori %lt3A_37, %ne3A_41 : vector<16xi1>
    %and3A_43 = arith.andi %ne3A_42, %ne3A_34 : vector<16xi1>
    %add3A_44 = vector.broadcast %select_n3A_29 : i32 to vector<16xi32>
    %add3A_45 = arith.addi %rem3A_31, %add3A_44 : vector<16xi32>
    %select_n3A_46 = arith.select %and3A_43, %add3A_45, %rem3A_31 : vector<16xi1>, vector<16xi32>
    %get3A_47 = arith.constant 0 : index
    %get3A_48 = tpu.vector_load %arg12[%get3A_47] {strides = array<i32>} : memref<16xi32, #tpu.memory_space<vmem>>, vector<16xi32>,
    %get3A_49 = vector.shape_cast %get3A_48 : vector<16xi32> to vector<16xi32>
    %jit3A_50 = arith.constant 80 : i32
    %eq3A_51 = arith.constant 0 : i32
    %eq3A_52 = arith.cmpi eq, %jit3A_50, %eq3A_51 : i32
    %jit3A_53 = arith.constant 1 : i32
    %select_n3A_54 = arith.select %eq3A_52, %jit3A_53, %jit3A_50 : i32
    %rem3A_55 = vector.broadcast %select_n3A_54 : i32 to vector<16xi32>
    %rem3A_56 = arith.remsi %get3A_49, %rem3A_55 : vector<16xi32>
    %ne3A_57 = arith.constant 0 : i32
    %ne3A_58 = vector.broadcast %ne3A_57 : i32 to vector<16xi32>
    %ne3A_59 = arith.cmpi ne, %rem3A_56, %ne3A_58 : vector<16xi32>
    %lt3A_60 = arith.constant 0 : i32
    %lt3A_61 = vector.broadcast %lt3A_60 : i32 to vector<16xi32>
    %lt3A_62 = arith.cmpi slt, %rem3A_56, %lt3A_61 : vector<16xi32>
    %lt3A_63 = arith.constant 0 : i32
    %lt3A_64 = arith.cmpi slt, %select_n3A_54, %lt3A_63 : i32
    %ne3A_65 = vector.broadcast %lt3A_64 : i1 to vector<16xi1>
    %ne3A_66 = vector.broadcast %ne3A_65 : vector<16xi1> to vector<16xi1>
    %ne3A_67 = arith.xori %lt3A_62, %ne3A_66 : vector<16xi1>
    %and3A_68 = arith.andi %ne3A_67, %ne3A_59 : vector<16xi1>
    %add3A_69 = vector.broadcast %select_n3A_54 : i32 to vector<16xi32>
    %add3A_70 = arith.addi %rem3A_56, %add3A_69 : vector<16xi32>
    %select_n3A_71 = arith.select %and3A_68, %add3A_70, %rem3A_56 : vector<16xi1>, vector<16xi32>
    %mul3A_72 = arith.constant 7040 : i32
    %mul3A_73 = vector.broadcast %mul3A_72 : i32 to vector<16xi32>
    %mul3A_74 = arith.muli %select_n3A_21, %mul3A_73 : vector<16xi32>
    %mul3A_75 = arith.constant 80 : i32
    %mul3A_76 = vector.broadcast %mul3A_75 : i32 to vector<16xi32>
    %mul3A_77 = arith.muli %select_n3A_46, %mul3A_76 : vector<16xi32>
    %add3A_78 = arith.addi %mul3A_74, %mul3A_77 : vector<16xi32>
    %add3A_79 = arith.addi %add3A_78, %select_n3A_71 : vector<16xi32>
    %add3A_80 = arith.constant 0 : i32
    %add3A_81 = vector.broadcast %add3A_80 : i32 to vector<16xi32>
    %add3A_82 = arith.addi %add3A_79, %add3A_81 : vector<16xi32>
    %swap3A = arith.constant 0 : index
    %swap3A_83 = tpu.vector_load %arg13[%swap3A] {strides = array<i32>} : memref<1024xi32, #tpu.memory_space<vmem>>, vector<16xi32>,
    %swap3A_84 = vector.shape_cast %swap3A_83 : vector<16xi32> to vector<16xi32>
    %swap3A_85 = vector.shape_cast %add3A_82 : vector<16xi32> to vector<16xi32>
    tpu.vector_store %arg13[%swap3A], %swap3A_85 {strides = array<i32>} : memref<1024xi32, #tpu.memory_space<vmem>>, vector<16xi32>,
    %add3A_86 = arith.constant 704000 : i32
    %add3A_87 = vector.broadcast %add3A_86 : i32 to vector<16xi32>
    %add3A_88 = arith.addi %add3A_79, %add3A_87 : vector<16xi32>
    %swap3A_89 = arith.constant 16 : index
    %swap3A_90 = tpu.vector_load %arg13[%swap3A_89] {strides = array<i32>} : memref<1024xi32, #tpu.memory_space<vmem>>, vector<16xi32>,
    %swap3A_91 = vector.shape_cast %swap3A_90 : vector<16xi32> to vector<16xi32>
    %swap3A_92 = vector.shape_cast %add3A_88 : vector<16xi32> to vector<16xi32>
    tpu.vector_store %arg13[%swap3A_89], %swap3A_92 {strides = array<i32>} : memref<1024xi32, #tpu.memory_space<vmem>>, vector<16xi32>,
    %add3A_93 = arith.constant 1408000 : i32
    %add3A_94 = vector.broadcast %add3A_93 : i32 to vector<16xi32>
    %add3A_95 = arith.addi %add3A_79, %add3A_94 : vector<16xi32>
    %swap3A_96 = arith.constant 32 : index
    %swap3A_97 = tpu.vector_load %arg13[%swap3A_96] {strides = array<i32>} : memref<1024xi32, #tpu.memory_space<vmem>>, vector<16xi32>,
    %swap3A_98 = vector.shape_cast %swap3A_97 : vector<16xi32> to vector<16xi32>
    %swap3A_99 = vector.shape_cast %add3A_95 : vector<16xi32> to vector<16xi32>
    tpu.vector_store %arg13[%swap3A_96], %swap3A_99 {strides = array<i32>} : memref<1024xi32, #tpu.memory_space<vmem>>, vector<16xi32>,
    %add3A_100 = arith.constant 2112000 : i32
    %add3A_101 = vector.broadcast %add3A_100 : i32 to vector<16xi32>
    %add3A_102 = arith.addi %add3A_79, %add3A_101 : vector<16xi32>
    %swap3A_103 = arith.constant 48 : index
    %swap3A_104 = tpu.vector_load %arg13[%swap3A_103] {strides = array<i32>} : memref<1024xi32, #tpu.memory_space<vmem>>, vector<16xi32>,
    %swap3A_105 = vector.shape_cast %swap3A_104 : vector<16xi32> to vector<16xi32>
    %swap3A_106 = vector.shape_cast %add3A_102 : vector<16xi32> to vector<16xi32>
    tpu.vector_store %arg13[%swap3A_103], %swap3A_106 {strides = array<i32>} : memref<1024xi32, #tpu.memory_space<vmem>>, vector<16xi32>,
    %add3A_107 = arith.constant 2816000 : i32
    %add3A_108 = vector.broadcast %add3A_107 : i32 to vector<16xi32>
    %add3A_109 = arith.addi %add3A_79, %add3A_108 : vector<16xi32>
    %swap3A_110 = arith.constant 64 : index
    %swap3A_111 = tpu.vector_load %arg13[%swap3A_110] {strides = array<i32>} : memref<1024xi32, #tpu.memory_space<vmem>>, vector<16xi32>,
    %swap3A_112 = vector.shape_cast %swap3A_111 : vector<16xi32> to vector<16xi32>
    %swap3A_113 = vector.shape_cast %add3A_109 : vector<16xi32> to vector<16xi32>
    tpu.vector_store %arg13[%swap3A_110], %swap3A_113 {strides = array<i32>} : memref<1024xi32, #tpu.memory_space<vmem>>, vector<16xi32>,
    %add3A_114 = arith.constant 3520000 : i32
    %add3A_115 = vector.broadcast %add3A_114 : i32 to vector<16xi32>
    %add3A_116 = arith.addi %add3A_79, %add3A_115 : vector<16xi32>
    %swap3A_117 = arith.constant 80 : index
    %swap3A_118 = tpu.vector_load %arg13[%swap3A_117] {strides = array<i32>} : memref<1024xi32, #tpu.memory_space<vmem>>, vector<16xi32>,
    %swap3A_119 = vector.shape_cast %swap3A_118 : vector<16xi32> to vector<16xi32>
    %swap3A_120 = vector.shape_cast %add3A_116 : vector<16xi32> to vector<16xi32>
    tpu.vector_store %arg13[%swap3A_117], %swap3A_120 {strides = array<i32>} : memref<1024xi32, #tpu.memory_space<vmem>>, vector<16xi32>,
    %add3A_121 = arith.constant 4224000 : i32
    %add3A_122 = vector.broadcast %add3A_121 : i32 to vector<16xi32>
    %add3A_123 = arith.addi %add3A_79, %add3A_122 : vector<16xi32>
    %swap3A_124 = arith.constant 96 : index
    %swap3A_125 = tpu.vector_load %arg13[%swap3A_124] {strides = array<i32>} : memref<1024xi32, #tpu.memory_space<vmem>>, vector<16xi32>,
    %swap3A_126 = vector.shape_cast %swap3A_125 : vector<16xi32> to vector<16xi32>
    %swap3A_127 = vector.shape_cast %add3A_123 : vector<16xi32> to vector<16xi32>
    tpu.vector_store %arg13[%swap3A_124], %swap3A_127 {strides = array<i32>} : memref<1024xi32, #tpu.memory_space<vmem>>, vector<16xi32>,
    %add3A_128 = arith.constant 4928000 : i32
    %add3A_129 = vector.broadcast %add3A_128 : i32 to vector<16xi32>
    %add3A_130 = arith.addi %add3A_79, %add3A_129 : vector<16xi32>
    %swap3A_131 = arith.constant 112 : index
    %swap3A_132 = tpu.vector_load %arg13[%swap3A_131] {strides = array<i32>} : memref<1024xi32, #tpu.memory_space<vmem>>, vector<16xi32>,
    %swap3A_133 = vector.shape_cast %swap3A_132 : vector<16xi32> to vector<16xi32>
    %swap3A_134 = vector.shape_cast %add3A_130 : vector<16xi32> to vector<16xi32>
    tpu.vector_store %arg13[%swap3A_131], %swap3A_134 {strides = array<i32>} : memref<1024xi32, #tpu.memory_space<vmem>>, vector<16xi32>,
    %add3A_135 = arith.constant 5632000 : i32
    %add3A_136 = vector.broadcast %add3A_135 : i32 to vector<16xi32>
    %add3A_137 = arith.addi %add3A_79, %add3A_136 : vector<16xi32>
    %swap3A_138 = arith.constant 128 : index
    %swap3A_139 = tpu.vector_load %arg13[%swap3A_138] {strides = array<i32>} : memref<1024xi32, #tpu.memory_space<vmem>>, vector<16xi32>,
    %swap3A_140 = vector.shape_cast %swap3A_139 : vector<16xi32> to vector<16xi32>
    %swap3A_141 = vector.shape_cast %add3A_137 : vector<16xi32> to vector<16xi32>
    tpu.vector_store %arg13[%swap3A_138], %swap3A_141 {strides = array<i32>} : memref<1024xi32, #tpu.memory_space<vmem>>, vector<16xi32>,
    %add3A_142 = arith.constant 6336000 : i32
    %add3A_143 = vector.broadcast %add3A_142 : i32 to vector<16xi32>
    %add3A_144 = arith.addi %add3A_79, %add3A_143 : vector<16xi32>
    %swap3A_145 = arith.constant 144 : index
    %swap3A_146 = tpu.vector_load %arg13[%swap3A_145] {strides = array<i32>} : memref<1024xi32, #tpu.memory_space<vmem>>, vector<16xi32>,
    %swap3A_147 = vector.shape_cast %swap3A_146 : vector<16xi32> to vector<16xi32>
    %swap3A_148 = vector.shape_cast %add3A_144 : vector<16xi32> to vector<16xi32>
    tpu.vector_store %arg13[%swap3A_145], %swap3A_148 {strides = array<i32>} : memref<1024xi32, #tpu.memory_space<vmem>>, vector<16xi32>,
    %add3A_149 = arith.constant 7040000 : i32
    %add3A_150 = vector.broadcast %add3A_149 : i32 to vector<16xi32>
    %add3A_151 = arith.addi %add3A_79, %add3A_150 : vector<16xi32>
    %swap3A_152 = arith.constant 160 : index
    %swap3A_153 = tpu.vector_load %arg13[%swap3A_152] {strides = array<i32>} : memref<1024xi32, #tpu.memory_space<vmem>>, vector<16xi32>,
    %swap3A_154 = vector.shape_cast %swap3A_153 : vector<16xi32> to vector<16xi32>
    %swap3A_155 = vector.shape_cast %add3A_151 : vector<16xi32> to vector<16xi32>
    tpu.vector_store %arg13[%swap3A_152], %swap3A_155 {strides = array<i32>} : memref<1024xi32, #tpu.memory_space<vmem>>, vector<16xi32>,
    %add3A_156 = arith.constant 7744000 : i32
    %add3A_157 = vector.broadcast %add3A_156 : i32 to vector<16xi32>
    %add3A_158 = arith.addi %add3A_79, %add3A_157 : vector<16xi32>
    %swap3A_159 = arith.constant 176 : index
    %swap3A_160 = tpu.vector_load %arg13[%swap3A_159] {strides = array<i32>} : memref<1024xi32, #tpu.memory_space<vmem>>, vector<16xi32>,
    %swap3A_161 = vector.shape_cast %swap3A_160 : vector<16xi32> to vector<16xi32>
    %swap3A_162 = vector.shape_cast %add3A_158 : vector<16xi32> to vector<16xi32>
    tpu.vector_store %arg13[%swap3A_159], %swap3A_162 {strides = array<i32>} : memref<1024xi32, #tpu.memory_space<vmem>>, vector<16xi32>,
    %add3A_163 = arith.constant 8448000 : i32
    %add3A_164 = vector.broadcast %add3A_163 : i32 to vector<16xi32>
    %add3A_165 = arith.addi %add3A_79, %add3A_164 : vector<16xi32>
    %swap3A_166 = arith.constant 192 : index
    %swap3A_167 = tpu.vector_load %arg13[%swap3A_166] {strides = array<i32>} : memref<1024xi32, #tpu.memory_space<vmem>>, vector<16xi32>,
    %swap3A_168 = vector.shape_cast %swap3A_167 : vector<16xi32> to vector<16xi32>
    %swap3A_169 = vector.shape_cast %add3A_165 : vector<16xi32> to vector<16xi32>
    tpu.vector_store %arg13[%swap3A_166], %swap3A_169 {strides = array<i32>} : memref<1024xi32, #tpu.memory_space<vmem>>, vector<16xi32>,
    %add3A_170 = arith.constant 9152000 : i32
    %add3A_171 = vector.broadcast %add3A_170 : i32 to vector<16xi32>
    %add3A_172 = arith.addi %add3A_79, %add3A_171 : vector<16xi32>
    %swap3A_173 = arith.constant 208 : index
    %swap3A_174 = tpu.vector_load %arg13[%swap3A_173] {strides = array<i32>} : memref<1024xi32, #tpu.memory_space<vmem>>, vector<16xi32>,
    %swap3A_175 = vector.shape_cast %swap3A_174 : vector<16xi32> to vector<16xi32>
    %swap3A_176 = vector.shape_cast %add3A_172 : vector<16xi32> to vector<16xi32>
    tpu.vector_store %arg13[%swap3A_173], %swap3A_176 {strides = array<i32>} : memref<1024xi32, #tpu.memory_space<vmem>>, vector<16xi32>,
    %add3A_177 = arith.constant 9856000 : i32
    %add3A_178 = vector.broadcast %add3A_177 : i32 to vector<16xi32>
    %add3A_179 = arith.addi %add3A_79, %add3A_178 : vector<16xi32>
    %swap3A_180 = arith.constant 224 : index
    %swap3A_181 = tpu.vector_load %arg13[%swap3A_180] {strides = array<i32>} : memref<1024xi32, #tpu.memory_space<vmem>>, vector<16xi32>,
    %swap3A_182 = vector.shape_cast %swap3A_181 : vector<16xi32> to vector<16xi32>
    %swap3A_183 = vector.shape_cast %add3A_179 : vector<16xi32> to vector<16xi32>
    tpu.vector_store %arg13[%swap3A_180], %swap3A_183 {strides = array<i32>} : memref<1024xi32, #tpu.memory_space<vmem>>, vector<16xi32>,
    %add3A_184 = arith.constant 10560000 : i32
    %add3A_185 = vector.broadcast %add3A_184 : i32 to vector<16xi32>
    %add3A_186 = arith.addi %add3A_79, %add3A_185 : vector<16xi32>
    %swap3A_187 = arith.constant 240 : index
    %swap3A_188 = tpu.vector_load %arg13[%swap3A_187] {strides = array<i32>} : memref<1024xi32, #tpu.memory_space<vmem>>, vector<16xi32>,
    %swap3A_189 = vector.shape_cast %swap3A_188 : vector<16xi32> to vector<16xi32>
    %swap3A_190 = vector.shape_cast %add3A_186 : vector<16xi32> to vector<16xi32>
    tpu.vector_store %arg13[%swap3A_187], %swap3A_190 {strides = array<i32>} : memref<1024xi32, #tpu.memory_space<vmem>>, vector<16xi32>,
    %add3A_191 = arith.constant 11264000 : i32
    %add3A_192 = vector.broadcast %add3A_191 : i32 to vector<16xi32>
    %add3A_193 = arith.addi %add3A_79, %add3A_192 : vector<16xi32>
    %swap3A_194 = arith.constant 256 : index
    %swap3A_195 = tpu.vector_load %arg13[%swap3A_194] {strides = array<i32>} : memref<1024xi32, #tpu.memory_space<vmem>>, vector<16xi32>,
    %swap3A_196 = vector.shape_cast %swap3A_195 : vector<16xi32> to vector<16xi32>
    %swap3A_197 = vector.shape_cast %add3A_193 : vector<16xi32> to vector<16xi32>
    tpu.vector_store %arg13[%swap3A_194], %swap3A_197 {strides = array<i32>} : memref<1024xi32, #tpu.memory_space<vmem>>, vector<16xi32>,
    %add3A_198 = arith.constant 11968000 : i32
    %add3A_199 = vector.broadcast %add3A_198 : i32 to vector<16xi32>
    %add3A_200 = arith.addi %add3A_79, %add3A_199 : vector<16xi32>
    %swap3A_201 = arith.constant 272 : index
    %swap3A_202 = tpu.vector_load %arg13[%swap3A_201] {strides = array<i32>} : memref<1024xi32, #tpu.memory_space<vmem>>, vector<16xi32>,
    %swap3A_203 = vector.shape_cast %swap3A_202 : vector<16xi32> to vector<16xi32>
    %swap3A_204 = vector.shape_cast %add3A_200 : vector<16xi32> to vector<16xi32>
    tpu.vector_store %arg13[%swap3A_201], %swap3A_204 {strides = array<i32>} : memref<1024xi32, #tpu.memory_space<vmem>>, vector<16xi32>,
    %add3A_205 = arith.constant 12672000 : i32
    %add3A_206 = vector.broadcast %add3A_205 : i32 to vector<16xi32>
    %add3A_207 = arith.addi %add3A_79, %add3A_206 : vector<16xi32>
    %swap3A_208 = arith.constant 288 : index
    %swap3A_209 = tpu.vector_load %arg13[%swap3A_208] {strides = array<i32>} : memref<1024xi32, #tpu.memory_space<vmem>>, vector<16xi32>,
    %swap3A_210 = vector.shape_cast %swap3A_209 : vector<16xi32> to vector<16xi32>
    %swap3A_211 = vector.shape_cast %add3A_207 : vector<16xi32> to vector<16xi32>
    tpu.vector_store %arg13[%swap3A_208], %swap3A_211 {strides = array<i32>} : memref<1024xi32, #tpu.memory_space<vmem>>, vector<16xi32>,
    %add3A_212 = arith.constant 13376000 : i32
    %add3A_213 = vector.broadcast %add3A_212 : i32 to vector<16xi32>
    %add3A_214 = arith.addi %add3A_79, %add3A_213 : vector<16xi32>
    %swap3A_215 = arith.constant 304 : index
    %swap3A_216 = tpu.vector_load %arg13[%swap3A_215] {strides = array<i32>} : memref<1024xi32, #tpu.memory_space<vmem>>, vector<16xi32>,
    %swap3A_217 = vector.shape_cast %swap3A_216 : vector<16xi32> to vector<16xi32>
    %swap3A_218 = vector.shape_cast %add3A_214 : vector<16xi32> to vector<16xi32>
    tpu.vector_store %arg13[%swap3A_215], %swap3A_218 {strides = array<i32>} : memref<1024xi32, #tpu.memory_space<vmem>>, vector<16xi32>,
    %add3A_219 = arith.constant 14080000 : i32
    %add3A_220 = vector.broadcast %add3A_219 : i32 to vector<16xi32>
    %add3A_221 = arith.addi %add3A_79, %add3A_220 : vector<16xi32>
    %swap3A_222 = arith.constant 320 : index
    %swap3A_223 = tpu.vector_load %arg13[%swap3A_222] {strides = array<i32>} : memref<1024xi32, #tpu.memory_space<vmem>>, vector<16xi32>,
    %swap3A_224 = vector.shape_cast %swap3A_223 : vector<16xi32> to vector<16xi32>
    %swap3A_225 = vector.shape_cast %add3A_221 : vector<16xi32> to vector<16xi32>
    tpu.vector_store %arg13[%swap3A_222], %swap3A_225 {strides = array<i32>} : memref<1024xi32, #tpu.memory_space<vmem>>, vector<16xi32>,
    %add3A_226 = arith.constant 14784000 : i32
    %add3A_227 = vector.broadcast %add3A_226 : i32 to vector<16xi32>
    %add3A_228 = arith.addi %add3A_79, %add3A_227 : vector<16xi32>
    %swap3A_229 = arith.constant 336 : index
    %swap3A_230 = tpu.vector_load %arg13[%swap3A_229] {strides = array<i32>} : memref<1024xi32, #tpu.memory_space<vmem>>, vector<16xi32>,
    %swap3A_231 = vector.shape_cast %swap3A_230 : vector<16xi32> to vector<16xi32>
    %swap3A_232 = vector.shape_cast %add3A_228 : vector<16xi32> to vector<16xi32>
    tpu.vector_store %arg13[%swap3A_229], %swap3A_232 {strides = array<i32>} : memref<1024xi32, #tpu.memory_space<vmem>>, vector<16xi32>,
    %add3A_233 = arith.constant 15488000 : i32
    %add3A_234 = vector.broadcast %add3A_233 : i32 to vector<16xi32>
    %add3A_235 = arith.addi %add3A_79, %add3A_234 : vector<16xi32>
    %swap3A_236 = arith.constant 352 : index
    %swap3A_237 = tpu.vector_load %arg13[%swap3A_236] {strides = array<i32>} : memref<1024xi32, #tpu.memory_space<vmem>>, vector<16xi32>,
    %swap3A_238 = vector.shape_cast %swap3A_237 : vector<16xi32> to vector<16xi32>
    %swap3A_239 = vector.shape_cast %add3A_235 : vector<16xi32> to vector<16xi32>
    tpu.vector_store %arg13[%swap3A_236], %swap3A_239 {strides = array<i32>} : memref<1024xi32, #tpu.memory_space<vmem>>, vector<16xi32>,
    %add3A_240 = arith.constant 16192000 : i32
    %add3A_241 = vector.broadcast %add3A_240 : i32 to vector<16xi32>
    %add3A_242 = arith.addi %add3A_79, %add3A_241 : vector<16xi32>
    %swap3A_243 = arith.constant 368 : index
    %swap3A_244 = tpu.vector_load %arg13[%swap3A_243] {strides = array<i32>} : memref<1024xi32, #tpu.memory_space<vmem>>, vector<16xi32>,
    %swap3A_245 = vector.shape_cast %swap3A_244 : vector<16xi32> to vector<16xi32>
    %swap3A_246 = vector.shape_cast %add3A_242 : vector<16xi32> to vector<16xi32>
    tpu.vector_store %arg13[%swap3A_243], %swap3A_246 {strides = array<i32>} : memref<1024xi32, #tpu.memory_space<vmem>>, vector<16xi32>,
    %add3A_247 = arith.constant 16896000 : i32
    %add3A_248 = vector.broadcast %add3A_247 : i32 to vector<16xi32>
    %add3A_249 = arith.addi %add3A_79, %add3A_248 : vector<16xi32>
    %swap3A_250 = arith.constant 384 : index
    %swap3A_251 = tpu.vector_load %arg13[%swap3A_250] {strides = array<i32>} : memref<1024xi32, #tpu.memory_space<vmem>>, vector<16xi32>,
    %swap3A_252 = vector.shape_cast %swap3A_251 : vector<16xi32> to vector<16xi32>
    %swap3A_253 = vector.shape_cast %add3A_249 : vector<16xi32> to vector<16xi32>
    tpu.vector_store %arg13[%swap3A_250], %swap3A_253 {strides = array<i32>} : memref<1024xi32, #tpu.memory_space<vmem>>, vector<16xi32>,
    %add3A_254 = arith.constant 17600000 : i32
    %add3A_255 = vector.broadcast %add3A_254 : i32 to vector<16xi32>
    %add3A_256 = arith.addi %add3A_79, %add3A_255 : vector<16xi32>
    %swap3A_257 = arith.constant 400 : index
    %swap3A_258 = tpu.vector_load %arg13[%swap3A_257] {strides = array<i32>} : memref<1024xi32, #tpu.memory_space<vmem>>, vector<16xi32>,
    %swap3A_259 = vector.shape_cast %swap3A_258 : vector<16xi32> to vector<16xi32>
    %swap3A_260 = vector.shape_cast %add3A_256 : vector<16xi32> to vector<16xi32>
    tpu.vector_store %arg13[%swap3A_257], %swap3A_260 {strides = array<i32>} : memref<1024xi32, #tpu.memory_space<vmem>>, vector<16xi32>,
    %add3A_261 = arith.constant 18304000 : i32
    %add3A_262 = vector.broadcast %add3A_261 : i32 to vector<16xi32>
    %add3A_263 = arith.addi %add3A_79, %add3A_262 : vector<16xi32>
    %swap3A_264 = arith.constant 416 : index
    %swap3A_265 = tpu.vector_load %arg13[%swap3A_264] {strides = array<i32>} : memref<1024xi32, #tpu.memory_space<vmem>>, vector<16xi32>,
    %swap3A_266 = vector.shape_cast %swap3A_265 : vector<16xi32> to vector<16xi32>
    %swap3A_267 = vector.shape_cast %add3A_263 : vector<16xi32> to vector<16xi32>
    tpu.vector_store %arg13[%swap3A_264], %swap3A_267 {strides = array<i32>} : memref<1024xi32, #tpu.memory_space<vmem>>, vector<16xi32>,
    %add3A_268 = arith.constant 19008000 : i32
    %add3A_269 = vector.broadcast %add3A_268 : i32 to vector<16xi32>
    %add3A_270 = arith.addi %add3A_79, %add3A_269 : vector<16xi32>
    %swap3A_271 = arith.constant 432 : index
    %swap3A_272 = tpu.vector_load %arg13[%swap3A_271] {strides = array<i32>} : memref<1024xi32, #tpu.memory_space<vmem>>, vector<16xi32>,
    %swap3A_273 = vector.shape_cast %swap3A_272 : vector<16xi32> to vector<16xi32>
    %swap3A_274 = vector.shape_cast %add3A_270 : vector<16xi32> to vector<16xi32>
    tpu.vector_store %arg13[%swap3A_271], %swap3A_274 {strides = array<i32>} : memref<1024xi32, #tpu.memory_space<vmem>>, vector<16xi32>,
    %add3A_275 = arith.constant 19712000 : i32
    %add3A_276 = vector.broadcast %add3A_275 : i32 to vector<16xi32>
    %add3A_277 = arith.addi %add3A_79, %add3A_276 : vector<16xi32>
    %swap3A_278 = arith.constant 448 : index
    %swap3A_279 = tpu.vector_load %arg13[%swap3A_278] {strides = array<i32>} : memref<1024xi32, #tpu.memory_space<vmem>>, vector<16xi32>,
    %swap3A_280 = vector.shape_cast %swap3A_279 : vector<16xi32> to vector<16xi32>
    %swap3A_281 = vector.shape_cast %add3A_277 : vector<16xi32> to vector<16xi32>
    tpu.vector_store %arg13[%swap3A_278], %swap3A_281 {strides = array<i32>} : memref<1024xi32, #tpu.memory_space<vmem>>, vector<16xi32>,
    %add3A_282 = arith.constant 20416000 : i32
    %add3A_283 = vector.broadcast %add3A_282 : i32 to vector<16xi32>
    %add3A_284 = arith.addi %add3A_79, %add3A_283 : vector<16xi32>
    %swap3A_285 = arith.constant 464 : index
    %swap3A_286 = tpu.vector_load %arg13[%swap3A_285] {strides = array<i32>} : memref<1024xi32, #tpu.memory_space<vmem>>, vector<16xi32>,
    %swap3A_287 = vector.shape_cast %swap3A_286 : vector<16xi32> to vector<16xi32>
    %swap3A_288 = vector.shape_cast %add3A_284 : vector<16xi32> to vector<16xi32>
    tpu.vector_store %arg13[%swap3A_285], %swap3A_288 {strides = array<i32>} : memref<1024xi32, #tpu.memory_space<vmem>>, vector<16xi32>,
    %add3A_289 = arith.constant 21120000 : i32
    %add3A_290 = vector.broadcast %add3A_289 : i32 to vector<16xi32>
    %add3A_291 = arith.addi %add3A_79, %add3A_290 : vector<16xi32>
    %swap3A_292 = arith.constant 480 : index
    %swap3A_293 = tpu.vector_load %arg13[%swap3A_292] {strides = array<i32>} : memref<1024xi32, #tpu.memory_space<vmem>>, vector<16xi32>,
    %swap3A_294 = vector.shape_cast %swap3A_293 : vector<16xi32> to vector<16xi32>
    %swap3A_295 = vector.shape_cast %add3A_291 : vector<16xi32> to vector<16xi32>
    tpu.vector_store %arg13[%swap3A_292], %swap3A_295 {strides = array<i32>} : memref<1024xi32, #tpu.memory_space<vmem>>, vector<16xi32>,
    %add3A_296 = arith.constant 21824000 : i32
    %add3A_297 = vector.broadcast %add3A_296 : i32 to vector<16xi32>
    %add3A_298 = arith.addi %add3A_79, %add3A_297 : vector<16xi32>
    %swap3A_299 = arith.constant 496 : index
    %swap3A_300 = tpu.vector_load %arg13[%swap3A_299] {strides = array<i32>} : memref<1024xi32, #tpu.memory_space<vmem>>, vector<16xi32>,
    %swap3A_301 = vector.shape_cast %swap3A_300 : vector<16xi32> to vector<16xi32>
    %swap3A_302 = vector.shape_cast %add3A_298 : vector<16xi32> to vector<16xi32>
    tpu.vector_store %arg13[%swap3A_299], %swap3A_302 {strides = array<i32>} : memref<1024xi32, #tpu.memory_space<vmem>>, vector<16xi32>,
    %add3A_303 = arith.constant 22528000 : i32
    %add3A_304 = vector.broadcast %add3A_303 : i32 to vector<16xi32>
    %add3A_305 = arith.addi %add3A_79, %add3A_304 : vector<16xi32>
    %swap3A_306 = arith.constant 512 : index
    %swap3A_307 = tpu.vector_load %arg13[%swap3A_306] {strides = array<i32>} : memref<1024xi32, #tpu.memory_space<vmem>>, vector<16xi32>,
    %swap3A_308 = vector.shape_cast %swap3A_307 : vector<16xi32> to vector<16xi32>
    %swap3A_309 = vector.shape_cast %add3A_305 : vector<16xi32> to vector<16xi32>
    tpu.vector_store %arg13[%swap3A_306], %swap3A_309 {strides = array<i32>} : memref<1024xi32, #tpu.memory_space<vmem>>, vector<16xi32>,
    %add3A_310 = arith.constant 23232000 : i32
    %add3A_311 = vector.broadcast %add3A_310 : i32 to vector<16xi32>
    %add3A_312 = arith.addi %add3A_79, %add3A_311 : vector<16xi32>
    %swap3A_313 = arith.constant 528 : index
    %swap3A_314 = tpu.vector_load %arg13[%swap3A_313] {strides = array<i32>} : memref<1024xi32, #tpu.memory_space<vmem>>, vector<16xi32>,
    %swap3A_315 = vector.shape_cast %swap3A_314 : vector<16xi32> to vector<16xi32>
    %swap3A_316 = vector.shape_cast %add3A_312 : vector<16xi32> to vector<16xi32>
    tpu.vector_store %arg13[%swap3A_313], %swap3A_316 {strides = array<i32>} : memref<1024xi32, #tpu.memory_space<vmem>>, vector<16xi32>,
    %add3A_317 = arith.constant 23936000 : i32
    %add3A_318 = vector.broadcast %add3A_317 : i32 to vector<16xi32>
    %add3A_319 = arith.addi %add3A_79, %add3A_318 : vector<16xi32>
    %swap3A_320 = arith.constant 544 : index
    %swap3A_321 = tpu.vector_load %arg13[%swap3A_320] {strides = array<i32>} : memref<1024xi32, #tpu.memory_space<vmem>>, vector<16xi32>,
    %swap3A_322 = vector.shape_cast %swap3A_321 : vector<16xi32> to vector<16xi32>
    %swap3A_323 = vector.shape_cast %add3A_319 : vector<16xi32> to vector<16xi32>
    tpu.vector_store %arg13[%swap3A_320], %swap3A_323 {strides = array<i32>} : memref<1024xi32, #tpu.memory_space<vmem>>, vector<16xi32>,
    %add3A_324 = arith.constant 24640000 : i32
    %add3A_325 = vector.broadcast %add3A_324 : i32 to vector<16xi32>
    %add3A_326 = arith.addi %add3A_79, %add3A_325 : vector<16xi32>
    %swap3A_327 = arith.constant 560 : index
    %swap3A_328 = tpu.vector_load %arg13[%swap3A_327] {strides = array<i32>} : memref<1024xi32, #tpu.memory_space<vmem>>, vector<16xi32>,
    %swap3A_329 = vector.shape_cast %swap3A_328 : vector<16xi32> to vector<16xi32>
    %swap3A_330 = vector.shape_cast %add3A_326 : vector<16xi32> to vector<16xi32>
    tpu.vector_store %arg13[%swap3A_327], %swap3A_330 {strides = array<i32>} : memref<1024xi32, #tpu.memory_space<vmem>>, vector<16xi32>,
    %add3A_331 = arith.constant 25344000 : i32
    %add3A_332 = vector.broadcast %add3A_331 : i32 to vector<16xi32>
    %add3A_333 = arith.addi %add3A_79, %add3A_332 : vector<16xi32>
    %swap3A_334 = arith.constant 576 : index
    %swap3A_335 = tpu.vector_load %arg13[%swap3A_334] {strides = array<i32>} : memref<1024xi32, #tpu.memory_space<vmem>>, vector<16xi32>,
    %swap3A_336 = vector.shape_cast %swap3A_335 : vector<16xi32> to vector<16xi32>
    %swap3A_337 = vector.shape_cast %add3A_333 : vector<16xi32> to vector<16xi32>
    tpu.vector_store %arg13[%swap3A_334], %swap3A_337 {strides = array<i32>} : memref<1024xi32, #tpu.memory_space<vmem>>, vector<16xi32>,
    %add3A_338 = arith.constant 26048000 : i32
    %add3A_339 = vector.broadcast %add3A_338 : i32 to vector<16xi32>
    %add3A_340 = arith.addi %add3A_79, %add3A_339 : vector<16xi32>
    %swap3A_341 = arith.constant 592 : index
    %swap3A_342 = tpu.vector_load %arg13[%swap3A_341] {strides = array<i32>} : memref<1024xi32, #tpu.memory_space<vmem>>, vector<16xi32>,
    %swap3A_343 = vector.shape_cast %swap3A_342 : vector<16xi32> to vector<16xi32>
    %swap3A_344 = vector.shape_cast %add3A_340 : vector<16xi32> to vector<16xi32>
    tpu.vector_store %arg13[%swap3A_341], %swap3A_344 {strides = array<i32>} : memref<1024xi32, #tpu.memory_space<vmem>>, vector<16xi32>,
    %add3A_345 = arith.constant 26752000 : i32
    %add3A_346 = vector.broadcast %add3A_345 : i32 to vector<16xi32>
    %add3A_347 = arith.addi %add3A_79, %add3A_346 : vector<16xi32>
    %swap3A_348 = arith.constant 608 : index
    %swap3A_349 = tpu.vector_load %arg13[%swap3A_348] {strides = array<i32>} : memref<1024xi32, #tpu.memory_space<vmem>>, vector<16xi32>,
    %swap3A_350 = vector.shape_cast %swap3A_349 : vector<16xi32> to vector<16xi32>
    %swap3A_351 = vector.shape_cast %add3A_347 : vector<16xi32> to vector<16xi32>
    tpu.vector_store %arg13[%swap3A_348], %swap3A_351 {strides = array<i32>} : memref<1024xi32, #tpu.memory_space<vmem>>, vector<16xi32>,
    %add3A_352 = arith.constant 27456000 : i32
    %add3A_353 = vector.broadcast %add3A_352 : i32 to vector<16xi32>
    %add3A_354 = arith.addi %add3A_79, %add3A_353 : vector<16xi32>
    %swap3A_355 = arith.constant 624 : index
    %swap3A_356 = tpu.vector_load %arg13[%swap3A_355] {strides = array<i32>} : memref<1024xi32, #tpu.memory_space<vmem>>, vector<16xi32>,
    %swap3A_357 = vector.shape_cast %swap3A_356 : vector<16xi32> to vector<16xi32>
    %swap3A_358 = vector.shape_cast %add3A_354 : vector<16xi32> to vector<16xi32>
    tpu.vector_store %arg13[%swap3A_355], %swap3A_358 {strides = array<i32>} : memref<1024xi32, #tpu.memory_space<vmem>>, vector<16xi32>,
    %add3A_359 = arith.constant 28160000 : i32
    %add3A_360 = vector.broadcast %add3A_359 : i32 to vector<16xi32>
    %add3A_361 = arith.addi %add3A_79, %add3A_360 : vector<16xi32>
    %swap3A_362 = arith.constant 640 : index
    %swap3A_363 = tpu.vector_load %arg13[%swap3A_362] {strides = array<i32>} : memref<1024xi32, #tpu.memory_space<vmem>>, vector<16xi32>,
    %swap3A_364 = vector.shape_cast %swap3A_363 : vector<16xi32> to vector<16xi32>
    %swap3A_365 = vector.shape_cast %add3A_361 : vector<16xi32> to vector<16xi32>
    tpu.vector_store %arg13[%swap3A_362], %swap3A_365 {strides = array<i32>} : memref<1024xi32, #tpu.memory_space<vmem>>, vector<16xi32>,
    %add3A_366 = arith.constant 28864000 : i32
    %add3A_367 = vector.broadcast %add3A_366 : i32 to vector<16xi32>
    %add3A_368 = arith.addi %add3A_79, %add3A_367 : vector<16xi32>
    %swap3A_369 = arith.constant 656 : index
    %swap3A_370 = tpu.vector_load %arg13[%swap3A_369] {strides = array<i32>} : memref<1024xi32, #tpu.memory_space<vmem>>, vector<16xi32>,
    %swap3A_371 = vector.shape_cast %swap3A_370 : vector<16xi32> to vector<16xi32>
    %swap3A_372 = vector.shape_cast %add3A_368 : vector<16xi32> to vector<16xi32>
    tpu.vector_store %arg13[%swap3A_369], %swap3A_372 {strides = array<i32>} : memref<1024xi32, #tpu.memory_space<vmem>>, vector<16xi32>,
    %add3A_373 = arith.constant 29568000 : i32
    %add3A_374 = vector.broadcast %add3A_373 : i32 to vector<16xi32>
    %add3A_375 = arith.addi %add3A_79, %add3A_374 : vector<16xi32>
    %swap3A_376 = arith.constant 672 : index
    %swap3A_377 = tpu.vector_load %arg13[%swap3A_376] {strides = array<i32>} : memref<1024xi32, #tpu.memory_space<vmem>>, vector<16xi32>,
    %swap3A_378 = vector.shape_cast %swap3A_377 : vector<16xi32> to vector<16xi32>
    %swap3A_379 = vector.shape_cast %add3A_375 : vector<16xi32> to vector<16xi32>
    tpu.vector_store %arg13[%swap3A_376], %swap3A_379 {strides = array<i32>} : memref<1024xi32, #tpu.memory_space<vmem>>, vector<16xi32>,
    %add3A_380 = arith.constant 30272000 : i32
    %add3A_381 = vector.broadcast %add3A_380 : i32 to vector<16xi32>
    %add3A_382 = arith.addi %add3A_79, %add3A_381 : vector<16xi32>
    %swap3A_383 = arith.constant 688 : index
    %swap3A_384 = tpu.vector_load %arg13[%swap3A_383] {strides = array<i32>} : memref<1024xi32, #tpu.memory_space<vmem>>, vector<16xi32>,
    %swap3A_385 = vector.shape_cast %swap3A_384 : vector<16xi32> to vector<16xi32>
    %swap3A_386 = vector.shape_cast %add3A_382 : vector<16xi32> to vector<16xi32>
    tpu.vector_store %arg13[%swap3A_383], %swap3A_386 {strides = array<i32>} : memref<1024xi32, #tpu.memory_space<vmem>>, vector<16xi32>,
    %add3A_387 = arith.constant 30976000 : i32
    %add3A_388 = vector.broadcast %add3A_387 : i32 to vector<16xi32>
    %add3A_389 = arith.addi %add3A_79, %add3A_388 : vector<16xi32>
    %swap3A_390 = arith.constant 704 : index
    %swap3A_391 = tpu.vector_load %arg13[%swap3A_390] {strides = array<i32>} : memref<1024xi32, #tpu.memory_space<vmem>>, vector<16xi32>,
    %swap3A_392 = vector.shape_cast %swap3A_391 : vector<16xi32> to vector<16xi32>
    %swap3A_393 = vector.shape_cast %add3A_389 : vector<16xi32> to vector<16xi32>
    tpu.vector_store %arg13[%swap3A_390], %swap3A_393 {strides = array<i32>} : memref<1024xi32, #tpu.memory_space<vmem>>, vector<16xi32>,
    %add3A_394 = arith.constant 31680000 : i32
    %add3A_395 = vector.broadcast %add3A_394 : i32 to vector<16xi32>
    %add3A_396 = arith.addi %add3A_79, %add3A_395 : vector<16xi32>
    %swap3A_397 = arith.constant 720 : index
    %swap3A_398 = tpu.vector_load %arg13[%swap3A_397] {strides = array<i32>} : memref<1024xi32, #tpu.memory_space<vmem>>, vector<16xi32>,
    %swap3A_399 = vector.shape_cast %swap3A_398 : vector<16xi32> to vector<16xi32>
    %swap3A_400 = vector.shape_cast %add3A_396 : vector<16xi32> to vector<16xi32>
    tpu.vector_store %arg13[%swap3A_397], %swap3A_400 {strides = array<i32>} : memref<1024xi32, #tpu.memory_space<vmem>>, vector<16xi32>,
    %add3A_401 = arith.constant 32384000 : i32
    %add3A_402 = vector.broadcast %add3A_401 : i32 to vector<16xi32>
    %add3A_403 = arith.addi %add3A_79, %add3A_402 : vector<16xi32>
    %swap3A_404 = arith.constant 736 : index
    %swap3A_405 = tpu.vector_load %arg13[%swap3A_404] {strides = array<i32>} : memref<1024xi32, #tpu.memory_space<vmem>>, vector<16xi32>,
    %swap3A_406 = vector.shape_cast %swap3A_405 : vector<16xi32> to vector<16xi32>
    %swap3A_407 = vector.shape_cast %add3A_403 : vector<16xi32> to vector<16xi32>
    tpu.vector_store %arg13[%swap3A_404], %swap3A_407 {strides = array<i32>} : memref<1024xi32, #tpu.memory_space<vmem>>, vector<16xi32>,
    %add3A_408 = arith.constant 33088000 : i32
    %add3A_409 = vector.broadcast %add3A_408 : i32 to vector<16xi32>
    %add3A_410 = arith.addi %add3A_79, %add3A_409 : vector<16xi32>
    %swap3A_411 = arith.constant 752 : index
    %swap3A_412 = tpu.vector_load %arg13[%swap3A_411] {strides = array<i32>} : memref<1024xi32, #tpu.memory_space<vmem>>, vector<16xi32>,
    %swap3A_413 = vector.shape_cast %swap3A_412 : vector<16xi32> to vector<16xi32>
    %swap3A_414 = vector.shape_cast %add3A_410 : vector<16xi32> to vector<16xi32>
    tpu.vector_store %arg13[%swap3A_411], %swap3A_414 {strides = array<i32>} : memref<1024xi32, #tpu.memory_space<vmem>>, vector<16xi32>,
    %add3A_415 = arith.constant 33792000 : i32
    %add3A_416 = vector.broadcast %add3A_415 : i32 to vector<16xi32>
    %add3A_417 = arith.addi %add3A_79, %add3A_416 : vector<16xi32>
    %swap3A_418 = arith.constant 768 : index
    %swap3A_419 = tpu.vector_load %arg13[%swap3A_418] {strides = array<i32>} : memref<1024xi32, #tpu.memory_space<vmem>>, vector<16xi32>,
    %swap3A_420 = vector.shape_cast %swap3A_419 : vector<16xi32> to vector<16xi32>
    %swap3A_421 = vector.shape_cast %add3A_417 : vector<16xi32> to vector<16xi32>
    tpu.vector_store %arg13[%swap3A_418], %swap3A_421 {strides = array<i32>} : memref<1024xi32, #tpu.memory_space<vmem>>, vector<16xi32>,
    %add3A_422 = arith.constant 34496000 : i32
    %add3A_423 = vector.broadcast %add3A_422 : i32 to vector<16xi32>
    %add3A_424 = arith.addi %add3A_79, %add3A_423 : vector<16xi32>
    %swap3A_425 = arith.constant 784 : index
    %swap3A_426 = tpu.vector_load %arg13[%swap3A_425] {strides = array<i32>} : memref<1024xi32, #tpu.memory_space<vmem>>, vector<16xi32>,
    %swap3A_427 = vector.shape_cast %swap3A_426 : vector<16xi32> to vector<16xi32>
    %swap3A_428 = vector.shape_cast %add3A_424 : vector<16xi32> to vector<16xi32>
    tpu.vector_store %arg13[%swap3A_425], %swap3A_428 {strides = array<i32>} : memref<1024xi32, #tpu.memory_space<vmem>>, vector<16xi32>,
    %add3A_429 = arith.constant 35200000 : i32
    %add3A_430 = vector.broadcast %add3A_429 : i32 to vector<16xi32>
    %add3A_431 = arith.addi %add3A_79, %add3A_430 : vector<16xi32>
    %swap3A_432 = arith.constant 800 : index
    %swap3A_433 = tpu.vector_load %arg13[%swap3A_432] {strides = array<i32>} : memref<1024xi32, #tpu.memory_space<vmem>>, vector<16xi32>,
    %swap3A_434 = vector.shape_cast %swap3A_433 : vector<16xi32> to vector<16xi32>
    %swap3A_435 = vector.shape_cast %add3A_431 : vector<16xi32> to vector<16xi32>
    tpu.vector_store %arg13[%swap3A_432], %swap3A_435 {strides = array<i32>} : memref<1024xi32, #tpu.memory_space<vmem>>, vector<16xi32>,
    %add3A_436 = arith.constant 35904000 : i32
    %add3A_437 = vector.broadcast %add3A_436 : i32 to vector<16xi32>
    %add3A_438 = arith.addi %add3A_79, %add3A_437 : vector<16xi32>
    %swap3A_439 = arith.constant 816 : index
    %swap3A_440 = tpu.vector_load %arg13[%swap3A_439] {strides = array<i32>} : memref<1024xi32, #tpu.memory_space<vmem>>, vector<16xi32>,
    %swap3A_441 = vector.shape_cast %swap3A_440 : vector<16xi32> to vector<16xi32>
    %swap3A_442 = vector.shape_cast %add3A_438 : vector<16xi32> to vector<16xi32>
    tpu.vector_store %arg13[%swap3A_439], %swap3A_442 {strides = array<i32>} : memref<1024xi32, #tpu.memory_space<vmem>>, vector<16xi32>,
    %add3A_443 = arith.constant 36608000 : i32
    %add3A_444 = vector.broadcast %add3A_443 : i32 to vector<16xi32>
    %add3A_445 = arith.addi %add3A_79, %add3A_444 : vector<16xi32>
    %swap3A_446 = arith.constant 832 : index
    %swap3A_447 = tpu.vector_load %arg13[%swap3A_446] {strides = array<i32>} : memref<1024xi32, #tpu.memory_space<vmem>>, vector<16xi32>,
    %swap3A_448 = vector.shape_cast %swap3A_447 : vector<16xi32> to vector<16xi32>
    %swap3A_449 = vector.shape_cast %add3A_445 : vector<16xi32> to vector<16xi32>
    tpu.vector_store %arg13[%swap3A_446], %swap3A_449 {strides = array<i32>} : memref<1024xi32, #tpu.memory_space<vmem>>, vector<16xi32>,
    %add3A_450 = arith.constant 37312000 : i32
    %add3A_451 = vector.broadcast %add3A_450 : i32 to vector<16xi32>
    %add3A_452 = arith.addi %add3A_79, %add3A_451 : vector<16xi32>
    %swap3A_453 = arith.constant 848 : index
    %swap3A_454 = tpu.vector_load %arg13[%swap3A_453] {strides = array<i32>} : memref<1024xi32, #tpu.memory_space<vmem>>, vector<16xi32>,
    %swap3A_455 = vector.shape_cast %swap3A_454 : vector<16xi32> to vector<16xi32>
    %swap3A_456 = vector.shape_cast %add3A_452 : vector<16xi32> to vector<16xi32>
    tpu.vector_store %arg13[%swap3A_453], %swap3A_456 {strides = array<i32>} : memref<1024xi32, #tpu.memory_space<vmem>>, vector<16xi32>,
    %add3A_457 = arith.constant 38016000 : i32
    %add3A_458 = vector.broadcast %add3A_457 : i32 to vector<16xi32>
    %add3A_459 = arith.addi %add3A_79, %add3A_458 : vector<16xi32>
    %swap3A_460 = arith.constant 864 : index
    %swap3A_461 = tpu.vector_load %arg13[%swap3A_460] {strides = array<i32>} : memref<1024xi32, #tpu.memory_space<vmem>>, vector<16xi32>,
    %swap3A_462 = vector.shape_cast %swap3A_461 : vector<16xi32> to vector<16xi32>
    %swap3A_463 = vector.shape_cast %add3A_459 : vector<16xi32> to vector<16xi32>
    tpu.vector_store %arg13[%swap3A_460], %swap3A_463 {strides = array<i32>} : memref<1024xi32, #tpu.memory_space<vmem>>, vector<16xi32>,
    %add3A_464 = arith.constant 38720000 : i32
    %add3A_465 = vector.broadcast %add3A_464 : i32 to vector<16xi32>
    %add3A_466 = arith.addi %add3A_79, %add3A_465 : vector<16xi32>
    %swap3A_467 = arith.constant 880 : index
    %swap3A_468 = tpu.vector_load %arg13[%swap3A_467] {strides = array<i32>} : memref<1024xi32, #tpu.memory_space<vmem>>, vector<16xi32>,
    %swap3A_469 = vector.shape_cast %swap3A_468 : vector<16xi32> to vector<16xi32>
    %swap3A_470 = vector.shape_cast %add3A_466 : vector<16xi32> to vector<16xi32>
    tpu.vector_store %arg13[%swap3A_467], %swap3A_470 {strides = array<i32>} : memref<1024xi32, #tpu.memory_space<vmem>>, vector<16xi32>,
    %add3A_471 = arith.constant 39424000 : i32
    %add3A_472 = vector.broadcast %add3A_471 : i32 to vector<16xi32>
    %add3A_473 = arith.addi %add3A_79, %add3A_472 : vector<16xi32>
    %swap3A_474 = arith.constant 896 : index
    %swap3A_475 = tpu.vector_load %arg13[%swap3A_474] {strides = array<i32>} : memref<1024xi32, #tpu.memory_space<vmem>>, vector<16xi32>,
    %swap3A_476 = vector.shape_cast %swap3A_475 : vector<16xi32> to vector<16xi32>
    %swap3A_477 = vector.shape_cast %add3A_473 : vector<16xi32> to vector<16xi32>
    tpu.vector_store %arg13[%swap3A_474], %swap3A_477 {strides = array<i32>} : memref<1024xi32, #tpu.memory_space<vmem>>, vector<16xi32>,
    %add3A_478 = arith.constant 40128000 : i32
    %add3A_479 = vector.broadcast %add3A_478 : i32 to vector<16xi32>
    %add3A_480 = arith.addi %add3A_79, %add3A_479 : vector<16xi32>
    %swap3A_481 = arith.constant 912 : index
    %swap3A_482 = tpu.vector_load %arg13[%swap3A_481] {strides = array<i32>} : memref<1024xi32, #tpu.memory_space<vmem>>, vector<16xi32>,
    %swap3A_483 = vector.shape_cast %swap3A_482 : vector<16xi32> to vector<16xi32>
    %swap3A_484 = vector.shape_cast %add3A_480 : vector<16xi32> to vector<16xi32>
    tpu.vector_store %arg13[%swap3A_481], %swap3A_484 {strides = array<i32>} : memref<1024xi32, #tpu.memory_space<vmem>>, vector<16xi32>,
    %add3A_485 = arith.constant 40832000 : i32
    %add3A_486 = vector.broadcast %add3A_485 : i32 to vector<16xi32>
    %add3A_487 = arith.addi %add3A_79, %add3A_486 : vector<16xi32>
    %swap3A_488 = arith.constant 928 : index
    %swap3A_489 = tpu.vector_load %arg13[%swap3A_488] {strides = array<i32>} : memref<1024xi32, #tpu.memory_space<vmem>>, vector<16xi32>,
    %swap3A_490 = vector.shape_cast %swap3A_489 : vector<16xi32> to vector<16xi32>
    %swap3A_491 = vector.shape_cast %add3A_487 : vector<16xi32> to vector<16xi32>
    tpu.vector_store %arg13[%swap3A_488], %swap3A_491 {strides = array<i32>} : memref<1024xi32, #tpu.memory_space<vmem>>, vector<16xi32>,
    %add3A_492 = arith.constant 41536000 : i32
    %add3A_493 = vector.broadcast %add3A_492 : i32 to vector<16xi32>
    %add3A_494 = arith.addi %add3A_79, %add3A_493 : vector<16xi32>
    %swap3A_495 = arith.constant 944 : index
    %swap3A_496 = tpu.vector_load %arg13[%swap3A_495] {strides = array<i32>} : memref<1024xi32, #tpu.memory_space<vmem>>, vector<16xi32>,
    %swap3A_497 = vector.shape_cast %swap3A_496 : vector<16xi32> to vector<16xi32>
    %swap3A_498 = vector.shape_cast %add3A_494 : vector<16xi32> to vector<16xi32>
    tpu.vector_store %arg13[%swap3A_495], %swap3A_498 {strides = array<i32>} : memref<1024xi32, #tpu.memory_space<vmem>>, vector<16xi32>,
    %add3A_499 = arith.constant 42240000 : i32
    %add3A_500 = vector.broadcast %add3A_499 : i32 to vector<16xi32>
    %add3A_501 = arith.addi %add3A_79, %add3A_500 : vector<16xi32>
    %swap3A_502 = arith.constant 960 : index
    %swap3A_503 = tpu.vector_load %arg13[%swap3A_502] {strides = array<i32>} : memref<1024xi32, #tpu.memory_space<vmem>>, vector<16xi32>,
    %swap3A_504 = vector.shape_cast %swap3A_503 : vector<16xi32> to vector<16xi32>
    %swap3A_505 = vector.shape_cast %add3A_501 : vector<16xi32> to vector<16xi32>
    tpu.vector_store %arg13[%swap3A_502], %swap3A_505 {strides = array<i32>} : memref<1024xi32, #tpu.memory_space<vmem>>, vector<16xi32>,
    %add3A_506 = arith.constant 42944000 : i32
    %add3A_507 = vector.broadcast %add3A_506 : i32 to vector<16xi32>
    %add3A_508 = arith.addi %add3A_79, %add3A_507 : vector<16xi32>
    %swap3A_509 = arith.constant 976 : index
    %swap3A_510 = tpu.vector_load %arg13[%swap3A_509] {strides = array<i32>} : memref<1024xi32, #tpu.memory_space<vmem>>, vector<16xi32>,
    %swap3A_511 = vector.shape_cast %swap3A_510 : vector<16xi32> to vector<16xi32>
    %swap3A_512 = vector.shape_cast %add3A_508 : vector<16xi32> to vector<16xi32>
    tpu.vector_store %arg13[%swap3A_509], %swap3A_512 {strides = array<i32>} : memref<1024xi32, #tpu.memory_space<vmem>>, vector<16xi32>,
    %add3A_513 = arith.constant 43648000 : i32
    %add3A_514 = vector.broadcast %add3A_513 : i32 to vector<16xi32>
    %add3A_515 = arith.addi %add3A_79, %add3A_514 : vector<16xi32>
    %swap3A_516 = arith.constant 992 : index
    %swap3A_517 = tpu.vector_load %arg13[%swap3A_516] {strides = array<i32>} : memref<1024xi32, #tpu.memory_space<vmem>>, vector<16xi32>,
    %swap3A_518 = vector.shape_cast %swap3A_517 : vector<16xi32> to vector<16xi32>
    %swap3A_519 = vector.shape_cast %add3A_515 : vector<16xi32> to vector<16xi32>
    tpu.vector_store %arg13[%swap3A_516], %swap3A_519 {strides = array<i32>} : memref<1024xi32, #tpu.memory_space<vmem>>, vector<16xi32>,
    %add3A_520 = arith.constant 44352000 : i32
    %add3A_521 = vector.broadcast %add3A_520 : i32 to vector<16xi32>
    %add3A_522 = arith.addi %add3A_79, %add3A_521 : vector<16xi32>
    %swap3A_523 = arith.constant 1008 : index
    %swap3A_524 = tpu.vector_load %arg13[%swap3A_523] {strides = array<i32>} : memref<1024xi32, #tpu.memory_space<vmem>>, vector<16xi32>,
    %swap3A_525 = vector.shape_cast %swap3A_524 : vector<16xi32> to vector<16xi32>
    %swap3A_526 = vector.shape_cast %add3A_522 : vector<16xi32> to vector<16xi32>
    tpu.vector_store %arg13[%swap3A_523], %swap3A_526 {strides = array<i32>} : memref<1024xi32, #tpu.memory_space<vmem>>, vector<16xi32>,
    %dma_start3A = arith.constant 0 : i32
    %dma_start3A_527 = tpu.memref_slice %arg14[%dma_start3A] : memref<1024xf32, #tpu.memory_space<vmem>> -> memref<128xf32, #tpu.memory_space<vmem>>
    %dma_start3A_528 = arith.constant 0 : i32
    %dma_start3A_529 = tpu.memref_slice %arg13[%dma_start3A_528] : memref<1024xi32, #tpu.memory_space<vmem>> -> memref<128xi32, #tpu.memory_space<vmem>>
    %dma_start3A_530 = arith.constant 0 : i32
    %dma_start3A_531 = tpu.memref_slice %arg2[%dma_start3A_530] : memref<45056000xf32, #tpu.memory_space<hbm>> -> memref<45056000xf32, #tpu.memory_space<hbm>>
    tpu.enqueue_indirect_dma source(%dma_start3A_531 : memref<45056000xf32, #tpu.memory_space<hbm>>) target(%dma_start3A_527 : memref<128xf32, #tpu.memory_space<vmem>>) offsets(%dma_start3A_529 : memref<128xi32, #tpu.memory_space<vmem>>) semaphore(%arg17 : memref<!tpu.dma_semaphore, #tpu.memory_space<semaphore_mem>>)
    %dma_start3A_532 = arith.constant 128 : i32
    %dma_start3A_533 = tpu.memref_slice %arg14[%dma_start3A_532] : memref<1024xf32, #tpu.memory_space<vmem>> -> memref<128xf32, #tpu.memory_space<vmem>>
    %dma_start3A_534 = arith.constant 128 : i32
    %dma_start3A_535 = tpu.memref_slice %arg13[%dma_start3A_534] : memref<1024xi32, #tpu.memory_space<vmem>> -> memref<128xi32, #tpu.memory_space<vmem>>
    %dma_start3A_536 = arith.constant 0 : i32
    %dma_start3A_537 = tpu.memref_slice %arg2[%dma_start3A_536] : memref<45056000xf32, #tpu.memory_space<hbm>> -> memref<45056000xf32, #tpu.memory_space<hbm>>
    tpu.enqueue_indirect_dma source(%dma_start3A_537 : memref<45056000xf32, #tpu.memory_space<hbm>>) target(%dma_start3A_533 : memref<128xf32, #tpu.memory_space<vmem>>) offsets(%dma_start3A_535 : memref<128xi32, #tpu.memory_space<vmem>>) semaphore(%arg17 : memref<!tpu.dma_semaphore, #tpu.memory_space<semaphore_mem>>)
    %dma_start3A_538 = arith.constant 256 : i32
    %dma_start3A_539 = tpu.memref_slice %arg14[%dma_start3A_538] : memref<1024xf32, #tpu.memory_space<vmem>> -> memref<128xf32, #tpu.memory_space<vmem>>
    %dma_start3A_540 = arith.constant 256 : i32
    %dma_start3A_541 = tpu.memref_slice %arg13[%dma_start3A_540] : memref<1024xi32, #tpu.memory_space<vmem>> -> memref<128xi32, #tpu.memory_space<vmem>>
    %dma_start3A_542 = arith.constant 0 : i32
    %dma_start3A_543 = tpu.memref_slice %arg2[%dma_start3A_542] : memref<45056000xf32, #tpu.memory_space<hbm>> -> memref<45056000xf32, #tpu.memory_space<hbm>>
    tpu.enqueue_indirect_dma source(%dma_start3A_543 : memref<45056000xf32, #tpu.memory_space<hbm>>) target(%dma_start3A_539 : memref<128xf32, #tpu.memory_space<vmem>>) offsets(%dma_start3A_541 : memref<128xi32, #tpu.memory_space<vmem>>) semaphore(%arg17 : memref<!tpu.dma_semaphore, #tpu.memory_space<semaphore_mem>>)
    %dma_start3A_544 = arith.constant 384 : i32
    %dma_start3A_545 = tpu.memref_slice %arg14[%dma_start3A_544] : memref<1024xf32, #tpu.memory_space<vmem>> -> memref<128xf32, #tpu.memory_space<vmem>>
    %dma_start3A_546 = arith.constant 384 : i32
    %dma_start3A_547 = tpu.memref_slice %arg13[%dma_start3A_546] : memref<1024xi32, #tpu.memory_space<vmem>> -> memref<128xi32, #tpu.memory_space<vmem>>
    %dma_start3A_548 = arith.constant 0 : i32
    %dma_start3A_549 = tpu.memref_slice %arg2[%dma_start3A_548] : memref<45056000xf32, #tpu.memory_space<hbm>> -> memref<45056000xf32, #tpu.memory_space<hbm>>
    tpu.enqueue_indirect_dma source(%dma_start3A_549 : memref<45056000xf32, #tpu.memory_space<hbm>>) target(%dma_start3A_545 : memref<128xf32, #tpu.memory_space<vmem>>) offsets(%dma_start3A_547 : memref<128xi32, #tpu.memory_space<vmem>>) semaphore(%arg17 : memref<!tpu.dma_semaphore, #tpu.memory_space<semaphore_mem>>)
    %dma_start3A_550 = arith.constant 512 : i32
    %dma_start3A_551 = tpu.memref_slice %arg14[%dma_start3A_550] : memref<1024xf32, #tpu.memory_space<vmem>> -> memref<128xf32, #tpu.memory_space<vmem>>
    %dma_start3A_552 = arith.constant 512 : i32
    %dma_start3A_553 = tpu.memref_slice %arg13[%dma_start3A_552] : memref<1024xi32, #tpu.memory_space<vmem>> -> memref<128xi32, #tpu.memory_space<vmem>>
    %dma_start3A_554 = arith.constant 0 : i32
    %dma_start3A_555 = tpu.memref_slice %arg2[%dma_start3A_554] : memref<45056000xf32, #tpu.memory_space<hbm>> -> memref<45056000xf32, #tpu.memory_space<hbm>>
    tpu.enqueue_indirect_dma source(%dma_start3A_555 : memref<45056000xf32, #tpu.memory_space<hbm>>) target(%dma_start3A_551 : memref<128xf32, #tpu.memory_space<vmem>>) offsets(%dma_start3A_553 : memref<128xi32, #tpu.memory_space<vmem>>) semaphore(%arg17 : memref<!tpu.dma_semaphore, #tpu.memory_space<semaphore_mem>>)
    %dma_start3A_556 = arith.constant 640 : i32
    %dma_start3A_557 = tpu.memref_slice %arg14[%dma_start3A_556] : memref<1024xf32, #tpu.memory_space<vmem>> -> memref<128xf32, #tpu.memory_space<vmem>>
    %dma_start3A_558 = arith.constant 640 : i32
    %dma_start3A_559 = tpu.memref_slice %arg13[%dma_start3A_558] : memref<1024xi32, #tpu.memory_space<vmem>> -> memref<128xi32, #tpu.memory_space<vmem>>
    %dma_start3A_560 = arith.constant 0 : i32
    %dma_start3A_561 = tpu.memref_slice %arg2[%dma_start3A_560] : memref<45056000xf32, #tpu.memory_space<hbm>> -> memref<45056000xf32, #tpu.memory_space<hbm>>
    tpu.enqueue_indirect_dma source(%dma_start3A_561 : memref<45056000xf32, #tpu.memory_space<hbm>>) target(%dma_start3A_557 : memref<128xf32, #tpu.memory_space<vmem>>) offsets(%dma_start3A_559 : memref<128xi32, #tpu.memory_space<vmem>>) semaphore(%arg17 : memref<!tpu.dma_semaphore, #tpu.memory_space<semaphore_mem>>)
    %dma_start3A_562 = arith.constant 768 : i32
    %dma_start3A_563 = tpu.memref_slice %arg14[%dma_start3A_562] : memref<1024xf32, #tpu.memory_space<vmem>> -> memref<128xf32, #tpu.memory_space<vmem>>
    %dma_start3A_564 = arith.constant 768 : i32
    %dma_start3A_565 = tpu.memref_slice %arg13[%dma_start3A_564] : memref<1024xi32, #tpu.memory_space<vmem>> -> memref<128xi32, #tpu.memory_space<vmem>>
    %dma_start3A_566 = arith.constant 0 : i32
    %dma_start3A_567 = tpu.memref_slice %arg2[%dma_start3A_566] : memref<45056000xf32, #tpu.memory_space<hbm>> -> memref<45056000xf32, #tpu.memory_space<hbm>>
    tpu.enqueue_indirect_dma source(%dma_start3A_567 : memref<45056000xf32, #tpu.memory_space<hbm>>) target(%dma_start3A_563 : memref<128xf32, #tpu.memory_space<vmem>>) offsets(%dma_start3A_565 : memref<128xi32, #tpu.memory_space<vmem>>) semaphore(%arg17 : memref<!tpu.dma_semaphore, #tpu.memory_space<semaphore_mem>>)
    %dma_start3A_568 = arith.constant 896 : i32
    %dma_start3A_569 = tpu.memref_slice %arg14[%dma_start3A_568] : memref<1024xf32, #tpu.memory_space<vmem>> -> memref<128xf32, #tpu.memory_space<vmem>>
    %dma_start3A_570 = arith.constant 896 : i32
    %dma_start3A_571 = tpu.memref_slice %arg13[%dma_start3A_570] : memref<1024xi32, #tpu.memory_space<vmem>> -> memref<128xi32, #tpu.memory_space<vmem>>
    %dma_start3A_572 = arith.constant 0 : i32
    %dma_start3A_573 = tpu.memref_slice %arg2[%dma_start3A_572] : memref<45056000xf32, #tpu.memory_space<hbm>> -> memref<45056000xf32, #tpu.memory_space<hbm>>
    tpu.enqueue_indirect_dma source(%dma_start3A_573 : memref<45056000xf32, #tpu.memory_space<hbm>>) target(%dma_start3A_569 : memref<128xf32, #tpu.memory_space<vmem>>) offsets(%dma_start3A_571 : memref<128xi32, #tpu.memory_space<vmem>>) semaphore(%arg17 : memref<!tpu.dma_semaphore, #tpu.memory_space<semaphore_mem>>)
    %dma_wait3A = arith.constant 0 : i32
    %dma_wait3A_574 = tpu.memref_slice %arg14[%dma_wait3A] : memref<1024xf32, #tpu.memory_space<vmem>> -> memref<128xf32, #tpu.memory_space<vmem>>
    %dma_wait3A_575 = arith.constant 0 : i32
    %dma_wait3A_576 = tpu.memref_slice %arg13[%dma_wait3A_575] : memref<1024xi32, #tpu.memory_space<vmem>> -> memref<128xi32, #tpu.memory_space<vmem>>
    %dma_wait3A_577 = arith.constant 0 : i32
    %dma_wait3A_578 = tpu.memref_slice %arg2[%dma_wait3A_577] : memref<45056000xf32, #tpu.memory_space<hbm>> -> memref<45056000xf32, #tpu.memory_space<hbm>>
    tpu.wait_indirect_dma semaphore(%arg17 : memref<!tpu.dma_semaphore, #tpu.memory_space<semaphore_mem>>) src(%dma_wait3A_578 : memref<45056000xf32, #tpu.memory_space<hbm>>) dst(%dma_wait3A_574 : memref<128xf32, #tpu.memory_space<vmem>>)
    %dma_wait3A_579 = arith.constant 128 : i32
    %dma_wait3A_580 = tpu.memref_slice %arg14[%dma_wait3A_579] : memref<1024xf32, #tpu.memory_space<vmem>> -> memref<128xf32, #tpu.memory_space<vmem>>
    %dma_wait3A_581 = arith.constant 128 : i32
    %dma_wait3A_582 = tpu.memref_slice %arg13[%dma_wait3A_581] : memref<1024xi32, #tpu.memory_space<vmem>> -> memref<128xi32, #tpu.memory_space<vmem>>
    %dma_wait3A_583 = arith.constant 0 : i32
    %dma_wait3A_584 = tpu.memref_slice %arg2[%dma_wait3A_583] : memref<45056000xf32, #tpu.memory_space<hbm>> -> memref<45056000xf32, #tpu.memory_space<hbm>>
    tpu.wait_indirect_dma semaphore(%arg17 : memref<!tpu.dma_semaphore, #tpu.memory_space<semaphore_mem>>) src(%dma_wait3A_584 : memref<45056000xf32, #tpu.memory_space<hbm>>) dst(%dma_wait3A_580 : memref<128xf32, #tpu.memory_space<vmem>>)
    %dma_wait3A_585 = arith.constant 256 : i32
    %dma_wait3A_586 = tpu.memref_slice %arg14[%dma_wait3A_585] : memref<1024xf32, #tpu.memory_space<vmem>> -> memref<128xf32, #tpu.memory_space<vmem>>
    %dma_wait3A_587 = arith.constant 256 : i32
    %dma_wait3A_588 = tpu.memref_slice %arg13[%dma_wait3A_587] : memref<1024xi32, #tpu.memory_space<vmem>> -> memref<128xi32, #tpu.memory_space<vmem>>
    %dma_wait3A_589 = arith.constant 0 : i32
    %dma_wait3A_590 = tpu.memref_slice %arg2[%dma_wait3A_589] : memref<45056000xf32, #tpu.memory_space<hbm>> -> memref<45056000xf32, #tpu.memory_space<hbm>>
    tpu.wait_indirect_dma semaphore(%arg17 : memref<!tpu.dma_semaphore, #tpu.memory_space<semaphore_mem>>) src(%dma_wait3A_590 : memref<45056000xf32, #tpu.memory_space<hbm>>) dst(%dma_wait3A_586 : memref<128xf32, #tpu.memory_space<vmem>>)
    %dma_wait3A_591 = arith.constant 384 : i32
    %dma_wait3A_592 = tpu.memref_slice %arg14[%dma_wait3A_591] : memref<1024xf32, #tpu.memory_space<vmem>> -> memref<128xf32, #tpu.memory_space<vmem>>
    %dma_wait3A_593 = arith.constant 384 : i32
    %dma_wait3A_594 = tpu.memref_slice %arg13[%dma_wait3A_593] : memref<1024xi32, #tpu.memory_space<vmem>> -> memref<128xi32, #tpu.memory_space<vmem>>
    %dma_wait3A_595 = arith.constant 0 : i32
    %dma_wait3A_596 = tpu.memref_slice %arg2[%dma_wait3A_595] : memref<45056000xf32, #tpu.memory_space<hbm>> -> memref<45056000xf32, #tpu.memory_space<hbm>>
    tpu.wait_indirect_dma semaphore(%arg17 : memref<!tpu.dma_semaphore, #tpu.memory_space<semaphore_mem>>) src(%dma_wait3A_596 : memref<45056000xf32, #tpu.memory_space<hbm>>) dst(%dma_wait3A_592 : memref<128xf32, #tpu.memory_space<vmem>>)
    %dma_wait3A_597 = arith.constant 512 : i32
    %dma_wait3A_598 = tpu.memref_slice %arg14[%dma_wait3A_597] : memref<1024xf32, #tpu.memory_space<vmem>> -> memref<128xf32, #tpu.memory_space<vmem>>
    %dma_wait3A_599 = arith.constant 512 : i32
    %dma_wait3A_600 = tpu.memref_slice %arg13[%dma_wait3A_599] : memref<1024xi32, #tpu.memory_space<vmem>> -> memref<128xi32, #tpu.memory_space<vmem>>
    %dma_wait3A_601 = arith.constant 0 : i32
    %dma_wait3A_602 = tpu.memref_slice %arg2[%dma_wait3A_601] : memref<45056000xf32, #tpu.memory_space<hbm>> -> memref<45056000xf32, #tpu.memory_space<hbm>>
    tpu.wait_indirect_dma semaphore(%arg17 : memref<!tpu.dma_semaphore, #tpu.memory_space<semaphore_mem>>) src(%dma_wait3A_602 : memref<45056000xf32, #tpu.memory_space<hbm>>) dst(%dma_wait3A_598 : memref<128xf32, #tpu.memory_space<vmem>>)
    %dma_wait3A_603 = arith.constant 640 : i32
    %dma_wait3A_604 = tpu.memref_slice %arg14[%dma_wait3A_603] : memref<1024xf32, #tpu.memory_space<vmem>> -> memref<128xf32, #tpu.memory_space<vmem>>
    %dma_wait3A_605 = arith.constant 640 : i32
    %dma_wait3A_606 = tpu.memref_slice %arg13[%dma_wait3A_605] : memref<1024xi32, #tpu.memory_space<vmem>> -> memref<128xi32, #tpu.memory_space<vmem>>
    %dma_wait3A_607 = arith.constant 0 : i32
    %dma_wait3A_608 = tpu.memref_slice %arg2[%dma_wait3A_607] : memref<45056000xf32, #tpu.memory_space<hbm>> -> memref<45056000xf32, #tpu.memory_space<hbm>>
    tpu.wait_indirect_dma semaphore(%arg17 : memref<!tpu.dma_semaphore, #tpu.memory_space<semaphore_mem>>) src(%dma_wait3A_608 : memref<45056000xf32, #tpu.memory_space<hbm>>) dst(%dma_wait3A_604 : memref<128xf32, #tpu.memory_space<vmem>>)
    %dma_wait3A_609 = arith.constant 768 : i32
    %dma_wait3A_610 = tpu.memref_slice %arg14[%dma_wait3A_609] : memref<1024xf32, #tpu.memory_space<vmem>> -> memref<128xf32, #tpu.memory_space<vmem>>
    %dma_wait3A_611 = arith.constant 768 : i32
    %dma_wait3A_612 = tpu.memref_slice %arg13[%dma_wait3A_611] : memref<1024xi32, #tpu.memory_space<vmem>> -> memref<128xi32, #tpu.memory_space<vmem>>
    %dma_wait3A_613 = arith.constant 0 : i32
    %dma_wait3A_614 = tpu.memref_slice %arg2[%dma_wait3A_613] : memref<45056000xf32, #tpu.memory_space<hbm>> -> memref<45056000xf32, #tpu.memory_space<hbm>>
    tpu.wait_indirect_dma semaphore(%arg17 : memref<!tpu.dma_semaphore, #tpu.memory_space<semaphore_mem>>) src(%dma_wait3A_614 : memref<45056000xf32, #tpu.memory_space<hbm>>) dst(%dma_wait3A_610 : memref<128xf32, #tpu.memory_space<vmem>>)
    %dma_wait3A_615 = arith.constant 896 : i32
    %dma_wait3A_616 = tpu.memref_slice %arg14[%dma_wait3A_615] : memref<1024xf32, #tpu.memory_space<vmem>> -> memref<128xf32, #tpu.memory_space<vmem>>
    %dma_wait3A_617 = arith.constant 896 : i32
    %dma_wait3A_618 = tpu.memref_slice %arg13[%dma_wait3A_617] : memref<1024xi32, #tpu.memory_space<vmem>> -> memref<128xi32, #tpu.memory_space<vmem>>
    %dma_wait3A_619 = arith.constant 0 : i32
    %dma_wait3A_620 = tpu.memref_slice %arg2[%dma_wait3A_619] : memref<45056000xf32, #tpu.memory_space<hbm>> -> memref<45056000xf32, #tpu.memory_space<hbm>>
    tpu.wait_indirect_dma semaphore(%arg17 : memref<!tpu.dma_semaphore, #tpu.memory_space<semaphore_mem>>) src(%dma_wait3A_620 : memref<45056000xf32, #tpu.memory_space<hbm>>) dst(%dma_wait3A_616 : memref<128xf32, #tpu.memory_space<vmem>>)
    %run_scoped3A_621 = arith.constant 0 : i32
    "tpu.region"() ({
      %run_scoped3A_3115 = tpu.sem_alloc : memref<!tpu.dma_semaphore, #tpu.memory_space<semaphore_mem>>
      %dma_start3A_3116 = tpu.memref_slice %arg5[%run_scoped3A_621, %mul3A_2] : memref<3x512xi32, #tpu.memory_space<hbm>> -> memref<1x16xi32, #tpu.memory_space<hbm>>
      %dma_start3A_3117 = tpu.memref_squeeze %dma_start3A_3116 : memref<1x16xi32, #tpu.memory_space<hbm>> -> memref<16xi32, #tpu.memory_space<hbm>>
      %dma_start3A_3118 = tpu.memref_slice %arg5[%run_scoped3A_621, %mul3A_2] : memref<3x512xi32, #tpu.memory_space<hbm>> -> memref<1x16xi32, #tpu.memory_space<hbm>>
      %dma_start3A_3119 = tpu.memref_squeeze %dma_start3A_3118 : memref<1x16xi32, #tpu.memory_space<hbm>> -> memref<16xi32, #tpu.memory_space<hbm>>
      tpu.enqueue_dma source(%dma_start3A_3119 : memref<16xi32, #tpu.memory_space<hbm>>) target(%arg10 : memref<16xi32, #tpu.memory_space<vmem>>) target_semaphore(%run_scoped3A_3115 : memref<!tpu.dma_semaphore, #tpu.memory_space<semaphore_mem>>)
      %dma_wait3A_3120 = tpu.memref_slice %arg5[%run_scoped3A_621, %mul3A_2] : memref<3x512xi32, #tpu.memory_space<hbm>> -> memref<1x16xi32, #tpu.memory_space<hbm>>
      %dma_wait3A_3121 = tpu.memref_squeeze %dma_wait3A_3120 : memref<1x16xi32, #tpu.memory_space<hbm>> -> memref<16xi32, #tpu.memory_space<hbm>>
      %dma_wait3A_3122 = tpu.memref_slice %arg5[%run_scoped3A_621, %mul3A_2] : memref<3x512xi32, #tpu.memory_space<hbm>> -> memref<1x16xi32, #tpu.memory_space<hbm>>
      %dma_wait3A_3123 = tpu.memref_squeeze %dma_wait3A_3122 : memref<1x16xi32, #tpu.memory_space<hbm>> -> memref<16xi32, #tpu.memory_space<hbm>>
      tpu.wait_dma2 semaphore(%run_scoped3A_3115 : memref<!tpu.dma_semaphore, #tpu.memory_space<semaphore_mem>>) src(%dma_wait3A_3123 : memref<16xi32, #tpu.memory_space<hbm>>) dst(%arg10 : memref<16xi32, #tpu.memory_space<vmem>>)
      tpu.yield
    }) : () -> ()
    %run_scoped3A_622 = arith.constant 1 : i32
    "tpu.region"() ({
      %run_scoped3A_3115 = tpu.sem_alloc : memref<!tpu.dma_semaphore, #tpu.memory_space<semaphore_mem>>
      %dma_start3A_3116 = tpu.memref_slice %arg5[%run_scoped3A_622, %mul3A_2] : memref<3x512xi32, #tpu.memory_space<hbm>> -> memref<1x16xi32, #tpu.memory_space<hbm>>
      %dma_start3A_3117 = tpu.memref_squeeze %dma_start3A_3116 : memref<1x16xi32, #tpu.memory_space<hbm>> -> memref<16xi32, #tpu.memory_space<hbm>>
      %dma_start3A_3118 = tpu.memref_slice %arg5[%run_scoped3A_622, %mul3A_2] : memref<3x512xi32, #tpu.memory_space<hbm>> -> memref<1x16xi32, #tpu.memory_space<hbm>>
      %dma_start3A_3119 = tpu.memref_squeeze %dma_start3A_3118 : memref<1x16xi32, #tpu.memory_space<hbm>> -> memref<16xi32, #tpu.memory_space<hbm>>
      tpu.enqueue_dma source(%dma_start3A_3119 : memref<16xi32, #tpu.memory_space<hbm>>) target(%arg11 : memref<16xi32, #tpu.memory_space<vmem>>) target_semaphore(%run_scoped3A_3115 : memref<!tpu.dma_semaphore, #tpu.memory_space<semaphore_mem>>)
      %dma_wait3A_3120 = tpu.memref_slice %arg5[%run_scoped3A_622, %mul3A_2] : memref<3x512xi32, #tpu.memory_space<hbm>> -> memref<1x16xi32, #tpu.memory_space<hbm>>
      %dma_wait3A_3121 = tpu.memref_squeeze %dma_wait3A_3120 : memref<1x16xi32, #tpu.memory_space<hbm>> -> memref<16xi32, #tpu.memory_space<hbm>>
      %dma_wait3A_3122 = tpu.memref_slice %arg5[%run_scoped3A_622, %mul3A_2] : memref<3x512xi32, #tpu.memory_space<hbm>> -> memref<1x16xi32, #tpu.memory_space<hbm>>
      %dma_wait3A_3123 = tpu.memref_squeeze %dma_wait3A_3122 : memref<1x16xi32, #tpu.memory_space<hbm>> -> memref<16xi32, #tpu.memory_space<hbm>>
      tpu.wait_dma2 semaphore(%run_scoped3A_3115 : memref<!tpu.dma_semaphore, #tpu.memory_space<semaphore_mem>>) src(%dma_wait3A_3123 : memref<16xi32, #tpu.memory_space<hbm>>) dst(%arg11 : memref<16xi32, #tpu.memory_space<vmem>>)
      tpu.yield
    }) : () -> ()
    %run_scoped3A_623 = arith.constant 2 : i32
    "tpu.region"() ({
      %run_scoped3A_3115 = tpu.sem_alloc : memref<!tpu.dma_semaphore, #tpu.memory_space<semaphore_mem>>
      %dma_start3A_3116 = tpu.memref_slice %arg5[%run_scoped3A_623, %mul3A_2] : memref<3x512xi32, #tpu.memory_space<hbm>> -> memref<1x16xi32, #tpu.memory_space<hbm>>
      %dma_start3A_3117 = tpu.memref_squeeze %dma_start3A_3116 : memref<1x16xi32, #tpu.memory_space<hbm>> -> memref<16xi32, #tpu.memory_space<hbm>>
      %dma_start3A_3118 = tpu.memref_slice %arg5[%run_scoped3A_623, %mul3A_2] : memref<3x512xi32, #tpu.memory_space<hbm>> -> memref<1x16xi32, #tpu.memory_space<hbm>>
      %dma_start3A_3119 = tpu.memref_squeeze %dma_start3A_3118 : memref<1x16xi32, #tpu.memory_space<hbm>> -> memref<16xi32, #tpu.memory_space<hbm>>
      tpu.enqueue_dma source(%dma_start3A_3119 : memref<16xi32, #tpu.memory_space<hbm>>) target(%arg12 : memref<16xi32, #tpu.memory_space<vmem>>) target_semaphore(%run_scoped3A_3115 : memref<!tpu.dma_semaphore, #tpu.memory_space<semaphore_mem>>)
      %dma_wait3A_3120 = tpu.memref_slice %arg5[%run_scoped3A_623, %mul3A_2] : memref<3x512xi32, #tpu.memory_space<hbm>> -> memref<1x16xi32, #tpu.memory_space<hbm>>
      %dma_wait3A_3121 = tpu.memref_squeeze %dma_wait3A_3120 : memref<1x16xi32, #tpu.memory_space<hbm>> -> memref<16xi32, #tpu.memory_space<hbm>>
      %dma_wait3A_3122 = tpu.memref_slice %arg5[%run_scoped3A_623, %mul3A_2] : memref<3x512xi32, #tpu.memory_space<hbm>> -> memref<1x16xi32, #tpu.memory_space<hbm>>
      %dma_wait3A_3123 = tpu.memref_squeeze %dma_wait3A_3122 : memref<1x16xi32, #tpu.memory_space<hbm>> -> memref<16xi32, #tpu.memory_space<hbm>>
      tpu.wait_dma2 semaphore(%run_scoped3A_3115 : memref<!tpu.dma_semaphore, #tpu.memory_space<semaphore_mem>>) src(%dma_wait3A_3123 : memref<16xi32, #tpu.memory_space<hbm>>) dst(%arg12 : memref<16xi32, #tpu.memory_space<vmem>>)
      tpu.yield
    }) : () -> ()
    %get3A_624 = arith.constant 0 : index
    %get3A_625 = tpu.vector_load %arg10[%get3A_624] {strides = array<i32>} : memref<16xi32, #tpu.memory_space<vmem>>, vector<16xi32>,
    %get3A_626 = vector.shape_cast %get3A_625 : vector<16xi32> to vector<16xi32>
    %jit3A_627 = arith.constant 100 : i32
    %eq3A_628 = arith.constant 0 : i32
    %eq3A_629 = arith.cmpi eq, %jit3A_627, %eq3A_628 : i32
    %jit3A_630 = arith.constant 1 : i32
    %select_n3A_631 = arith.select %eq3A_629, %jit3A_630, %jit3A_627 : i32
    %rem3A_632 = vector.broadcast %select_n3A_631 : i32 to vector<16xi32>
    %rem3A_633 = arith.remsi %get3A_626, %rem3A_632 : vector<16xi32>
    %ne3A_634 = arith.constant 0 : i32
    %ne3A_635 = vector.broadcast %ne3A_634 : i32 to vector<16xi32>
    %ne3A_636 = arith.cmpi ne, %rem3A_633, %ne3A_635 : vector<16xi32>
    %lt3A_637 = arith.constant 0 : i32
    %lt3A_638 = vector.broadcast %lt3A_637 : i32 to vector<16xi32>
    %lt3A_639 = arith.cmpi slt, %rem3A_633, %lt3A_638 : vector<16xi32>
    %lt3A_640 = arith.constant 0 : i32
    %lt3A_641 = arith.cmpi slt, %select_n3A_631, %lt3A_640 : i32
    %ne3A_642 = vector.broadcast %lt3A_641 : i1 to vector<16xi1>
    %ne3A_643 = vector.broadcast %ne3A_642 : vector<16xi1> to vector<16xi1>
    %ne3A_644 = arith.xori %lt3A_639, %ne3A_643 : vector<16xi1>
    %and3A_645 = arith.andi %ne3A_644, %ne3A_636 : vector<16xi1>
    %add3A_646 = vector.broadcast %select_n3A_631 : i32 to vector<16xi32>
    %add3A_647 = arith.addi %rem3A_633, %add3A_646 : vector<16xi32>
    %select_n3A_648 = arith.select %and3A_645, %add3A_647, %rem3A_633 : vector<16xi1>, vector<16xi32>
    %get3A_649 = arith.constant 0 : index
    %get3A_650 = tpu.vector_load %arg11[%get3A_649] {strides = array<i32>} : memref<16xi32, #tpu.memory_space<vmem>>, vector<16xi32>,
    %get3A_651 = vector.shape_cast %get3A_650 : vector<16xi32> to vector<16xi32>
    %jit3A_652 = arith.constant 88 : i32
    %eq3A_653 = arith.constant 0 : i32
    %eq3A_654 = arith.cmpi eq, %jit3A_652, %eq3A_653 : i32
    %jit3A_655 = arith.constant 1 : i32
    %select_n3A_656 = arith.select %eq3A_654, %jit3A_655, %jit3A_652 : i32
    %rem3A_657 = vector.broadcast %select_n3A_656 : i32 to vector<16xi32>
    %rem3A_658 = arith.remsi %get3A_651, %rem3A_657 : vector<16xi32>
    %ne3A_659 = arith.constant 0 : i32
    %ne3A_660 = vector.broadcast %ne3A_659 : i32 to vector<16xi32>
    %ne3A_661 = arith.cmpi ne, %rem3A_658, %ne3A_660 : vector<16xi32>
    %lt3A_662 = arith.constant 0 : i32
    %lt3A_663 = vector.broadcast %lt3A_662 : i32 to vector<16xi32>
    %lt3A_664 = arith.cmpi slt, %rem3A_658, %lt3A_663 : vector<16xi32>
    %lt3A_665 = arith.constant 0 : i32
    %lt3A_666 = arith.cmpi slt, %select_n3A_656, %lt3A_665 : i32
    %ne3A_667 = vector.broadcast %lt3A_666 : i1 to vector<16xi1>
    %ne3A_668 = vector.broadcast %ne3A_667 : vector<16xi1> to vector<16xi1>
    %ne3A_669 = arith.xori %lt3A_664, %ne3A_668 : vector<16xi1>
    %and3A_670 = arith.andi %ne3A_669, %ne3A_661 : vector<16xi1>
    %add3A_671 = vector.broadcast %select_n3A_656 : i32 to vector<16xi32>
    %add3A_672 = arith.addi %rem3A_658, %add3A_671 : vector<16xi32>
    %select_n3A_673 = arith.select %and3A_670, %add3A_672, %rem3A_658 : vector<16xi1>, vector<16xi32>
    %get3A_674 = arith.constant 0 : index
    %get3A_675 = tpu.vector_load %arg12[%get3A_674] {strides = array<i32>} : memref<16xi32, #tpu.memory_space<vmem>>, vector<16xi32>,
    %get3A_676 = vector.shape_cast %get3A_675 : vector<16xi32> to vector<16xi32>
    %jit3A_677 = arith.constant 80 : i32
    %eq3A_678 = arith.constant 0 : i32
    %eq3A_679 = arith.cmpi eq, %jit3A_677, %eq3A_678 : i32
    %jit3A_680 = arith.constant 1 : i32
    %select_n3A_681 = arith.select %eq3A_679, %jit3A_680, %jit3A_677 : i32
    %rem3A_682 = vector.broadcast %select_n3A_681 : i32 to vector<16xi32>
    %rem3A_683 = arith.remsi %get3A_676, %rem3A_682 : vector<16xi32>
    %ne3A_684 = arith.constant 0 : i32
    %ne3A_685 = vector.broadcast %ne3A_684 : i32 to vector<16xi32>
    %ne3A_686 = arith.cmpi ne, %rem3A_683, %ne3A_685 : vector<16xi32>
    %lt3A_687 = arith.constant 0 : i32
    %lt3A_688 = vector.broadcast %lt3A_687 : i32 to vector<16xi32>
    %lt3A_689 = arith.cmpi slt, %rem3A_683, %lt3A_688 : vector<16xi32>
    %lt3A_690 = arith.constant 0 : i32
    %lt3A_691 = arith.cmpi slt, %select_n3A_681, %lt3A_690 : i32
    %ne3A_692 = vector.broadcast %lt3A_691 : i1 to vector<16xi1>
    %ne3A_693 = vector.broadcast %ne3A_692 : vector<16xi1> to vector<16xi1>
    %ne3A_694 = arith.xori %lt3A_689, %ne3A_693 : vector<16xi1>
    %and3A_695 = arith.andi %ne3A_694, %ne3A_686 : vector<16xi1>
    %add3A_696 = vector.broadcast %select_n3A_681 : i32 to vector<16xi32>
    %add3A_697 = arith.addi %rem3A_683, %add3A_696 : vector<16xi32>
    %select_n3A_698 = arith.select %and3A_695, %add3A_697, %rem3A_683 : vector<16xi1>, vector<16xi32>
    %mul3A_699 = arith.constant 7040 : i32
    %mul3A_700 = vector.broadcast %mul3A_699 : i32 to vector<16xi32>
    %mul3A_701 = arith.muli %select_n3A_648, %mul3A_700 : vector<16xi32>
    %mul3A_702 = arith.constant 80 : i32
    %mul3A_703 = vector.broadcast %mul3A_702 : i32 to vector<16xi32>
    %mul3A_704 = arith.muli %select_n3A_673, %mul3A_703 : vector<16xi32>
    %add3A_705 = arith.addi %mul3A_701, %mul3A_704 : vector<16xi32>
    %add3A_706 = arith.addi %add3A_705, %select_n3A_698 : vector<16xi32>
    %add3A_707 = arith.constant 0 : i32
    %add3A_708 = vector.broadcast %add3A_707 : i32 to vector<16xi32>
    %add3A_709 = arith.addi %add3A_706, %add3A_708 : vector<16xi32>
    %swap3A_710 = arith.constant 0 : index
    %swap3A_711 = tpu.vector_load %arg13[%swap3A_710] {strides = array<i32>} : memref<1024xi32, #tpu.memory_space<vmem>>, vector<16xi32>,
    %swap3A_712 = vector.shape_cast %swap3A_711 : vector<16xi32> to vector<16xi32>
    %swap3A_713 = vector.shape_cast %add3A_709 : vector<16xi32> to vector<16xi32>
    tpu.vector_store %arg13[%swap3A_710], %swap3A_713 {strides = array<i32>} : memref<1024xi32, #tpu.memory_space<vmem>>, vector<16xi32>,
    %add3A_714 = arith.constant 704000 : i32
    %add3A_715 = vector.broadcast %add3A_714 : i32 to vector<16xi32>
    %add3A_716 = arith.addi %add3A_706, %add3A_715 : vector<16xi32>
    %swap3A_717 = arith.constant 16 : index
    %swap3A_718 = tpu.vector_load %arg13[%swap3A_717] {strides = array<i32>} : memref<1024xi32, #tpu.memory_space<vmem>>, vector<16xi32>,
    %swap3A_719 = vector.shape_cast %swap3A_718 : vector<16xi32> to vector<16xi32>
    %swap3A_720 = vector.shape_cast %add3A_716 : vector<16xi32> to vector<16xi32>
    tpu.vector_store %arg13[%swap3A_717], %swap3A_720 {strides = array<i32>} : memref<1024xi32, #tpu.memory_space<vmem>>, vector<16xi32>,
    %add3A_721 = arith.constant 1408000 : i32
    %add3A_722 = vector.broadcast %add3A_721 : i32 to vector<16xi32>
    %add3A_723 = arith.addi %add3A_706, %add3A_722 : vector<16xi32>
    %swap3A_724 = arith.constant 32 : index
    %swap3A_725 = tpu.vector_load %arg13[%swap3A_724] {strides = array<i32>} : memref<1024xi32, #tpu.memory_space<vmem>>, vector<16xi32>,
    %swap3A_726 = vector.shape_cast %swap3A_725 : vector<16xi32> to vector<16xi32>
    %swap3A_727 = vector.shape_cast %add3A_723 : vector<16xi32> to vector<16xi32>
    tpu.vector_store %arg13[%swap3A_724], %swap3A_727 {strides = array<i32>} : memref<1024xi32, #tpu.memory_space<vmem>>, vector<16xi32>,
    %add3A_728 = arith.constant 2112000 : i32
    %add3A_729 = vector.broadcast %add3A_728 : i32 to vector<16xi32>
    %add3A_730 = arith.addi %add3A_706, %add3A_729 : vector<16xi32>
    %swap3A_731 = arith.constant 48 : index
    %swap3A_732 = tpu.vector_load %arg13[%swap3A_731] {strides = array<i32>} : memref<1024xi32, #tpu.memory_space<vmem>>, vector<16xi32>,
    %swap3A_733 = vector.shape_cast %swap3A_732 : vector<16xi32> to vector<16xi32>
    %swap3A_734 = vector.shape_cast %add3A_730 : vector<16xi32> to vector<16xi32>
    tpu.vector_store %arg13[%swap3A_731], %swap3A_734 {strides = array<i32>} : memref<1024xi32, #tpu.memory_space<vmem>>, vector<16xi32>,
    %add3A_735 = arith.constant 2816000 : i32
    %add3A_736 = vector.broadcast %add3A_735 : i32 to vector<16xi32>
    %add3A_737 = arith.addi %add3A_706, %add3A_736 : vector<16xi32>
    %swap3A_738 = arith.constant 64 : index
    %swap3A_739 = tpu.vector_load %arg13[%swap3A_738] {strides = array<i32>} : memref<1024xi32, #tpu.memory_space<vmem>>, vector<16xi32>,
    %swap3A_740 = vector.shape_cast %swap3A_739 : vector<16xi32> to vector<16xi32>
    %swap3A_741 = vector.shape_cast %add3A_737 : vector<16xi32> to vector<16xi32>
    tpu.vector_store %arg13[%swap3A_738], %swap3A_741 {strides = array<i32>} : memref<1024xi32, #tpu.memory_space<vmem>>, vector<16xi32>,
    %add3A_742 = arith.constant 3520000 : i32
    %add3A_743 = vector.broadcast %add3A_742 : i32 to vector<16xi32>
    %add3A_744 = arith.addi %add3A_706, %add3A_743 : vector<16xi32>
    %swap3A_745 = arith.constant 80 : index
    %swap3A_746 = tpu.vector_load %arg13[%swap3A_745] {strides = array<i32>} : memref<1024xi32, #tpu.memory_space<vmem>>, vector<16xi32>,
    %swap3A_747 = vector.shape_cast %swap3A_746 : vector<16xi32> to vector<16xi32>
    %swap3A_748 = vector.shape_cast %add3A_744 : vector<16xi32> to vector<16xi32>
    tpu.vector_store %arg13[%swap3A_745], %swap3A_748 {strides = array<i32>} : memref<1024xi32, #tpu.memory_space<vmem>>, vector<16xi32>,
    %add3A_749 = arith.constant 4224000 : i32
    %add3A_750 = vector.broadcast %add3A_749 : i32 to vector<16xi32>
    %add3A_751 = arith.addi %add3A_706, %add3A_750 : vector<16xi32>
    %swap3A_752 = arith.constant 96 : index
    %swap3A_753 = tpu.vector_load %arg13[%swap3A_752] {strides = array<i32>} : memref<1024xi32, #tpu.memory_space<vmem>>, vector<16xi32>,
    %swap3A_754 = vector.shape_cast %swap3A_753 : vector<16xi32> to vector<16xi32>
    %swap3A_755 = vector.shape_cast %add3A_751 : vector<16xi32> to vector<16xi32>
    tpu.vector_store %arg13[%swap3A_752], %swap3A_755 {strides = array<i32>} : memref<1024xi32, #tpu.memory_space<vmem>>, vector<16xi32>,
    %add3A_756 = arith.constant 4928000 : i32
    %add3A_757 = vector.broadcast %add3A_756 : i32 to vector<16xi32>
    %add3A_758 = arith.addi %add3A_706, %add3A_757 : vector<16xi32>
    %swap3A_759 = arith.constant 112 : index
    %swap3A_760 = tpu.vector_load %arg13[%swap3A_759] {strides = array<i32>} : memref<1024xi32, #tpu.memory_space<vmem>>, vector<16xi32>,
    %swap3A_761 = vector.shape_cast %swap3A_760 : vector<16xi32> to vector<16xi32>
    %swap3A_762 = vector.shape_cast %add3A_758 : vector<16xi32> to vector<16xi32>
    tpu.vector_store %arg13[%swap3A_759], %swap3A_762 {strides = array<i32>} : memref<1024xi32, #tpu.memory_space<vmem>>, vector<16xi32>,
    %add3A_763 = arith.constant 5632000 : i32
    %add3A_764 = vector.broadcast %add3A_763 : i32 to vector<16xi32>
    %add3A_765 = arith.addi %add3A_706, %add3A_764 : vector<16xi32>
    %swap3A_766 = arith.constant 128 : index
    %swap3A_767 = tpu.vector_load %arg13[%swap3A_766] {strides = array<i32>} : memref<1024xi32, #tpu.memory_space<vmem>>, vector<16xi32>,
    %swap3A_768 = vector.shape_cast %swap3A_767 : vector<16xi32> to vector<16xi32>
    %swap3A_769 = vector.shape_cast %add3A_765 : vector<16xi32> to vector<16xi32>
    tpu.vector_store %arg13[%swap3A_766], %swap3A_769 {strides = array<i32>} : memref<1024xi32, #tpu.memory_space<vmem>>, vector<16xi32>,
    %add3A_770 = arith.constant 6336000 : i32
    %add3A_771 = vector.broadcast %add3A_770 : i32 to vector<16xi32>
    %add3A_772 = arith.addi %add3A_706, %add3A_771 : vector<16xi32>
    %swap3A_773 = arith.constant 144 : index
    %swap3A_774 = tpu.vector_load %arg13[%swap3A_773] {strides = array<i32>} : memref<1024xi32, #tpu.memory_space<vmem>>, vector<16xi32>,
    %swap3A_775 = vector.shape_cast %swap3A_774 : vector<16xi32> to vector<16xi32>
    %swap3A_776 = vector.shape_cast %add3A_772 : vector<16xi32> to vector<16xi32>
    tpu.vector_store %arg13[%swap3A_773], %swap3A_776 {strides = array<i32>} : memref<1024xi32, #tpu.memory_space<vmem>>, vector<16xi32>,
    %add3A_777 = arith.constant 7040000 : i32
    %add3A_778 = vector.broadcast %add3A_777 : i32 to vector<16xi32>
    %add3A_779 = arith.addi %add3A_706, %add3A_778 : vector<16xi32>
    %swap3A_780 = arith.constant 160 : index
    %swap3A_781 = tpu.vector_load %arg13[%swap3A_780] {strides = array<i32>} : memref<1024xi32, #tpu.memory_space<vmem>>, vector<16xi32>,
    %swap3A_782 = vector.shape_cast %swap3A_781 : vector<16xi32> to vector<16xi32>
    %swap3A_783 = vector.shape_cast %add3A_779 : vector<16xi32> to vector<16xi32>
    tpu.vector_store %arg13[%swap3A_780], %swap3A_783 {strides = array<i32>} : memref<1024xi32, #tpu.memory_space<vmem>>, vector<16xi32>,
    %add3A_784 = arith.constant 7744000 : i32
    %add3A_785 = vector.broadcast %add3A_784 : i32 to vector<16xi32>
    %add3A_786 = arith.addi %add3A_706, %add3A_785 : vector<16xi32>
    %swap3A_787 = arith.constant 176 : index
    %swap3A_788 = tpu.vector_load %arg13[%swap3A_787] {strides = array<i32>} : memref<1024xi32, #tpu.memory_space<vmem>>, vector<16xi32>,
    %swap3A_789 = vector.shape_cast %swap3A_788 : vector<16xi32> to vector<16xi32>
    %swap3A_790 = vector.shape_cast %add3A_786 : vector<16xi32> to vector<16xi32>
    tpu.vector_store %arg13[%swap3A_787], %swap3A_790 {strides = array<i32>} : memref<1024xi32, #tpu.memory_space<vmem>>, vector<16xi32>,
    %add3A_791 = arith.constant 8448000 : i32
    %add3A_792 = vector.broadcast %add3A_791 : i32 to vector<16xi32>
    %add3A_793 = arith.addi %add3A_706, %add3A_792 : vector<16xi32>
    %swap3A_794 = arith.constant 192 : index
    %swap3A_795 = tpu.vector_load %arg13[%swap3A_794] {strides = array<i32>} : memref<1024xi32, #tpu.memory_space<vmem>>, vector<16xi32>,
    %swap3A_796 = vector.shape_cast %swap3A_795 : vector<16xi32> to vector<16xi32>
    %swap3A_797 = vector.shape_cast %add3A_793 : vector<16xi32> to vector<16xi32>
    tpu.vector_store %arg13[%swap3A_794], %swap3A_797 {strides = array<i32>} : memref<1024xi32, #tpu.memory_space<vmem>>, vector<16xi32>,
    %add3A_798 = arith.constant 9152000 : i32
    %add3A_799 = vector.broadcast %add3A_798 : i32 to vector<16xi32>
    %add3A_800 = arith.addi %add3A_706, %add3A_799 : vector<16xi32>
    %swap3A_801 = arith.constant 208 : index
    %swap3A_802 = tpu.vector_load %arg13[%swap3A_801] {strides = array<i32>} : memref<1024xi32, #tpu.memory_space<vmem>>, vector<16xi32>,
    %swap3A_803 = vector.shape_cast %swap3A_802 : vector<16xi32> to vector<16xi32>
    %swap3A_804 = vector.shape_cast %add3A_800 : vector<16xi32> to vector<16xi32>
    tpu.vector_store %arg13[%swap3A_801], %swap3A_804 {strides = array<i32>} : memref<1024xi32, #tpu.memory_space<vmem>>, vector<16xi32>,
    %add3A_805 = arith.constant 9856000 : i32
    %add3A_806 = vector.broadcast %add3A_805 : i32 to vector<16xi32>
    %add3A_807 = arith.addi %add3A_706, %add3A_806 : vector<16xi32>
    %swap3A_808 = arith.constant 224 : index
    %swap3A_809 = tpu.vector_load %arg13[%swap3A_808] {strides = array<i32>} : memref<1024xi32, #tpu.memory_space<vmem>>, vector<16xi32>,
    %swap3A_810 = vector.shape_cast %swap3A_809 : vector<16xi32> to vector<16xi32>
    %swap3A_811 = vector.shape_cast %add3A_807 : vector<16xi32> to vector<16xi32>
    tpu.vector_store %arg13[%swap3A_808], %swap3A_811 {strides = array<i32>} : memref<1024xi32, #tpu.memory_space<vmem>>, vector<16xi32>,
    %add3A_812 = arith.constant 10560000 : i32
    %add3A_813 = vector.broadcast %add3A_812 : i32 to vector<16xi32>
    %add3A_814 = arith.addi %add3A_706, %add3A_813 : vector<16xi32>
    %swap3A_815 = arith.constant 240 : index
    %swap3A_816 = tpu.vector_load %arg13[%swap3A_815] {strides = array<i32>} : memref<1024xi32, #tpu.memory_space<vmem>>, vector<16xi32>,
    %swap3A_817 = vector.shape_cast %swap3A_816 : vector<16xi32> to vector<16xi32>
    %swap3A_818 = vector.shape_cast %add3A_814 : vector<16xi32> to vector<16xi32>
    tpu.vector_store %arg13[%swap3A_815], %swap3A_818 {strides = array<i32>} : memref<1024xi32, #tpu.memory_space<vmem>>, vector<16xi32>,
    %add3A_819 = arith.constant 11264000 : i32
    %add3A_820 = vector.broadcast %add3A_819 : i32 to vector<16xi32>
    %add3A_821 = arith.addi %add3A_706, %add3A_820 : vector<16xi32>
    %swap3A_822 = arith.constant 256 : index
    %swap3A_823 = tpu.vector_load %arg13[%swap3A_822] {strides = array<i32>} : memref<1024xi32, #tpu.memory_space<vmem>>, vector<16xi32>,
    %swap3A_824 = vector.shape_cast %swap3A_823 : vector<16xi32> to vector<16xi32>
    %swap3A_825 = vector.shape_cast %add3A_821 : vector<16xi32> to vector<16xi32>
    tpu.vector_store %arg13[%swap3A_822], %swap3A_825 {strides = array<i32>} : memref<1024xi32, #tpu.memory_space<vmem>>, vector<16xi32>,
    %add3A_826 = arith.constant 11968000 : i32
    %add3A_827 = vector.broadcast %add3A_826 : i32 to vector<16xi32>
    %add3A_828 = arith.addi %add3A_706, %add3A_827 : vector<16xi32>
    %swap3A_829 = arith.constant 272 : index
    %swap3A_830 = tpu.vector_load %arg13[%swap3A_829] {strides = array<i32>} : memref<1024xi32, #tpu.memory_space<vmem>>, vector<16xi32>,
    %swap3A_831 = vector.shape_cast %swap3A_830 : vector<16xi32> to vector<16xi32>
    %swap3A_832 = vector.shape_cast %add3A_828 : vector<16xi32> to vector<16xi32>
    tpu.vector_store %arg13[%swap3A_829], %swap3A_832 {strides = array<i32>} : memref<1024xi32, #tpu.memory_space<vmem>>, vector<16xi32>,
    %add3A_833 = arith.constant 12672000 : i32
    %add3A_834 = vector.broadcast %add3A_833 : i32 to vector<16xi32>
    %add3A_835 = arith.addi %add3A_706, %add3A_834 : vector<16xi32>
    %swap3A_836 = arith.constant 288 : index
    %swap3A_837 = tpu.vector_load %arg13[%swap3A_836] {strides = array<i32>} : memref<1024xi32, #tpu.memory_space<vmem>>, vector<16xi32>,
    %swap3A_838 = vector.shape_cast %swap3A_837 : vector<16xi32> to vector<16xi32>
    %swap3A_839 = vector.shape_cast %add3A_835 : vector<16xi32> to vector<16xi32>
    tpu.vector_store %arg13[%swap3A_836], %swap3A_839 {strides = array<i32>} : memref<1024xi32, #tpu.memory_space<vmem>>, vector<16xi32>,
    %add3A_840 = arith.constant 13376000 : i32
    %add3A_841 = vector.broadcast %add3A_840 : i32 to vector<16xi32>
    %add3A_842 = arith.addi %add3A_706, %add3A_841 : vector<16xi32>
    %swap3A_843 = arith.constant 304 : index
    %swap3A_844 = tpu.vector_load %arg13[%swap3A_843] {strides = array<i32>} : memref<1024xi32, #tpu.memory_space<vmem>>, vector<16xi32>,
    %swap3A_845 = vector.shape_cast %swap3A_844 : vector<16xi32> to vector<16xi32>
    %swap3A_846 = vector.shape_cast %add3A_842 : vector<16xi32> to vector<16xi32>
    tpu.vector_store %arg13[%swap3A_843], %swap3A_846 {strides = array<i32>} : memref<1024xi32, #tpu.memory_space<vmem>>, vector<16xi32>,
    %add3A_847 = arith.constant 14080000 : i32
    %add3A_848 = vector.broadcast %add3A_847 : i32 to vector<16xi32>
    %add3A_849 = arith.addi %add3A_706, %add3A_848 : vector<16xi32>
    %swap3A_850 = arith.constant 320 : index
    %swap3A_851 = tpu.vector_load %arg13[%swap3A_850] {strides = array<i32>} : memref<1024xi32, #tpu.memory_space<vmem>>, vector<16xi32>,
    %swap3A_852 = vector.shape_cast %swap3A_851 : vector<16xi32> to vector<16xi32>
    %swap3A_853 = vector.shape_cast %add3A_849 : vector<16xi32> to vector<16xi32>
    tpu.vector_store %arg13[%swap3A_850], %swap3A_853 {strides = array<i32>} : memref<1024xi32, #tpu.memory_space<vmem>>, vector<16xi32>,
    %add3A_854 = arith.constant 14784000 : i32
    %add3A_855 = vector.broadcast %add3A_854 : i32 to vector<16xi32>
    %add3A_856 = arith.addi %add3A_706, %add3A_855 : vector<16xi32>
    %swap3A_857 = arith.constant 336 : index
    %swap3A_858 = tpu.vector_load %arg13[%swap3A_857] {strides = array<i32>} : memref<1024xi32, #tpu.memory_space<vmem>>, vector<16xi32>,
    %swap3A_859 = vector.shape_cast %swap3A_858 : vector<16xi32> to vector<16xi32>
    %swap3A_860 = vector.shape_cast %add3A_856 : vector<16xi32> to vector<16xi32>
    tpu.vector_store %arg13[%swap3A_857], %swap3A_860 {strides = array<i32>} : memref<1024xi32, #tpu.memory_space<vmem>>, vector<16xi32>,
    %add3A_861 = arith.constant 15488000 : i32
    %add3A_862 = vector.broadcast %add3A_861 : i32 to vector<16xi32>
    %add3A_863 = arith.addi %add3A_706, %add3A_862 : vector<16xi32>
    %swap3A_864 = arith.constant 352 : index
    %swap3A_865 = tpu.vector_load %arg13[%swap3A_864] {strides = array<i32>} : memref<1024xi32, #tpu.memory_space<vmem>>, vector<16xi32>,
    %swap3A_866 = vector.shape_cast %swap3A_865 : vector<16xi32> to vector<16xi32>
    %swap3A_867 = vector.shape_cast %add3A_863 : vector<16xi32> to vector<16xi32>
    tpu.vector_store %arg13[%swap3A_864], %swap3A_867 {strides = array<i32>} : memref<1024xi32, #tpu.memory_space<vmem>>, vector<16xi32>,
    %add3A_868 = arith.constant 16192000 : i32
    %add3A_869 = vector.broadcast %add3A_868 : i32 to vector<16xi32>
    %add3A_870 = arith.addi %add3A_706, %add3A_869 : vector<16xi32>
    %swap3A_871 = arith.constant 368 : index
    %swap3A_872 = tpu.vector_load %arg13[%swap3A_871] {strides = array<i32>} : memref<1024xi32, #tpu.memory_space<vmem>>, vector<16xi32>,
    %swap3A_873 = vector.shape_cast %swap3A_872 : vector<16xi32> to vector<16xi32>
    %swap3A_874 = vector.shape_cast %add3A_870 : vector<16xi32> to vector<16xi32>
    tpu.vector_store %arg13[%swap3A_871], %swap3A_874 {strides = array<i32>} : memref<1024xi32, #tpu.memory_space<vmem>>, vector<16xi32>,
    %add3A_875 = arith.constant 16896000 : i32
    %add3A_876 = vector.broadcast %add3A_875 : i32 to vector<16xi32>
    %add3A_877 = arith.addi %add3A_706, %add3A_876 : vector<16xi32>
    %swap3A_878 = arith.constant 384 : index
    %swap3A_879 = tpu.vector_load %arg13[%swap3A_878] {strides = array<i32>} : memref<1024xi32, #tpu.memory_space<vmem>>, vector<16xi32>,
    %swap3A_880 = vector.shape_cast %swap3A_879 : vector<16xi32> to vector<16xi32>
    %swap3A_881 = vector.shape_cast %add3A_877 : vector<16xi32> to vector<16xi32>
    tpu.vector_store %arg13[%swap3A_878], %swap3A_881 {strides = array<i32>} : memref<1024xi32, #tpu.memory_space<vmem>>, vector<16xi32>,
    %add3A_882 = arith.constant 17600000 : i32
    %add3A_883 = vector.broadcast %add3A_882 : i32 to vector<16xi32>
    %add3A_884 = arith.addi %add3A_706, %add3A_883 : vector<16xi32>
    %swap3A_885 = arith.constant 400 : index
    %swap3A_886 = tpu.vector_load %arg13[%swap3A_885] {strides = array<i32>} : memref<1024xi32, #tpu.memory_space<vmem>>, vector<16xi32>,
    %swap3A_887 = vector.shape_cast %swap3A_886 : vector<16xi32> to vector<16xi32>
    %swap3A_888 = vector.shape_cast %add3A_884 : vector<16xi32> to vector<16xi32>
    tpu.vector_store %arg13[%swap3A_885], %swap3A_888 {strides = array<i32>} : memref<1024xi32, #tpu.memory_space<vmem>>, vector<16xi32>,
    %add3A_889 = arith.constant 18304000 : i32
    %add3A_890 = vector.broadcast %add3A_889 : i32 to vector<16xi32>
    %add3A_891 = arith.addi %add3A_706, %add3A_890 : vector<16xi32>
    %swap3A_892 = arith.constant 416 : index
    %swap3A_893 = tpu.vector_load %arg13[%swap3A_892] {strides = array<i32>} : memref<1024xi32, #tpu.memory_space<vmem>>, vector<16xi32>,
    %swap3A_894 = vector.shape_cast %swap3A_893 : vector<16xi32> to vector<16xi32>
    %swap3A_895 = vector.shape_cast %add3A_891 : vector<16xi32> to vector<16xi32>
    tpu.vector_store %arg13[%swap3A_892], %swap3A_895 {strides = array<i32>} : memref<1024xi32, #tpu.memory_space<vmem>>, vector<16xi32>,
    %add3A_896 = arith.constant 19008000 : i32
    %add3A_897 = vector.broadcast %add3A_896 : i32 to vector<16xi32>
    %add3A_898 = arith.addi %add3A_706, %add3A_897 : vector<16xi32>
    %swap3A_899 = arith.constant 432 : index
    %swap3A_900 = tpu.vector_load %arg13[%swap3A_899] {strides = array<i32>} : memref<1024xi32, #tpu.memory_space<vmem>>, vector<16xi32>,
    %swap3A_901 = vector.shape_cast %swap3A_900 : vector<16xi32> to vector<16xi32>
    %swap3A_902 = vector.shape_cast %add3A_898 : vector<16xi32> to vector<16xi32>
    tpu.vector_store %arg13[%swap3A_899], %swap3A_902 {strides = array<i32>} : memref<1024xi32, #tpu.memory_space<vmem>>, vector<16xi32>,
    %add3A_903 = arith.constant 19712000 : i32
    %add3A_904 = vector.broadcast %add3A_903 : i32 to vector<16xi32>
    %add3A_905 = arith.addi %add3A_706, %add3A_904 : vector<16xi32>
    %swap3A_906 = arith.constant 448 : index
    %swap3A_907 = tpu.vector_load %arg13[%swap3A_906] {strides = array<i32>} : memref<1024xi32, #tpu.memory_space<vmem>>, vector<16xi32>,
    %swap3A_908 = vector.shape_cast %swap3A_907 : vector<16xi32> to vector<16xi32>
    %swap3A_909 = vector.shape_cast %add3A_905 : vector<16xi32> to vector<16xi32>
    tpu.vector_store %arg13[%swap3A_906], %swap3A_909 {strides = array<i32>} : memref<1024xi32, #tpu.memory_space<vmem>>, vector<16xi32>,
    %add3A_910 = arith.constant 20416000 : i32
    %add3A_911 = vector.broadcast %add3A_910 : i32 to vector<16xi32>
    %add3A_912 = arith.addi %add3A_706, %add3A_911 : vector<16xi32>
    %swap3A_913 = arith.constant 464 : index
    %swap3A_914 = tpu.vector_load %arg13[%swap3A_913] {strides = array<i32>} : memref<1024xi32, #tpu.memory_space<vmem>>, vector<16xi32>,
    %swap3A_915 = vector.shape_cast %swap3A_914 : vector<16xi32> to vector<16xi32>
    %swap3A_916 = vector.shape_cast %add3A_912 : vector<16xi32> to vector<16xi32>
    tpu.vector_store %arg13[%swap3A_913], %swap3A_916 {strides = array<i32>} : memref<1024xi32, #tpu.memory_space<vmem>>, vector<16xi32>,
    %add3A_917 = arith.constant 21120000 : i32
    %add3A_918 = vector.broadcast %add3A_917 : i32 to vector<16xi32>
    %add3A_919 = arith.addi %add3A_706, %add3A_918 : vector<16xi32>
    %swap3A_920 = arith.constant 480 : index
    %swap3A_921 = tpu.vector_load %arg13[%swap3A_920] {strides = array<i32>} : memref<1024xi32, #tpu.memory_space<vmem>>, vector<16xi32>,
    %swap3A_922 = vector.shape_cast %swap3A_921 : vector<16xi32> to vector<16xi32>
    %swap3A_923 = vector.shape_cast %add3A_919 : vector<16xi32> to vector<16xi32>
    tpu.vector_store %arg13[%swap3A_920], %swap3A_923 {strides = array<i32>} : memref<1024xi32, #tpu.memory_space<vmem>>, vector<16xi32>,
    %add3A_924 = arith.constant 21824000 : i32
    %add3A_925 = vector.broadcast %add3A_924 : i32 to vector<16xi32>
    %add3A_926 = arith.addi %add3A_706, %add3A_925 : vector<16xi32>
    %swap3A_927 = arith.constant 496 : index
    %swap3A_928 = tpu.vector_load %arg13[%swap3A_927] {strides = array<i32>} : memref<1024xi32, #tpu.memory_space<vmem>>, vector<16xi32>,
    %swap3A_929 = vector.shape_cast %swap3A_928 : vector<16xi32> to vector<16xi32>
    %swap3A_930 = vector.shape_cast %add3A_926 : vector<16xi32> to vector<16xi32>
    tpu.vector_store %arg13[%swap3A_927], %swap3A_930 {strides = array<i32>} : memref<1024xi32, #tpu.memory_space<vmem>>, vector<16xi32>,
    %add3A_931 = arith.constant 22528000 : i32
    %add3A_932 = vector.broadcast %add3A_931 : i32 to vector<16xi32>
    %add3A_933 = arith.addi %add3A_706, %add3A_932 : vector<16xi32>
    %swap3A_934 = arith.constant 512 : index
    %swap3A_935 = tpu.vector_load %arg13[%swap3A_934] {strides = array<i32>} : memref<1024xi32, #tpu.memory_space<vmem>>, vector<16xi32>,
    %swap3A_936 = vector.shape_cast %swap3A_935 : vector<16xi32> to vector<16xi32>
    %swap3A_937 = vector.shape_cast %add3A_933 : vector<16xi32> to vector<16xi32>
    tpu.vector_store %arg13[%swap3A_934], %swap3A_937 {strides = array<i32>} : memref<1024xi32, #tpu.memory_space<vmem>>, vector<16xi32>,
    %add3A_938 = arith.constant 23232000 : i32
    %add3A_939 = vector.broadcast %add3A_938 : i32 to vector<16xi32>
    %add3A_940 = arith.addi %add3A_706, %add3A_939 : vector<16xi32>
    %swap3A_941 = arith.constant 528 : index
    %swap3A_942 = tpu.vector_load %arg13[%swap3A_941] {strides = array<i32>} : memref<1024xi32, #tpu.memory_space<vmem>>, vector<16xi32>,
    %swap3A_943 = vector.shape_cast %swap3A_942 : vector<16xi32> to vector<16xi32>
    %swap3A_944 = vector.shape_cast %add3A_940 : vector<16xi32> to vector<16xi32>
    tpu.vector_store %arg13[%swap3A_941], %swap3A_944 {strides = array<i32>} : memref<1024xi32, #tpu.memory_space<vmem>>, vector<16xi32>,
    %add3A_945 = arith.constant 23936000 : i32
    %add3A_946 = vector.broadcast %add3A_945 : i32 to vector<16xi32>
    %add3A_947 = arith.addi %add3A_706, %add3A_946 : vector<16xi32>
    %swap3A_948 = arith.constant 544 : index
    %swap3A_949 = tpu.vector_load %arg13[%swap3A_948] {strides = array<i32>} : memref<1024xi32, #tpu.memory_space<vmem>>, vector<16xi32>,
    %swap3A_950 = vector.shape_cast %swap3A_949 : vector<16xi32> to vector<16xi32>
    %swap3A_951 = vector.shape_cast %add3A_947 : vector<16xi32> to vector<16xi32>
    tpu.vector_store %arg13[%swap3A_948], %swap3A_951 {strides = array<i32>} : memref<1024xi32, #tpu.memory_space<vmem>>, vector<16xi32>,
    %add3A_952 = arith.constant 24640000 : i32
    %add3A_953 = vector.broadcast %add3A_952 : i32 to vector<16xi32>
    %add3A_954 = arith.addi %add3A_706, %add3A_953 : vector<16xi32>
    %swap3A_955 = arith.constant 560 : index
    %swap3A_956 = tpu.vector_load %arg13[%swap3A_955] {strides = array<i32>} : memref<1024xi32, #tpu.memory_space<vmem>>, vector<16xi32>,
    %swap3A_957 = vector.shape_cast %swap3A_956 : vector<16xi32> to vector<16xi32>
    %swap3A_958 = vector.shape_cast %add3A_954 : vector<16xi32> to vector<16xi32>
    tpu.vector_store %arg13[%swap3A_955], %swap3A_958 {strides = array<i32>} : memref<1024xi32, #tpu.memory_space<vmem>>, vector<16xi32>,
    %add3A_959 = arith.constant 25344000 : i32
    %add3A_960 = vector.broadcast %add3A_959 : i32 to vector<16xi32>
    %add3A_961 = arith.addi %add3A_706, %add3A_960 : vector<16xi32>
    %swap3A_962 = arith.constant 576 : index
    %swap3A_963 = tpu.vector_load %arg13[%swap3A_962] {strides = array<i32>} : memref<1024xi32, #tpu.memory_space<vmem>>, vector<16xi32>,
    %swap3A_964 = vector.shape_cast %swap3A_963 : vector<16xi32> to vector<16xi32>
    %swap3A_965 = vector.shape_cast %add3A_961 : vector<16xi32> to vector<16xi32>
    tpu.vector_store %arg13[%swap3A_962], %swap3A_965 {strides = array<i32>} : memref<1024xi32, #tpu.memory_space<vmem>>, vector<16xi32>,
    %add3A_966 = arith.constant 26048000 : i32
    %add3A_967 = vector.broadcast %add3A_966 : i32 to vector<16xi32>
    %add3A_968 = arith.addi %add3A_706, %add3A_967 : vector<16xi32>
    %swap3A_969 = arith.constant 592 : index
    %swap3A_970 = tpu.vector_load %arg13[%swap3A_969] {strides = array<i32>} : memref<1024xi32, #tpu.memory_space<vmem>>, vector<16xi32>,
    %swap3A_971 = vector.shape_cast %swap3A_970 : vector<16xi32> to vector<16xi32>
    %swap3A_972 = vector.shape_cast %add3A_968 : vector<16xi32> to vector<16xi32>
    tpu.vector_store %arg13[%swap3A_969], %swap3A_972 {strides = array<i32>} : memref<1024xi32, #tpu.memory_space<vmem>>, vector<16xi32>,
    %add3A_973 = arith.constant 26752000 : i32
    %add3A_974 = vector.broadcast %add3A_973 : i32 to vector<16xi32>
    %add3A_975 = arith.addi %add3A_706, %add3A_974 : vector<16xi32>
    %swap3A_976 = arith.constant 608 : index
    %swap3A_977 = tpu.vector_load %arg13[%swap3A_976] {strides = array<i32>} : memref<1024xi32, #tpu.memory_space<vmem>>, vector<16xi32>,
    %swap3A_978 = vector.shape_cast %swap3A_977 : vector<16xi32> to vector<16xi32>
    %swap3A_979 = vector.shape_cast %add3A_975 : vector<16xi32> to vector<16xi32>
    tpu.vector_store %arg13[%swap3A_976], %swap3A_979 {strides = array<i32>} : memref<1024xi32, #tpu.memory_space<vmem>>, vector<16xi32>,
    %add3A_980 = arith.constant 27456000 : i32
    %add3A_981 = vector.broadcast %add3A_980 : i32 to vector<16xi32>
    %add3A_982 = arith.addi %add3A_706, %add3A_981 : vector<16xi32>
    %swap3A_983 = arith.constant 624 : index
    %swap3A_984 = tpu.vector_load %arg13[%swap3A_983] {strides = array<i32>} : memref<1024xi32, #tpu.memory_space<vmem>>, vector<16xi32>,
    %swap3A_985 = vector.shape_cast %swap3A_984 : vector<16xi32> to vector<16xi32>
    %swap3A_986 = vector.shape_cast %add3A_982 : vector<16xi32> to vector<16xi32>
    tpu.vector_store %arg13[%swap3A_983], %swap3A_986 {strides = array<i32>} : memref<1024xi32, #tpu.memory_space<vmem>>, vector<16xi32>,
    %add3A_987 = arith.constant 28160000 : i32
    %add3A_988 = vector.broadcast %add3A_987 : i32 to vector<16xi32>
    %add3A_989 = arith.addi %add3A_706, %add3A_988 : vector<16xi32>
    %swap3A_990 = arith.constant 640 : index
    %swap3A_991 = tpu.vector_load %arg13[%swap3A_990] {strides = array<i32>} : memref<1024xi32, #tpu.memory_space<vmem>>, vector<16xi32>,
    %swap3A_992 = vector.shape_cast %swap3A_991 : vector<16xi32> to vector<16xi32>
    %swap3A_993 = vector.shape_cast %add3A_989 : vector<16xi32> to vector<16xi32>
    tpu.vector_store %arg13[%swap3A_990], %swap3A_993 {strides = array<i32>} : memref<1024xi32, #tpu.memory_space<vmem>>, vector<16xi32>,
    %add3A_994 = arith.constant 28864000 : i32
    %add3A_995 = vector.broadcast %add3A_994 : i32 to vector<16xi32>
    %add3A_996 = arith.addi %add3A_706, %add3A_995 : vector<16xi32>
    %swap3A_997 = arith.constant 656 : index
    %swap3A_998 = tpu.vector_load %arg13[%swap3A_997] {strides = array<i32>} : memref<1024xi32, #tpu.memory_space<vmem>>, vector<16xi32>,
    %swap3A_999 = vector.shape_cast %swap3A_998 : vector<16xi32> to vector<16xi32>
    %swap3A_1000 = vector.shape_cast %add3A_996 : vector<16xi32> to vector<16xi32>
    tpu.vector_store %arg13[%swap3A_997], %swap3A_1000 {strides = array<i32>} : memref<1024xi32, #tpu.memory_space<vmem>>, vector<16xi32>,
    %add3A_1001 = arith.constant 29568000 : i32
    %add3A_1002 = vector.broadcast %add3A_1001 : i32 to vector<16xi32>
    %add3A_1003 = arith.addi %add3A_706, %add3A_1002 : vector<16xi32>
    %swap3A_1004 = arith.constant 672 : index
    %swap3A_1005 = tpu.vector_load %arg13[%swap3A_1004] {strides = array<i32>} : memref<1024xi32, #tpu.memory_space<vmem>>, vector<16xi32>,
    %swap3A_1006 = vector.shape_cast %swap3A_1005 : vector<16xi32> to vector<16xi32>
    %swap3A_1007 = vector.shape_cast %add3A_1003 : vector<16xi32> to vector<16xi32>
    tpu.vector_store %arg13[%swap3A_1004], %swap3A_1007 {strides = array<i32>} : memref<1024xi32, #tpu.memory_space<vmem>>, vector<16xi32>,
    %add3A_1008 = arith.constant 30272000 : i32
    %add3A_1009 = vector.broadcast %add3A_1008 : i32 to vector<16xi32>
    %add3A_1010 = arith.addi %add3A_706, %add3A_1009 : vector<16xi32>
    %swap3A_1011 = arith.constant 688 : index
    %swap3A_1012 = tpu.vector_load %arg13[%swap3A_1011] {strides = array<i32>} : memref<1024xi32, #tpu.memory_space<vmem>>, vector<16xi32>,
    %swap3A_1013 = vector.shape_cast %swap3A_1012 : vector<16xi32> to vector<16xi32>
    %swap3A_1014 = vector.shape_cast %add3A_1010 : vector<16xi32> to vector<16xi32>
    tpu.vector_store %arg13[%swap3A_1011], %swap3A_1014 {strides = array<i32>} : memref<1024xi32, #tpu.memory_space<vmem>>, vector<16xi32>,
    %add3A_1015 = arith.constant 30976000 : i32
    %add3A_1016 = vector.broadcast %add3A_1015 : i32 to vector<16xi32>
    %add3A_1017 = arith.addi %add3A_706, %add3A_1016 : vector<16xi32>
    %swap3A_1018 = arith.constant 704 : index
    %swap3A_1019 = tpu.vector_load %arg13[%swap3A_1018] {strides = array<i32>} : memref<1024xi32, #tpu.memory_space<vmem>>, vector<16xi32>,
    %swap3A_1020 = vector.shape_cast %swap3A_1019 : vector<16xi32> to vector<16xi32>
    %swap3A_1021 = vector.shape_cast %add3A_1017 : vector<16xi32> to vector<16xi32>
    tpu.vector_store %arg13[%swap3A_1018], %swap3A_1021 {strides = array<i32>} : memref<1024xi32, #tpu.memory_space<vmem>>, vector<16xi32>,
    %add3A_1022 = arith.constant 31680000 : i32
    %add3A_1023 = vector.broadcast %add3A_1022 : i32 to vector<16xi32>
    %add3A_1024 = arith.addi %add3A_706, %add3A_1023 : vector<16xi32>
    %swap3A_1025 = arith.constant 720 : index
    %swap3A_1026 = tpu.vector_load %arg13[%swap3A_1025] {strides = array<i32>} : memref<1024xi32, #tpu.memory_space<vmem>>, vector<16xi32>,
    %swap3A_1027 = vector.shape_cast %swap3A_1026 : vector<16xi32> to vector<16xi32>
    %swap3A_1028 = vector.shape_cast %add3A_1024 : vector<16xi32> to vector<16xi32>
    tpu.vector_store %arg13[%swap3A_1025], %swap3A_1028 {strides = array<i32>} : memref<1024xi32, #tpu.memory_space<vmem>>, vector<16xi32>,
    %add3A_1029 = arith.constant 32384000 : i32
    %add3A_1030 = vector.broadcast %add3A_1029 : i32 to vector<16xi32>
    %add3A_1031 = arith.addi %add3A_706, %add3A_1030 : vector<16xi32>
    %swap3A_1032 = arith.constant 736 : index
    %swap3A_1033 = tpu.vector_load %arg13[%swap3A_1032] {strides = array<i32>} : memref<1024xi32, #tpu.memory_space<vmem>>, vector<16xi32>,
    %swap3A_1034 = vector.shape_cast %swap3A_1033 : vector<16xi32> to vector<16xi32>
    %swap3A_1035 = vector.shape_cast %add3A_1031 : vector<16xi32> to vector<16xi32>
    tpu.vector_store %arg13[%swap3A_1032], %swap3A_1035 {strides = array<i32>} : memref<1024xi32, #tpu.memory_space<vmem>>, vector<16xi32>,
    %add3A_1036 = arith.constant 33088000 : i32
    %add3A_1037 = vector.broadcast %add3A_1036 : i32 to vector<16xi32>
    %add3A_1038 = arith.addi %add3A_706, %add3A_1037 : vector<16xi32>
    %swap3A_1039 = arith.constant 752 : index
    %swap3A_1040 = tpu.vector_load %arg13[%swap3A_1039] {strides = array<i32>} : memref<1024xi32, #tpu.memory_space<vmem>>, vector<16xi32>,
    %swap3A_1041 = vector.shape_cast %swap3A_1040 : vector<16xi32> to vector<16xi32>
    %swap3A_1042 = vector.shape_cast %add3A_1038 : vector<16xi32> to vector<16xi32>
    tpu.vector_store %arg13[%swap3A_1039], %swap3A_1042 {strides = array<i32>} : memref<1024xi32, #tpu.memory_space<vmem>>, vector<16xi32>,
    %add3A_1043 = arith.constant 33792000 : i32
    %add3A_1044 = vector.broadcast %add3A_1043 : i32 to vector<16xi32>
    %add3A_1045 = arith.addi %add3A_706, %add3A_1044 : vector<16xi32>
    %swap3A_1046 = arith.constant 768 : index
    %swap3A_1047 = tpu.vector_load %arg13[%swap3A_1046] {strides = array<i32>} : memref<1024xi32, #tpu.memory_space<vmem>>, vector<16xi32>,
    %swap3A_1048 = vector.shape_cast %swap3A_1047 : vector<16xi32> to vector<16xi32>
    %swap3A_1049 = vector.shape_cast %add3A_1045 : vector<16xi32> to vector<16xi32>
    tpu.vector_store %arg13[%swap3A_1046], %swap3A_1049 {strides = array<i32>} : memref<1024xi32, #tpu.memory_space<vmem>>, vector<16xi32>,
    %add3A_1050 = arith.constant 34496000 : i32
    %add3A_1051 = vector.broadcast %add3A_1050 : i32 to vector<16xi32>
    %add3A_1052 = arith.addi %add3A_706, %add3A_1051 : vector<16xi32>
    %swap3A_1053 = arith.constant 784 : index
    %swap3A_1054 = tpu.vector_load %arg13[%swap3A_1053] {strides = array<i32>} : memref<1024xi32, #tpu.memory_space<vmem>>, vector<16xi32>,
    %swap3A_1055 = vector.shape_cast %swap3A_1054 : vector<16xi32> to vector<16xi32>
    %swap3A_1056 = vector.shape_cast %add3A_1052 : vector<16xi32> to vector<16xi32>
    tpu.vector_store %arg13[%swap3A_1053], %swap3A_1056 {strides = array<i32>} : memref<1024xi32, #tpu.memory_space<vmem>>, vector<16xi32>,
    %add3A_1057 = arith.constant 35200000 : i32
    %add3A_1058 = vector.broadcast %add3A_1057 : i32 to vector<16xi32>
    %add3A_1059 = arith.addi %add3A_706, %add3A_1058 : vector<16xi32>
    %swap3A_1060 = arith.constant 800 : index
    %swap3A_1061 = tpu.vector_load %arg13[%swap3A_1060] {strides = array<i32>} : memref<1024xi32, #tpu.memory_space<vmem>>, vector<16xi32>,
    %swap3A_1062 = vector.shape_cast %swap3A_1061 : vector<16xi32> to vector<16xi32>
    %swap3A_1063 = vector.shape_cast %add3A_1059 : vector<16xi32> to vector<16xi32>
    tpu.vector_store %arg13[%swap3A_1060], %swap3A_1063 {strides = array<i32>} : memref<1024xi32, #tpu.memory_space<vmem>>, vector<16xi32>,
    %add3A_1064 = arith.constant 35904000 : i32
    %add3A_1065 = vector.broadcast %add3A_1064 : i32 to vector<16xi32>
    %add3A_1066 = arith.addi %add3A_706, %add3A_1065 : vector<16xi32>
    %swap3A_1067 = arith.constant 816 : index
    %swap3A_1068 = tpu.vector_load %arg13[%swap3A_1067] {strides = array<i32>} : memref<1024xi32, #tpu.memory_space<vmem>>, vector<16xi32>,
    %swap3A_1069 = vector.shape_cast %swap3A_1068 : vector<16xi32> to vector<16xi32>
    %swap3A_1070 = vector.shape_cast %add3A_1066 : vector<16xi32> to vector<16xi32>
    tpu.vector_store %arg13[%swap3A_1067], %swap3A_1070 {strides = array<i32>} : memref<1024xi32, #tpu.memory_space<vmem>>, vector<16xi32>,
    %add3A_1071 = arith.constant 36608000 : i32
    %add3A_1072 = vector.broadcast %add3A_1071 : i32 to vector<16xi32>
    %add3A_1073 = arith.addi %add3A_706, %add3A_1072 : vector<16xi32>
    %swap3A_1074 = arith.constant 832 : index
    %swap3A_1075 = tpu.vector_load %arg13[%swap3A_1074] {strides = array<i32>} : memref<1024xi32, #tpu.memory_space<vmem>>, vector<16xi32>,
    %swap3A_1076 = vector.shape_cast %swap3A_1075 : vector<16xi32> to vector<16xi32>
    %swap3A_1077 = vector.shape_cast %add3A_1073 : vector<16xi32> to vector<16xi32>
    tpu.vector_store %arg13[%swap3A_1074], %swap3A_1077 {strides = array<i32>} : memref<1024xi32, #tpu.memory_space<vmem>>, vector<16xi32>,
    %add3A_1078 = arith.constant 37312000 : i32
    %add3A_1079 = vector.broadcast %add3A_1078 : i32 to vector<16xi32>
    %add3A_1080 = arith.addi %add3A_706, %add3A_1079 : vector<16xi32>
    %swap3A_1081 = arith.constant 848 : index
    %swap3A_1082 = tpu.vector_load %arg13[%swap3A_1081] {strides = array<i32>} : memref<1024xi32, #tpu.memory_space<vmem>>, vector<16xi32>,
    %swap3A_1083 = vector.shape_cast %swap3A_1082 : vector<16xi32> to vector<16xi32>
    %swap3A_1084 = vector.shape_cast %add3A_1080 : vector<16xi32> to vector<16xi32>
    tpu.vector_store %arg13[%swap3A_1081], %swap3A_1084 {strides = array<i32>} : memref<1024xi32, #tpu.memory_space<vmem>>, vector<16xi32>,
    %add3A_1085 = arith.constant 38016000 : i32
    %add3A_1086 = vector.broadcast %add3A_1085 : i32 to vector<16xi32>
    %add3A_1087 = arith.addi %add3A_706, %add3A_1086 : vector<16xi32>
    %swap3A_1088 = arith.constant 864 : index
    %swap3A_1089 = tpu.vector_load %arg13[%swap3A_1088] {strides = array<i32>} : memref<1024xi32, #tpu.memory_space<vmem>>, vector<16xi32>,
    %swap3A_1090 = vector.shape_cast %swap3A_1089 : vector<16xi32> to vector<16xi32>
    %swap3A_1091 = vector.shape_cast %add3A_1087 : vector<16xi32> to vector<16xi32>
    tpu.vector_store %arg13[%swap3A_1088], %swap3A_1091 {strides = array<i32>} : memref<1024xi32, #tpu.memory_space<vmem>>, vector<16xi32>,
    %add3A_1092 = arith.constant 38720000 : i32
    %add3A_1093 = vector.broadcast %add3A_1092 : i32 to vector<16xi32>
    %add3A_1094 = arith.addi %add3A_706, %add3A_1093 : vector<16xi32>
    %swap3A_1095 = arith.constant 880 : index
    %swap3A_1096 = tpu.vector_load %arg13[%swap3A_1095] {strides = array<i32>} : memref<1024xi32, #tpu.memory_space<vmem>>, vector<16xi32>,
    %swap3A_1097 = vector.shape_cast %swap3A_1096 : vector<16xi32> to vector<16xi32>
    %swap3A_1098 = vector.shape_cast %add3A_1094 : vector<16xi32> to vector<16xi32>
    tpu.vector_store %arg13[%swap3A_1095], %swap3A_1098 {strides = array<i32>} : memref<1024xi32, #tpu.memory_space<vmem>>, vector<16xi32>,
    %add3A_1099 = arith.constant 39424000 : i32
    %add3A_1100 = vector.broadcast %add3A_1099 : i32 to vector<16xi32>
    %add3A_1101 = arith.addi %add3A_706, %add3A_1100 : vector<16xi32>
    %swap3A_1102 = arith.constant 896 : index
    %swap3A_1103 = tpu.vector_load %arg13[%swap3A_1102] {strides = array<i32>} : memref<1024xi32, #tpu.memory_space<vmem>>, vector<16xi32>,
    %swap3A_1104 = vector.shape_cast %swap3A_1103 : vector<16xi32> to vector<16xi32>
    %swap3A_1105 = vector.shape_cast %add3A_1101 : vector<16xi32> to vector<16xi32>
    tpu.vector_store %arg13[%swap3A_1102], %swap3A_1105 {strides = array<i32>} : memref<1024xi32, #tpu.memory_space<vmem>>, vector<16xi32>,
    %add3A_1106 = arith.constant 40128000 : i32
    %add3A_1107 = vector.broadcast %add3A_1106 : i32 to vector<16xi32>
    %add3A_1108 = arith.addi %add3A_706, %add3A_1107 : vector<16xi32>
    %swap3A_1109 = arith.constant 912 : index
    %swap3A_1110 = tpu.vector_load %arg13[%swap3A_1109] {strides = array<i32>} : memref<1024xi32, #tpu.memory_space<vmem>>, vector<16xi32>,
    %swap3A_1111 = vector.shape_cast %swap3A_1110 : vector<16xi32> to vector<16xi32>
    %swap3A_1112 = vector.shape_cast %add3A_1108 : vector<16xi32> to vector<16xi32>
    tpu.vector_store %arg13[%swap3A_1109], %swap3A_1112 {strides = array<i32>} : memref<1024xi32, #tpu.memory_space<vmem>>, vector<16xi32>,
    %add3A_1113 = arith.constant 40832000 : i32
    %add3A_1114 = vector.broadcast %add3A_1113 : i32 to vector<16xi32>
    %add3A_1115 = arith.addi %add3A_706, %add3A_1114 : vector<16xi32>
    %swap3A_1116 = arith.constant 928 : index
    %swap3A_1117 = tpu.vector_load %arg13[%swap3A_1116] {strides = array<i32>} : memref<1024xi32, #tpu.memory_space<vmem>>, vector<16xi32>,
    %swap3A_1118 = vector.shape_cast %swap3A_1117 : vector<16xi32> to vector<16xi32>
    %swap3A_1119 = vector.shape_cast %add3A_1115 : vector<16xi32> to vector<16xi32>
    tpu.vector_store %arg13[%swap3A_1116], %swap3A_1119 {strides = array<i32>} : memref<1024xi32, #tpu.memory_space<vmem>>, vector<16xi32>,
    %add3A_1120 = arith.constant 41536000 : i32
    %add3A_1121 = vector.broadcast %add3A_1120 : i32 to vector<16xi32>
    %add3A_1122 = arith.addi %add3A_706, %add3A_1121 : vector<16xi32>
    %swap3A_1123 = arith.constant 944 : index
    %swap3A_1124 = tpu.vector_load %arg13[%swap3A_1123] {strides = array<i32>} : memref<1024xi32, #tpu.memory_space<vmem>>, vector<16xi32>,
    %swap3A_1125 = vector.shape_cast %swap3A_1124 : vector<16xi32> to vector<16xi32>
    %swap3A_1126 = vector.shape_cast %add3A_1122 : vector<16xi32> to vector<16xi32>
    tpu.vector_store %arg13[%swap3A_1123], %swap3A_1126 {strides = array<i32>} : memref<1024xi32, #tpu.memory_space<vmem>>, vector<16xi32>,
    %add3A_1127 = arith.constant 42240000 : i32
    %add3A_1128 = vector.broadcast %add3A_1127 : i32 to vector<16xi32>
    %add3A_1129 = arith.addi %add3A_706, %add3A_1128 : vector<16xi32>
    %swap3A_1130 = arith.constant 960 : index
    %swap3A_1131 = tpu.vector_load %arg13[%swap3A_1130] {strides = array<i32>} : memref<1024xi32, #tpu.memory_space<vmem>>, vector<16xi32>,
    %swap3A_1132 = vector.shape_cast %swap3A_1131 : vector<16xi32> to vector<16xi32>
    %swap3A_1133 = vector.shape_cast %add3A_1129 : vector<16xi32> to vector<16xi32>
    tpu.vector_store %arg13[%swap3A_1130], %swap3A_1133 {strides = array<i32>} : memref<1024xi32, #tpu.memory_space<vmem>>, vector<16xi32>,
    %add3A_1134 = arith.constant 42944000 : i32
    %add3A_1135 = vector.broadcast %add3A_1134 : i32 to vector<16xi32>
    %add3A_1136 = arith.addi %add3A_706, %add3A_1135 : vector<16xi32>
    %swap3A_1137 = arith.constant 976 : index
    %swap3A_1138 = tpu.vector_load %arg13[%swap3A_1137] {strides = array<i32>} : memref<1024xi32, #tpu.memory_space<vmem>>, vector<16xi32>,
    %swap3A_1139 = vector.shape_cast %swap3A_1138 : vector<16xi32> to vector<16xi32>
    %swap3A_1140 = vector.shape_cast %add3A_1136 : vector<16xi32> to vector<16xi32>
    tpu.vector_store %arg13[%swap3A_1137], %swap3A_1140 {strides = array<i32>} : memref<1024xi32, #tpu.memory_space<vmem>>, vector<16xi32>,
    %add3A_1141 = arith.constant 43648000 : i32
    %add3A_1142 = vector.broadcast %add3A_1141 : i32 to vector<16xi32>
    %add3A_1143 = arith.addi %add3A_706, %add3A_1142 : vector<16xi32>
    %swap3A_1144 = arith.constant 992 : index
    %swap3A_1145 = tpu.vector_load %arg13[%swap3A_1144] {strides = array<i32>} : memref<1024xi32, #tpu.memory_space<vmem>>, vector<16xi32>,
    %swap3A_1146 = vector.shape_cast %swap3A_1145 : vector<16xi32> to vector<16xi32>
    %swap3A_1147 = vector.shape_cast %add3A_1143 : vector<16xi32> to vector<16xi32>
    tpu.vector_store %arg13[%swap3A_1144], %swap3A_1147 {strides = array<i32>} : memref<1024xi32, #tpu.memory_space<vmem>>, vector<16xi32>,
    %add3A_1148 = arith.constant 44352000 : i32
    %add3A_1149 = vector.broadcast %add3A_1148 : i32 to vector<16xi32>
    %add3A_1150 = arith.addi %add3A_706, %add3A_1149 : vector<16xi32>
    %swap3A_1151 = arith.constant 1008 : index
    %swap3A_1152 = tpu.vector_load %arg13[%swap3A_1151] {strides = array<i32>} : memref<1024xi32, #tpu.memory_space<vmem>>, vector<16xi32>,
    %swap3A_1153 = vector.shape_cast %swap3A_1152 : vector<16xi32> to vector<16xi32>
    %swap3A_1154 = vector.shape_cast %add3A_1150 : vector<16xi32> to vector<16xi32>
    tpu.vector_store %arg13[%swap3A_1151], %swap3A_1154 {strides = array<i32>} : memref<1024xi32, #tpu.memory_space<vmem>>, vector<16xi32>,
    %dma_start3A_1155 = arith.constant 0 : i32
    %dma_start3A_1156 = tpu.memref_slice %arg15[%dma_start3A_1155] : memref<1024xf32, #tpu.memory_space<vmem>> -> memref<128xf32, #tpu.memory_space<vmem>>
    %dma_start3A_1157 = arith.constant 0 : i32
    %dma_start3A_1158 = tpu.memref_slice %arg13[%dma_start3A_1157] : memref<1024xi32, #tpu.memory_space<vmem>> -> memref<128xi32, #tpu.memory_space<vmem>>
    %dma_start3A_1159 = arith.constant 0 : i32
    %dma_start3A_1160 = tpu.memref_slice %arg3[%dma_start3A_1159] : memref<45056000xf32, #tpu.memory_space<hbm>> -> memref<45056000xf32, #tpu.memory_space<hbm>>
    tpu.enqueue_indirect_dma source(%dma_start3A_1160 : memref<45056000xf32, #tpu.memory_space<hbm>>) target(%dma_start3A_1156 : memref<128xf32, #tpu.memory_space<vmem>>) offsets(%dma_start3A_1158 : memref<128xi32, #tpu.memory_space<vmem>>) semaphore(%arg17 : memref<!tpu.dma_semaphore, #tpu.memory_space<semaphore_mem>>)
    %dma_start3A_1161 = arith.constant 128 : i32
    %dma_start3A_1162 = tpu.memref_slice %arg15[%dma_start3A_1161] : memref<1024xf32, #tpu.memory_space<vmem>> -> memref<128xf32, #tpu.memory_space<vmem>>
    %dma_start3A_1163 = arith.constant 128 : i32
    %dma_start3A_1164 = tpu.memref_slice %arg13[%dma_start3A_1163] : memref<1024xi32, #tpu.memory_space<vmem>> -> memref<128xi32, #tpu.memory_space<vmem>>
    %dma_start3A_1165 = arith.constant 0 : i32
    %dma_start3A_1166 = tpu.memref_slice %arg3[%dma_start3A_1165] : memref<45056000xf32, #tpu.memory_space<hbm>> -> memref<45056000xf32, #tpu.memory_space<hbm>>
    tpu.enqueue_indirect_dma source(%dma_start3A_1166 : memref<45056000xf32, #tpu.memory_space<hbm>>) target(%dma_start3A_1162 : memref<128xf32, #tpu.memory_space<vmem>>) offsets(%dma_start3A_1164 : memref<128xi32, #tpu.memory_space<vmem>>) semaphore(%arg17 : memref<!tpu.dma_semaphore, #tpu.memory_space<semaphore_mem>>)
    %dma_start3A_1167 = arith.constant 256 : i32
    %dma_start3A_1168 = tpu.memref_slice %arg15[%dma_start3A_1167] : memref<1024xf32, #tpu.memory_space<vmem>> -> memref<128xf32, #tpu.memory_space<vmem>>
    %dma_start3A_1169 = arith.constant 256 : i32
    %dma_start3A_1170 = tpu.memref_slice %arg13[%dma_start3A_1169] : memref<1024xi32, #tpu.memory_space<vmem>> -> memref<128xi32, #tpu.memory_space<vmem>>
    %dma_start3A_1171 = arith.constant 0 : i32
    %dma_start3A_1172 = tpu.memref_slice %arg3[%dma_start3A_1171] : memref<45056000xf32, #tpu.memory_space<hbm>> -> memref<45056000xf32, #tpu.memory_space<hbm>>
    tpu.enqueue_indirect_dma source(%dma_start3A_1172 : memref<45056000xf32, #tpu.memory_space<hbm>>) target(%dma_start3A_1168 : memref<128xf32, #tpu.memory_space<vmem>>) offsets(%dma_start3A_1170 : memref<128xi32, #tpu.memory_space<vmem>>) semaphore(%arg17 : memref<!tpu.dma_semaphore, #tpu.memory_space<semaphore_mem>>)
    %dma_start3A_1173 = arith.constant 384 : i32
    %dma_start3A_1174 = tpu.memref_slice %arg15[%dma_start3A_1173] : memref<1024xf32, #tpu.memory_space<vmem>> -> memref<128xf32, #tpu.memory_space<vmem>>
    %dma_start3A_1175 = arith.constant 384 : i32
    %dma_start3A_1176 = tpu.memref_slice %arg13[%dma_start3A_1175] : memref<1024xi32, #tpu.memory_space<vmem>> -> memref<128xi32, #tpu.memory_space<vmem>>
    %dma_start3A_1177 = arith.constant 0 : i32
    %dma_start3A_1178 = tpu.memref_slice %arg3[%dma_start3A_1177] : memref<45056000xf32, #tpu.memory_space<hbm>> -> memref<45056000xf32, #tpu.memory_space<hbm>>
    tpu.enqueue_indirect_dma source(%dma_start3A_1178 : memref<45056000xf32, #tpu.memory_space<hbm>>) target(%dma_start3A_1174 : memref<128xf32, #tpu.memory_space<vmem>>) offsets(%dma_start3A_1176 : memref<128xi32, #tpu.memory_space<vmem>>) semaphore(%arg17 : memref<!tpu.dma_semaphore, #tpu.memory_space<semaphore_mem>>)
    %dma_start3A_1179 = arith.constant 512 : i32
    %dma_start3A_1180 = tpu.memref_slice %arg15[%dma_start3A_1179] : memref<1024xf32, #tpu.memory_space<vmem>> -> memref<128xf32, #tpu.memory_space<vmem>>
    %dma_start3A_1181 = arith.constant 512 : i32
    %dma_start3A_1182 = tpu.memref_slice %arg13[%dma_start3A_1181] : memref<1024xi32, #tpu.memory_space<vmem>> -> memref<128xi32, #tpu.memory_space<vmem>>
    %dma_start3A_1183 = arith.constant 0 : i32
    %dma_start3A_1184 = tpu.memref_slice %arg3[%dma_start3A_1183] : memref<45056000xf32, #tpu.memory_space<hbm>> -> memref<45056000xf32, #tpu.memory_space<hbm>>
    tpu.enqueue_indirect_dma source(%dma_start3A_1184 : memref<45056000xf32, #tpu.memory_space<hbm>>) target(%dma_start3A_1180 : memref<128xf32, #tpu.memory_space<vmem>>) offsets(%dma_start3A_1182 : memref<128xi32, #tpu.memory_space<vmem>>) semaphore(%arg17 : memref<!tpu.dma_semaphore, #tpu.memory_space<semaphore_mem>>)
    %dma_start3A_1185 = arith.constant 640 : i32
    %dma_start3A_1186 = tpu.memref_slice %arg15[%dma_start3A_1185] : memref<1024xf32, #tpu.memory_space<vmem>> -> memref<128xf32, #tpu.memory_space<vmem>>
    %dma_start3A_1187 = arith.constant 640 : i32
    %dma_start3A_1188 = tpu.memref_slice %arg13[%dma_start3A_1187] : memref<1024xi32, #tpu.memory_space<vmem>> -> memref<128xi32, #tpu.memory_space<vmem>>
    %dma_start3A_1189 = arith.constant 0 : i32
    %dma_start3A_1190 = tpu.memref_slice %arg3[%dma_start3A_1189] : memref<45056000xf32, #tpu.memory_space<hbm>> -> memref<45056000xf32, #tpu.memory_space<hbm>>
    tpu.enqueue_indirect_dma source(%dma_start3A_1190 : memref<45056000xf32, #tpu.memory_space<hbm>>) target(%dma_start3A_1186 : memref<128xf32, #tpu.memory_space<vmem>>) offsets(%dma_start3A_1188 : memref<128xi32, #tpu.memory_space<vmem>>) semaphore(%arg17 : memref<!tpu.dma_semaphore, #tpu.memory_space<semaphore_mem>>)
    %dma_start3A_1191 = arith.constant 768 : i32
    %dma_start3A_1192 = tpu.memref_slice %arg15[%dma_start3A_1191] : memref<1024xf32, #tpu.memory_space<vmem>> -> memref<128xf32, #tpu.memory_space<vmem>>
    %dma_start3A_1193 = arith.constant 768 : i32
    %dma_start3A_1194 = tpu.memref_slice %arg13[%dma_start3A_1193] : memref<1024xi32, #tpu.memory_space<vmem>> -> memref<128xi32, #tpu.memory_space<vmem>>
    %dma_start3A_1195 = arith.constant 0 : i32
    %dma_start3A_1196 = tpu.memref_slice %arg3[%dma_start3A_1195] : memref<45056000xf32, #tpu.memory_space<hbm>> -> memref<45056000xf32, #tpu.memory_space<hbm>>
    tpu.enqueue_indirect_dma source(%dma_start3A_1196 : memref<45056000xf32, #tpu.memory_space<hbm>>) target(%dma_start3A_1192 : memref<128xf32, #tpu.memory_space<vmem>>) offsets(%dma_start3A_1194 : memref<128xi32, #tpu.memory_space<vmem>>) semaphore(%arg17 : memref<!tpu.dma_semaphore, #tpu.memory_space<semaphore_mem>>)
    %dma_start3A_1197 = arith.constant 896 : i32
    %dma_start3A_1198 = tpu.memref_slice %arg15[%dma_start3A_1197] : memref<1024xf32, #tpu.memory_space<vmem>> -> memref<128xf32, #tpu.memory_space<vmem>>
    %dma_start3A_1199 = arith.constant 896 : i32
    %dma_start3A_1200 = tpu.memref_slice %arg13[%dma_start3A_1199] : memref<1024xi32, #tpu.memory_space<vmem>> -> memref<128xi32, #tpu.memory_space<vmem>>
    %dma_start3A_1201 = arith.constant 0 : i32
    %dma_start3A_1202 = tpu.memref_slice %arg3[%dma_start3A_1201] : memref<45056000xf32, #tpu.memory_space<hbm>> -> memref<45056000xf32, #tpu.memory_space<hbm>>
    tpu.enqueue_indirect_dma source(%dma_start3A_1202 : memref<45056000xf32, #tpu.memory_space<hbm>>) target(%dma_start3A_1198 : memref<128xf32, #tpu.memory_space<vmem>>) offsets(%dma_start3A_1200 : memref<128xi32, #tpu.memory_space<vmem>>) semaphore(%arg17 : memref<!tpu.dma_semaphore, #tpu.memory_space<semaphore_mem>>)
    %dma_wait3A_1203 = arith.constant 0 : i32
    %dma_wait3A_1204 = tpu.memref_slice %arg15[%dma_wait3A_1203] : memref<1024xf32, #tpu.memory_space<vmem>> -> memref<128xf32, #tpu.memory_space<vmem>>
    %dma_wait3A_1205 = arith.constant 0 : i32
    %dma_wait3A_1206 = tpu.memref_slice %arg13[%dma_wait3A_1205] : memref<1024xi32, #tpu.memory_space<vmem>> -> memref<128xi32, #tpu.memory_space<vmem>>
    %dma_wait3A_1207 = arith.constant 0 : i32
    %dma_wait3A_1208 = tpu.memref_slice %arg3[%dma_wait3A_1207] : memref<45056000xf32, #tpu.memory_space<hbm>> -> memref<45056000xf32, #tpu.memory_space<hbm>>
    tpu.wait_indirect_dma semaphore(%arg17 : memref<!tpu.dma_semaphore, #tpu.memory_space<semaphore_mem>>) src(%dma_wait3A_1208 : memref<45056000xf32, #tpu.memory_space<hbm>>) dst(%dma_wait3A_1204 : memref<128xf32, #tpu.memory_space<vmem>>)
    %dma_wait3A_1209 = arith.constant 128 : i32
    %dma_wait3A_1210 = tpu.memref_slice %arg15[%dma_wait3A_1209] : memref<1024xf32, #tpu.memory_space<vmem>> -> memref<128xf32, #tpu.memory_space<vmem>>
    %dma_wait3A_1211 = arith.constant 128 : i32
    %dma_wait3A_1212 = tpu.memref_slice %arg13[%dma_wait3A_1211] : memref<1024xi32, #tpu.memory_space<vmem>> -> memref<128xi32, #tpu.memory_space<vmem>>
    %dma_wait3A_1213 = arith.constant 0 : i32
    %dma_wait3A_1214 = tpu.memref_slice %arg3[%dma_wait3A_1213] : memref<45056000xf32, #tpu.memory_space<hbm>> -> memref<45056000xf32, #tpu.memory_space<hbm>>
    tpu.wait_indirect_dma semaphore(%arg17 : memref<!tpu.dma_semaphore, #tpu.memory_space<semaphore_mem>>) src(%dma_wait3A_1214 : memref<45056000xf32, #tpu.memory_space<hbm>>) dst(%dma_wait3A_1210 : memref<128xf32, #tpu.memory_space<vmem>>)
    %dma_wait3A_1215 = arith.constant 256 : i32
    %dma_wait3A_1216 = tpu.memref_slice %arg15[%dma_wait3A_1215] : memref<1024xf32, #tpu.memory_space<vmem>> -> memref<128xf32, #tpu.memory_space<vmem>>
    %dma_wait3A_1217 = arith.constant 256 : i32
    %dma_wait3A_1218 = tpu.memref_slice %arg13[%dma_wait3A_1217] : memref<1024xi32, #tpu.memory_space<vmem>> -> memref<128xi32, #tpu.memory_space<vmem>>
    %dma_wait3A_1219 = arith.constant 0 : i32
    %dma_wait3A_1220 = tpu.memref_slice %arg3[%dma_wait3A_1219] : memref<45056000xf32, #tpu.memory_space<hbm>> -> memref<45056000xf32, #tpu.memory_space<hbm>>
    tpu.wait_indirect_dma semaphore(%arg17 : memref<!tpu.dma_semaphore, #tpu.memory_space<semaphore_mem>>) src(%dma_wait3A_1220 : memref<45056000xf32, #tpu.memory_space<hbm>>) dst(%dma_wait3A_1216 : memref<128xf32, #tpu.memory_space<vmem>>)
    %dma_wait3A_1221 = arith.constant 384 : i32
    %dma_wait3A_1222 = tpu.memref_slice %arg15[%dma_wait3A_1221] : memref<1024xf32, #tpu.memory_space<vmem>> -> memref<128xf32, #tpu.memory_space<vmem>>
    %dma_wait3A_1223 = arith.constant 384 : i32
    %dma_wait3A_1224 = tpu.memref_slice %arg13[%dma_wait3A_1223] : memref<1024xi32, #tpu.memory_space<vmem>> -> memref<128xi32, #tpu.memory_space<vmem>>
    %dma_wait3A_1225 = arith.constant 0 : i32
    %dma_wait3A_1226 = tpu.memref_slice %arg3[%dma_wait3A_1225] : memref<45056000xf32, #tpu.memory_space<hbm>> -> memref<45056000xf32, #tpu.memory_space<hbm>>
    tpu.wait_indirect_dma semaphore(%arg17 : memref<!tpu.dma_semaphore, #tpu.memory_space<semaphore_mem>>) src(%dma_wait3A_1226 : memref<45056000xf32, #tpu.memory_space<hbm>>) dst(%dma_wait3A_1222 : memref<128xf32, #tpu.memory_space<vmem>>)
    %dma_wait3A_1227 = arith.constant 512 : i32
    %dma_wait3A_1228 = tpu.memref_slice %arg15[%dma_wait3A_1227] : memref<1024xf32, #tpu.memory_space<vmem>> -> memref<128xf32, #tpu.memory_space<vmem>>
    %dma_wait3A_1229 = arith.constant 512 : i32
    %dma_wait3A_1230 = tpu.memref_slice %arg13[%dma_wait3A_1229] : memref<1024xi32, #tpu.memory_space<vmem>> -> memref<128xi32, #tpu.memory_space<vmem>>
    %dma_wait3A_1231 = arith.constant 0 : i32
    %dma_wait3A_1232 = tpu.memref_slice %arg3[%dma_wait3A_1231] : memref<45056000xf32, #tpu.memory_space<hbm>> -> memref<45056000xf32, #tpu.memory_space<hbm>>
    tpu.wait_indirect_dma semaphore(%arg17 : memref<!tpu.dma_semaphore, #tpu.memory_space<semaphore_mem>>) src(%dma_wait3A_1232 : memref<45056000xf32, #tpu.memory_space<hbm>>) dst(%dma_wait3A_1228 : memref<128xf32, #tpu.memory_space<vmem>>)
    %dma_wait3A_1233 = arith.constant 640 : i32
    %dma_wait3A_1234 = tpu.memref_slice %arg15[%dma_wait3A_1233] : memref<1024xf32, #tpu.memory_space<vmem>> -> memref<128xf32, #tpu.memory_space<vmem>>
    %dma_wait3A_1235 = arith.constant 640 : i32
    %dma_wait3A_1236 = tpu.memref_slice %arg13[%dma_wait3A_1235] : memref<1024xi32, #tpu.memory_space<vmem>> -> memref<128xi32, #tpu.memory_space<vmem>>
    %dma_wait3A_1237 = arith.constant 0 : i32
    %dma_wait3A_1238 = tpu.memref_slice %arg3[%dma_wait3A_1237] : memref<45056000xf32, #tpu.memory_space<hbm>> -> memref<45056000xf32, #tpu.memory_space<hbm>>
    tpu.wait_indirect_dma semaphore(%arg17 : memref<!tpu.dma_semaphore, #tpu.memory_space<semaphore_mem>>) src(%dma_wait3A_1238 : memref<45056000xf32, #tpu.memory_space<hbm>>) dst(%dma_wait3A_1234 : memref<128xf32, #tpu.memory_space<vmem>>)
    %dma_wait3A_1239 = arith.constant 768 : i32
    %dma_wait3A_1240 = tpu.memref_slice %arg15[%dma_wait3A_1239] : memref<1024xf32, #tpu.memory_space<vmem>> -> memref<128xf32, #tpu.memory_space<vmem>>
    %dma_wait3A_1241 = arith.constant 768 : i32
    %dma_wait3A_1242 = tpu.memref_slice %arg13[%dma_wait3A_1241] : memref<1024xi32, #tpu.memory_space<vmem>> -> memref<128xi32, #tpu.memory_space<vmem>>
    %dma_wait3A_1243 = arith.constant 0 : i32
    %dma_wait3A_1244 = tpu.memref_slice %arg3[%dma_wait3A_1243] : memref<45056000xf32, #tpu.memory_space<hbm>> -> memref<45056000xf32, #tpu.memory_space<hbm>>
    tpu.wait_indirect_dma semaphore(%arg17 : memref<!tpu.dma_semaphore, #tpu.memory_space<semaphore_mem>>) src(%dma_wait3A_1244 : memref<45056000xf32, #tpu.memory_space<hbm>>) dst(%dma_wait3A_1240 : memref<128xf32, #tpu.memory_space<vmem>>)
    %dma_wait3A_1245 = arith.constant 896 : i32
    %dma_wait3A_1246 = tpu.memref_slice %arg15[%dma_wait3A_1245] : memref<1024xf32, #tpu.memory_space<vmem>> -> memref<128xf32, #tpu.memory_space<vmem>>
    %dma_wait3A_1247 = arith.constant 896 : i32
    %dma_wait3A_1248 = tpu.memref_slice %arg13[%dma_wait3A_1247] : memref<1024xi32, #tpu.memory_space<vmem>> -> memref<128xi32, #tpu.memory_space<vmem>>
    %dma_wait3A_1249 = arith.constant 0 : i32
    %dma_wait3A_1250 = tpu.memref_slice %arg3[%dma_wait3A_1249] : memref<45056000xf32, #tpu.memory_space<hbm>> -> memref<45056000xf32, #tpu.memory_space<hbm>>
    tpu.wait_indirect_dma semaphore(%arg17 : memref<!tpu.dma_semaphore, #tpu.memory_space<semaphore_mem>>) src(%dma_wait3A_1250 : memref<45056000xf32, #tpu.memory_space<hbm>>) dst(%dma_wait3A_1246 : memref<128xf32, #tpu.memory_space<vmem>>)
    %broadcast_in_dim3A = arith.constant 0.000000e+00 : f32
    %broadcast_in_dim3A_1251 = vector.broadcast %broadcast_in_dim3A : f32 to vector<16xf32>
    %get3A_1252 = arith.constant 0 : index
    %get3A_1253 = tpu.vector_load %arg14[%get3A_1252] {strides = array<i32>} : memref<1024xf32, #tpu.memory_space<vmem>>, vector<16xf32>,
    %get3A_1254 = vector.shape_cast %get3A_1253 : vector<16xf32> to vector<16xf32>
    %get3A_1255 = arith.constant 0 : index
    %get3A_1256 = tpu.vector_load %arg15[%get3A_1255] {strides = array<i32>} : memref<1024xf32, #tpu.memory_space<vmem>>, vector<16xf32>,
    %get3A_1257 = vector.shape_cast %get3A_1256 : vector<16xf32> to vector<16xf32>
    %sub3A = arith.subf %get3A_1254, %get3A_1257 : vector<16xf32>
    %mul3A_1258 = arith.mulf %sub3A, %sub3A : vector<16xf32>
    %add3A_1259 = arith.addf %broadcast_in_dim3A_1251, %mul3A_1258 : vector<16xf32>
    %get3A_1260 = arith.constant 16 : index
    %get3A_1261 = tpu.vector_load %arg14[%get3A_1260] {strides = array<i32>} : memref<1024xf32, #tpu.memory_space<vmem>>, vector<16xf32>,
    %get3A_1262 = vector.shape_cast %get3A_1261 : vector<16xf32> to vector<16xf32>
    %get3A_1263 = arith.constant 16 : index
    %get3A_1264 = tpu.vector_load %arg15[%get3A_1263] {strides = array<i32>} : memref<1024xf32, #tpu.memory_space<vmem>>, vector<16xf32>,
    %get3A_1265 = vector.shape_cast %get3A_1264 : vector<16xf32> to vector<16xf32>
    %sub3A_1266 = arith.subf %get3A_1262, %get3A_1265 : vector<16xf32>
    %mul3A_1267 = arith.mulf %sub3A_1266, %sub3A_1266 : vector<16xf32>
    %add3A_1268 = arith.addf %add3A_1259, %mul3A_1267 : vector<16xf32>
    %get3A_1269 = arith.constant 32 : index
    %get3A_1270 = tpu.vector_load %arg14[%get3A_1269] {strides = array<i32>} : memref<1024xf32, #tpu.memory_space<vmem>>, vector<16xf32>,
    %get3A_1271 = vector.shape_cast %get3A_1270 : vector<16xf32> to vector<16xf32>
    %get3A_1272 = arith.constant 32 : index
    %get3A_1273 = tpu.vector_load %arg15[%get3A_1272] {strides = array<i32>} : memref<1024xf32, #tpu.memory_space<vmem>>, vector<16xf32>,
    %get3A_1274 = vector.shape_cast %get3A_1273 : vector<16xf32> to vector<16xf32>
    %sub3A_1275 = arith.subf %get3A_1271, %get3A_1274 : vector<16xf32>
    %mul3A_1276 = arith.mulf %sub3A_1275, %sub3A_1275 : vector<16xf32>
    %add3A_1277 = arith.addf %add3A_1268, %mul3A_1276 : vector<16xf32>
    %get3A_1278 = arith.constant 48 : index
    %get3A_1279 = tpu.vector_load %arg14[%get3A_1278] {strides = array<i32>} : memref<1024xf32, #tpu.memory_space<vmem>>, vector<16xf32>,
    %get3A_1280 = vector.shape_cast %get3A_1279 : vector<16xf32> to vector<16xf32>
    %get3A_1281 = arith.constant 48 : index
    %get3A_1282 = tpu.vector_load %arg15[%get3A_1281] {strides = array<i32>} : memref<1024xf32, #tpu.memory_space<vmem>>, vector<16xf32>,
    %get3A_1283 = vector.shape_cast %get3A_1282 : vector<16xf32> to vector<16xf32>
    %sub3A_1284 = arith.subf %get3A_1280, %get3A_1283 : vector<16xf32>
    %mul3A_1285 = arith.mulf %sub3A_1284, %sub3A_1284 : vector<16xf32>
    %add3A_1286 = arith.addf %add3A_1277, %mul3A_1285 : vector<16xf32>
    %get3A_1287 = arith.constant 64 : index
    %get3A_1288 = tpu.vector_load %arg14[%get3A_1287] {strides = array<i32>} : memref<1024xf32, #tpu.memory_space<vmem>>, vector<16xf32>,
    %get3A_1289 = vector.shape_cast %get3A_1288 : vector<16xf32> to vector<16xf32>
    %get3A_1290 = arith.constant 64 : index
    %get3A_1291 = tpu.vector_load %arg15[%get3A_1290] {strides = array<i32>} : memref<1024xf32, #tpu.memory_space<vmem>>, vector<16xf32>,
    %get3A_1292 = vector.shape_cast %get3A_1291 : vector<16xf32> to vector<16xf32>
    %sub3A_1293 = arith.subf %get3A_1289, %get3A_1292 : vector<16xf32>
    %mul3A_1294 = arith.mulf %sub3A_1293, %sub3A_1293 : vector<16xf32>
    %add3A_1295 = arith.addf %add3A_1286, %mul3A_1294 : vector<16xf32>
    %get3A_1296 = arith.constant 80 : index
    %get3A_1297 = tpu.vector_load %arg14[%get3A_1296] {strides = array<i32>} : memref<1024xf32, #tpu.memory_space<vmem>>, vector<16xf32>,
    %get3A_1298 = vector.shape_cast %get3A_1297 : vector<16xf32> to vector<16xf32>
    %get3A_1299 = arith.constant 80 : index
    %get3A_1300 = tpu.vector_load %arg15[%get3A_1299] {strides = array<i32>} : memref<1024xf32, #tpu.memory_space<vmem>>, vector<16xf32>,
    %get3A_1301 = vector.shape_cast %get3A_1300 : vector<16xf32> to vector<16xf32>
    %sub3A_1302 = arith.subf %get3A_1298, %get3A_1301 : vector<16xf32>
    %mul3A_1303 = arith.mulf %sub3A_1302, %sub3A_1302 : vector<16xf32>
    %add3A_1304 = arith.addf %add3A_1295, %mul3A_1303 : vector<16xf32>
    %get3A_1305 = arith.constant 96 : index
    %get3A_1306 = tpu.vector_load %arg14[%get3A_1305] {strides = array<i32>} : memref<1024xf32, #tpu.memory_space<vmem>>, vector<16xf32>,
    %get3A_1307 = vector.shape_cast %get3A_1306 : vector<16xf32> to vector<16xf32>
    %get3A_1308 = arith.constant 96 : index
    %get3A_1309 = tpu.vector_load %arg15[%get3A_1308] {strides = array<i32>} : memref<1024xf32, #tpu.memory_space<vmem>>, vector<16xf32>,
    %get3A_1310 = vector.shape_cast %get3A_1309 : vector<16xf32> to vector<16xf32>
    %sub3A_1311 = arith.subf %get3A_1307, %get3A_1310 : vector<16xf32>
    %mul3A_1312 = arith.mulf %sub3A_1311, %sub3A_1311 : vector<16xf32>
    %add3A_1313 = arith.addf %add3A_1304, %mul3A_1312 : vector<16xf32>
    %get3A_1314 = arith.constant 112 : index
    %get3A_1315 = tpu.vector_load %arg14[%get3A_1314] {strides = array<i32>} : memref<1024xf32, #tpu.memory_space<vmem>>, vector<16xf32>,
    %get3A_1316 = vector.shape_cast %get3A_1315 : vector<16xf32> to vector<16xf32>
    %get3A_1317 = arith.constant 112 : index
    %get3A_1318 = tpu.vector_load %arg15[%get3A_1317] {strides = array<i32>} : memref<1024xf32, #tpu.memory_space<vmem>>, vector<16xf32>,
    %get3A_1319 = vector.shape_cast %get3A_1318 : vector<16xf32> to vector<16xf32>
    %sub3A_1320 = arith.subf %get3A_1316, %get3A_1319 : vector<16xf32>
    %mul3A_1321 = arith.mulf %sub3A_1320, %sub3A_1320 : vector<16xf32>
    %add3A_1322 = arith.addf %add3A_1313, %mul3A_1321 : vector<16xf32>
    %get3A_1323 = arith.constant 128 : index
    %get3A_1324 = tpu.vector_load %arg14[%get3A_1323] {strides = array<i32>} : memref<1024xf32, #tpu.memory_space<vmem>>, vector<16xf32>,
    %get3A_1325 = vector.shape_cast %get3A_1324 : vector<16xf32> to vector<16xf32>
    %get3A_1326 = arith.constant 128 : index
    %get3A_1327 = tpu.vector_load %arg15[%get3A_1326] {strides = array<i32>} : memref<1024xf32, #tpu.memory_space<vmem>>, vector<16xf32>,
    %get3A_1328 = vector.shape_cast %get3A_1327 : vector<16xf32> to vector<16xf32>
    %sub3A_1329 = arith.subf %get3A_1325, %get3A_1328 : vector<16xf32>
    %mul3A_1330 = arith.mulf %sub3A_1329, %sub3A_1329 : vector<16xf32>
    %add3A_1331 = arith.addf %add3A_1322, %mul3A_1330 : vector<16xf32>
    %get3A_1332 = arith.constant 144 : index
    %get3A_1333 = tpu.vector_load %arg14[%get3A_1332] {strides = array<i32>} : memref<1024xf32, #tpu.memory_space<vmem>>, vector<16xf32>,
    %get3A_1334 = vector.shape_cast %get3A_1333 : vector<16xf32> to vector<16xf32>
    %get3A_1335 = arith.constant 144 : index
    %get3A_1336 = tpu.vector_load %arg15[%get3A_1335] {strides = array<i32>} : memref<1024xf32, #tpu.memory_space<vmem>>, vector<16xf32>,
    %get3A_1337 = vector.shape_cast %get3A_1336 : vector<16xf32> to vector<16xf32>
    %sub3A_1338 = arith.subf %get3A_1334, %get3A_1337 : vector<16xf32>
    %mul3A_1339 = arith.mulf %sub3A_1338, %sub3A_1338 : vector<16xf32>
    %add3A_1340 = arith.addf %add3A_1331, %mul3A_1339 : vector<16xf32>
    %get3A_1341 = arith.constant 160 : index
    %get3A_1342 = tpu.vector_load %arg14[%get3A_1341] {strides = array<i32>} : memref<1024xf32, #tpu.memory_space<vmem>>, vector<16xf32>,
    %get3A_1343 = vector.shape_cast %get3A_1342 : vector<16xf32> to vector<16xf32>
    %get3A_1344 = arith.constant 160 : index
    %get3A_1345 = tpu.vector_load %arg15[%get3A_1344] {strides = array<i32>} : memref<1024xf32, #tpu.memory_space<vmem>>, vector<16xf32>,
    %get3A_1346 = vector.shape_cast %get3A_1345 : vector<16xf32> to vector<16xf32>
    %sub3A_1347 = arith.subf %get3A_1343, %get3A_1346 : vector<16xf32>
    %mul3A_1348 = arith.mulf %sub3A_1347, %sub3A_1347 : vector<16xf32>
    %add3A_1349 = arith.addf %add3A_1340, %mul3A_1348 : vector<16xf32>
    %get3A_1350 = arith.constant 176 : index
    %get3A_1351 = tpu.vector_load %arg14[%get3A_1350] {strides = array<i32>} : memref<1024xf32, #tpu.memory_space<vmem>>, vector<16xf32>,
    %get3A_1352 = vector.shape_cast %get3A_1351 : vector<16xf32> to vector<16xf32>
    %get3A_1353 = arith.constant 176 : index
    %get3A_1354 = tpu.vector_load %arg15[%get3A_1353] {strides = array<i32>} : memref<1024xf32, #tpu.memory_space<vmem>>, vector<16xf32>,
    %get3A_1355 = vector.shape_cast %get3A_1354 : vector<16xf32> to vector<16xf32>
    %sub3A_1356 = arith.subf %get3A_1352, %get3A_1355 : vector<16xf32>
    %mul3A_1357 = arith.mulf %sub3A_1356, %sub3A_1356 : vector<16xf32>
    %add3A_1358 = arith.addf %add3A_1349, %mul3A_1357 : vector<16xf32>
    %get3A_1359 = arith.constant 192 : index
    %get3A_1360 = tpu.vector_load %arg14[%get3A_1359] {strides = array<i32>} : memref<1024xf32, #tpu.memory_space<vmem>>, vector<16xf32>,
    %get3A_1361 = vector.shape_cast %get3A_1360 : vector<16xf32> to vector<16xf32>
    %get3A_1362 = arith.constant 192 : index
    %get3A_1363 = tpu.vector_load %arg15[%get3A_1362] {strides = array<i32>} : memref<1024xf32, #tpu.memory_space<vmem>>, vector<16xf32>,
    %get3A_1364 = vector.shape_cast %get3A_1363 : vector<16xf32> to vector<16xf32>
    %sub3A_1365 = arith.subf %get3A_1361, %get3A_1364 : vector<16xf32>
    %mul3A_1366 = arith.mulf %sub3A_1365, %sub3A_1365 : vector<16xf32>
    %add3A_1367 = arith.addf %add3A_1358, %mul3A_1366 : vector<16xf32>
    %get3A_1368 = arith.constant 208 : index
    %get3A_1369 = tpu.vector_load %arg14[%get3A_1368] {strides = array<i32>} : memref<1024xf32, #tpu.memory_space<vmem>>, vector<16xf32>,
    %get3A_1370 = vector.shape_cast %get3A_1369 : vector<16xf32> to vector<16xf32>
    %get3A_1371 = arith.constant 208 : index
    %get3A_1372 = tpu.vector_load %arg15[%get3A_1371] {strides = array<i32>} : memref<1024xf32, #tpu.memory_space<vmem>>, vector<16xf32>,
    %get3A_1373 = vector.shape_cast %get3A_1372 : vector<16xf32> to vector<16xf32>
    %sub3A_1374 = arith.subf %get3A_1370, %get3A_1373 : vector<16xf32>
    %mul3A_1375 = arith.mulf %sub3A_1374, %sub3A_1374 : vector<16xf32>
    %add3A_1376 = arith.addf %add3A_1367, %mul3A_1375 : vector<16xf32>
    %get3A_1377 = arith.constant 224 : index
    %get3A_1378 = tpu.vector_load %arg14[%get3A_1377] {strides = array<i32>} : memref<1024xf32, #tpu.memory_space<vmem>>, vector<16xf32>,
    %get3A_1379 = vector.shape_cast %get3A_1378 : vector<16xf32> to vector<16xf32>
    %get3A_1380 = arith.constant 224 : index
    %get3A_1381 = tpu.vector_load %arg15[%get3A_1380] {strides = array<i32>} : memref<1024xf32, #tpu.memory_space<vmem>>, vector<16xf32>,
    %get3A_1382 = vector.shape_cast %get3A_1381 : vector<16xf32> to vector<16xf32>
    %sub3A_1383 = arith.subf %get3A_1379, %get3A_1382 : vector<16xf32>
    %mul3A_1384 = arith.mulf %sub3A_1383, %sub3A_1383 : vector<16xf32>
    %add3A_1385 = arith.addf %add3A_1376, %mul3A_1384 : vector<16xf32>
    %get3A_1386 = arith.constant 240 : index
    %get3A_1387 = tpu.vector_load %arg14[%get3A_1386] {strides = array<i32>} : memref<1024xf32, #tpu.memory_space<vmem>>, vector<16xf32>,
    %get3A_1388 = vector.shape_cast %get3A_1387 : vector<16xf32> to vector<16xf32>
    %get3A_1389 = arith.constant 240 : index
    %get3A_1390 = tpu.vector_load %arg15[%get3A_1389] {strides = array<i32>} : memref<1024xf32, #tpu.memory_space<vmem>>, vector<16xf32>,
    %get3A_1391 = vector.shape_cast %get3A_1390 : vector<16xf32> to vector<16xf32>
    %sub3A_1392 = arith.subf %get3A_1388, %get3A_1391 : vector<16xf32>
    %mul3A_1393 = arith.mulf %sub3A_1392, %sub3A_1392 : vector<16xf32>
    %add3A_1394 = arith.addf %add3A_1385, %mul3A_1393 : vector<16xf32>
    %get3A_1395 = arith.constant 256 : index
    %get3A_1396 = tpu.vector_load %arg14[%get3A_1395] {strides = array<i32>} : memref<1024xf32, #tpu.memory_space<vmem>>, vector<16xf32>,
    %get3A_1397 = vector.shape_cast %get3A_1396 : vector<16xf32> to vector<16xf32>
    %get3A_1398 = arith.constant 256 : index
    %get3A_1399 = tpu.vector_load %arg15[%get3A_1398] {strides = array<i32>} : memref<1024xf32, #tpu.memory_space<vmem>>, vector<16xf32>,
    %get3A_1400 = vector.shape_cast %get3A_1399 : vector<16xf32> to vector<16xf32>
    %sub3A_1401 = arith.subf %get3A_1397, %get3A_1400 : vector<16xf32>
    %mul3A_1402 = arith.mulf %sub3A_1401, %sub3A_1401 : vector<16xf32>
    %add3A_1403 = arith.addf %add3A_1394, %mul3A_1402 : vector<16xf32>
    %get3A_1404 = arith.constant 272 : index
    %get3A_1405 = tpu.vector_load %arg14[%get3A_1404] {strides = array<i32>} : memref<1024xf32, #tpu.memory_space<vmem>>, vector<16xf32>,
    %get3A_1406 = vector.shape_cast %get3A_1405 : vector<16xf32> to vector<16xf32>
    %get3A_1407 = arith.constant 272 : index
    %get3A_1408 = tpu.vector_load %arg15[%get3A_1407] {strides = array<i32>} : memref<1024xf32, #tpu.memory_space<vmem>>, vector<16xf32>,
    %get3A_1409 = vector.shape_cast %get3A_1408 : vector<16xf32> to vector<16xf32>
    %sub3A_1410 = arith.subf %get3A_1406, %get3A_1409 : vector<16xf32>
    %mul3A_1411 = arith.mulf %sub3A_1410, %sub3A_1410 : vector<16xf32>
    %add3A_1412 = arith.addf %add3A_1403, %mul3A_1411 : vector<16xf32>
    %get3A_1413 = arith.constant 288 : index
    %get3A_1414 = tpu.vector_load %arg14[%get3A_1413] {strides = array<i32>} : memref<1024xf32, #tpu.memory_space<vmem>>, vector<16xf32>,
    %get3A_1415 = vector.shape_cast %get3A_1414 : vector<16xf32> to vector<16xf32>
    %get3A_1416 = arith.constant 288 : index
    %get3A_1417 = tpu.vector_load %arg15[%get3A_1416] {strides = array<i32>} : memref<1024xf32, #tpu.memory_space<vmem>>, vector<16xf32>,
    %get3A_1418 = vector.shape_cast %get3A_1417 : vector<16xf32> to vector<16xf32>
    %sub3A_1419 = arith.subf %get3A_1415, %get3A_1418 : vector<16xf32>
    %mul3A_1420 = arith.mulf %sub3A_1419, %sub3A_1419 : vector<16xf32>
    %add3A_1421 = arith.addf %add3A_1412, %mul3A_1420 : vector<16xf32>
    %get3A_1422 = arith.constant 304 : index
    %get3A_1423 = tpu.vector_load %arg14[%get3A_1422] {strides = array<i32>} : memref<1024xf32, #tpu.memory_space<vmem>>, vector<16xf32>,
    %get3A_1424 = vector.shape_cast %get3A_1423 : vector<16xf32> to vector<16xf32>
    %get3A_1425 = arith.constant 304 : index
    %get3A_1426 = tpu.vector_load %arg15[%get3A_1425] {strides = array<i32>} : memref<1024xf32, #tpu.memory_space<vmem>>, vector<16xf32>,
    %get3A_1427 = vector.shape_cast %get3A_1426 : vector<16xf32> to vector<16xf32>
    %sub3A_1428 = arith.subf %get3A_1424, %get3A_1427 : vector<16xf32>
    %mul3A_1429 = arith.mulf %sub3A_1428, %sub3A_1428 : vector<16xf32>
    %add3A_1430 = arith.addf %add3A_1421, %mul3A_1429 : vector<16xf32>
    %get3A_1431 = arith.constant 320 : index
    %get3A_1432 = tpu.vector_load %arg14[%get3A_1431] {strides = array<i32>} : memref<1024xf32, #tpu.memory_space<vmem>>, vector<16xf32>,
    %get3A_1433 = vector.shape_cast %get3A_1432 : vector<16xf32> to vector<16xf32>
    %get3A_1434 = arith.constant 320 : index
    %get3A_1435 = tpu.vector_load %arg15[%get3A_1434] {strides = array<i32>} : memref<1024xf32, #tpu.memory_space<vmem>>, vector<16xf32>,
    %get3A_1436 = vector.shape_cast %get3A_1435 : vector<16xf32> to vector<16xf32>
    %sub3A_1437 = arith.subf %get3A_1433, %get3A_1436 : vector<16xf32>
    %mul3A_1438 = arith.mulf %sub3A_1437, %sub3A_1437 : vector<16xf32>
    %add3A_1439 = arith.addf %add3A_1430, %mul3A_1438 : vector<16xf32>
    %get3A_1440 = arith.constant 336 : index
    %get3A_1441 = tpu.vector_load %arg14[%get3A_1440] {strides = array<i32>} : memref<1024xf32, #tpu.memory_space<vmem>>, vector<16xf32>,
    %get3A_1442 = vector.shape_cast %get3A_1441 : vector<16xf32> to vector<16xf32>
    %get3A_1443 = arith.constant 336 : index
    %get3A_1444 = tpu.vector_load %arg15[%get3A_1443] {strides = array<i32>} : memref<1024xf32, #tpu.memory_space<vmem>>, vector<16xf32>,
    %get3A_1445 = vector.shape_cast %get3A_1444 : vector<16xf32> to vector<16xf32>
    %sub3A_1446 = arith.subf %get3A_1442, %get3A_1445 : vector<16xf32>
    %mul3A_1447 = arith.mulf %sub3A_1446, %sub3A_1446 : vector<16xf32>
    %add3A_1448 = arith.addf %add3A_1439, %mul3A_1447 : vector<16xf32>
    %get3A_1449 = arith.constant 352 : index
    %get3A_1450 = tpu.vector_load %arg14[%get3A_1449] {strides = array<i32>} : memref<1024xf32, #tpu.memory_space<vmem>>, vector<16xf32>,
    %get3A_1451 = vector.shape_cast %get3A_1450 : vector<16xf32> to vector<16xf32>
    %get3A_1452 = arith.constant 352 : index
    %get3A_1453 = tpu.vector_load %arg15[%get3A_1452] {strides = array<i32>} : memref<1024xf32, #tpu.memory_space<vmem>>, vector<16xf32>,
    %get3A_1454 = vector.shape_cast %get3A_1453 : vector<16xf32> to vector<16xf32>
    %sub3A_1455 = arith.subf %get3A_1451, %get3A_1454 : vector<16xf32>
    %mul3A_1456 = arith.mulf %sub3A_1455, %sub3A_1455 : vector<16xf32>
    %add3A_1457 = arith.addf %add3A_1448, %mul3A_1456 : vector<16xf32>
    %get3A_1458 = arith.constant 368 : index
    %get3A_1459 = tpu.vector_load %arg14[%get3A_1458] {strides = array<i32>} : memref<1024xf32, #tpu.memory_space<vmem>>, vector<16xf32>,
    %get3A_1460 = vector.shape_cast %get3A_1459 : vector<16xf32> to vector<16xf32>
    %get3A_1461 = arith.constant 368 : index
    %get3A_1462 = tpu.vector_load %arg15[%get3A_1461] {strides = array<i32>} : memref<1024xf32, #tpu.memory_space<vmem>>, vector<16xf32>,
    %get3A_1463 = vector.shape_cast %get3A_1462 : vector<16xf32> to vector<16xf32>
    %sub3A_1464 = arith.subf %get3A_1460, %get3A_1463 : vector<16xf32>
    %mul3A_1465 = arith.mulf %sub3A_1464, %sub3A_1464 : vector<16xf32>
    %add3A_1466 = arith.addf %add3A_1457, %mul3A_1465 : vector<16xf32>
    %get3A_1467 = arith.constant 384 : index
    %get3A_1468 = tpu.vector_load %arg14[%get3A_1467] {strides = array<i32>} : memref<1024xf32, #tpu.memory_space<vmem>>, vector<16xf32>,
    %get3A_1469 = vector.shape_cast %get3A_1468 : vector<16xf32> to vector<16xf32>
    %get3A_1470 = arith.constant 384 : index
    %get3A_1471 = tpu.vector_load %arg15[%get3A_1470] {strides = array<i32>} : memref<1024xf32, #tpu.memory_space<vmem>>, vector<16xf32>,
    %get3A_1472 = vector.shape_cast %get3A_1471 : vector<16xf32> to vector<16xf32>
    %sub3A_1473 = arith.subf %get3A_1469, %get3A_1472 : vector<16xf32>
    %mul3A_1474 = arith.mulf %sub3A_1473, %sub3A_1473 : vector<16xf32>
    %add3A_1475 = arith.addf %add3A_1466, %mul3A_1474 : vector<16xf32>
    %get3A_1476 = arith.constant 400 : index
    %get3A_1477 = tpu.vector_load %arg14[%get3A_1476] {strides = array<i32>} : memref<1024xf32, #tpu.memory_space<vmem>>, vector<16xf32>,
    %get3A_1478 = vector.shape_cast %get3A_1477 : vector<16xf32> to vector<16xf32>
    %get3A_1479 = arith.constant 400 : index
    %get3A_1480 = tpu.vector_load %arg15[%get3A_1479] {strides = array<i32>} : memref<1024xf32, #tpu.memory_space<vmem>>, vector<16xf32>,
    %get3A_1481 = vector.shape_cast %get3A_1480 : vector<16xf32> to vector<16xf32>
    %sub3A_1482 = arith.subf %get3A_1478, %get3A_1481 : vector<16xf32>
    %mul3A_1483 = arith.mulf %sub3A_1482, %sub3A_1482 : vector<16xf32>
    %add3A_1484 = arith.addf %add3A_1475, %mul3A_1483 : vector<16xf32>
    %get3A_1485 = arith.constant 416 : index
    %get3A_1486 = tpu.vector_load %arg14[%get3A_1485] {strides = array<i32>} : memref<1024xf32, #tpu.memory_space<vmem>>, vector<16xf32>,
    %get3A_1487 = vector.shape_cast %get3A_1486 : vector<16xf32> to vector<16xf32>
    %get3A_1488 = arith.constant 416 : index
    %get3A_1489 = tpu.vector_load %arg15[%get3A_1488] {strides = array<i32>} : memref<1024xf32, #tpu.memory_space<vmem>>, vector<16xf32>,
    %get3A_1490 = vector.shape_cast %get3A_1489 : vector<16xf32> to vector<16xf32>
    %sub3A_1491 = arith.subf %get3A_1487, %get3A_1490 : vector<16xf32>
    %mul3A_1492 = arith.mulf %sub3A_1491, %sub3A_1491 : vector<16xf32>
    %add3A_1493 = arith.addf %add3A_1484, %mul3A_1492 : vector<16xf32>
    %get3A_1494 = arith.constant 432 : index
    %get3A_1495 = tpu.vector_load %arg14[%get3A_1494] {strides = array<i32>} : memref<1024xf32, #tpu.memory_space<vmem>>, vector<16xf32>,
    %get3A_1496 = vector.shape_cast %get3A_1495 : vector<16xf32> to vector<16xf32>
    %get3A_1497 = arith.constant 432 : index
    %get3A_1498 = tpu.vector_load %arg15[%get3A_1497] {strides = array<i32>} : memref<1024xf32, #tpu.memory_space<vmem>>, vector<16xf32>,
    %get3A_1499 = vector.shape_cast %get3A_1498 : vector<16xf32> to vector<16xf32>
    %sub3A_1500 = arith.subf %get3A_1496, %get3A_1499 : vector<16xf32>
    %mul3A_1501 = arith.mulf %sub3A_1500, %sub3A_1500 : vector<16xf32>
    %add3A_1502 = arith.addf %add3A_1493, %mul3A_1501 : vector<16xf32>
    %get3A_1503 = arith.constant 448 : index
    %get3A_1504 = tpu.vector_load %arg14[%get3A_1503] {strides = array<i32>} : memref<1024xf32, #tpu.memory_space<vmem>>, vector<16xf32>,
    %get3A_1505 = vector.shape_cast %get3A_1504 : vector<16xf32> to vector<16xf32>
    %get3A_1506 = arith.constant 448 : index
    %get3A_1507 = tpu.vector_load %arg15[%get3A_1506] {strides = array<i32>} : memref<1024xf32, #tpu.memory_space<vmem>>, vector<16xf32>,
    %get3A_1508 = vector.shape_cast %get3A_1507 : vector<16xf32> to vector<16xf32>
    %sub3A_1509 = arith.subf %get3A_1505, %get3A_1508 : vector<16xf32>
    %mul3A_1510 = arith.mulf %sub3A_1509, %sub3A_1509 : vector<16xf32>
    %add3A_1511 = arith.addf %add3A_1502, %mul3A_1510 : vector<16xf32>
    %get3A_1512 = arith.constant 464 : index
    %get3A_1513 = tpu.vector_load %arg14[%get3A_1512] {strides = array<i32>} : memref<1024xf32, #tpu.memory_space<vmem>>, vector<16xf32>,
    %get3A_1514 = vector.shape_cast %get3A_1513 : vector<16xf32> to vector<16xf32>
    %get3A_1515 = arith.constant 464 : index
    %get3A_1516 = tpu.vector_load %arg15[%get3A_1515] {strides = array<i32>} : memref<1024xf32, #tpu.memory_space<vmem>>, vector<16xf32>,
    %get3A_1517 = vector.shape_cast %get3A_1516 : vector<16xf32> to vector<16xf32>
    %sub3A_1518 = arith.subf %get3A_1514, %get3A_1517 : vector<16xf32>
    %mul3A_1519 = arith.mulf %sub3A_1518, %sub3A_1518 : vector<16xf32>
    %add3A_1520 = arith.addf %add3A_1511, %mul3A_1519 : vector<16xf32>
    %get3A_1521 = arith.constant 480 : index
    %get3A_1522 = tpu.vector_load %arg14[%get3A_1521] {strides = array<i32>} : memref<1024xf32, #tpu.memory_space<vmem>>, vector<16xf32>,
    %get3A_1523 = vector.shape_cast %get3A_1522 : vector<16xf32> to vector<16xf32>
    %get3A_1524 = arith.constant 480 : index
    %get3A_1525 = tpu.vector_load %arg15[%get3A_1524] {strides = array<i32>} : memref<1024xf32, #tpu.memory_space<vmem>>, vector<16xf32>,
    %get3A_1526 = vector.shape_cast %get3A_1525 : vector<16xf32> to vector<16xf32>
    %sub3A_1527 = arith.subf %get3A_1523, %get3A_1526 : vector<16xf32>
    %mul3A_1528 = arith.mulf %sub3A_1527, %sub3A_1527 : vector<16xf32>
    %add3A_1529 = arith.addf %add3A_1520, %mul3A_1528 : vector<16xf32>
    %get3A_1530 = arith.constant 496 : index
    %get3A_1531 = tpu.vector_load %arg14[%get3A_1530] {strides = array<i32>} : memref<1024xf32, #tpu.memory_space<vmem>>, vector<16xf32>,
    %get3A_1532 = vector.shape_cast %get3A_1531 : vector<16xf32> to vector<16xf32>
    %get3A_1533 = arith.constant 496 : index
    %get3A_1534 = tpu.vector_load %arg15[%get3A_1533] {strides = array<i32>} : memref<1024xf32, #tpu.memory_space<vmem>>, vector<16xf32>,
    %get3A_1535 = vector.shape_cast %get3A_1534 : vector<16xf32> to vector<16xf32>
    %sub3A_1536 = arith.subf %get3A_1532, %get3A_1535 : vector<16xf32>
    %mul3A_1537 = arith.mulf %sub3A_1536, %sub3A_1536 : vector<16xf32>
    %add3A_1538 = arith.addf %add3A_1529, %mul3A_1537 : vector<16xf32>
    %get3A_1539 = arith.constant 512 : index
    %get3A_1540 = tpu.vector_load %arg14[%get3A_1539] {strides = array<i32>} : memref<1024xf32, #tpu.memory_space<vmem>>, vector<16xf32>,
    %get3A_1541 = vector.shape_cast %get3A_1540 : vector<16xf32> to vector<16xf32>
    %get3A_1542 = arith.constant 512 : index
    %get3A_1543 = tpu.vector_load %arg15[%get3A_1542] {strides = array<i32>} : memref<1024xf32, #tpu.memory_space<vmem>>, vector<16xf32>,
    %get3A_1544 = vector.shape_cast %get3A_1543 : vector<16xf32> to vector<16xf32>
    %sub3A_1545 = arith.subf %get3A_1541, %get3A_1544 : vector<16xf32>
    %mul3A_1546 = arith.mulf %sub3A_1545, %sub3A_1545 : vector<16xf32>
    %add3A_1547 = arith.addf %add3A_1538, %mul3A_1546 : vector<16xf32>
    %get3A_1548 = arith.constant 528 : index
    %get3A_1549 = tpu.vector_load %arg14[%get3A_1548] {strides = array<i32>} : memref<1024xf32, #tpu.memory_space<vmem>>, vector<16xf32>,
    %get3A_1550 = vector.shape_cast %get3A_1549 : vector<16xf32> to vector<16xf32>
    %get3A_1551 = arith.constant 528 : index
    %get3A_1552 = tpu.vector_load %arg15[%get3A_1551] {strides = array<i32>} : memref<1024xf32, #tpu.memory_space<vmem>>, vector<16xf32>,
    %get3A_1553 = vector.shape_cast %get3A_1552 : vector<16xf32> to vector<16xf32>
    %sub3A_1554 = arith.subf %get3A_1550, %get3A_1553 : vector<16xf32>
    %mul3A_1555 = arith.mulf %sub3A_1554, %sub3A_1554 : vector<16xf32>
    %add3A_1556 = arith.addf %add3A_1547, %mul3A_1555 : vector<16xf32>
    %get3A_1557 = arith.constant 544 : index
    %get3A_1558 = tpu.vector_load %arg14[%get3A_1557] {strides = array<i32>} : memref<1024xf32, #tpu.memory_space<vmem>>, vector<16xf32>,
    %get3A_1559 = vector.shape_cast %get3A_1558 : vector<16xf32> to vector<16xf32>
    %get3A_1560 = arith.constant 544 : index
    %get3A_1561 = tpu.vector_load %arg15[%get3A_1560] {strides = array<i32>} : memref<1024xf32, #tpu.memory_space<vmem>>, vector<16xf32>,
    %get3A_1562 = vector.shape_cast %get3A_1561 : vector<16xf32> to vector<16xf32>
    %sub3A_1563 = arith.subf %get3A_1559, %get3A_1562 : vector<16xf32>
    %mul3A_1564 = arith.mulf %sub3A_1563, %sub3A_1563 : vector<16xf32>
    %add3A_1565 = arith.addf %add3A_1556, %mul3A_1564 : vector<16xf32>
    %get3A_1566 = arith.constant 560 : index
    %get3A_1567 = tpu.vector_load %arg14[%get3A_1566] {strides = array<i32>} : memref<1024xf32, #tpu.memory_space<vmem>>, vector<16xf32>,
    %get3A_1568 = vector.shape_cast %get3A_1567 : vector<16xf32> to vector<16xf32>
    %get3A_1569 = arith.constant 560 : index
    %get3A_1570 = tpu.vector_load %arg15[%get3A_1569] {strides = array<i32>} : memref<1024xf32, #tpu.memory_space<vmem>>, vector<16xf32>,
    %get3A_1571 = vector.shape_cast %get3A_1570 : vector<16xf32> to vector<16xf32>
    %sub3A_1572 = arith.subf %get3A_1568, %get3A_1571 : vector<16xf32>
    %mul3A_1573 = arith.mulf %sub3A_1572, %sub3A_1572 : vector<16xf32>
    %add3A_1574 = arith.addf %add3A_1565, %mul3A_1573 : vector<16xf32>
    %get3A_1575 = arith.constant 576 : index
    %get3A_1576 = tpu.vector_load %arg14[%get3A_1575] {strides = array<i32>} : memref<1024xf32, #tpu.memory_space<vmem>>, vector<16xf32>,
    %get3A_1577 = vector.shape_cast %get3A_1576 : vector<16xf32> to vector<16xf32>
    %get3A_1578 = arith.constant 576 : index
    %get3A_1579 = tpu.vector_load %arg15[%get3A_1578] {strides = array<i32>} : memref<1024xf32, #tpu.memory_space<vmem>>, vector<16xf32>,
    %get3A_1580 = vector.shape_cast %get3A_1579 : vector<16xf32> to vector<16xf32>
    %sub3A_1581 = arith.subf %get3A_1577, %get3A_1580 : vector<16xf32>
    %mul3A_1582 = arith.mulf %sub3A_1581, %sub3A_1581 : vector<16xf32>
    %add3A_1583 = arith.addf %add3A_1574, %mul3A_1582 : vector<16xf32>
    %get3A_1584 = arith.constant 592 : index
    %get3A_1585 = tpu.vector_load %arg14[%get3A_1584] {strides = array<i32>} : memref<1024xf32, #tpu.memory_space<vmem>>, vector<16xf32>,
    %get3A_1586 = vector.shape_cast %get3A_1585 : vector<16xf32> to vector<16xf32>
    %get3A_1587 = arith.constant 592 : index
    %get3A_1588 = tpu.vector_load %arg15[%get3A_1587] {strides = array<i32>} : memref<1024xf32, #tpu.memory_space<vmem>>, vector<16xf32>,
    %get3A_1589 = vector.shape_cast %get3A_1588 : vector<16xf32> to vector<16xf32>
    %sub3A_1590 = arith.subf %get3A_1586, %get3A_1589 : vector<16xf32>
    %mul3A_1591 = arith.mulf %sub3A_1590, %sub3A_1590 : vector<16xf32>
    %add3A_1592 = arith.addf %add3A_1583, %mul3A_1591 : vector<16xf32>
    %get3A_1593 = arith.constant 608 : index
    %get3A_1594 = tpu.vector_load %arg14[%get3A_1593] {strides = array<i32>} : memref<1024xf32, #tpu.memory_space<vmem>>, vector<16xf32>,
    %get3A_1595 = vector.shape_cast %get3A_1594 : vector<16xf32> to vector<16xf32>
    %get3A_1596 = arith.constant 608 : index
    %get3A_1597 = tpu.vector_load %arg15[%get3A_1596] {strides = array<i32>} : memref<1024xf32, #tpu.memory_space<vmem>>, vector<16xf32>,
    %get3A_1598 = vector.shape_cast %get3A_1597 : vector<16xf32> to vector<16xf32>
    %sub3A_1599 = arith.subf %get3A_1595, %get3A_1598 : vector<16xf32>
    %mul3A_1600 = arith.mulf %sub3A_1599, %sub3A_1599 : vector<16xf32>
    %add3A_1601 = arith.addf %add3A_1592, %mul3A_1600 : vector<16xf32>
    %get3A_1602 = arith.constant 624 : index
    %get3A_1603 = tpu.vector_load %arg14[%get3A_1602] {strides = array<i32>} : memref<1024xf32, #tpu.memory_space<vmem>>, vector<16xf32>,
    %get3A_1604 = vector.shape_cast %get3A_1603 : vector<16xf32> to vector<16xf32>
    %get3A_1605 = arith.constant 624 : index
    %get3A_1606 = tpu.vector_load %arg15[%get3A_1605] {strides = array<i32>} : memref<1024xf32, #tpu.memory_space<vmem>>, vector<16xf32>,
    %get3A_1607 = vector.shape_cast %get3A_1606 : vector<16xf32> to vector<16xf32>
    %sub3A_1608 = arith.subf %get3A_1604, %get3A_1607 : vector<16xf32>
    %mul3A_1609 = arith.mulf %sub3A_1608, %sub3A_1608 : vector<16xf32>
    %add3A_1610 = arith.addf %add3A_1601, %mul3A_1609 : vector<16xf32>
    %get3A_1611 = arith.constant 640 : index
    %get3A_1612 = tpu.vector_load %arg14[%get3A_1611] {strides = array<i32>} : memref<1024xf32, #tpu.memory_space<vmem>>, vector<16xf32>,
    %get3A_1613 = vector.shape_cast %get3A_1612 : vector<16xf32> to vector<16xf32>
    %get3A_1614 = arith.constant 640 : index
    %get3A_1615 = tpu.vector_load %arg15[%get3A_1614] {strides = array<i32>} : memref<1024xf32, #tpu.memory_space<vmem>>, vector<16xf32>,
    %get3A_1616 = vector.shape_cast %get3A_1615 : vector<16xf32> to vector<16xf32>
    %sub3A_1617 = arith.subf %get3A_1613, %get3A_1616 : vector<16xf32>
    %mul3A_1618 = arith.mulf %sub3A_1617, %sub3A_1617 : vector<16xf32>
    %add3A_1619 = arith.addf %add3A_1610, %mul3A_1618 : vector<16xf32>
    %get3A_1620 = arith.constant 656 : index
    %get3A_1621 = tpu.vector_load %arg14[%get3A_1620] {strides = array<i32>} : memref<1024xf32, #tpu.memory_space<vmem>>, vector<16xf32>,
    %get3A_1622 = vector.shape_cast %get3A_1621 : vector<16xf32> to vector<16xf32>
    %get3A_1623 = arith.constant 656 : index
    %get3A_1624 = tpu.vector_load %arg15[%get3A_1623] {strides = array<i32>} : memref<1024xf32, #tpu.memory_space<vmem>>, vector<16xf32>,
    %get3A_1625 = vector.shape_cast %get3A_1624 : vector<16xf32> to vector<16xf32>
    %sub3A_1626 = arith.subf %get3A_1622, %get3A_1625 : vector<16xf32>
    %mul3A_1627 = arith.mulf %sub3A_1626, %sub3A_1626 : vector<16xf32>
    %add3A_1628 = arith.addf %add3A_1619, %mul3A_1627 : vector<16xf32>
    %get3A_1629 = arith.constant 672 : index
    %get3A_1630 = tpu.vector_load %arg14[%get3A_1629] {strides = array<i32>} : memref<1024xf32, #tpu.memory_space<vmem>>, vector<16xf32>,
    %get3A_1631 = vector.shape_cast %get3A_1630 : vector<16xf32> to vector<16xf32>
    %get3A_1632 = arith.constant 672 : index
    %get3A_1633 = tpu.vector_load %arg15[%get3A_1632] {strides = array<i32>} : memref<1024xf32, #tpu.memory_space<vmem>>, vector<16xf32>,
    %get3A_1634 = vector.shape_cast %get3A_1633 : vector<16xf32> to vector<16xf32>
    %sub3A_1635 = arith.subf %get3A_1631, %get3A_1634 : vector<16xf32>
    %mul3A_1636 = arith.mulf %sub3A_1635, %sub3A_1635 : vector<16xf32>
    %add3A_1637 = arith.addf %add3A_1628, %mul3A_1636 : vector<16xf32>
    %get3A_1638 = arith.constant 688 : index
    %get3A_1639 = tpu.vector_load %arg14[%get3A_1638] {strides = array<i32>} : memref<1024xf32, #tpu.memory_space<vmem>>, vector<16xf32>,
    %get3A_1640 = vector.shape_cast %get3A_1639 : vector<16xf32> to vector<16xf32>
    %get3A_1641 = arith.constant 688 : index
    %get3A_1642 = tpu.vector_load %arg15[%get3A_1641] {strides = array<i32>} : memref<1024xf32, #tpu.memory_space<vmem>>, vector<16xf32>,
    %get3A_1643 = vector.shape_cast %get3A_1642 : vector<16xf32> to vector<16xf32>
    %sub3A_1644 = arith.subf %get3A_1640, %get3A_1643 : vector<16xf32>
    %mul3A_1645 = arith.mulf %sub3A_1644, %sub3A_1644 : vector<16xf32>
    %add3A_1646 = arith.addf %add3A_1637, %mul3A_1645 : vector<16xf32>
    %get3A_1647 = arith.constant 704 : index
    %get3A_1648 = tpu.vector_load %arg14[%get3A_1647] {strides = array<i32>} : memref<1024xf32, #tpu.memory_space<vmem>>, vector<16xf32>,
    %get3A_1649 = vector.shape_cast %get3A_1648 : vector<16xf32> to vector<16xf32>
    %get3A_1650 = arith.constant 704 : index
    %get3A_1651 = tpu.vector_load %arg15[%get3A_1650] {strides = array<i32>} : memref<1024xf32, #tpu.memory_space<vmem>>, vector<16xf32>,
    %get3A_1652 = vector.shape_cast %get3A_1651 : vector<16xf32> to vector<16xf32>
    %sub3A_1653 = arith.subf %get3A_1649, %get3A_1652 : vector<16xf32>
    %mul3A_1654 = arith.mulf %sub3A_1653, %sub3A_1653 : vector<16xf32>
    %add3A_1655 = arith.addf %add3A_1646, %mul3A_1654 : vector<16xf32>
    %get3A_1656 = arith.constant 720 : index
    %get3A_1657 = tpu.vector_load %arg14[%get3A_1656] {strides = array<i32>} : memref<1024xf32, #tpu.memory_space<vmem>>, vector<16xf32>,
    %get3A_1658 = vector.shape_cast %get3A_1657 : vector<16xf32> to vector<16xf32>
    %get3A_1659 = arith.constant 720 : index
    %get3A_1660 = tpu.vector_load %arg15[%get3A_1659] {strides = array<i32>} : memref<1024xf32, #tpu.memory_space<vmem>>, vector<16xf32>,
    %get3A_1661 = vector.shape_cast %get3A_1660 : vector<16xf32> to vector<16xf32>
    %sub3A_1662 = arith.subf %get3A_1658, %get3A_1661 : vector<16xf32>
    %mul3A_1663 = arith.mulf %sub3A_1662, %sub3A_1662 : vector<16xf32>
    %add3A_1664 = arith.addf %add3A_1655, %mul3A_1663 : vector<16xf32>
    %get3A_1665 = arith.constant 736 : index
    %get3A_1666 = tpu.vector_load %arg14[%get3A_1665] {strides = array<i32>} : memref<1024xf32, #tpu.memory_space<vmem>>, vector<16xf32>,
    %get3A_1667 = vector.shape_cast %get3A_1666 : vector<16xf32> to vector<16xf32>
    %get3A_1668 = arith.constant 736 : index
    %get3A_1669 = tpu.vector_load %arg15[%get3A_1668] {strides = array<i32>} : memref<1024xf32, #tpu.memory_space<vmem>>, vector<16xf32>,
    %get3A_1670 = vector.shape_cast %get3A_1669 : vector<16xf32> to vector<16xf32>
    %sub3A_1671 = arith.subf %get3A_1667, %get3A_1670 : vector<16xf32>
    %mul3A_1672 = arith.mulf %sub3A_1671, %sub3A_1671 : vector<16xf32>
    %add3A_1673 = arith.addf %add3A_1664, %mul3A_1672 : vector<16xf32>
    %get3A_1674 = arith.constant 752 : index
    %get3A_1675 = tpu.vector_load %arg14[%get3A_1674] {strides = array<i32>} : memref<1024xf32, #tpu.memory_space<vmem>>, vector<16xf32>,
    %get3A_1676 = vector.shape_cast %get3A_1675 : vector<16xf32> to vector<16xf32>
    %get3A_1677 = arith.constant 752 : index
    %get3A_1678 = tpu.vector_load %arg15[%get3A_1677] {strides = array<i32>} : memref<1024xf32, #tpu.memory_space<vmem>>, vector<16xf32>,
    %get3A_1679 = vector.shape_cast %get3A_1678 : vector<16xf32> to vector<16xf32>
    %sub3A_1680 = arith.subf %get3A_1676, %get3A_1679 : vector<16xf32>
    %mul3A_1681 = arith.mulf %sub3A_1680, %sub3A_1680 : vector<16xf32>
    %add3A_1682 = arith.addf %add3A_1673, %mul3A_1681 : vector<16xf32>
    %get3A_1683 = arith.constant 768 : index
    %get3A_1684 = tpu.vector_load %arg14[%get3A_1683] {strides = array<i32>} : memref<1024xf32, #tpu.memory_space<vmem>>, vector<16xf32>,
    %get3A_1685 = vector.shape_cast %get3A_1684 : vector<16xf32> to vector<16xf32>
    %get3A_1686 = arith.constant 768 : index
    %get3A_1687 = tpu.vector_load %arg15[%get3A_1686] {strides = array<i32>} : memref<1024xf32, #tpu.memory_space<vmem>>, vector<16xf32>,
    %get3A_1688 = vector.shape_cast %get3A_1687 : vector<16xf32> to vector<16xf32>
    %sub3A_1689 = arith.subf %get3A_1685, %get3A_1688 : vector<16xf32>
    %mul3A_1690 = arith.mulf %sub3A_1689, %sub3A_1689 : vector<16xf32>
    %add3A_1691 = arith.addf %add3A_1682, %mul3A_1690 : vector<16xf32>
    %get3A_1692 = arith.constant 784 : index
    %get3A_1693 = tpu.vector_load %arg14[%get3A_1692] {strides = array<i32>} : memref<1024xf32, #tpu.memory_space<vmem>>, vector<16xf32>,
    %get3A_1694 = vector.shape_cast %get3A_1693 : vector<16xf32> to vector<16xf32>
    %get3A_1695 = arith.constant 784 : index
    %get3A_1696 = tpu.vector_load %arg15[%get3A_1695] {strides = array<i32>} : memref<1024xf32, #tpu.memory_space<vmem>>, vector<16xf32>,
    %get3A_1697 = vector.shape_cast %get3A_1696 : vector<16xf32> to vector<16xf32>
    %sub3A_1698 = arith.subf %get3A_1694, %get3A_1697 : vector<16xf32>
    %mul3A_1699 = arith.mulf %sub3A_1698, %sub3A_1698 : vector<16xf32>
    %add3A_1700 = arith.addf %add3A_1691, %mul3A_1699 : vector<16xf32>
    %get3A_1701 = arith.constant 800 : index
    %get3A_1702 = tpu.vector_load %arg14[%get3A_1701] {strides = array<i32>} : memref<1024xf32, #tpu.memory_space<vmem>>, vector<16xf32>,
    %get3A_1703 = vector.shape_cast %get3A_1702 : vector<16xf32> to vector<16xf32>
    %get3A_1704 = arith.constant 800 : index
    %get3A_1705 = tpu.vector_load %arg15[%get3A_1704] {strides = array<i32>} : memref<1024xf32, #tpu.memory_space<vmem>>, vector<16xf32>,
    %get3A_1706 = vector.shape_cast %get3A_1705 : vector<16xf32> to vector<16xf32>
    %sub3A_1707 = arith.subf %get3A_1703, %get3A_1706 : vector<16xf32>
    %mul3A_1708 = arith.mulf %sub3A_1707, %sub3A_1707 : vector<16xf32>
    %add3A_1709 = arith.addf %add3A_1700, %mul3A_1708 : vector<16xf32>
    %get3A_1710 = arith.constant 816 : index
    %get3A_1711 = tpu.vector_load %arg14[%get3A_1710] {strides = array<i32>} : memref<1024xf32, #tpu.memory_space<vmem>>, vector<16xf32>,
    %get3A_1712 = vector.shape_cast %get3A_1711 : vector<16xf32> to vector<16xf32>
    %get3A_1713 = arith.constant 816 : index
    %get3A_1714 = tpu.vector_load %arg15[%get3A_1713] {strides = array<i32>} : memref<1024xf32, #tpu.memory_space<vmem>>, vector<16xf32>,
    %get3A_1715 = vector.shape_cast %get3A_1714 : vector<16xf32> to vector<16xf32>
    %sub3A_1716 = arith.subf %get3A_1712, %get3A_1715 : vector<16xf32>
    %mul3A_1717 = arith.mulf %sub3A_1716, %sub3A_1716 : vector<16xf32>
    %add3A_1718 = arith.addf %add3A_1709, %mul3A_1717 : vector<16xf32>
    %get3A_1719 = arith.constant 832 : index
    %get3A_1720 = tpu.vector_load %arg14[%get3A_1719] {strides = array<i32>} : memref<1024xf32, #tpu.memory_space<vmem>>, vector<16xf32>,
    %get3A_1721 = vector.shape_cast %get3A_1720 : vector<16xf32> to vector<16xf32>
    %get3A_1722 = arith.constant 832 : index
    %get3A_1723 = tpu.vector_load %arg15[%get3A_1722] {strides = array<i32>} : memref<1024xf32, #tpu.memory_space<vmem>>, vector<16xf32>,
    %get3A_1724 = vector.shape_cast %get3A_1723 : vector<16xf32> to vector<16xf32>
    %sub3A_1725 = arith.subf %get3A_1721, %get3A_1724 : vector<16xf32>
    %mul3A_1726 = arith.mulf %sub3A_1725, %sub3A_1725 : vector<16xf32>
    %add3A_1727 = arith.addf %add3A_1718, %mul3A_1726 : vector<16xf32>
    %get3A_1728 = arith.constant 848 : index
    %get3A_1729 = tpu.vector_load %arg14[%get3A_1728] {strides = array<i32>} : memref<1024xf32, #tpu.memory_space<vmem>>, vector<16xf32>,
    %get3A_1730 = vector.shape_cast %get3A_1729 : vector<16xf32> to vector<16xf32>
    %get3A_1731 = arith.constant 848 : index
    %get3A_1732 = tpu.vector_load %arg15[%get3A_1731] {strides = array<i32>} : memref<1024xf32, #tpu.memory_space<vmem>>, vector<16xf32>,
    %get3A_1733 = vector.shape_cast %get3A_1732 : vector<16xf32> to vector<16xf32>
    %sub3A_1734 = arith.subf %get3A_1730, %get3A_1733 : vector<16xf32>
    %mul3A_1735 = arith.mulf %sub3A_1734, %sub3A_1734 : vector<16xf32>
    %add3A_1736 = arith.addf %add3A_1727, %mul3A_1735 : vector<16xf32>
    %get3A_1737 = arith.constant 864 : index
    %get3A_1738 = tpu.vector_load %arg14[%get3A_1737] {strides = array<i32>} : memref<1024xf32, #tpu.memory_space<vmem>>, vector<16xf32>,
    %get3A_1739 = vector.shape_cast %get3A_1738 : vector<16xf32> to vector<16xf32>
    %get3A_1740 = arith.constant 864 : index
    %get3A_1741 = tpu.vector_load %arg15[%get3A_1740] {strides = array<i32>} : memref<1024xf32, #tpu.memory_space<vmem>>, vector<16xf32>,
    %get3A_1742 = vector.shape_cast %get3A_1741 : vector<16xf32> to vector<16xf32>
    %sub3A_1743 = arith.subf %get3A_1739, %get3A_1742 : vector<16xf32>
    %mul3A_1744 = arith.mulf %sub3A_1743, %sub3A_1743 : vector<16xf32>
    %add3A_1745 = arith.addf %add3A_1736, %mul3A_1744 : vector<16xf32>
    %get3A_1746 = arith.constant 880 : index
    %get3A_1747 = tpu.vector_load %arg14[%get3A_1746] {strides = array<i32>} : memref<1024xf32, #tpu.memory_space<vmem>>, vector<16xf32>,
    %get3A_1748 = vector.shape_cast %get3A_1747 : vector<16xf32> to vector<16xf32>
    %get3A_1749 = arith.constant 880 : index
    %get3A_1750 = tpu.vector_load %arg15[%get3A_1749] {strides = array<i32>} : memref<1024xf32, #tpu.memory_space<vmem>>, vector<16xf32>,
    %get3A_1751 = vector.shape_cast %get3A_1750 : vector<16xf32> to vector<16xf32>
    %sub3A_1752 = arith.subf %get3A_1748, %get3A_1751 : vector<16xf32>
    %mul3A_1753 = arith.mulf %sub3A_1752, %sub3A_1752 : vector<16xf32>
    %add3A_1754 = arith.addf %add3A_1745, %mul3A_1753 : vector<16xf32>
    %get3A_1755 = arith.constant 896 : index
    %get3A_1756 = tpu.vector_load %arg14[%get3A_1755] {strides = array<i32>} : memref<1024xf32, #tpu.memory_space<vmem>>, vector<16xf32>,
    %get3A_1757 = vector.shape_cast %get3A_1756 : vector<16xf32> to vector<16xf32>
    %get3A_1758 = arith.constant 896 : index
    %get3A_1759 = tpu.vector_load %arg15[%get3A_1758] {strides = array<i32>} : memref<1024xf32, #tpu.memory_space<vmem>>, vector<16xf32>,
    %get3A_1760 = vector.shape_cast %get3A_1759 : vector<16xf32> to vector<16xf32>
    %sub3A_1761 = arith.subf %get3A_1757, %get3A_1760 : vector<16xf32>
    %mul3A_1762 = arith.mulf %sub3A_1761, %sub3A_1761 : vector<16xf32>
    %add3A_1763 = arith.addf %add3A_1754, %mul3A_1762 : vector<16xf32>
    %get3A_1764 = arith.constant 912 : index
    %get3A_1765 = tpu.vector_load %arg14[%get3A_1764] {strides = array<i32>} : memref<1024xf32, #tpu.memory_space<vmem>>, vector<16xf32>,
    %get3A_1766 = vector.shape_cast %get3A_1765 : vector<16xf32> to vector<16xf32>
    %get3A_1767 = arith.constant 912 : index
    %get3A_1768 = tpu.vector_load %arg15[%get3A_1767] {strides = array<i32>} : memref<1024xf32, #tpu.memory_space<vmem>>, vector<16xf32>,
    %get3A_1769 = vector.shape_cast %get3A_1768 : vector<16xf32> to vector<16xf32>
    %sub3A_1770 = arith.subf %get3A_1766, %get3A_1769 : vector<16xf32>
    %mul3A_1771 = arith.mulf %sub3A_1770, %sub3A_1770 : vector<16xf32>
    %add3A_1772 = arith.addf %add3A_1763, %mul3A_1771 : vector<16xf32>
    %get3A_1773 = arith.constant 928 : index
    %get3A_1774 = tpu.vector_load %arg14[%get3A_1773] {strides = array<i32>} : memref<1024xf32, #tpu.memory_space<vmem>>, vector<16xf32>,
    %get3A_1775 = vector.shape_cast %get3A_1774 : vector<16xf32> to vector<16xf32>
    %get3A_1776 = arith.constant 928 : index
    %get3A_1777 = tpu.vector_load %arg15[%get3A_1776] {strides = array<i32>} : memref<1024xf32, #tpu.memory_space<vmem>>, vector<16xf32>,
    %get3A_1778 = vector.shape_cast %get3A_1777 : vector<16xf32> to vector<16xf32>
    %sub3A_1779 = arith.subf %get3A_1775, %get3A_1778 : vector<16xf32>
    %mul3A_1780 = arith.mulf %sub3A_1779, %sub3A_1779 : vector<16xf32>
    %add3A_1781 = arith.addf %add3A_1772, %mul3A_1780 : vector<16xf32>
    %get3A_1782 = arith.constant 944 : index
    %get3A_1783 = tpu.vector_load %arg14[%get3A_1782] {strides = array<i32>} : memref<1024xf32, #tpu.memory_space<vmem>>, vector<16xf32>,
    %get3A_1784 = vector.shape_cast %get3A_1783 : vector<16xf32> to vector<16xf32>
    %get3A_1785 = arith.constant 944 : index
    %get3A_1786 = tpu.vector_load %arg15[%get3A_1785] {strides = array<i32>} : memref<1024xf32, #tpu.memory_space<vmem>>, vector<16xf32>,
    %get3A_1787 = vector.shape_cast %get3A_1786 : vector<16xf32> to vector<16xf32>
    %sub3A_1788 = arith.subf %get3A_1784, %get3A_1787 : vector<16xf32>
    %mul3A_1789 = arith.mulf %sub3A_1788, %sub3A_1788 : vector<16xf32>
    %add3A_1790 = arith.addf %add3A_1781, %mul3A_1789 : vector<16xf32>
    %get3A_1791 = arith.constant 960 : index
    %get3A_1792 = tpu.vector_load %arg14[%get3A_1791] {strides = array<i32>} : memref<1024xf32, #tpu.memory_space<vmem>>, vector<16xf32>,
    %get3A_1793 = vector.shape_cast %get3A_1792 : vector<16xf32> to vector<16xf32>
    %get3A_1794 = arith.constant 960 : index
    %get3A_1795 = tpu.vector_load %arg15[%get3A_1794] {strides = array<i32>} : memref<1024xf32, #tpu.memory_space<vmem>>, vector<16xf32>,
    %get3A_1796 = vector.shape_cast %get3A_1795 : vector<16xf32> to vector<16xf32>
    %sub3A_1797 = arith.subf %get3A_1793, %get3A_1796 : vector<16xf32>
    %mul3A_1798 = arith.mulf %sub3A_1797, %sub3A_1797 : vector<16xf32>
    %add3A_1799 = arith.addf %add3A_1790, %mul3A_1798 : vector<16xf32>
    %get3A_1800 = arith.constant 976 : index
    %get3A_1801 = tpu.vector_load %arg14[%get3A_1800] {strides = array<i32>} : memref<1024xf32, #tpu.memory_space<vmem>>, vector<16xf32>,
    %get3A_1802 = vector.shape_cast %get3A_1801 : vector<16xf32> to vector<16xf32>
    %get3A_1803 = arith.constant 976 : index
    %get3A_1804 = tpu.vector_load %arg15[%get3A_1803] {strides = array<i32>} : memref<1024xf32, #tpu.memory_space<vmem>>, vector<16xf32>,
    %get3A_1805 = vector.shape_cast %get3A_1804 : vector<16xf32> to vector<16xf32>
    %sub3A_1806 = arith.subf %get3A_1802, %get3A_1805 : vector<16xf32>
    %mul3A_1807 = arith.mulf %sub3A_1806, %sub3A_1806 : vector<16xf32>
    %add3A_1808 = arith.addf %add3A_1799, %mul3A_1807 : vector<16xf32>
    %get3A_1809 = arith.constant 992 : index
    %get3A_1810 = tpu.vector_load %arg14[%get3A_1809] {strides = array<i32>} : memref<1024xf32, #tpu.memory_space<vmem>>, vector<16xf32>,
    %get3A_1811 = vector.shape_cast %get3A_1810 : vector<16xf32> to vector<16xf32>
    %get3A_1812 = arith.constant 992 : index
    %get3A_1813 = tpu.vector_load %arg15[%get3A_1812] {strides = array<i32>} : memref<1024xf32, #tpu.memory_space<vmem>>, vector<16xf32>,
    %get3A_1814 = vector.shape_cast %get3A_1813 : vector<16xf32> to vector<16xf32>
    %sub3A_1815 = arith.subf %get3A_1811, %get3A_1814 : vector<16xf32>
    %mul3A_1816 = arith.mulf %sub3A_1815, %sub3A_1815 : vector<16xf32>
    %add3A_1817 = arith.addf %add3A_1808, %mul3A_1816 : vector<16xf32>
    %get3A_1818 = arith.constant 1008 : index
    %get3A_1819 = tpu.vector_load %arg14[%get3A_1818] {strides = array<i32>} : memref<1024xf32, #tpu.memory_space<vmem>>, vector<16xf32>,
    %get3A_1820 = vector.shape_cast %get3A_1819 : vector<16xf32> to vector<16xf32>
    %get3A_1821 = arith.constant 1008 : index
    %get3A_1822 = tpu.vector_load %arg15[%get3A_1821] {strides = array<i32>} : memref<1024xf32, #tpu.memory_space<vmem>>, vector<16xf32>,
    %get3A_1823 = vector.shape_cast %get3A_1822 : vector<16xf32> to vector<16xf32>
    %sub3A_1824 = arith.subf %get3A_1820, %get3A_1823 : vector<16xf32>
    %mul3A_1825 = arith.mulf %sub3A_1824, %sub3A_1824 : vector<16xf32>
    %add3A_1826 = arith.addf %add3A_1817, %mul3A_1825 : vector<16xf32>
    %run_scoped3A_1827 = arith.constant 0 : i32
    "tpu.region"() ({
      %run_scoped3A_3115 = tpu.sem_alloc : memref<!tpu.dma_semaphore, #tpu.memory_space<semaphore_mem>>
      %dma_start3A_3116 = tpu.memref_slice %arg6[%run_scoped3A_1827, %mul3A_2] : memref<3x512xi32, #tpu.memory_space<hbm>> -> memref<1x16xi32, #tpu.memory_space<hbm>>
      %dma_start3A_3117 = tpu.memref_squeeze %dma_start3A_3116 : memref<1x16xi32, #tpu.memory_space<hbm>> -> memref<16xi32, #tpu.memory_space<hbm>>
      %dma_start3A_3118 = tpu.memref_slice %arg6[%run_scoped3A_1827, %mul3A_2] : memref<3x512xi32, #tpu.memory_space<hbm>> -> memref<1x16xi32, #tpu.memory_space<hbm>>
      %dma_start3A_3119 = tpu.memref_squeeze %dma_start3A_3118 : memref<1x16xi32, #tpu.memory_space<hbm>> -> memref<16xi32, #tpu.memory_space<hbm>>
      tpu.enqueue_dma source(%dma_start3A_3119 : memref<16xi32, #tpu.memory_space<hbm>>) target(%arg10 : memref<16xi32, #tpu.memory_space<vmem>>) target_semaphore(%run_scoped3A_3115 : memref<!tpu.dma_semaphore, #tpu.memory_space<semaphore_mem>>)
      %dma_wait3A_3120 = tpu.memref_slice %arg6[%run_scoped3A_1827, %mul3A_2] : memref<3x512xi32, #tpu.memory_space<hbm>> -> memref<1x16xi32, #tpu.memory_space<hbm>>
      %dma_wait3A_3121 = tpu.memref_squeeze %dma_wait3A_3120 : memref<1x16xi32, #tpu.memory_space<hbm>> -> memref<16xi32, #tpu.memory_space<hbm>>
      %dma_wait3A_3122 = tpu.memref_slice %arg6[%run_scoped3A_1827, %mul3A_2] : memref<3x512xi32, #tpu.memory_space<hbm>> -> memref<1x16xi32, #tpu.memory_space<hbm>>
      %dma_wait3A_3123 = tpu.memref_squeeze %dma_wait3A_3122 : memref<1x16xi32, #tpu.memory_space<hbm>> -> memref<16xi32, #tpu.memory_space<hbm>>
      tpu.wait_dma2 semaphore(%run_scoped3A_3115 : memref<!tpu.dma_semaphore, #tpu.memory_space<semaphore_mem>>) src(%dma_wait3A_3123 : memref<16xi32, #tpu.memory_space<hbm>>) dst(%arg10 : memref<16xi32, #tpu.memory_space<vmem>>)
      tpu.yield
    }) : () -> ()
    %run_scoped3A_1828 = arith.constant 1 : i32
    "tpu.region"() ({
      %run_scoped3A_3115 = tpu.sem_alloc : memref<!tpu.dma_semaphore, #tpu.memory_space<semaphore_mem>>
      %dma_start3A_3116 = tpu.memref_slice %arg6[%run_scoped3A_1828, %mul3A_2] : memref<3x512xi32, #tpu.memory_space<hbm>> -> memref<1x16xi32, #tpu.memory_space<hbm>>
      %dma_start3A_3117 = tpu.memref_squeeze %dma_start3A_3116 : memref<1x16xi32, #tpu.memory_space<hbm>> -> memref<16xi32, #tpu.memory_space<hbm>>
      %dma_start3A_3118 = tpu.memref_slice %arg6[%run_scoped3A_1828, %mul3A_2] : memref<3x512xi32, #tpu.memory_space<hbm>> -> memref<1x16xi32, #tpu.memory_space<hbm>>
      %dma_start3A_3119 = tpu.memref_squeeze %dma_start3A_3118 : memref<1x16xi32, #tpu.memory_space<hbm>> -> memref<16xi32, #tpu.memory_space<hbm>>
      tpu.enqueue_dma source(%dma_start3A_3119 : memref<16xi32, #tpu.memory_space<hbm>>) target(%arg11 : memref<16xi32, #tpu.memory_space<vmem>>) target_semaphore(%run_scoped3A_3115 : memref<!tpu.dma_semaphore, #tpu.memory_space<semaphore_mem>>)
      %dma_wait3A_3120 = tpu.memref_slice %arg6[%run_scoped3A_1828, %mul3A_2] : memref<3x512xi32, #tpu.memory_space<hbm>> -> memref<1x16xi32, #tpu.memory_space<hbm>>
      %dma_wait3A_3121 = tpu.memref_squeeze %dma_wait3A_3120 : memref<1x16xi32, #tpu.memory_space<hbm>> -> memref<16xi32, #tpu.memory_space<hbm>>
      %dma_wait3A_3122 = tpu.memref_slice %arg6[%run_scoped3A_1828, %mul3A_2] : memref<3x512xi32, #tpu.memory_space<hbm>> -> memref<1x16xi32, #tpu.memory_space<hbm>>
      %dma_wait3A_3123 = tpu.memref_squeeze %dma_wait3A_3122 : memref<1x16xi32, #tpu.memory_space<hbm>> -> memref<16xi32, #tpu.memory_space<hbm>>
      tpu.wait_dma2 semaphore(%run_scoped3A_3115 : memref<!tpu.dma_semaphore, #tpu.memory_space<semaphore_mem>>) src(%dma_wait3A_3123 : memref<16xi32, #tpu.memory_space<hbm>>) dst(%arg11 : memref<16xi32, #tpu.memory_space<vmem>>)
      tpu.yield
    }) : () -> ()
    %run_scoped3A_1829 = arith.constant 2 : i32
    "tpu.region"() ({
      %run_scoped3A_3115 = tpu.sem_alloc : memref<!tpu.dma_semaphore, #tpu.memory_space<semaphore_mem>>
      %dma_start3A_3116 = tpu.memref_slice %arg6[%run_scoped3A_1829, %mul3A_2] : memref<3x512xi32, #tpu.memory_space<hbm>> -> memref<1x16xi32, #tpu.memory_space<hbm>>
      %dma_start3A_3117 = tpu.memref_squeeze %dma_start3A_3116 : memref<1x16xi32, #tpu.memory_space<hbm>> -> memref<16xi32, #tpu.memory_space<hbm>>
      %dma_start3A_3118 = tpu.memref_slice %arg6[%run_scoped3A_1829, %mul3A_2] : memref<3x512xi32, #tpu.memory_space<hbm>> -> memref<1x16xi32, #tpu.memory_space<hbm>>
      %dma_start3A_3119 = tpu.memref_squeeze %dma_start3A_3118 : memref<1x16xi32, #tpu.memory_space<hbm>> -> memref<16xi32, #tpu.memory_space<hbm>>
      tpu.enqueue_dma source(%dma_start3A_3119 : memref<16xi32, #tpu.memory_space<hbm>>) target(%arg12 : memref<16xi32, #tpu.memory_space<vmem>>) target_semaphore(%run_scoped3A_3115 : memref<!tpu.dma_semaphore, #tpu.memory_space<semaphore_mem>>)
      %dma_wait3A_3120 = tpu.memref_slice %arg6[%run_scoped3A_1829, %mul3A_2] : memref<3x512xi32, #tpu.memory_space<hbm>> -> memref<1x16xi32, #tpu.memory_space<hbm>>
      %dma_wait3A_3121 = tpu.memref_squeeze %dma_wait3A_3120 : memref<1x16xi32, #tpu.memory_space<hbm>> -> memref<16xi32, #tpu.memory_space<hbm>>
      %dma_wait3A_3122 = tpu.memref_slice %arg6[%run_scoped3A_1829, %mul3A_2] : memref<3x512xi32, #tpu.memory_space<hbm>> -> memref<1x16xi32, #tpu.memory_space<hbm>>
      %dma_wait3A_3123 = tpu.memref_squeeze %dma_wait3A_3122 : memref<1x16xi32, #tpu.memory_space<hbm>> -> memref<16xi32, #tpu.memory_space<hbm>>
      tpu.wait_dma2 semaphore(%run_scoped3A_3115 : memref<!tpu.dma_semaphore, #tpu.memory_space<semaphore_mem>>) src(%dma_wait3A_3123 : memref<16xi32, #tpu.memory_space<hbm>>) dst(%arg12 : memref<16xi32, #tpu.memory_space<vmem>>)
      tpu.yield
    }) : () -> ()
    %get3A_1830 = arith.constant 0 : index
    %get3A_1831 = tpu.vector_load %arg10[%get3A_1830] {strides = array<i32>} : memref<16xi32, #tpu.memory_space<vmem>>, vector<16xi32>,
    %get3A_1832 = vector.shape_cast %get3A_1831 : vector<16xi32> to vector<16xi32>
    %jit3A_1833 = arith.constant 100 : i32
    %eq3A_1834 = arith.constant 0 : i32
    %eq3A_1835 = arith.cmpi eq, %jit3A_1833, %eq3A_1834 : i32
    %jit3A_1836 = arith.constant 1 : i32
    %select_n3A_1837 = arith.select %eq3A_1835, %jit3A_1836, %jit3A_1833 : i32
    %rem3A_1838 = vector.broadcast %select_n3A_1837 : i32 to vector<16xi32>
    %rem3A_1839 = arith.remsi %get3A_1832, %rem3A_1838 : vector<16xi32>
    %ne3A_1840 = arith.constant 0 : i32
    %ne3A_1841 = vector.broadcast %ne3A_1840 : i32 to vector<16xi32>
    %ne3A_1842 = arith.cmpi ne, %rem3A_1839, %ne3A_1841 : vector<16xi32>
    %lt3A_1843 = arith.constant 0 : i32
    %lt3A_1844 = vector.broadcast %lt3A_1843 : i32 to vector<16xi32>
    %lt3A_1845 = arith.cmpi slt, %rem3A_1839, %lt3A_1844 : vector<16xi32>
    %lt3A_1846 = arith.constant 0 : i32
    %lt3A_1847 = arith.cmpi slt, %select_n3A_1837, %lt3A_1846 : i32
    %ne3A_1848 = vector.broadcast %lt3A_1847 : i1 to vector<16xi1>
    %ne3A_1849 = vector.broadcast %ne3A_1848 : vector<16xi1> to vector<16xi1>
    %ne3A_1850 = arith.xori %lt3A_1845, %ne3A_1849 : vector<16xi1>
    %and3A_1851 = arith.andi %ne3A_1850, %ne3A_1842 : vector<16xi1>
    %add3A_1852 = vector.broadcast %select_n3A_1837 : i32 to vector<16xi32>
    %add3A_1853 = arith.addi %rem3A_1839, %add3A_1852 : vector<16xi32>
    %select_n3A_1854 = arith.select %and3A_1851, %add3A_1853, %rem3A_1839 : vector<16xi1>, vector<16xi32>
    %get3A_1855 = arith.constant 0 : index
    %get3A_1856 = tpu.vector_load %arg11[%get3A_1855] {strides = array<i32>} : memref<16xi32, #tpu.memory_space<vmem>>, vector<16xi32>,
    %get3A_1857 = vector.shape_cast %get3A_1856 : vector<16xi32> to vector<16xi32>
    %jit3A_1858 = arith.constant 88 : i32
    %eq3A_1859 = arith.constant 0 : i32
    %eq3A_1860 = arith.cmpi eq, %jit3A_1858, %eq3A_1859 : i32
    %jit3A_1861 = arith.constant 1 : i32
    %select_n3A_1862 = arith.select %eq3A_1860, %jit3A_1861, %jit3A_1858 : i32
    %rem3A_1863 = vector.broadcast %select_n3A_1862 : i32 to vector<16xi32>
    %rem3A_1864 = arith.remsi %get3A_1857, %rem3A_1863 : vector<16xi32>
    %ne3A_1865 = arith.constant 0 : i32
    %ne3A_1866 = vector.broadcast %ne3A_1865 : i32 to vector<16xi32>
    %ne3A_1867 = arith.cmpi ne, %rem3A_1864, %ne3A_1866 : vector<16xi32>
    %lt3A_1868 = arith.constant 0 : i32
    %lt3A_1869 = vector.broadcast %lt3A_1868 : i32 to vector<16xi32>
    %lt3A_1870 = arith.cmpi slt, %rem3A_1864, %lt3A_1869 : vector<16xi32>
    %lt3A_1871 = arith.constant 0 : i32
    %lt3A_1872 = arith.cmpi slt, %select_n3A_1862, %lt3A_1871 : i32
    %ne3A_1873 = vector.broadcast %lt3A_1872 : i1 to vector<16xi1>
    %ne3A_1874 = vector.broadcast %ne3A_1873 : vector<16xi1> to vector<16xi1>
    %ne3A_1875 = arith.xori %lt3A_1870, %ne3A_1874 : vector<16xi1>
    %and3A_1876 = arith.andi %ne3A_1875, %ne3A_1867 : vector<16xi1>
    %add3A_1877 = vector.broadcast %select_n3A_1862 : i32 to vector<16xi32>
    %add3A_1878 = arith.addi %rem3A_1864, %add3A_1877 : vector<16xi32>
    %select_n3A_1879 = arith.select %and3A_1876, %add3A_1878, %rem3A_1864 : vector<16xi1>, vector<16xi32>
    %get3A_1880 = arith.constant 0 : index
    %get3A_1881 = tpu.vector_load %arg12[%get3A_1880] {strides = array<i32>} : memref<16xi32, #tpu.memory_space<vmem>>, vector<16xi32>,
    %get3A_1882 = vector.shape_cast %get3A_1881 : vector<16xi32> to vector<16xi32>
    %jit3A_1883 = arith.constant 80 : i32
    %eq3A_1884 = arith.constant 0 : i32
    %eq3A_1885 = arith.cmpi eq, %jit3A_1883, %eq3A_1884 : i32
    %jit3A_1886 = arith.constant 1 : i32
    %select_n3A_1887 = arith.select %eq3A_1885, %jit3A_1886, %jit3A_1883 : i32
    %rem3A_1888 = vector.broadcast %select_n3A_1887 : i32 to vector<16xi32>
    %rem3A_1889 = arith.remsi %get3A_1882, %rem3A_1888 : vector<16xi32>
    %ne3A_1890 = arith.constant 0 : i32
    %ne3A_1891 = vector.broadcast %ne3A_1890 : i32 to vector<16xi32>
    %ne3A_1892 = arith.cmpi ne, %rem3A_1889, %ne3A_1891 : vector<16xi32>
    %lt3A_1893 = arith.constant 0 : i32
    %lt3A_1894 = vector.broadcast %lt3A_1893 : i32 to vector<16xi32>
    %lt3A_1895 = arith.cmpi slt, %rem3A_1889, %lt3A_1894 : vector<16xi32>
    %lt3A_1896 = arith.constant 0 : i32
    %lt3A_1897 = arith.cmpi slt, %select_n3A_1887, %lt3A_1896 : i32
    %ne3A_1898 = vector.broadcast %lt3A_1897 : i1 to vector<16xi1>
    %ne3A_1899 = vector.broadcast %ne3A_1898 : vector<16xi1> to vector<16xi1>
    %ne3A_1900 = arith.xori %lt3A_1895, %ne3A_1899 : vector<16xi1>
    %and3A_1901 = arith.andi %ne3A_1900, %ne3A_1892 : vector<16xi1>
    %add3A_1902 = vector.broadcast %select_n3A_1887 : i32 to vector<16xi32>
    %add3A_1903 = arith.addi %rem3A_1889, %add3A_1902 : vector<16xi32>
    %select_n3A_1904 = arith.select %and3A_1901, %add3A_1903, %rem3A_1889 : vector<16xi1>, vector<16xi32>
    %mul3A_1905 = arith.constant 7040 : i32
    %mul3A_1906 = vector.broadcast %mul3A_1905 : i32 to vector<16xi32>
    %mul3A_1907 = arith.muli %select_n3A_1854, %mul3A_1906 : vector<16xi32>
    %mul3A_1908 = arith.constant 80 : i32
    %mul3A_1909 = vector.broadcast %mul3A_1908 : i32 to vector<16xi32>
    %mul3A_1910 = arith.muli %select_n3A_1879, %mul3A_1909 : vector<16xi32>
    %add3A_1911 = arith.addi %mul3A_1907, %mul3A_1910 : vector<16xi32>
    %add3A_1912 = arith.addi %add3A_1911, %select_n3A_1904 : vector<16xi32>
    %add3A_1913 = arith.constant 0 : i32
    %add3A_1914 = vector.broadcast %add3A_1913 : i32 to vector<16xi32>
    %add3A_1915 = arith.addi %add3A_1912, %add3A_1914 : vector<16xi32>
    %swap3A_1916 = arith.constant 0 : index
    %swap3A_1917 = tpu.vector_load %arg13[%swap3A_1916] {strides = array<i32>} : memref<1024xi32, #tpu.memory_space<vmem>>, vector<16xi32>,
    %swap3A_1918 = vector.shape_cast %swap3A_1917 : vector<16xi32> to vector<16xi32>
    %swap3A_1919 = vector.shape_cast %add3A_1915 : vector<16xi32> to vector<16xi32>
    tpu.vector_store %arg13[%swap3A_1916], %swap3A_1919 {strides = array<i32>} : memref<1024xi32, #tpu.memory_space<vmem>>, vector<16xi32>,
    %add3A_1920 = arith.constant 704000 : i32
    %add3A_1921 = vector.broadcast %add3A_1920 : i32 to vector<16xi32>
    %add3A_1922 = arith.addi %add3A_1912, %add3A_1921 : vector<16xi32>
    %swap3A_1923 = arith.constant 16 : index
    %swap3A_1924 = tpu.vector_load %arg13[%swap3A_1923] {strides = array<i32>} : memref<1024xi32, #tpu.memory_space<vmem>>, vector<16xi32>,
    %swap3A_1925 = vector.shape_cast %swap3A_1924 : vector<16xi32> to vector<16xi32>
    %swap3A_1926 = vector.shape_cast %add3A_1922 : vector<16xi32> to vector<16xi32>
    tpu.vector_store %arg13[%swap3A_1923], %swap3A_1926 {strides = array<i32>} : memref<1024xi32, #tpu.memory_space<vmem>>, vector<16xi32>,
    %add3A_1927 = arith.constant 1408000 : i32
    %add3A_1928 = vector.broadcast %add3A_1927 : i32 to vector<16xi32>
    %add3A_1929 = arith.addi %add3A_1912, %add3A_1928 : vector<16xi32>
    %swap3A_1930 = arith.constant 32 : index
    %swap3A_1931 = tpu.vector_load %arg13[%swap3A_1930] {strides = array<i32>} : memref<1024xi32, #tpu.memory_space<vmem>>, vector<16xi32>,
    %swap3A_1932 = vector.shape_cast %swap3A_1931 : vector<16xi32> to vector<16xi32>
    %swap3A_1933 = vector.shape_cast %add3A_1929 : vector<16xi32> to vector<16xi32>
    tpu.vector_store %arg13[%swap3A_1930], %swap3A_1933 {strides = array<i32>} : memref<1024xi32, #tpu.memory_space<vmem>>, vector<16xi32>,
    %add3A_1934 = arith.constant 2112000 : i32
    %add3A_1935 = vector.broadcast %add3A_1934 : i32 to vector<16xi32>
    %add3A_1936 = arith.addi %add3A_1912, %add3A_1935 : vector<16xi32>
    %swap3A_1937 = arith.constant 48 : index
    %swap3A_1938 = tpu.vector_load %arg13[%swap3A_1937] {strides = array<i32>} : memref<1024xi32, #tpu.memory_space<vmem>>, vector<16xi32>,
    %swap3A_1939 = vector.shape_cast %swap3A_1938 : vector<16xi32> to vector<16xi32>
    %swap3A_1940 = vector.shape_cast %add3A_1936 : vector<16xi32> to vector<16xi32>
    tpu.vector_store %arg13[%swap3A_1937], %swap3A_1940 {strides = array<i32>} : memref<1024xi32, #tpu.memory_space<vmem>>, vector<16xi32>,
    %add3A_1941 = arith.constant 2816000 : i32
    %add3A_1942 = vector.broadcast %add3A_1941 : i32 to vector<16xi32>
    %add3A_1943 = arith.addi %add3A_1912, %add3A_1942 : vector<16xi32>
    %swap3A_1944 = arith.constant 64 : index
    %swap3A_1945 = tpu.vector_load %arg13[%swap3A_1944] {strides = array<i32>} : memref<1024xi32, #tpu.memory_space<vmem>>, vector<16xi32>,
    %swap3A_1946 = vector.shape_cast %swap3A_1945 : vector<16xi32> to vector<16xi32>
    %swap3A_1947 = vector.shape_cast %add3A_1943 : vector<16xi32> to vector<16xi32>
    tpu.vector_store %arg13[%swap3A_1944], %swap3A_1947 {strides = array<i32>} : memref<1024xi32, #tpu.memory_space<vmem>>, vector<16xi32>,
    %add3A_1948 = arith.constant 3520000 : i32
    %add3A_1949 = vector.broadcast %add3A_1948 : i32 to vector<16xi32>
    %add3A_1950 = arith.addi %add3A_1912, %add3A_1949 : vector<16xi32>
    %swap3A_1951 = arith.constant 80 : index
    %swap3A_1952 = tpu.vector_load %arg13[%swap3A_1951] {strides = array<i32>} : memref<1024xi32, #tpu.memory_space<vmem>>, vector<16xi32>,
    %swap3A_1953 = vector.shape_cast %swap3A_1952 : vector<16xi32> to vector<16xi32>
    %swap3A_1954 = vector.shape_cast %add3A_1950 : vector<16xi32> to vector<16xi32>
    tpu.vector_store %arg13[%swap3A_1951], %swap3A_1954 {strides = array<i32>} : memref<1024xi32, #tpu.memory_space<vmem>>, vector<16xi32>,
    %add3A_1955 = arith.constant 4224000 : i32
    %add3A_1956 = vector.broadcast %add3A_1955 : i32 to vector<16xi32>
    %add3A_1957 = arith.addi %add3A_1912, %add3A_1956 : vector<16xi32>
    %swap3A_1958 = arith.constant 96 : index
    %swap3A_1959 = tpu.vector_load %arg13[%swap3A_1958] {strides = array<i32>} : memref<1024xi32, #tpu.memory_space<vmem>>, vector<16xi32>,
    %swap3A_1960 = vector.shape_cast %swap3A_1959 : vector<16xi32> to vector<16xi32>
    %swap3A_1961 = vector.shape_cast %add3A_1957 : vector<16xi32> to vector<16xi32>
    tpu.vector_store %arg13[%swap3A_1958], %swap3A_1961 {strides = array<i32>} : memref<1024xi32, #tpu.memory_space<vmem>>, vector<16xi32>,
    %add3A_1962 = arith.constant 4928000 : i32
    %add3A_1963 = vector.broadcast %add3A_1962 : i32 to vector<16xi32>
    %add3A_1964 = arith.addi %add3A_1912, %add3A_1963 : vector<16xi32>
    %swap3A_1965 = arith.constant 112 : index
    %swap3A_1966 = tpu.vector_load %arg13[%swap3A_1965] {strides = array<i32>} : memref<1024xi32, #tpu.memory_space<vmem>>, vector<16xi32>,
    %swap3A_1967 = vector.shape_cast %swap3A_1966 : vector<16xi32> to vector<16xi32>
    %swap3A_1968 = vector.shape_cast %add3A_1964 : vector<16xi32> to vector<16xi32>
    tpu.vector_store %arg13[%swap3A_1965], %swap3A_1968 {strides = array<i32>} : memref<1024xi32, #tpu.memory_space<vmem>>, vector<16xi32>,
    %add3A_1969 = arith.constant 5632000 : i32
    %add3A_1970 = vector.broadcast %add3A_1969 : i32 to vector<16xi32>
    %add3A_1971 = arith.addi %add3A_1912, %add3A_1970 : vector<16xi32>
    %swap3A_1972 = arith.constant 128 : index
    %swap3A_1973 = tpu.vector_load %arg13[%swap3A_1972] {strides = array<i32>} : memref<1024xi32, #tpu.memory_space<vmem>>, vector<16xi32>,
    %swap3A_1974 = vector.shape_cast %swap3A_1973 : vector<16xi32> to vector<16xi32>
    %swap3A_1975 = vector.shape_cast %add3A_1971 : vector<16xi32> to vector<16xi32>
    tpu.vector_store %arg13[%swap3A_1972], %swap3A_1975 {strides = array<i32>} : memref<1024xi32, #tpu.memory_space<vmem>>, vector<16xi32>,
    %add3A_1976 = arith.constant 6336000 : i32
    %add3A_1977 = vector.broadcast %add3A_1976 : i32 to vector<16xi32>
    %add3A_1978 = arith.addi %add3A_1912, %add3A_1977 : vector<16xi32>
    %swap3A_1979 = arith.constant 144 : index
    %swap3A_1980 = tpu.vector_load %arg13[%swap3A_1979] {strides = array<i32>} : memref<1024xi32, #tpu.memory_space<vmem>>, vector<16xi32>,
    %swap3A_1981 = vector.shape_cast %swap3A_1980 : vector<16xi32> to vector<16xi32>
    %swap3A_1982 = vector.shape_cast %add3A_1978 : vector<16xi32> to vector<16xi32>
    tpu.vector_store %arg13[%swap3A_1979], %swap3A_1982 {strides = array<i32>} : memref<1024xi32, #tpu.memory_space<vmem>>, vector<16xi32>,
    %add3A_1983 = arith.constant 7040000 : i32
    %add3A_1984 = vector.broadcast %add3A_1983 : i32 to vector<16xi32>
    %add3A_1985 = arith.addi %add3A_1912, %add3A_1984 : vector<16xi32>
    %swap3A_1986 = arith.constant 160 : index
    %swap3A_1987 = tpu.vector_load %arg13[%swap3A_1986] {strides = array<i32>} : memref<1024xi32, #tpu.memory_space<vmem>>, vector<16xi32>,
    %swap3A_1988 = vector.shape_cast %swap3A_1987 : vector<16xi32> to vector<16xi32>
    %swap3A_1989 = vector.shape_cast %add3A_1985 : vector<16xi32> to vector<16xi32>
    tpu.vector_store %arg13[%swap3A_1986], %swap3A_1989 {strides = array<i32>} : memref<1024xi32, #tpu.memory_space<vmem>>, vector<16xi32>,
    %add3A_1990 = arith.constant 7744000 : i32
    %add3A_1991 = vector.broadcast %add3A_1990 : i32 to vector<16xi32>
    %add3A_1992 = arith.addi %add3A_1912, %add3A_1991 : vector<16xi32>
    %swap3A_1993 = arith.constant 176 : index
    %swap3A_1994 = tpu.vector_load %arg13[%swap3A_1993] {strides = array<i32>} : memref<1024xi32, #tpu.memory_space<vmem>>, vector<16xi32>,
    %swap3A_1995 = vector.shape_cast %swap3A_1994 : vector<16xi32> to vector<16xi32>
    %swap3A_1996 = vector.shape_cast %add3A_1992 : vector<16xi32> to vector<16xi32>
    tpu.vector_store %arg13[%swap3A_1993], %swap3A_1996 {strides = array<i32>} : memref<1024xi32, #tpu.memory_space<vmem>>, vector<16xi32>,
    %add3A_1997 = arith.constant 8448000 : i32
    %add3A_1998 = vector.broadcast %add3A_1997 : i32 to vector<16xi32>
    %add3A_1999 = arith.addi %add3A_1912, %add3A_1998 : vector<16xi32>
    %swap3A_2000 = arith.constant 192 : index
    %swap3A_2001 = tpu.vector_load %arg13[%swap3A_2000] {strides = array<i32>} : memref<1024xi32, #tpu.memory_space<vmem>>, vector<16xi32>,
    %swap3A_2002 = vector.shape_cast %swap3A_2001 : vector<16xi32> to vector<16xi32>
    %swap3A_2003 = vector.shape_cast %add3A_1999 : vector<16xi32> to vector<16xi32>
    tpu.vector_store %arg13[%swap3A_2000], %swap3A_2003 {strides = array<i32>} : memref<1024xi32, #tpu.memory_space<vmem>>, vector<16xi32>,
    %add3A_2004 = arith.constant 9152000 : i32
    %add3A_2005 = vector.broadcast %add3A_2004 : i32 to vector<16xi32>
    %add3A_2006 = arith.addi %add3A_1912, %add3A_2005 : vector<16xi32>
    %swap3A_2007 = arith.constant 208 : index
    %swap3A_2008 = tpu.vector_load %arg13[%swap3A_2007] {strides = array<i32>} : memref<1024xi32, #tpu.memory_space<vmem>>, vector<16xi32>,
    %swap3A_2009 = vector.shape_cast %swap3A_2008 : vector<16xi32> to vector<16xi32>
    %swap3A_2010 = vector.shape_cast %add3A_2006 : vector<16xi32> to vector<16xi32>
    tpu.vector_store %arg13[%swap3A_2007], %swap3A_2010 {strides = array<i32>} : memref<1024xi32, #tpu.memory_space<vmem>>, vector<16xi32>,
    %add3A_2011 = arith.constant 9856000 : i32
    %add3A_2012 = vector.broadcast %add3A_2011 : i32 to vector<16xi32>
    %add3A_2013 = arith.addi %add3A_1912, %add3A_2012 : vector<16xi32>
    %swap3A_2014 = arith.constant 224 : index
    %swap3A_2015 = tpu.vector_load %arg13[%swap3A_2014] {strides = array<i32>} : memref<1024xi32, #tpu.memory_space<vmem>>, vector<16xi32>,
    %swap3A_2016 = vector.shape_cast %swap3A_2015 : vector<16xi32> to vector<16xi32>
    %swap3A_2017 = vector.shape_cast %add3A_2013 : vector<16xi32> to vector<16xi32>
    tpu.vector_store %arg13[%swap3A_2014], %swap3A_2017 {strides = array<i32>} : memref<1024xi32, #tpu.memory_space<vmem>>, vector<16xi32>,
    %add3A_2018 = arith.constant 10560000 : i32
    %add3A_2019 = vector.broadcast %add3A_2018 : i32 to vector<16xi32>
    %add3A_2020 = arith.addi %add3A_1912, %add3A_2019 : vector<16xi32>
    %swap3A_2021 = arith.constant 240 : index
    %swap3A_2022 = tpu.vector_load %arg13[%swap3A_2021] {strides = array<i32>} : memref<1024xi32, #tpu.memory_space<vmem>>, vector<16xi32>,
    %swap3A_2023 = vector.shape_cast %swap3A_2022 : vector<16xi32> to vector<16xi32>
    %swap3A_2024 = vector.shape_cast %add3A_2020 : vector<16xi32> to vector<16xi32>
    tpu.vector_store %arg13[%swap3A_2021], %swap3A_2024 {strides = array<i32>} : memref<1024xi32, #tpu.memory_space<vmem>>, vector<16xi32>,
    %add3A_2025 = arith.constant 11264000 : i32
    %add3A_2026 = vector.broadcast %add3A_2025 : i32 to vector<16xi32>
    %add3A_2027 = arith.addi %add3A_1912, %add3A_2026 : vector<16xi32>
    %swap3A_2028 = arith.constant 256 : index
    %swap3A_2029 = tpu.vector_load %arg13[%swap3A_2028] {strides = array<i32>} : memref<1024xi32, #tpu.memory_space<vmem>>, vector<16xi32>,
    %swap3A_2030 = vector.shape_cast %swap3A_2029 : vector<16xi32> to vector<16xi32>
    %swap3A_2031 = vector.shape_cast %add3A_2027 : vector<16xi32> to vector<16xi32>
    tpu.vector_store %arg13[%swap3A_2028], %swap3A_2031 {strides = array<i32>} : memref<1024xi32, #tpu.memory_space<vmem>>, vector<16xi32>,
    %add3A_2032 = arith.constant 11968000 : i32
    %add3A_2033 = vector.broadcast %add3A_2032 : i32 to vector<16xi32>
    %add3A_2034 = arith.addi %add3A_1912, %add3A_2033 : vector<16xi32>
    %swap3A_2035 = arith.constant 272 : index
    %swap3A_2036 = tpu.vector_load %arg13[%swap3A_2035] {strides = array<i32>} : memref<1024xi32, #tpu.memory_space<vmem>>, vector<16xi32>,
    %swap3A_2037 = vector.shape_cast %swap3A_2036 : vector<16xi32> to vector<16xi32>
    %swap3A_2038 = vector.shape_cast %add3A_2034 : vector<16xi32> to vector<16xi32>
    tpu.vector_store %arg13[%swap3A_2035], %swap3A_2038 {strides = array<i32>} : memref<1024xi32, #tpu.memory_space<vmem>>, vector<16xi32>,
    %add3A_2039 = arith.constant 12672000 : i32
    %add3A_2040 = vector.broadcast %add3A_2039 : i32 to vector<16xi32>
    %add3A_2041 = arith.addi %add3A_1912, %add3A_2040 : vector<16xi32>
    %swap3A_2042 = arith.constant 288 : index
    %swap3A_2043 = tpu.vector_load %arg13[%swap3A_2042] {strides = array<i32>} : memref<1024xi32, #tpu.memory_space<vmem>>, vector<16xi32>,
    %swap3A_2044 = vector.shape_cast %swap3A_2043 : vector<16xi32> to vector<16xi32>
    %swap3A_2045 = vector.shape_cast %add3A_2041 : vector<16xi32> to vector<16xi32>
    tpu.vector_store %arg13[%swap3A_2042], %swap3A_2045 {strides = array<i32>} : memref<1024xi32, #tpu.memory_space<vmem>>, vector<16xi32>,
    %add3A_2046 = arith.constant 13376000 : i32
    %add3A_2047 = vector.broadcast %add3A_2046 : i32 to vector<16xi32>
    %add3A_2048 = arith.addi %add3A_1912, %add3A_2047 : vector<16xi32>
    %swap3A_2049 = arith.constant 304 : index
    %swap3A_2050 = tpu.vector_load %arg13[%swap3A_2049] {strides = array<i32>} : memref<1024xi32, #tpu.memory_space<vmem>>, vector<16xi32>,
    %swap3A_2051 = vector.shape_cast %swap3A_2050 : vector<16xi32> to vector<16xi32>
    %swap3A_2052 = vector.shape_cast %add3A_2048 : vector<16xi32> to vector<16xi32>
    tpu.vector_store %arg13[%swap3A_2049], %swap3A_2052 {strides = array<i32>} : memref<1024xi32, #tpu.memory_space<vmem>>, vector<16xi32>,
    %add3A_2053 = arith.constant 14080000 : i32
    %add3A_2054 = vector.broadcast %add3A_2053 : i32 to vector<16xi32>
    %add3A_2055 = arith.addi %add3A_1912, %add3A_2054 : vector<16xi32>
    %swap3A_2056 = arith.constant 320 : index
    %swap3A_2057 = tpu.vector_load %arg13[%swap3A_2056] {strides = array<i32>} : memref<1024xi32, #tpu.memory_space<vmem>>, vector<16xi32>,
    %swap3A_2058 = vector.shape_cast %swap3A_2057 : vector<16xi32> to vector<16xi32>
    %swap3A_2059 = vector.shape_cast %add3A_2055 : vector<16xi32> to vector<16xi32>
    tpu.vector_store %arg13[%swap3A_2056], %swap3A_2059 {strides = array<i32>} : memref<1024xi32, #tpu.memory_space<vmem>>, vector<16xi32>,
    %add3A_2060 = arith.constant 14784000 : i32
    %add3A_2061 = vector.broadcast %add3A_2060 : i32 to vector<16xi32>
    %add3A_2062 = arith.addi %add3A_1912, %add3A_2061 : vector<16xi32>
    %swap3A_2063 = arith.constant 336 : index
    %swap3A_2064 = tpu.vector_load %arg13[%swap3A_2063] {strides = array<i32>} : memref<1024xi32, #tpu.memory_space<vmem>>, vector<16xi32>,
    %swap3A_2065 = vector.shape_cast %swap3A_2064 : vector<16xi32> to vector<16xi32>
    %swap3A_2066 = vector.shape_cast %add3A_2062 : vector<16xi32> to vector<16xi32>
    tpu.vector_store %arg13[%swap3A_2063], %swap3A_2066 {strides = array<i32>} : memref<1024xi32, #tpu.memory_space<vmem>>, vector<16xi32>,
    %add3A_2067 = arith.constant 15488000 : i32
    %add3A_2068 = vector.broadcast %add3A_2067 : i32 to vector<16xi32>
    %add3A_2069 = arith.addi %add3A_1912, %add3A_2068 : vector<16xi32>
    %swap3A_2070 = arith.constant 352 : index
    %swap3A_2071 = tpu.vector_load %arg13[%swap3A_2070] {strides = array<i32>} : memref<1024xi32, #tpu.memory_space<vmem>>, vector<16xi32>,
    %swap3A_2072 = vector.shape_cast %swap3A_2071 : vector<16xi32> to vector<16xi32>
    %swap3A_2073 = vector.shape_cast %add3A_2069 : vector<16xi32> to vector<16xi32>
    tpu.vector_store %arg13[%swap3A_2070], %swap3A_2073 {strides = array<i32>} : memref<1024xi32, #tpu.memory_space<vmem>>, vector<16xi32>,
    %add3A_2074 = arith.constant 16192000 : i32
    %add3A_2075 = vector.broadcast %add3A_2074 : i32 to vector<16xi32>
    %add3A_2076 = arith.addi %add3A_1912, %add3A_2075 : vector<16xi32>
    %swap3A_2077 = arith.constant 368 : index
    %swap3A_2078 = tpu.vector_load %arg13[%swap3A_2077] {strides = array<i32>} : memref<1024xi32, #tpu.memory_space<vmem>>, vector<16xi32>,
    %swap3A_2079 = vector.shape_cast %swap3A_2078 : vector<16xi32> to vector<16xi32>
    %swap3A_2080 = vector.shape_cast %add3A_2076 : vector<16xi32> to vector<16xi32>
    tpu.vector_store %arg13[%swap3A_2077], %swap3A_2080 {strides = array<i32>} : memref<1024xi32, #tpu.memory_space<vmem>>, vector<16xi32>,
    %add3A_2081 = arith.constant 16896000 : i32
    %add3A_2082 = vector.broadcast %add3A_2081 : i32 to vector<16xi32>
    %add3A_2083 = arith.addi %add3A_1912, %add3A_2082 : vector<16xi32>
    %swap3A_2084 = arith.constant 384 : index
    %swap3A_2085 = tpu.vector_load %arg13[%swap3A_2084] {strides = array<i32>} : memref<1024xi32, #tpu.memory_space<vmem>>, vector<16xi32>,
    %swap3A_2086 = vector.shape_cast %swap3A_2085 : vector<16xi32> to vector<16xi32>
    %swap3A_2087 = vector.shape_cast %add3A_2083 : vector<16xi32> to vector<16xi32>
    tpu.vector_store %arg13[%swap3A_2084], %swap3A_2087 {strides = array<i32>} : memref<1024xi32, #tpu.memory_space<vmem>>, vector<16xi32>,
    %add3A_2088 = arith.constant 17600000 : i32
    %add3A_2089 = vector.broadcast %add3A_2088 : i32 to vector<16xi32>
    %add3A_2090 = arith.addi %add3A_1912, %add3A_2089 : vector<16xi32>
    %swap3A_2091 = arith.constant 400 : index
    %swap3A_2092 = tpu.vector_load %arg13[%swap3A_2091] {strides = array<i32>} : memref<1024xi32, #tpu.memory_space<vmem>>, vector<16xi32>,
    %swap3A_2093 = vector.shape_cast %swap3A_2092 : vector<16xi32> to vector<16xi32>
    %swap3A_2094 = vector.shape_cast %add3A_2090 : vector<16xi32> to vector<16xi32>
    tpu.vector_store %arg13[%swap3A_2091], %swap3A_2094 {strides = array<i32>} : memref<1024xi32, #tpu.memory_space<vmem>>, vector<16xi32>,
    %add3A_2095 = arith.constant 18304000 : i32
    %add3A_2096 = vector.broadcast %add3A_2095 : i32 to vector<16xi32>
    %add3A_2097 = arith.addi %add3A_1912, %add3A_2096 : vector<16xi32>
    %swap3A_2098 = arith.constant 416 : index
    %swap3A_2099 = tpu.vector_load %arg13[%swap3A_2098] {strides = array<i32>} : memref<1024xi32, #tpu.memory_space<vmem>>, vector<16xi32>,
    %swap3A_2100 = vector.shape_cast %swap3A_2099 : vector<16xi32> to vector<16xi32>
    %swap3A_2101 = vector.shape_cast %add3A_2097 : vector<16xi32> to vector<16xi32>
    tpu.vector_store %arg13[%swap3A_2098], %swap3A_2101 {strides = array<i32>} : memref<1024xi32, #tpu.memory_space<vmem>>, vector<16xi32>,
    %add3A_2102 = arith.constant 19008000 : i32
    %add3A_2103 = vector.broadcast %add3A_2102 : i32 to vector<16xi32>
    %add3A_2104 = arith.addi %add3A_1912, %add3A_2103 : vector<16xi32>
    %swap3A_2105 = arith.constant 432 : index
    %swap3A_2106 = tpu.vector_load %arg13[%swap3A_2105] {strides = array<i32>} : memref<1024xi32, #tpu.memory_space<vmem>>, vector<16xi32>,
    %swap3A_2107 = vector.shape_cast %swap3A_2106 : vector<16xi32> to vector<16xi32>
    %swap3A_2108 = vector.shape_cast %add3A_2104 : vector<16xi32> to vector<16xi32>
    tpu.vector_store %arg13[%swap3A_2105], %swap3A_2108 {strides = array<i32>} : memref<1024xi32, #tpu.memory_space<vmem>>, vector<16xi32>,
    %add3A_2109 = arith.constant 19712000 : i32
    %add3A_2110 = vector.broadcast %add3A_2109 : i32 to vector<16xi32>
    %add3A_2111 = arith.addi %add3A_1912, %add3A_2110 : vector<16xi32>
    %swap3A_2112 = arith.constant 448 : index
    %swap3A_2113 = tpu.vector_load %arg13[%swap3A_2112] {strides = array<i32>} : memref<1024xi32, #tpu.memory_space<vmem>>, vector<16xi32>,
    %swap3A_2114 = vector.shape_cast %swap3A_2113 : vector<16xi32> to vector<16xi32>
    %swap3A_2115 = vector.shape_cast %add3A_2111 : vector<16xi32> to vector<16xi32>
    tpu.vector_store %arg13[%swap3A_2112], %swap3A_2115 {strides = array<i32>} : memref<1024xi32, #tpu.memory_space<vmem>>, vector<16xi32>,
    %add3A_2116 = arith.constant 20416000 : i32
    %add3A_2117 = vector.broadcast %add3A_2116 : i32 to vector<16xi32>
    %add3A_2118 = arith.addi %add3A_1912, %add3A_2117 : vector<16xi32>
    %swap3A_2119 = arith.constant 464 : index
    %swap3A_2120 = tpu.vector_load %arg13[%swap3A_2119] {strides = array<i32>} : memref<1024xi32, #tpu.memory_space<vmem>>, vector<16xi32>,
    %swap3A_2121 = vector.shape_cast %swap3A_2120 : vector<16xi32> to vector<16xi32>
    %swap3A_2122 = vector.shape_cast %add3A_2118 : vector<16xi32> to vector<16xi32>
    tpu.vector_store %arg13[%swap3A_2119], %swap3A_2122 {strides = array<i32>} : memref<1024xi32, #tpu.memory_space<vmem>>, vector<16xi32>,
    %add3A_2123 = arith.constant 21120000 : i32
    %add3A_2124 = vector.broadcast %add3A_2123 : i32 to vector<16xi32>
    %add3A_2125 = arith.addi %add3A_1912, %add3A_2124 : vector<16xi32>
    %swap3A_2126 = arith.constant 480 : index
    %swap3A_2127 = tpu.vector_load %arg13[%swap3A_2126] {strides = array<i32>} : memref<1024xi32, #tpu.memory_space<vmem>>, vector<16xi32>,
    %swap3A_2128 = vector.shape_cast %swap3A_2127 : vector<16xi32> to vector<16xi32>
    %swap3A_2129 = vector.shape_cast %add3A_2125 : vector<16xi32> to vector<16xi32>
    tpu.vector_store %arg13[%swap3A_2126], %swap3A_2129 {strides = array<i32>} : memref<1024xi32, #tpu.memory_space<vmem>>, vector<16xi32>,
    %add3A_2130 = arith.constant 21824000 : i32
    %add3A_2131 = vector.broadcast %add3A_2130 : i32 to vector<16xi32>
    %add3A_2132 = arith.addi %add3A_1912, %add3A_2131 : vector<16xi32>
    %swap3A_2133 = arith.constant 496 : index
    %swap3A_2134 = tpu.vector_load %arg13[%swap3A_2133] {strides = array<i32>} : memref<1024xi32, #tpu.memory_space<vmem>>, vector<16xi32>,
    %swap3A_2135 = vector.shape_cast %swap3A_2134 : vector<16xi32> to vector<16xi32>
    %swap3A_2136 = vector.shape_cast %add3A_2132 : vector<16xi32> to vector<16xi32>
    tpu.vector_store %arg13[%swap3A_2133], %swap3A_2136 {strides = array<i32>} : memref<1024xi32, #tpu.memory_space<vmem>>, vector<16xi32>,
    %add3A_2137 = arith.constant 22528000 : i32
    %add3A_2138 = vector.broadcast %add3A_2137 : i32 to vector<16xi32>
    %add3A_2139 = arith.addi %add3A_1912, %add3A_2138 : vector<16xi32>
    %swap3A_2140 = arith.constant 512 : index
    %swap3A_2141 = tpu.vector_load %arg13[%swap3A_2140] {strides = array<i32>} : memref<1024xi32, #tpu.memory_space<vmem>>, vector<16xi32>,
    %swap3A_2142 = vector.shape_cast %swap3A_2141 : vector<16xi32> to vector<16xi32>
    %swap3A_2143 = vector.shape_cast %add3A_2139 : vector<16xi32> to vector<16xi32>
    tpu.vector_store %arg13[%swap3A_2140], %swap3A_2143 {strides = array<i32>} : memref<1024xi32, #tpu.memory_space<vmem>>, vector<16xi32>,
    %add3A_2144 = arith.constant 23232000 : i32
    %add3A_2145 = vector.broadcast %add3A_2144 : i32 to vector<16xi32>
    %add3A_2146 = arith.addi %add3A_1912, %add3A_2145 : vector<16xi32>
    %swap3A_2147 = arith.constant 528 : index
    %swap3A_2148 = tpu.vector_load %arg13[%swap3A_2147] {strides = array<i32>} : memref<1024xi32, #tpu.memory_space<vmem>>, vector<16xi32>,
    %swap3A_2149 = vector.shape_cast %swap3A_2148 : vector<16xi32> to vector<16xi32>
    %swap3A_2150 = vector.shape_cast %add3A_2146 : vector<16xi32> to vector<16xi32>
    tpu.vector_store %arg13[%swap3A_2147], %swap3A_2150 {strides = array<i32>} : memref<1024xi32, #tpu.memory_space<vmem>>, vector<16xi32>,
    %add3A_2151 = arith.constant 23936000 : i32
    %add3A_2152 = vector.broadcast %add3A_2151 : i32 to vector<16xi32>
    %add3A_2153 = arith.addi %add3A_1912, %add3A_2152 : vector<16xi32>
    %swap3A_2154 = arith.constant 544 : index
    %swap3A_2155 = tpu.vector_load %arg13[%swap3A_2154] {strides = array<i32>} : memref<1024xi32, #tpu.memory_space<vmem>>, vector<16xi32>,
    %swap3A_2156 = vector.shape_cast %swap3A_2155 : vector<16xi32> to vector<16xi32>
    %swap3A_2157 = vector.shape_cast %add3A_2153 : vector<16xi32> to vector<16xi32>
    tpu.vector_store %arg13[%swap3A_2154], %swap3A_2157 {strides = array<i32>} : memref<1024xi32, #tpu.memory_space<vmem>>, vector<16xi32>,
    %add3A_2158 = arith.constant 24640000 : i32
    %add3A_2159 = vector.broadcast %add3A_2158 : i32 to vector<16xi32>
    %add3A_2160 = arith.addi %add3A_1912, %add3A_2159 : vector<16xi32>
    %swap3A_2161 = arith.constant 560 : index
    %swap3A_2162 = tpu.vector_load %arg13[%swap3A_2161] {strides = array<i32>} : memref<1024xi32, #tpu.memory_space<vmem>>, vector<16xi32>,
    %swap3A_2163 = vector.shape_cast %swap3A_2162 : vector<16xi32> to vector<16xi32>
    %swap3A_2164 = vector.shape_cast %add3A_2160 : vector<16xi32> to vector<16xi32>
    tpu.vector_store %arg13[%swap3A_2161], %swap3A_2164 {strides = array<i32>} : memref<1024xi32, #tpu.memory_space<vmem>>, vector<16xi32>,
    %add3A_2165 = arith.constant 25344000 : i32
    %add3A_2166 = vector.broadcast %add3A_2165 : i32 to vector<16xi32>
    %add3A_2167 = arith.addi %add3A_1912, %add3A_2166 : vector<16xi32>
    %swap3A_2168 = arith.constant 576 : index
    %swap3A_2169 = tpu.vector_load %arg13[%swap3A_2168] {strides = array<i32>} : memref<1024xi32, #tpu.memory_space<vmem>>, vector<16xi32>,
    %swap3A_2170 = vector.shape_cast %swap3A_2169 : vector<16xi32> to vector<16xi32>
    %swap3A_2171 = vector.shape_cast %add3A_2167 : vector<16xi32> to vector<16xi32>
    tpu.vector_store %arg13[%swap3A_2168], %swap3A_2171 {strides = array<i32>} : memref<1024xi32, #tpu.memory_space<vmem>>, vector<16xi32>,
    %add3A_2172 = arith.constant 26048000 : i32
    %add3A_2173 = vector.broadcast %add3A_2172 : i32 to vector<16xi32>
    %add3A_2174 = arith.addi %add3A_1912, %add3A_2173 : vector<16xi32>
    %swap3A_2175 = arith.constant 592 : index
    %swap3A_2176 = tpu.vector_load %arg13[%swap3A_2175] {strides = array<i32>} : memref<1024xi32, #tpu.memory_space<vmem>>, vector<16xi32>,
    %swap3A_2177 = vector.shape_cast %swap3A_2176 : vector<16xi32> to vector<16xi32>
    %swap3A_2178 = vector.shape_cast %add3A_2174 : vector<16xi32> to vector<16xi32>
    tpu.vector_store %arg13[%swap3A_2175], %swap3A_2178 {strides = array<i32>} : memref<1024xi32, #tpu.memory_space<vmem>>, vector<16xi32>,
    %add3A_2179 = arith.constant 26752000 : i32
    %add3A_2180 = vector.broadcast %add3A_2179 : i32 to vector<16xi32>
    %add3A_2181 = arith.addi %add3A_1912, %add3A_2180 : vector<16xi32>
    %swap3A_2182 = arith.constant 608 : index
    %swap3A_2183 = tpu.vector_load %arg13[%swap3A_2182] {strides = array<i32>} : memref<1024xi32, #tpu.memory_space<vmem>>, vector<16xi32>,
    %swap3A_2184 = vector.shape_cast %swap3A_2183 : vector<16xi32> to vector<16xi32>
    %swap3A_2185 = vector.shape_cast %add3A_2181 : vector<16xi32> to vector<16xi32>
    tpu.vector_store %arg13[%swap3A_2182], %swap3A_2185 {strides = array<i32>} : memref<1024xi32, #tpu.memory_space<vmem>>, vector<16xi32>,
    %add3A_2186 = arith.constant 27456000 : i32
    %add3A_2187 = vector.broadcast %add3A_2186 : i32 to vector<16xi32>
    %add3A_2188 = arith.addi %add3A_1912, %add3A_2187 : vector<16xi32>
    %swap3A_2189 = arith.constant 624 : index
    %swap3A_2190 = tpu.vector_load %arg13[%swap3A_2189] {strides = array<i32>} : memref<1024xi32, #tpu.memory_space<vmem>>, vector<16xi32>,
    %swap3A_2191 = vector.shape_cast %swap3A_2190 : vector<16xi32> to vector<16xi32>
    %swap3A_2192 = vector.shape_cast %add3A_2188 : vector<16xi32> to vector<16xi32>
    tpu.vector_store %arg13[%swap3A_2189], %swap3A_2192 {strides = array<i32>} : memref<1024xi32, #tpu.memory_space<vmem>>, vector<16xi32>,
    %add3A_2193 = arith.constant 28160000 : i32
    %add3A_2194 = vector.broadcast %add3A_2193 : i32 to vector<16xi32>
    %add3A_2195 = arith.addi %add3A_1912, %add3A_2194 : vector<16xi32>
    %swap3A_2196 = arith.constant 640 : index
    %swap3A_2197 = tpu.vector_load %arg13[%swap3A_2196] {strides = array<i32>} : memref<1024xi32, #tpu.memory_space<vmem>>, vector<16xi32>,
    %swap3A_2198 = vector.shape_cast %swap3A_2197 : vector<16xi32> to vector<16xi32>
    %swap3A_2199 = vector.shape_cast %add3A_2195 : vector<16xi32> to vector<16xi32>
    tpu.vector_store %arg13[%swap3A_2196], %swap3A_2199 {strides = array<i32>} : memref<1024xi32, #tpu.memory_space<vmem>>, vector<16xi32>,
    %add3A_2200 = arith.constant 28864000 : i32
    %add3A_2201 = vector.broadcast %add3A_2200 : i32 to vector<16xi32>
    %add3A_2202 = arith.addi %add3A_1912, %add3A_2201 : vector<16xi32>
    %swap3A_2203 = arith.constant 656 : index
    %swap3A_2204 = tpu.vector_load %arg13[%swap3A_2203] {strides = array<i32>} : memref<1024xi32, #tpu.memory_space<vmem>>, vector<16xi32>,
    %swap3A_2205 = vector.shape_cast %swap3A_2204 : vector<16xi32> to vector<16xi32>
    %swap3A_2206 = vector.shape_cast %add3A_2202 : vector<16xi32> to vector<16xi32>
    tpu.vector_store %arg13[%swap3A_2203], %swap3A_2206 {strides = array<i32>} : memref<1024xi32, #tpu.memory_space<vmem>>, vector<16xi32>,
    %add3A_2207 = arith.constant 29568000 : i32
    %add3A_2208 = vector.broadcast %add3A_2207 : i32 to vector<16xi32>
    %add3A_2209 = arith.addi %add3A_1912, %add3A_2208 : vector<16xi32>
    %swap3A_2210 = arith.constant 672 : index
    %swap3A_2211 = tpu.vector_load %arg13[%swap3A_2210] {strides = array<i32>} : memref<1024xi32, #tpu.memory_space<vmem>>, vector<16xi32>,
    %swap3A_2212 = vector.shape_cast %swap3A_2211 : vector<16xi32> to vector<16xi32>
    %swap3A_2213 = vector.shape_cast %add3A_2209 : vector<16xi32> to vector<16xi32>
    tpu.vector_store %arg13[%swap3A_2210], %swap3A_2213 {strides = array<i32>} : memref<1024xi32, #tpu.memory_space<vmem>>, vector<16xi32>,
    %add3A_2214 = arith.constant 30272000 : i32
    %add3A_2215 = vector.broadcast %add3A_2214 : i32 to vector<16xi32>
    %add3A_2216 = arith.addi %add3A_1912, %add3A_2215 : vector<16xi32>
    %swap3A_2217 = arith.constant 688 : index
    %swap3A_2218 = tpu.vector_load %arg13[%swap3A_2217] {strides = array<i32>} : memref<1024xi32, #tpu.memory_space<vmem>>, vector<16xi32>,
    %swap3A_2219 = vector.shape_cast %swap3A_2218 : vector<16xi32> to vector<16xi32>
    %swap3A_2220 = vector.shape_cast %add3A_2216 : vector<16xi32> to vector<16xi32>
    tpu.vector_store %arg13[%swap3A_2217], %swap3A_2220 {strides = array<i32>} : memref<1024xi32, #tpu.memory_space<vmem>>, vector<16xi32>,
    %add3A_2221 = arith.constant 30976000 : i32
    %add3A_2222 = vector.broadcast %add3A_2221 : i32 to vector<16xi32>
    %add3A_2223 = arith.addi %add3A_1912, %add3A_2222 : vector<16xi32>
    %swap3A_2224 = arith.constant 704 : index
    %swap3A_2225 = tpu.vector_load %arg13[%swap3A_2224] {strides = array<i32>} : memref<1024xi32, #tpu.memory_space<vmem>>, vector<16xi32>,
    %swap3A_2226 = vector.shape_cast %swap3A_2225 : vector<16xi32> to vector<16xi32>
    %swap3A_2227 = vector.shape_cast %add3A_2223 : vector<16xi32> to vector<16xi32>
    tpu.vector_store %arg13[%swap3A_2224], %swap3A_2227 {strides = array<i32>} : memref<1024xi32, #tpu.memory_space<vmem>>, vector<16xi32>,
    %add3A_2228 = arith.constant 31680000 : i32
    %add3A_2229 = vector.broadcast %add3A_2228 : i32 to vector<16xi32>
    %add3A_2230 = arith.addi %add3A_1912, %add3A_2229 : vector<16xi32>
    %swap3A_2231 = arith.constant 720 : index
    %swap3A_2232 = tpu.vector_load %arg13[%swap3A_2231] {strides = array<i32>} : memref<1024xi32, #tpu.memory_space<vmem>>, vector<16xi32>,
    %swap3A_2233 = vector.shape_cast %swap3A_2232 : vector<16xi32> to vector<16xi32>
    %swap3A_2234 = vector.shape_cast %add3A_2230 : vector<16xi32> to vector<16xi32>
    tpu.vector_store %arg13[%swap3A_2231], %swap3A_2234 {strides = array<i32>} : memref<1024xi32, #tpu.memory_space<vmem>>, vector<16xi32>,
    %add3A_2235 = arith.constant 32384000 : i32
    %add3A_2236 = vector.broadcast %add3A_2235 : i32 to vector<16xi32>
    %add3A_2237 = arith.addi %add3A_1912, %add3A_2236 : vector<16xi32>
    %swap3A_2238 = arith.constant 736 : index
    %swap3A_2239 = tpu.vector_load %arg13[%swap3A_2238] {strides = array<i32>} : memref<1024xi32, #tpu.memory_space<vmem>>, vector<16xi32>,
    %swap3A_2240 = vector.shape_cast %swap3A_2239 : vector<16xi32> to vector<16xi32>
    %swap3A_2241 = vector.shape_cast %add3A_2237 : vector<16xi32> to vector<16xi32>
    tpu.vector_store %arg13[%swap3A_2238], %swap3A_2241 {strides = array<i32>} : memref<1024xi32, #tpu.memory_space<vmem>>, vector<16xi32>,
    %add3A_2242 = arith.constant 33088000 : i32
    %add3A_2243 = vector.broadcast %add3A_2242 : i32 to vector<16xi32>
    %add3A_2244 = arith.addi %add3A_1912, %add3A_2243 : vector<16xi32>
    %swap3A_2245 = arith.constant 752 : index
    %swap3A_2246 = tpu.vector_load %arg13[%swap3A_2245] {strides = array<i32>} : memref<1024xi32, #tpu.memory_space<vmem>>, vector<16xi32>,
    %swap3A_2247 = vector.shape_cast %swap3A_2246 : vector<16xi32> to vector<16xi32>
    %swap3A_2248 = vector.shape_cast %add3A_2244 : vector<16xi32> to vector<16xi32>
    tpu.vector_store %arg13[%swap3A_2245], %swap3A_2248 {strides = array<i32>} : memref<1024xi32, #tpu.memory_space<vmem>>, vector<16xi32>,
    %add3A_2249 = arith.constant 33792000 : i32
    %add3A_2250 = vector.broadcast %add3A_2249 : i32 to vector<16xi32>
    %add3A_2251 = arith.addi %add3A_1912, %add3A_2250 : vector<16xi32>
    %swap3A_2252 = arith.constant 768 : index
    %swap3A_2253 = tpu.vector_load %arg13[%swap3A_2252] {strides = array<i32>} : memref<1024xi32, #tpu.memory_space<vmem>>, vector<16xi32>,
    %swap3A_2254 = vector.shape_cast %swap3A_2253 : vector<16xi32> to vector<16xi32>
    %swap3A_2255 = vector.shape_cast %add3A_2251 : vector<16xi32> to vector<16xi32>
    tpu.vector_store %arg13[%swap3A_2252], %swap3A_2255 {strides = array<i32>} : memref<1024xi32, #tpu.memory_space<vmem>>, vector<16xi32>,
    %add3A_2256 = arith.constant 34496000 : i32
    %add3A_2257 = vector.broadcast %add3A_2256 : i32 to vector<16xi32>
    %add3A_2258 = arith.addi %add3A_1912, %add3A_2257 : vector<16xi32>
    %swap3A_2259 = arith.constant 784 : index
    %swap3A_2260 = tpu.vector_load %arg13[%swap3A_2259] {strides = array<i32>} : memref<1024xi32, #tpu.memory_space<vmem>>, vector<16xi32>,
    %swap3A_2261 = vector.shape_cast %swap3A_2260 : vector<16xi32> to vector<16xi32>
    %swap3A_2262 = vector.shape_cast %add3A_2258 : vector<16xi32> to vector<16xi32>
    tpu.vector_store %arg13[%swap3A_2259], %swap3A_2262 {strides = array<i32>} : memref<1024xi32, #tpu.memory_space<vmem>>, vector<16xi32>,
    %add3A_2263 = arith.constant 35200000 : i32
    %add3A_2264 = vector.broadcast %add3A_2263 : i32 to vector<16xi32>
    %add3A_2265 = arith.addi %add3A_1912, %add3A_2264 : vector<16xi32>
    %swap3A_2266 = arith.constant 800 : index
    %swap3A_2267 = tpu.vector_load %arg13[%swap3A_2266] {strides = array<i32>} : memref<1024xi32, #tpu.memory_space<vmem>>, vector<16xi32>,
    %swap3A_2268 = vector.shape_cast %swap3A_2267 : vector<16xi32> to vector<16xi32>
    %swap3A_2269 = vector.shape_cast %add3A_2265 : vector<16xi32> to vector<16xi32>
    tpu.vector_store %arg13[%swap3A_2266], %swap3A_2269 {strides = array<i32>} : memref<1024xi32, #tpu.memory_space<vmem>>, vector<16xi32>,
    %add3A_2270 = arith.constant 35904000 : i32
    %add3A_2271 = vector.broadcast %add3A_2270 : i32 to vector<16xi32>
    %add3A_2272 = arith.addi %add3A_1912, %add3A_2271 : vector<16xi32>
    %swap3A_2273 = arith.constant 816 : index
    %swap3A_2274 = tpu.vector_load %arg13[%swap3A_2273] {strides = array<i32>} : memref<1024xi32, #tpu.memory_space<vmem>>, vector<16xi32>,
    %swap3A_2275 = vector.shape_cast %swap3A_2274 : vector<16xi32> to vector<16xi32>
    %swap3A_2276 = vector.shape_cast %add3A_2272 : vector<16xi32> to vector<16xi32>
    tpu.vector_store %arg13[%swap3A_2273], %swap3A_2276 {strides = array<i32>} : memref<1024xi32, #tpu.memory_space<vmem>>, vector<16xi32>,
    %add3A_2277 = arith.constant 36608000 : i32
    %add3A_2278 = vector.broadcast %add3A_2277 : i32 to vector<16xi32>
    %add3A_2279 = arith.addi %add3A_1912, %add3A_2278 : vector<16xi32>
    %swap3A_2280 = arith.constant 832 : index
    %swap3A_2281 = tpu.vector_load %arg13[%swap3A_2280] {strides = array<i32>} : memref<1024xi32, #tpu.memory_space<vmem>>, vector<16xi32>,
    %swap3A_2282 = vector.shape_cast %swap3A_2281 : vector<16xi32> to vector<16xi32>
    %swap3A_2283 = vector.shape_cast %add3A_2279 : vector<16xi32> to vector<16xi32>
    tpu.vector_store %arg13[%swap3A_2280], %swap3A_2283 {strides = array<i32>} : memref<1024xi32, #tpu.memory_space<vmem>>, vector<16xi32>,
    %add3A_2284 = arith.constant 37312000 : i32
    %add3A_2285 = vector.broadcast %add3A_2284 : i32 to vector<16xi32>
    %add3A_2286 = arith.addi %add3A_1912, %add3A_2285 : vector<16xi32>
    %swap3A_2287 = arith.constant 848 : index
    %swap3A_2288 = tpu.vector_load %arg13[%swap3A_2287] {strides = array<i32>} : memref<1024xi32, #tpu.memory_space<vmem>>, vector<16xi32>,
    %swap3A_2289 = vector.shape_cast %swap3A_2288 : vector<16xi32> to vector<16xi32>
    %swap3A_2290 = vector.shape_cast %add3A_2286 : vector<16xi32> to vector<16xi32>
    tpu.vector_store %arg13[%swap3A_2287], %swap3A_2290 {strides = array<i32>} : memref<1024xi32, #tpu.memory_space<vmem>>, vector<16xi32>,
    %add3A_2291 = arith.constant 38016000 : i32
    %add3A_2292 = vector.broadcast %add3A_2291 : i32 to vector<16xi32>
    %add3A_2293 = arith.addi %add3A_1912, %add3A_2292 : vector<16xi32>
    %swap3A_2294 = arith.constant 864 : index
    %swap3A_2295 = tpu.vector_load %arg13[%swap3A_2294] {strides = array<i32>} : memref<1024xi32, #tpu.memory_space<vmem>>, vector<16xi32>,
    %swap3A_2296 = vector.shape_cast %swap3A_2295 : vector<16xi32> to vector<16xi32>
    %swap3A_2297 = vector.shape_cast %add3A_2293 : vector<16xi32> to vector<16xi32>
    tpu.vector_store %arg13[%swap3A_2294], %swap3A_2297 {strides = array<i32>} : memref<1024xi32, #tpu.memory_space<vmem>>, vector<16xi32>,
    %add3A_2298 = arith.constant 38720000 : i32
    %add3A_2299 = vector.broadcast %add3A_2298 : i32 to vector<16xi32>
    %add3A_2300 = arith.addi %add3A_1912, %add3A_2299 : vector<16xi32>
    %swap3A_2301 = arith.constant 880 : index
    %swap3A_2302 = tpu.vector_load %arg13[%swap3A_2301] {strides = array<i32>} : memref<1024xi32, #tpu.memory_space<vmem>>, vector<16xi32>,
    %swap3A_2303 = vector.shape_cast %swap3A_2302 : vector<16xi32> to vector<16xi32>
    %swap3A_2304 = vector.shape_cast %add3A_2300 : vector<16xi32> to vector<16xi32>
    tpu.vector_store %arg13[%swap3A_2301], %swap3A_2304 {strides = array<i32>} : memref<1024xi32, #tpu.memory_space<vmem>>, vector<16xi32>,
    %add3A_2305 = arith.constant 39424000 : i32
    %add3A_2306 = vector.broadcast %add3A_2305 : i32 to vector<16xi32>
    %add3A_2307 = arith.addi %add3A_1912, %add3A_2306 : vector<16xi32>
    %swap3A_2308 = arith.constant 896 : index
    %swap3A_2309 = tpu.vector_load %arg13[%swap3A_2308] {strides = array<i32>} : memref<1024xi32, #tpu.memory_space<vmem>>, vector<16xi32>,
    %swap3A_2310 = vector.shape_cast %swap3A_2309 : vector<16xi32> to vector<16xi32>
    %swap3A_2311 = vector.shape_cast %add3A_2307 : vector<16xi32> to vector<16xi32>
    tpu.vector_store %arg13[%swap3A_2308], %swap3A_2311 {strides = array<i32>} : memref<1024xi32, #tpu.memory_space<vmem>>, vector<16xi32>,
    %add3A_2312 = arith.constant 40128000 : i32
    %add3A_2313 = vector.broadcast %add3A_2312 : i32 to vector<16xi32>
    %add3A_2314 = arith.addi %add3A_1912, %add3A_2313 : vector<16xi32>
    %swap3A_2315 = arith.constant 912 : index
    %swap3A_2316 = tpu.vector_load %arg13[%swap3A_2315] {strides = array<i32>} : memref<1024xi32, #tpu.memory_space<vmem>>, vector<16xi32>,
    %swap3A_2317 = vector.shape_cast %swap3A_2316 : vector<16xi32> to vector<16xi32>
    %swap3A_2318 = vector.shape_cast %add3A_2314 : vector<16xi32> to vector<16xi32>
    tpu.vector_store %arg13[%swap3A_2315], %swap3A_2318 {strides = array<i32>} : memref<1024xi32, #tpu.memory_space<vmem>>, vector<16xi32>,
    %add3A_2319 = arith.constant 40832000 : i32
    %add3A_2320 = vector.broadcast %add3A_2319 : i32 to vector<16xi32>
    %add3A_2321 = arith.addi %add3A_1912, %add3A_2320 : vector<16xi32>
    %swap3A_2322 = arith.constant 928 : index
    %swap3A_2323 = tpu.vector_load %arg13[%swap3A_2322] {strides = array<i32>} : memref<1024xi32, #tpu.memory_space<vmem>>, vector<16xi32>,
    %swap3A_2324 = vector.shape_cast %swap3A_2323 : vector<16xi32> to vector<16xi32>
    %swap3A_2325 = vector.shape_cast %add3A_2321 : vector<16xi32> to vector<16xi32>
    tpu.vector_store %arg13[%swap3A_2322], %swap3A_2325 {strides = array<i32>} : memref<1024xi32, #tpu.memory_space<vmem>>, vector<16xi32>,
    %add3A_2326 = arith.constant 41536000 : i32
    %add3A_2327 = vector.broadcast %add3A_2326 : i32 to vector<16xi32>
    %add3A_2328 = arith.addi %add3A_1912, %add3A_2327 : vector<16xi32>
    %swap3A_2329 = arith.constant 944 : index
    %swap3A_2330 = tpu.vector_load %arg13[%swap3A_2329] {strides = array<i32>} : memref<1024xi32, #tpu.memory_space<vmem>>, vector<16xi32>,
    %swap3A_2331 = vector.shape_cast %swap3A_2330 : vector<16xi32> to vector<16xi32>
    %swap3A_2332 = vector.shape_cast %add3A_2328 : vector<16xi32> to vector<16xi32>
    tpu.vector_store %arg13[%swap3A_2329], %swap3A_2332 {strides = array<i32>} : memref<1024xi32, #tpu.memory_space<vmem>>, vector<16xi32>,
    %add3A_2333 = arith.constant 42240000 : i32
    %add3A_2334 = vector.broadcast %add3A_2333 : i32 to vector<16xi32>
    %add3A_2335 = arith.addi %add3A_1912, %add3A_2334 : vector<16xi32>
    %swap3A_2336 = arith.constant 960 : index
    %swap3A_2337 = tpu.vector_load %arg13[%swap3A_2336] {strides = array<i32>} : memref<1024xi32, #tpu.memory_space<vmem>>, vector<16xi32>,
    %swap3A_2338 = vector.shape_cast %swap3A_2337 : vector<16xi32> to vector<16xi32>
    %swap3A_2339 = vector.shape_cast %add3A_2335 : vector<16xi32> to vector<16xi32>
    tpu.vector_store %arg13[%swap3A_2336], %swap3A_2339 {strides = array<i32>} : memref<1024xi32, #tpu.memory_space<vmem>>, vector<16xi32>,
    %add3A_2340 = arith.constant 42944000 : i32
    %add3A_2341 = vector.broadcast %add3A_2340 : i32 to vector<16xi32>
    %add3A_2342 = arith.addi %add3A_1912, %add3A_2341 : vector<16xi32>
    %swap3A_2343 = arith.constant 976 : index
    %swap3A_2344 = tpu.vector_load %arg13[%swap3A_2343] {strides = array<i32>} : memref<1024xi32, #tpu.memory_space<vmem>>, vector<16xi32>,
    %swap3A_2345 = vector.shape_cast %swap3A_2344 : vector<16xi32> to vector<16xi32>
    %swap3A_2346 = vector.shape_cast %add3A_2342 : vector<16xi32> to vector<16xi32>
    tpu.vector_store %arg13[%swap3A_2343], %swap3A_2346 {strides = array<i32>} : memref<1024xi32, #tpu.memory_space<vmem>>, vector<16xi32>,
    %add3A_2347 = arith.constant 43648000 : i32
    %add3A_2348 = vector.broadcast %add3A_2347 : i32 to vector<16xi32>
    %add3A_2349 = arith.addi %add3A_1912, %add3A_2348 : vector<16xi32>
    %swap3A_2350 = arith.constant 992 : index
    %swap3A_2351 = tpu.vector_load %arg13[%swap3A_2350] {strides = array<i32>} : memref<1024xi32, #tpu.memory_space<vmem>>, vector<16xi32>,
    %swap3A_2352 = vector.shape_cast %swap3A_2351 : vector<16xi32> to vector<16xi32>
    %swap3A_2353 = vector.shape_cast %add3A_2349 : vector<16xi32> to vector<16xi32>
    tpu.vector_store %arg13[%swap3A_2350], %swap3A_2353 {strides = array<i32>} : memref<1024xi32, #tpu.memory_space<vmem>>, vector<16xi32>,
    %add3A_2354 = arith.constant 44352000 : i32
    %add3A_2355 = vector.broadcast %add3A_2354 : i32 to vector<16xi32>
    %add3A_2356 = arith.addi %add3A_1912, %add3A_2355 : vector<16xi32>
    %swap3A_2357 = arith.constant 1008 : index
    %swap3A_2358 = tpu.vector_load %arg13[%swap3A_2357] {strides = array<i32>} : memref<1024xi32, #tpu.memory_space<vmem>>, vector<16xi32>,
    %swap3A_2359 = vector.shape_cast %swap3A_2358 : vector<16xi32> to vector<16xi32>
    %swap3A_2360 = vector.shape_cast %add3A_2356 : vector<16xi32> to vector<16xi32>
    tpu.vector_store %arg13[%swap3A_2357], %swap3A_2360 {strides = array<i32>} : memref<1024xi32, #tpu.memory_space<vmem>>, vector<16xi32>,
    %dma_start3A_2361 = arith.constant 0 : i32
    %dma_start3A_2362 = tpu.memref_slice %arg15[%dma_start3A_2361] : memref<1024xf32, #tpu.memory_space<vmem>> -> memref<128xf32, #tpu.memory_space<vmem>>
    %dma_start3A_2363 = arith.constant 0 : i32
    %dma_start3A_2364 = tpu.memref_slice %arg13[%dma_start3A_2363] : memref<1024xi32, #tpu.memory_space<vmem>> -> memref<128xi32, #tpu.memory_space<vmem>>
    %dma_start3A_2365 = arith.constant 0 : i32
    %dma_start3A_2366 = tpu.memref_slice %arg3[%dma_start3A_2365] : memref<45056000xf32, #tpu.memory_space<hbm>> -> memref<45056000xf32, #tpu.memory_space<hbm>>
    tpu.enqueue_indirect_dma source(%dma_start3A_2366 : memref<45056000xf32, #tpu.memory_space<hbm>>) target(%dma_start3A_2362 : memref<128xf32, #tpu.memory_space<vmem>>) offsets(%dma_start3A_2364 : memref<128xi32, #tpu.memory_space<vmem>>) semaphore(%arg17 : memref<!tpu.dma_semaphore, #tpu.memory_space<semaphore_mem>>)
    %dma_start3A_2367 = arith.constant 128 : i32
    %dma_start3A_2368 = tpu.memref_slice %arg15[%dma_start3A_2367] : memref<1024xf32, #tpu.memory_space<vmem>> -> memref<128xf32, #tpu.memory_space<vmem>>
    %dma_start3A_2369 = arith.constant 128 : i32
    %dma_start3A_2370 = tpu.memref_slice %arg13[%dma_start3A_2369] : memref<1024xi32, #tpu.memory_space<vmem>> -> memref<128xi32, #tpu.memory_space<vmem>>
    %dma_start3A_2371 = arith.constant 0 : i32
    %dma_start3A_2372 = tpu.memref_slice %arg3[%dma_start3A_2371] : memref<45056000xf32, #tpu.memory_space<hbm>> -> memref<45056000xf32, #tpu.memory_space<hbm>>
    tpu.enqueue_indirect_dma source(%dma_start3A_2372 : memref<45056000xf32, #tpu.memory_space<hbm>>) target(%dma_start3A_2368 : memref<128xf32, #tpu.memory_space<vmem>>) offsets(%dma_start3A_2370 : memref<128xi32, #tpu.memory_space<vmem>>) semaphore(%arg17 : memref<!tpu.dma_semaphore, #tpu.memory_space<semaphore_mem>>)
    %dma_start3A_2373 = arith.constant 256 : i32
    %dma_start3A_2374 = tpu.memref_slice %arg15[%dma_start3A_2373] : memref<1024xf32, #tpu.memory_space<vmem>> -> memref<128xf32, #tpu.memory_space<vmem>>
    %dma_start3A_2375 = arith.constant 256 : i32
    %dma_start3A_2376 = tpu.memref_slice %arg13[%dma_start3A_2375] : memref<1024xi32, #tpu.memory_space<vmem>> -> memref<128xi32, #tpu.memory_space<vmem>>
    %dma_start3A_2377 = arith.constant 0 : i32
    %dma_start3A_2378 = tpu.memref_slice %arg3[%dma_start3A_2377] : memref<45056000xf32, #tpu.memory_space<hbm>> -> memref<45056000xf32, #tpu.memory_space<hbm>>
    tpu.enqueue_indirect_dma source(%dma_start3A_2378 : memref<45056000xf32, #tpu.memory_space<hbm>>) target(%dma_start3A_2374 : memref<128xf32, #tpu.memory_space<vmem>>) offsets(%dma_start3A_2376 : memref<128xi32, #tpu.memory_space<vmem>>) semaphore(%arg17 : memref<!tpu.dma_semaphore, #tpu.memory_space<semaphore_mem>>)
    %dma_start3A_2379 = arith.constant 384 : i32
    %dma_start3A_2380 = tpu.memref_slice %arg15[%dma_start3A_2379] : memref<1024xf32, #tpu.memory_space<vmem>> -> memref<128xf32, #tpu.memory_space<vmem>>
    %dma_start3A_2381 = arith.constant 384 : i32
    %dma_start3A_2382 = tpu.memref_slice %arg13[%dma_start3A_2381] : memref<1024xi32, #tpu.memory_space<vmem>> -> memref<128xi32, #tpu.memory_space<vmem>>
    %dma_start3A_2383 = arith.constant 0 : i32
    %dma_start3A_2384 = tpu.memref_slice %arg3[%dma_start3A_2383] : memref<45056000xf32, #tpu.memory_space<hbm>> -> memref<45056000xf32, #tpu.memory_space<hbm>>
    tpu.enqueue_indirect_dma source(%dma_start3A_2384 : memref<45056000xf32, #tpu.memory_space<hbm>>) target(%dma_start3A_2380 : memref<128xf32, #tpu.memory_space<vmem>>) offsets(%dma_start3A_2382 : memref<128xi32, #tpu.memory_space<vmem>>) semaphore(%arg17 : memref<!tpu.dma_semaphore, #tpu.memory_space<semaphore_mem>>)
    %dma_start3A_2385 = arith.constant 512 : i32
    %dma_start3A_2386 = tpu.memref_slice %arg15[%dma_start3A_2385] : memref<1024xf32, #tpu.memory_space<vmem>> -> memref<128xf32, #tpu.memory_space<vmem>>
    %dma_start3A_2387 = arith.constant 512 : i32
    %dma_start3A_2388 = tpu.memref_slice %arg13[%dma_start3A_2387] : memref<1024xi32, #tpu.memory_space<vmem>> -> memref<128xi32, #tpu.memory_space<vmem>>
    %dma_start3A_2389 = arith.constant 0 : i32
    %dma_start3A_2390 = tpu.memref_slice %arg3[%dma_start3A_2389] : memref<45056000xf32, #tpu.memory_space<hbm>> -> memref<45056000xf32, #tpu.memory_space<hbm>>
    tpu.enqueue_indirect_dma source(%dma_start3A_2390 : memref<45056000xf32, #tpu.memory_space<hbm>>) target(%dma_start3A_2386 : memref<128xf32, #tpu.memory_space<vmem>>) offsets(%dma_start3A_2388 : memref<128xi32, #tpu.memory_space<vmem>>) semaphore(%arg17 : memref<!tpu.dma_semaphore, #tpu.memory_space<semaphore_mem>>)
    %dma_start3A_2391 = arith.constant 640 : i32
    %dma_start3A_2392 = tpu.memref_slice %arg15[%dma_start3A_2391] : memref<1024xf32, #tpu.memory_space<vmem>> -> memref<128xf32, #tpu.memory_space<vmem>>
    %dma_start3A_2393 = arith.constant 640 : i32
    %dma_start3A_2394 = tpu.memref_slice %arg13[%dma_start3A_2393] : memref<1024xi32, #tpu.memory_space<vmem>> -> memref<128xi32, #tpu.memory_space<vmem>>
    %dma_start3A_2395 = arith.constant 0 : i32
    %dma_start3A_2396 = tpu.memref_slice %arg3[%dma_start3A_2395] : memref<45056000xf32, #tpu.memory_space<hbm>> -> memref<45056000xf32, #tpu.memory_space<hbm>>
    tpu.enqueue_indirect_dma source(%dma_start3A_2396 : memref<45056000xf32, #tpu.memory_space<hbm>>) target(%dma_start3A_2392 : memref<128xf32, #tpu.memory_space<vmem>>) offsets(%dma_start3A_2394 : memref<128xi32, #tpu.memory_space<vmem>>) semaphore(%arg17 : memref<!tpu.dma_semaphore, #tpu.memory_space<semaphore_mem>>)
    %dma_start3A_2397 = arith.constant 768 : i32
    %dma_start3A_2398 = tpu.memref_slice %arg15[%dma_start3A_2397] : memref<1024xf32, #tpu.memory_space<vmem>> -> memref<128xf32, #tpu.memory_space<vmem>>
    %dma_start3A_2399 = arith.constant 768 : i32
    %dma_start3A_2400 = tpu.memref_slice %arg13[%dma_start3A_2399] : memref<1024xi32, #tpu.memory_space<vmem>> -> memref<128xi32, #tpu.memory_space<vmem>>
    %dma_start3A_2401 = arith.constant 0 : i32
    %dma_start3A_2402 = tpu.memref_slice %arg3[%dma_start3A_2401] : memref<45056000xf32, #tpu.memory_space<hbm>> -> memref<45056000xf32, #tpu.memory_space<hbm>>
    tpu.enqueue_indirect_dma source(%dma_start3A_2402 : memref<45056000xf32, #tpu.memory_space<hbm>>) target(%dma_start3A_2398 : memref<128xf32, #tpu.memory_space<vmem>>) offsets(%dma_start3A_2400 : memref<128xi32, #tpu.memory_space<vmem>>) semaphore(%arg17 : memref<!tpu.dma_semaphore, #tpu.memory_space<semaphore_mem>>)
    %dma_start3A_2403 = arith.constant 896 : i32
    %dma_start3A_2404 = tpu.memref_slice %arg15[%dma_start3A_2403] : memref<1024xf32, #tpu.memory_space<vmem>> -> memref<128xf32, #tpu.memory_space<vmem>>
    %dma_start3A_2405 = arith.constant 896 : i32
    %dma_start3A_2406 = tpu.memref_slice %arg13[%dma_start3A_2405] : memref<1024xi32, #tpu.memory_space<vmem>> -> memref<128xi32, #tpu.memory_space<vmem>>
    %dma_start3A_2407 = arith.constant 0 : i32
    %dma_start3A_2408 = tpu.memref_slice %arg3[%dma_start3A_2407] : memref<45056000xf32, #tpu.memory_space<hbm>> -> memref<45056000xf32, #tpu.memory_space<hbm>>
    tpu.enqueue_indirect_dma source(%dma_start3A_2408 : memref<45056000xf32, #tpu.memory_space<hbm>>) target(%dma_start3A_2404 : memref<128xf32, #tpu.memory_space<vmem>>) offsets(%dma_start3A_2406 : memref<128xi32, #tpu.memory_space<vmem>>) semaphore(%arg17 : memref<!tpu.dma_semaphore, #tpu.memory_space<semaphore_mem>>)
    %dma_wait3A_2409 = arith.constant 0 : i32
    %dma_wait3A_2410 = tpu.memref_slice %arg15[%dma_wait3A_2409] : memref<1024xf32, #tpu.memory_space<vmem>> -> memref<128xf32, #tpu.memory_space<vmem>>
    %dma_wait3A_2411 = arith.constant 0 : i32
    %dma_wait3A_2412 = tpu.memref_slice %arg13[%dma_wait3A_2411] : memref<1024xi32, #tpu.memory_space<vmem>> -> memref<128xi32, #tpu.memory_space<vmem>>
    %dma_wait3A_2413 = arith.constant 0 : i32
    %dma_wait3A_2414 = tpu.memref_slice %arg3[%dma_wait3A_2413] : memref<45056000xf32, #tpu.memory_space<hbm>> -> memref<45056000xf32, #tpu.memory_space<hbm>>
    tpu.wait_indirect_dma semaphore(%arg17 : memref<!tpu.dma_semaphore, #tpu.memory_space<semaphore_mem>>) src(%dma_wait3A_2414 : memref<45056000xf32, #tpu.memory_space<hbm>>) dst(%dma_wait3A_2410 : memref<128xf32, #tpu.memory_space<vmem>>)
    %dma_wait3A_2415 = arith.constant 128 : i32
    %dma_wait3A_2416 = tpu.memref_slice %arg15[%dma_wait3A_2415] : memref<1024xf32, #tpu.memory_space<vmem>> -> memref<128xf32, #tpu.memory_space<vmem>>
    %dma_wait3A_2417 = arith.constant 128 : i32
    %dma_wait3A_2418 = tpu.memref_slice %arg13[%dma_wait3A_2417] : memref<1024xi32, #tpu.memory_space<vmem>> -> memref<128xi32, #tpu.memory_space<vmem>>
    %dma_wait3A_2419 = arith.constant 0 : i32
    %dma_wait3A_2420 = tpu.memref_slice %arg3[%dma_wait3A_2419] : memref<45056000xf32, #tpu.memory_space<hbm>> -> memref<45056000xf32, #tpu.memory_space<hbm>>
    tpu.wait_indirect_dma semaphore(%arg17 : memref<!tpu.dma_semaphore, #tpu.memory_space<semaphore_mem>>) src(%dma_wait3A_2420 : memref<45056000xf32, #tpu.memory_space<hbm>>) dst(%dma_wait3A_2416 : memref<128xf32, #tpu.memory_space<vmem>>)
    %dma_wait3A_2421 = arith.constant 256 : i32
    %dma_wait3A_2422 = tpu.memref_slice %arg15[%dma_wait3A_2421] : memref<1024xf32, #tpu.memory_space<vmem>> -> memref<128xf32, #tpu.memory_space<vmem>>
    %dma_wait3A_2423 = arith.constant 256 : i32
    %dma_wait3A_2424 = tpu.memref_slice %arg13[%dma_wait3A_2423] : memref<1024xi32, #tpu.memory_space<vmem>> -> memref<128xi32, #tpu.memory_space<vmem>>
    %dma_wait3A_2425 = arith.constant 0 : i32
    %dma_wait3A_2426 = tpu.memref_slice %arg3[%dma_wait3A_2425] : memref<45056000xf32, #tpu.memory_space<hbm>> -> memref<45056000xf32, #tpu.memory_space<hbm>>
    tpu.wait_indirect_dma semaphore(%arg17 : memref<!tpu.dma_semaphore, #tpu.memory_space<semaphore_mem>>) src(%dma_wait3A_2426 : memref<45056000xf32, #tpu.memory_space<hbm>>) dst(%dma_wait3A_2422 : memref<128xf32, #tpu.memory_space<vmem>>)
    %dma_wait3A_2427 = arith.constant 384 : i32
    %dma_wait3A_2428 = tpu.memref_slice %arg15[%dma_wait3A_2427] : memref<1024xf32, #tpu.memory_space<vmem>> -> memref<128xf32, #tpu.memory_space<vmem>>
    %dma_wait3A_2429 = arith.constant 384 : i32
    %dma_wait3A_2430 = tpu.memref_slice %arg13[%dma_wait3A_2429] : memref<1024xi32, #tpu.memory_space<vmem>> -> memref<128xi32, #tpu.memory_space<vmem>>
    %dma_wait3A_2431 = arith.constant 0 : i32
    %dma_wait3A_2432 = tpu.memref_slice %arg3[%dma_wait3A_2431] : memref<45056000xf32, #tpu.memory_space<hbm>> -> memref<45056000xf32, #tpu.memory_space<hbm>>
    tpu.wait_indirect_dma semaphore(%arg17 : memref<!tpu.dma_semaphore, #tpu.memory_space<semaphore_mem>>) src(%dma_wait3A_2432 : memref<45056000xf32, #tpu.memory_space<hbm>>) dst(%dma_wait3A_2428 : memref<128xf32, #tpu.memory_space<vmem>>)
    %dma_wait3A_2433 = arith.constant 512 : i32
    %dma_wait3A_2434 = tpu.memref_slice %arg15[%dma_wait3A_2433] : memref<1024xf32, #tpu.memory_space<vmem>> -> memref<128xf32, #tpu.memory_space<vmem>>
    %dma_wait3A_2435 = arith.constant 512 : i32
    %dma_wait3A_2436 = tpu.memref_slice %arg13[%dma_wait3A_2435] : memref<1024xi32, #tpu.memory_space<vmem>> -> memref<128xi32, #tpu.memory_space<vmem>>
    %dma_wait3A_2437 = arith.constant 0 : i32
    %dma_wait3A_2438 = tpu.memref_slice %arg3[%dma_wait3A_2437] : memref<45056000xf32, #tpu.memory_space<hbm>> -> memref<45056000xf32, #tpu.memory_space<hbm>>
    tpu.wait_indirect_dma semaphore(%arg17 : memref<!tpu.dma_semaphore, #tpu.memory_space<semaphore_mem>>) src(%dma_wait3A_2438 : memref<45056000xf32, #tpu.memory_space<hbm>>) dst(%dma_wait3A_2434 : memref<128xf32, #tpu.memory_space<vmem>>)
    %dma_wait3A_2439 = arith.constant 640 : i32
    %dma_wait3A_2440 = tpu.memref_slice %arg15[%dma_wait3A_2439] : memref<1024xf32, #tpu.memory_space<vmem>> -> memref<128xf32, #tpu.memory_space<vmem>>
    %dma_wait3A_2441 = arith.constant 640 : i32
    %dma_wait3A_2442 = tpu.memref_slice %arg13[%dma_wait3A_2441] : memref<1024xi32, #tpu.memory_space<vmem>> -> memref<128xi32, #tpu.memory_space<vmem>>
    %dma_wait3A_2443 = arith.constant 0 : i32
    %dma_wait3A_2444 = tpu.memref_slice %arg3[%dma_wait3A_2443] : memref<45056000xf32, #tpu.memory_space<hbm>> -> memref<45056000xf32, #tpu.memory_space<hbm>>
    tpu.wait_indirect_dma semaphore(%arg17 : memref<!tpu.dma_semaphore, #tpu.memory_space<semaphore_mem>>) src(%dma_wait3A_2444 : memref<45056000xf32, #tpu.memory_space<hbm>>) dst(%dma_wait3A_2440 : memref<128xf32, #tpu.memory_space<vmem>>)
    %dma_wait3A_2445 = arith.constant 768 : i32
    %dma_wait3A_2446 = tpu.memref_slice %arg15[%dma_wait3A_2445] : memref<1024xf32, #tpu.memory_space<vmem>> -> memref<128xf32, #tpu.memory_space<vmem>>
    %dma_wait3A_2447 = arith.constant 768 : i32
    %dma_wait3A_2448 = tpu.memref_slice %arg13[%dma_wait3A_2447] : memref<1024xi32, #tpu.memory_space<vmem>> -> memref<128xi32, #tpu.memory_space<vmem>>
    %dma_wait3A_2449 = arith.constant 0 : i32
    %dma_wait3A_2450 = tpu.memref_slice %arg3[%dma_wait3A_2449] : memref<45056000xf32, #tpu.memory_space<hbm>> -> memref<45056000xf32, #tpu.memory_space<hbm>>
    tpu.wait_indirect_dma semaphore(%arg17 : memref<!tpu.dma_semaphore, #tpu.memory_space<semaphore_mem>>) src(%dma_wait3A_2450 : memref<45056000xf32, #tpu.memory_space<hbm>>) dst(%dma_wait3A_2446 : memref<128xf32, #tpu.memory_space<vmem>>)
    %dma_wait3A_2451 = arith.constant 896 : i32
    %dma_wait3A_2452 = tpu.memref_slice %arg15[%dma_wait3A_2451] : memref<1024xf32, #tpu.memory_space<vmem>> -> memref<128xf32, #tpu.memory_space<vmem>>
    %dma_wait3A_2453 = arith.constant 896 : i32
    %dma_wait3A_2454 = tpu.memref_slice %arg13[%dma_wait3A_2453] : memref<1024xi32, #tpu.memory_space<vmem>> -> memref<128xi32, #tpu.memory_space<vmem>>
    %dma_wait3A_2455 = arith.constant 0 : i32
    %dma_wait3A_2456 = tpu.memref_slice %arg3[%dma_wait3A_2455] : memref<45056000xf32, #tpu.memory_space<hbm>> -> memref<45056000xf32, #tpu.memory_space<hbm>>
    tpu.wait_indirect_dma semaphore(%arg17 : memref<!tpu.dma_semaphore, #tpu.memory_space<semaphore_mem>>) src(%dma_wait3A_2456 : memref<45056000xf32, #tpu.memory_space<hbm>>) dst(%dma_wait3A_2452 : memref<128xf32, #tpu.memory_space<vmem>>)
    %broadcast_in_dim3A_2457 = arith.constant 0.000000e+00 : f32
    %broadcast_in_dim3A_2458 = vector.broadcast %broadcast_in_dim3A_2457 : f32 to vector<16xf32>
    %get3A_2459 = arith.constant 0 : index
    %get3A_2460 = tpu.vector_load %arg14[%get3A_2459] {strides = array<i32>} : memref<1024xf32, #tpu.memory_space<vmem>>, vector<16xf32>,
    %get3A_2461 = vector.shape_cast %get3A_2460 : vector<16xf32> to vector<16xf32>
    %get3A_2462 = arith.constant 0 : index
    %get3A_2463 = tpu.vector_load %arg15[%get3A_2462] {strides = array<i32>} : memref<1024xf32, #tpu.memory_space<vmem>>, vector<16xf32>,
    %get3A_2464 = vector.shape_cast %get3A_2463 : vector<16xf32> to vector<16xf32>
    %sub3A_2465 = arith.subf %get3A_2461, %get3A_2464 : vector<16xf32>
    %mul3A_2466 = arith.mulf %sub3A_2465, %sub3A_2465 : vector<16xf32>
    %add3A_2467 = arith.addf %broadcast_in_dim3A_2458, %mul3A_2466 : vector<16xf32>
    %get3A_2468 = arith.constant 16 : index
    %get3A_2469 = tpu.vector_load %arg14[%get3A_2468] {strides = array<i32>} : memref<1024xf32, #tpu.memory_space<vmem>>, vector<16xf32>,
    %get3A_2470 = vector.shape_cast %get3A_2469 : vector<16xf32> to vector<16xf32>
    %get3A_2471 = arith.constant 16 : index
    %get3A_2472 = tpu.vector_load %arg15[%get3A_2471] {strides = array<i32>} : memref<1024xf32, #tpu.memory_space<vmem>>, vector<16xf32>,
    %get3A_2473 = vector.shape_cast %get3A_2472 : vector<16xf32> to vector<16xf32>
    %sub3A_2474 = arith.subf %get3A_2470, %get3A_2473 : vector<16xf32>
    %mul3A_2475 = arith.mulf %sub3A_2474, %sub3A_2474 : vector<16xf32>
    %add3A_2476 = arith.addf %add3A_2467, %mul3A_2475 : vector<16xf32>
    %get3A_2477 = arith.constant 32 : index
    %get3A_2478 = tpu.vector_load %arg14[%get3A_2477] {strides = array<i32>} : memref<1024xf32, #tpu.memory_space<vmem>>, vector<16xf32>,
    %get3A_2479 = vector.shape_cast %get3A_2478 : vector<16xf32> to vector<16xf32>
    %get3A_2480 = arith.constant 32 : index
    %get3A_2481 = tpu.vector_load %arg15[%get3A_2480] {strides = array<i32>} : memref<1024xf32, #tpu.memory_space<vmem>>, vector<16xf32>,
    %get3A_2482 = vector.shape_cast %get3A_2481 : vector<16xf32> to vector<16xf32>
    %sub3A_2483 = arith.subf %get3A_2479, %get3A_2482 : vector<16xf32>
    %mul3A_2484 = arith.mulf %sub3A_2483, %sub3A_2483 : vector<16xf32>
    %add3A_2485 = arith.addf %add3A_2476, %mul3A_2484 : vector<16xf32>
    %get3A_2486 = arith.constant 48 : index
    %get3A_2487 = tpu.vector_load %arg14[%get3A_2486] {strides = array<i32>} : memref<1024xf32, #tpu.memory_space<vmem>>, vector<16xf32>,
    %get3A_2488 = vector.shape_cast %get3A_2487 : vector<16xf32> to vector<16xf32>
    %get3A_2489 = arith.constant 48 : index
    %get3A_2490 = tpu.vector_load %arg15[%get3A_2489] {strides = array<i32>} : memref<1024xf32, #tpu.memory_space<vmem>>, vector<16xf32>,
    %get3A_2491 = vector.shape_cast %get3A_2490 : vector<16xf32> to vector<16xf32>
    %sub3A_2492 = arith.subf %get3A_2488, %get3A_2491 : vector<16xf32>
    %mul3A_2493 = arith.mulf %sub3A_2492, %sub3A_2492 : vector<16xf32>
    %add3A_2494 = arith.addf %add3A_2485, %mul3A_2493 : vector<16xf32>
    %get3A_2495 = arith.constant 64 : index
    %get3A_2496 = tpu.vector_load %arg14[%get3A_2495] {strides = array<i32>} : memref<1024xf32, #tpu.memory_space<vmem>>, vector<16xf32>,
    %get3A_2497 = vector.shape_cast %get3A_2496 : vector<16xf32> to vector<16xf32>
    %get3A_2498 = arith.constant 64 : index
    %get3A_2499 = tpu.vector_load %arg15[%get3A_2498] {strides = array<i32>} : memref<1024xf32, #tpu.memory_space<vmem>>, vector<16xf32>,
    %get3A_2500 = vector.shape_cast %get3A_2499 : vector<16xf32> to vector<16xf32>
    %sub3A_2501 = arith.subf %get3A_2497, %get3A_2500 : vector<16xf32>
    %mul3A_2502 = arith.mulf %sub3A_2501, %sub3A_2501 : vector<16xf32>
    %add3A_2503 = arith.addf %add3A_2494, %mul3A_2502 : vector<16xf32>
    %get3A_2504 = arith.constant 80 : index
    %get3A_2505 = tpu.vector_load %arg14[%get3A_2504] {strides = array<i32>} : memref<1024xf32, #tpu.memory_space<vmem>>, vector<16xf32>,
    %get3A_2506 = vector.shape_cast %get3A_2505 : vector<16xf32> to vector<16xf32>
    %get3A_2507 = arith.constant 80 : index
    %get3A_2508 = tpu.vector_load %arg15[%get3A_2507] {strides = array<i32>} : memref<1024xf32, #tpu.memory_space<vmem>>, vector<16xf32>,
    %get3A_2509 = vector.shape_cast %get3A_2508 : vector<16xf32> to vector<16xf32>
    %sub3A_2510 = arith.subf %get3A_2506, %get3A_2509 : vector<16xf32>
    %mul3A_2511 = arith.mulf %sub3A_2510, %sub3A_2510 : vector<16xf32>
    %add3A_2512 = arith.addf %add3A_2503, %mul3A_2511 : vector<16xf32>
    %get3A_2513 = arith.constant 96 : index
    %get3A_2514 = tpu.vector_load %arg14[%get3A_2513] {strides = array<i32>} : memref<1024xf32, #tpu.memory_space<vmem>>, vector<16xf32>,
    %get3A_2515 = vector.shape_cast %get3A_2514 : vector<16xf32> to vector<16xf32>
    %get3A_2516 = arith.constant 96 : index
    %get3A_2517 = tpu.vector_load %arg15[%get3A_2516] {strides = array<i32>} : memref<1024xf32, #tpu.memory_space<vmem>>, vector<16xf32>,
    %get3A_2518 = vector.shape_cast %get3A_2517 : vector<16xf32> to vector<16xf32>
    %sub3A_2519 = arith.subf %get3A_2515, %get3A_2518 : vector<16xf32>
    %mul3A_2520 = arith.mulf %sub3A_2519, %sub3A_2519 : vector<16xf32>
    %add3A_2521 = arith.addf %add3A_2512, %mul3A_2520 : vector<16xf32>
    %get3A_2522 = arith.constant 112 : index
    %get3A_2523 = tpu.vector_load %arg14[%get3A_2522] {strides = array<i32>} : memref<1024xf32, #tpu.memory_space<vmem>>, vector<16xf32>,
    %get3A_2524 = vector.shape_cast %get3A_2523 : vector<16xf32> to vector<16xf32>
    %get3A_2525 = arith.constant 112 : index
    %get3A_2526 = tpu.vector_load %arg15[%get3A_2525] {strides = array<i32>} : memref<1024xf32, #tpu.memory_space<vmem>>, vector<16xf32>,
    %get3A_2527 = vector.shape_cast %get3A_2526 : vector<16xf32> to vector<16xf32>
    %sub3A_2528 = arith.subf %get3A_2524, %get3A_2527 : vector<16xf32>
    %mul3A_2529 = arith.mulf %sub3A_2528, %sub3A_2528 : vector<16xf32>
    %add3A_2530 = arith.addf %add3A_2521, %mul3A_2529 : vector<16xf32>
    %get3A_2531 = arith.constant 128 : index
    %get3A_2532 = tpu.vector_load %arg14[%get3A_2531] {strides = array<i32>} : memref<1024xf32, #tpu.memory_space<vmem>>, vector<16xf32>,
    %get3A_2533 = vector.shape_cast %get3A_2532 : vector<16xf32> to vector<16xf32>
    %get3A_2534 = arith.constant 128 : index
    %get3A_2535 = tpu.vector_load %arg15[%get3A_2534] {strides = array<i32>} : memref<1024xf32, #tpu.memory_space<vmem>>, vector<16xf32>,
    %get3A_2536 = vector.shape_cast %get3A_2535 : vector<16xf32> to vector<16xf32>
    %sub3A_2537 = arith.subf %get3A_2533, %get3A_2536 : vector<16xf32>
    %mul3A_2538 = arith.mulf %sub3A_2537, %sub3A_2537 : vector<16xf32>
    %add3A_2539 = arith.addf %add3A_2530, %mul3A_2538 : vector<16xf32>
    %get3A_2540 = arith.constant 144 : index
    %get3A_2541 = tpu.vector_load %arg14[%get3A_2540] {strides = array<i32>} : memref<1024xf32, #tpu.memory_space<vmem>>, vector<16xf32>,
    %get3A_2542 = vector.shape_cast %get3A_2541 : vector<16xf32> to vector<16xf32>
    %get3A_2543 = arith.constant 144 : index
    %get3A_2544 = tpu.vector_load %arg15[%get3A_2543] {strides = array<i32>} : memref<1024xf32, #tpu.memory_space<vmem>>, vector<16xf32>,
    %get3A_2545 = vector.shape_cast %get3A_2544 : vector<16xf32> to vector<16xf32>
    %sub3A_2546 = arith.subf %get3A_2542, %get3A_2545 : vector<16xf32>
    %mul3A_2547 = arith.mulf %sub3A_2546, %sub3A_2546 : vector<16xf32>
    %add3A_2548 = arith.addf %add3A_2539, %mul3A_2547 : vector<16xf32>
    %get3A_2549 = arith.constant 160 : index
    %get3A_2550 = tpu.vector_load %arg14[%get3A_2549] {strides = array<i32>} : memref<1024xf32, #tpu.memory_space<vmem>>, vector<16xf32>,
    %get3A_2551 = vector.shape_cast %get3A_2550 : vector<16xf32> to vector<16xf32>
    %get3A_2552 = arith.constant 160 : index
    %get3A_2553 = tpu.vector_load %arg15[%get3A_2552] {strides = array<i32>} : memref<1024xf32, #tpu.memory_space<vmem>>, vector<16xf32>,
    %get3A_2554 = vector.shape_cast %get3A_2553 : vector<16xf32> to vector<16xf32>
    %sub3A_2555 = arith.subf %get3A_2551, %get3A_2554 : vector<16xf32>
    %mul3A_2556 = arith.mulf %sub3A_2555, %sub3A_2555 : vector<16xf32>
    %add3A_2557 = arith.addf %add3A_2548, %mul3A_2556 : vector<16xf32>
    %get3A_2558 = arith.constant 176 : index
    %get3A_2559 = tpu.vector_load %arg14[%get3A_2558] {strides = array<i32>} : memref<1024xf32, #tpu.memory_space<vmem>>, vector<16xf32>,
    %get3A_2560 = vector.shape_cast %get3A_2559 : vector<16xf32> to vector<16xf32>
    %get3A_2561 = arith.constant 176 : index
    %get3A_2562 = tpu.vector_load %arg15[%get3A_2561] {strides = array<i32>} : memref<1024xf32, #tpu.memory_space<vmem>>, vector<16xf32>,
    %get3A_2563 = vector.shape_cast %get3A_2562 : vector<16xf32> to vector<16xf32>
    %sub3A_2564 = arith.subf %get3A_2560, %get3A_2563 : vector<16xf32>
    %mul3A_2565 = arith.mulf %sub3A_2564, %sub3A_2564 : vector<16xf32>
    %add3A_2566 = arith.addf %add3A_2557, %mul3A_2565 : vector<16xf32>
    %get3A_2567 = arith.constant 192 : index
    %get3A_2568 = tpu.vector_load %arg14[%get3A_2567] {strides = array<i32>} : memref<1024xf32, #tpu.memory_space<vmem>>, vector<16xf32>,
    %get3A_2569 = vector.shape_cast %get3A_2568 : vector<16xf32> to vector<16xf32>
    %get3A_2570 = arith.constant 192 : index
    %get3A_2571 = tpu.vector_load %arg15[%get3A_2570] {strides = array<i32>} : memref<1024xf32, #tpu.memory_space<vmem>>, vector<16xf32>,
    %get3A_2572 = vector.shape_cast %get3A_2571 : vector<16xf32> to vector<16xf32>
    %sub3A_2573 = arith.subf %get3A_2569, %get3A_2572 : vector<16xf32>
    %mul3A_2574 = arith.mulf %sub3A_2573, %sub3A_2573 : vector<16xf32>
    %add3A_2575 = arith.addf %add3A_2566, %mul3A_2574 : vector<16xf32>
    %get3A_2576 = arith.constant 208 : index
    %get3A_2577 = tpu.vector_load %arg14[%get3A_2576] {strides = array<i32>} : memref<1024xf32, #tpu.memory_space<vmem>>, vector<16xf32>,
    %get3A_2578 = vector.shape_cast %get3A_2577 : vector<16xf32> to vector<16xf32>
    %get3A_2579 = arith.constant 208 : index
    %get3A_2580 = tpu.vector_load %arg15[%get3A_2579] {strides = array<i32>} : memref<1024xf32, #tpu.memory_space<vmem>>, vector<16xf32>,
    %get3A_2581 = vector.shape_cast %get3A_2580 : vector<16xf32> to vector<16xf32>
    %sub3A_2582 = arith.subf %get3A_2578, %get3A_2581 : vector<16xf32>
    %mul3A_2583 = arith.mulf %sub3A_2582, %sub3A_2582 : vector<16xf32>
    %add3A_2584 = arith.addf %add3A_2575, %mul3A_2583 : vector<16xf32>
    %get3A_2585 = arith.constant 224 : index
    %get3A_2586 = tpu.vector_load %arg14[%get3A_2585] {strides = array<i32>} : memref<1024xf32, #tpu.memory_space<vmem>>, vector<16xf32>,
    %get3A_2587 = vector.shape_cast %get3A_2586 : vector<16xf32> to vector<16xf32>
    %get3A_2588 = arith.constant 224 : index
    %get3A_2589 = tpu.vector_load %arg15[%get3A_2588] {strides = array<i32>} : memref<1024xf32, #tpu.memory_space<vmem>>, vector<16xf32>,
    %get3A_2590 = vector.shape_cast %get3A_2589 : vector<16xf32> to vector<16xf32>
    %sub3A_2591 = arith.subf %get3A_2587, %get3A_2590 : vector<16xf32>
    %mul3A_2592 = arith.mulf %sub3A_2591, %sub3A_2591 : vector<16xf32>
    %add3A_2593 = arith.addf %add3A_2584, %mul3A_2592 : vector<16xf32>
    %get3A_2594 = arith.constant 240 : index
    %get3A_2595 = tpu.vector_load %arg14[%get3A_2594] {strides = array<i32>} : memref<1024xf32, #tpu.memory_space<vmem>>, vector<16xf32>,
    %get3A_2596 = vector.shape_cast %get3A_2595 : vector<16xf32> to vector<16xf32>
    %get3A_2597 = arith.constant 240 : index
    %get3A_2598 = tpu.vector_load %arg15[%get3A_2597] {strides = array<i32>} : memref<1024xf32, #tpu.memory_space<vmem>>, vector<16xf32>,
    %get3A_2599 = vector.shape_cast %get3A_2598 : vector<16xf32> to vector<16xf32>
    %sub3A_2600 = arith.subf %get3A_2596, %get3A_2599 : vector<16xf32>
    %mul3A_2601 = arith.mulf %sub3A_2600, %sub3A_2600 : vector<16xf32>
    %add3A_2602 = arith.addf %add3A_2593, %mul3A_2601 : vector<16xf32>
    %get3A_2603 = arith.constant 256 : index
    %get3A_2604 = tpu.vector_load %arg14[%get3A_2603] {strides = array<i32>} : memref<1024xf32, #tpu.memory_space<vmem>>, vector<16xf32>,
    %get3A_2605 = vector.shape_cast %get3A_2604 : vector<16xf32> to vector<16xf32>
    %get3A_2606 = arith.constant 256 : index
    %get3A_2607 = tpu.vector_load %arg15[%get3A_2606] {strides = array<i32>} : memref<1024xf32, #tpu.memory_space<vmem>>, vector<16xf32>,
    %get3A_2608 = vector.shape_cast %get3A_2607 : vector<16xf32> to vector<16xf32>
    %sub3A_2609 = arith.subf %get3A_2605, %get3A_2608 : vector<16xf32>
    %mul3A_2610 = arith.mulf %sub3A_2609, %sub3A_2609 : vector<16xf32>
    %add3A_2611 = arith.addf %add3A_2602, %mul3A_2610 : vector<16xf32>
    %get3A_2612 = arith.constant 272 : index
    %get3A_2613 = tpu.vector_load %arg14[%get3A_2612] {strides = array<i32>} : memref<1024xf32, #tpu.memory_space<vmem>>, vector<16xf32>,
    %get3A_2614 = vector.shape_cast %get3A_2613 : vector<16xf32> to vector<16xf32>
    %get3A_2615 = arith.constant 272 : index
    %get3A_2616 = tpu.vector_load %arg15[%get3A_2615] {strides = array<i32>} : memref<1024xf32, #tpu.memory_space<vmem>>, vector<16xf32>,
    %get3A_2617 = vector.shape_cast %get3A_2616 : vector<16xf32> to vector<16xf32>
    %sub3A_2618 = arith.subf %get3A_2614, %get3A_2617 : vector<16xf32>
    %mul3A_2619 = arith.mulf %sub3A_2618, %sub3A_2618 : vector<16xf32>
    %add3A_2620 = arith.addf %add3A_2611, %mul3A_2619 : vector<16xf32>
    %get3A_2621 = arith.constant 288 : index
    %get3A_2622 = tpu.vector_load %arg14[%get3A_2621] {strides = array<i32>} : memref<1024xf32, #tpu.memory_space<vmem>>, vector<16xf32>,
    %get3A_2623 = vector.shape_cast %get3A_2622 : vector<16xf32> to vector<16xf32>
    %get3A_2624 = arith.constant 288 : index
    %get3A_2625 = tpu.vector_load %arg15[%get3A_2624] {strides = array<i32>} : memref<1024xf32, #tpu.memory_space<vmem>>, vector<16xf32>,
    %get3A_2626 = vector.shape_cast %get3A_2625 : vector<16xf32> to vector<16xf32>
    %sub3A_2627 = arith.subf %get3A_2623, %get3A_2626 : vector<16xf32>
    %mul3A_2628 = arith.mulf %sub3A_2627, %sub3A_2627 : vector<16xf32>
    %add3A_2629 = arith.addf %add3A_2620, %mul3A_2628 : vector<16xf32>
    %get3A_2630 = arith.constant 304 : index
    %get3A_2631 = tpu.vector_load %arg14[%get3A_2630] {strides = array<i32>} : memref<1024xf32, #tpu.memory_space<vmem>>, vector<16xf32>,
    %get3A_2632 = vector.shape_cast %get3A_2631 : vector<16xf32> to vector<16xf32>
    %get3A_2633 = arith.constant 304 : index
    %get3A_2634 = tpu.vector_load %arg15[%get3A_2633] {strides = array<i32>} : memref<1024xf32, #tpu.memory_space<vmem>>, vector<16xf32>,
    %get3A_2635 = vector.shape_cast %get3A_2634 : vector<16xf32> to vector<16xf32>
    %sub3A_2636 = arith.subf %get3A_2632, %get3A_2635 : vector<16xf32>
    %mul3A_2637 = arith.mulf %sub3A_2636, %sub3A_2636 : vector<16xf32>
    %add3A_2638 = arith.addf %add3A_2629, %mul3A_2637 : vector<16xf32>
    %get3A_2639 = arith.constant 320 : index
    %get3A_2640 = tpu.vector_load %arg14[%get3A_2639] {strides = array<i32>} : memref<1024xf32, #tpu.memory_space<vmem>>, vector<16xf32>,
    %get3A_2641 = vector.shape_cast %get3A_2640 : vector<16xf32> to vector<16xf32>
    %get3A_2642 = arith.constant 320 : index
    %get3A_2643 = tpu.vector_load %arg15[%get3A_2642] {strides = array<i32>} : memref<1024xf32, #tpu.memory_space<vmem>>, vector<16xf32>,
    %get3A_2644 = vector.shape_cast %get3A_2643 : vector<16xf32> to vector<16xf32>
    %sub3A_2645 = arith.subf %get3A_2641, %get3A_2644 : vector<16xf32>
    %mul3A_2646 = arith.mulf %sub3A_2645, %sub3A_2645 : vector<16xf32>
    %add3A_2647 = arith.addf %add3A_2638, %mul3A_2646 : vector<16xf32>
    %get3A_2648 = arith.constant 336 : index
    %get3A_2649 = tpu.vector_load %arg14[%get3A_2648] {strides = array<i32>} : memref<1024xf32, #tpu.memory_space<vmem>>, vector<16xf32>,
    %get3A_2650 = vector.shape_cast %get3A_2649 : vector<16xf32> to vector<16xf32>
    %get3A_2651 = arith.constant 336 : index
    %get3A_2652 = tpu.vector_load %arg15[%get3A_2651] {strides = array<i32>} : memref<1024xf32, #tpu.memory_space<vmem>>, vector<16xf32>,
    %get3A_2653 = vector.shape_cast %get3A_2652 : vector<16xf32> to vector<16xf32>
    %sub3A_2654 = arith.subf %get3A_2650, %get3A_2653 : vector<16xf32>
    %mul3A_2655 = arith.mulf %sub3A_2654, %sub3A_2654 : vector<16xf32>
    %add3A_2656 = arith.addf %add3A_2647, %mul3A_2655 : vector<16xf32>
    %get3A_2657 = arith.constant 352 : index
    %get3A_2658 = tpu.vector_load %arg14[%get3A_2657] {strides = array<i32>} : memref<1024xf32, #tpu.memory_space<vmem>>, vector<16xf32>,
    %get3A_2659 = vector.shape_cast %get3A_2658 : vector<16xf32> to vector<16xf32>
    %get3A_2660 = arith.constant 352 : index
    %get3A_2661 = tpu.vector_load %arg15[%get3A_2660] {strides = array<i32>} : memref<1024xf32, #tpu.memory_space<vmem>>, vector<16xf32>,
    %get3A_2662 = vector.shape_cast %get3A_2661 : vector<16xf32> to vector<16xf32>
    %sub3A_2663 = arith.subf %get3A_2659, %get3A_2662 : vector<16xf32>
    %mul3A_2664 = arith.mulf %sub3A_2663, %sub3A_2663 : vector<16xf32>
    %add3A_2665 = arith.addf %add3A_2656, %mul3A_2664 : vector<16xf32>
    %get3A_2666 = arith.constant 368 : index
    %get3A_2667 = tpu.vector_load %arg14[%get3A_2666] {strides = array<i32>} : memref<1024xf32, #tpu.memory_space<vmem>>, vector<16xf32>,
    %get3A_2668 = vector.shape_cast %get3A_2667 : vector<16xf32> to vector<16xf32>
    %get3A_2669 = arith.constant 368 : index
    %get3A_2670 = tpu.vector_load %arg15[%get3A_2669] {strides = array<i32>} : memref<1024xf32, #tpu.memory_space<vmem>>, vector<16xf32>,
    %get3A_2671 = vector.shape_cast %get3A_2670 : vector<16xf32> to vector<16xf32>
    %sub3A_2672 = arith.subf %get3A_2668, %get3A_2671 : vector<16xf32>
    %mul3A_2673 = arith.mulf %sub3A_2672, %sub3A_2672 : vector<16xf32>
    %add3A_2674 = arith.addf %add3A_2665, %mul3A_2673 : vector<16xf32>
    %get3A_2675 = arith.constant 384 : index
    %get3A_2676 = tpu.vector_load %arg14[%get3A_2675] {strides = array<i32>} : memref<1024xf32, #tpu.memory_space<vmem>>, vector<16xf32>,
    %get3A_2677 = vector.shape_cast %get3A_2676 : vector<16xf32> to vector<16xf32>
    %get3A_2678 = arith.constant 384 : index
    %get3A_2679 = tpu.vector_load %arg15[%get3A_2678] {strides = array<i32>} : memref<1024xf32, #tpu.memory_space<vmem>>, vector<16xf32>,
    %get3A_2680 = vector.shape_cast %get3A_2679 : vector<16xf32> to vector<16xf32>
    %sub3A_2681 = arith.subf %get3A_2677, %get3A_2680 : vector<16xf32>
    %mul3A_2682 = arith.mulf %sub3A_2681, %sub3A_2681 : vector<16xf32>
    %add3A_2683 = arith.addf %add3A_2674, %mul3A_2682 : vector<16xf32>
    %get3A_2684 = arith.constant 400 : index
    %get3A_2685 = tpu.vector_load %arg14[%get3A_2684] {strides = array<i32>} : memref<1024xf32, #tpu.memory_space<vmem>>, vector<16xf32>,
    %get3A_2686 = vector.shape_cast %get3A_2685 : vector<16xf32> to vector<16xf32>
    %get3A_2687 = arith.constant 400 : index
    %get3A_2688 = tpu.vector_load %arg15[%get3A_2687] {strides = array<i32>} : memref<1024xf32, #tpu.memory_space<vmem>>, vector<16xf32>,
    %get3A_2689 = vector.shape_cast %get3A_2688 : vector<16xf32> to vector<16xf32>
    %sub3A_2690 = arith.subf %get3A_2686, %get3A_2689 : vector<16xf32>
    %mul3A_2691 = arith.mulf %sub3A_2690, %sub3A_2690 : vector<16xf32>
    %add3A_2692 = arith.addf %add3A_2683, %mul3A_2691 : vector<16xf32>
    %get3A_2693 = arith.constant 416 : index
    %get3A_2694 = tpu.vector_load %arg14[%get3A_2693] {strides = array<i32>} : memref<1024xf32, #tpu.memory_space<vmem>>, vector<16xf32>,
    %get3A_2695 = vector.shape_cast %get3A_2694 : vector<16xf32> to vector<16xf32>
    %get3A_2696 = arith.constant 416 : index
    %get3A_2697 = tpu.vector_load %arg15[%get3A_2696] {strides = array<i32>} : memref<1024xf32, #tpu.memory_space<vmem>>, vector<16xf32>,
    %get3A_2698 = vector.shape_cast %get3A_2697 : vector<16xf32> to vector<16xf32>
    %sub3A_2699 = arith.subf %get3A_2695, %get3A_2698 : vector<16xf32>
    %mul3A_2700 = arith.mulf %sub3A_2699, %sub3A_2699 : vector<16xf32>
    %add3A_2701 = arith.addf %add3A_2692, %mul3A_2700 : vector<16xf32>
    %get3A_2702 = arith.constant 432 : index
    %get3A_2703 = tpu.vector_load %arg14[%get3A_2702] {strides = array<i32>} : memref<1024xf32, #tpu.memory_space<vmem>>, vector<16xf32>,
    %get3A_2704 = vector.shape_cast %get3A_2703 : vector<16xf32> to vector<16xf32>
    %get3A_2705 = arith.constant 432 : index
    %get3A_2706 = tpu.vector_load %arg15[%get3A_2705] {strides = array<i32>} : memref<1024xf32, #tpu.memory_space<vmem>>, vector<16xf32>,
    %get3A_2707 = vector.shape_cast %get3A_2706 : vector<16xf32> to vector<16xf32>
    %sub3A_2708 = arith.subf %get3A_2704, %get3A_2707 : vector<16xf32>
    %mul3A_2709 = arith.mulf %sub3A_2708, %sub3A_2708 : vector<16xf32>
    %add3A_2710 = arith.addf %add3A_2701, %mul3A_2709 : vector<16xf32>
    %get3A_2711 = arith.constant 448 : index
    %get3A_2712 = tpu.vector_load %arg14[%get3A_2711] {strides = array<i32>} : memref<1024xf32, #tpu.memory_space<vmem>>, vector<16xf32>,
    %get3A_2713 = vector.shape_cast %get3A_2712 : vector<16xf32> to vector<16xf32>
    %get3A_2714 = arith.constant 448 : index
    %get3A_2715 = tpu.vector_load %arg15[%get3A_2714] {strides = array<i32>} : memref<1024xf32, #tpu.memory_space<vmem>>, vector<16xf32>,
    %get3A_2716 = vector.shape_cast %get3A_2715 : vector<16xf32> to vector<16xf32>
    %sub3A_2717 = arith.subf %get3A_2713, %get3A_2716 : vector<16xf32>
    %mul3A_2718 = arith.mulf %sub3A_2717, %sub3A_2717 : vector<16xf32>
    %add3A_2719 = arith.addf %add3A_2710, %mul3A_2718 : vector<16xf32>
    %get3A_2720 = arith.constant 464 : index
    %get3A_2721 = tpu.vector_load %arg14[%get3A_2720] {strides = array<i32>} : memref<1024xf32, #tpu.memory_space<vmem>>, vector<16xf32>,
    %get3A_2722 = vector.shape_cast %get3A_2721 : vector<16xf32> to vector<16xf32>
    %get3A_2723 = arith.constant 464 : index
    %get3A_2724 = tpu.vector_load %arg15[%get3A_2723] {strides = array<i32>} : memref<1024xf32, #tpu.memory_space<vmem>>, vector<16xf32>,
    %get3A_2725 = vector.shape_cast %get3A_2724 : vector<16xf32> to vector<16xf32>
    %sub3A_2726 = arith.subf %get3A_2722, %get3A_2725 : vector<16xf32>
    %mul3A_2727 = arith.mulf %sub3A_2726, %sub3A_2726 : vector<16xf32>
    %add3A_2728 = arith.addf %add3A_2719, %mul3A_2727 : vector<16xf32>
    %get3A_2729 = arith.constant 480 : index
    %get3A_2730 = tpu.vector_load %arg14[%get3A_2729] {strides = array<i32>} : memref<1024xf32, #tpu.memory_space<vmem>>, vector<16xf32>,
    %get3A_2731 = vector.shape_cast %get3A_2730 : vector<16xf32> to vector<16xf32>
    %get3A_2732 = arith.constant 480 : index
    %get3A_2733 = tpu.vector_load %arg15[%get3A_2732] {strides = array<i32>} : memref<1024xf32, #tpu.memory_space<vmem>>, vector<16xf32>,
    %get3A_2734 = vector.shape_cast %get3A_2733 : vector<16xf32> to vector<16xf32>
    %sub3A_2735 = arith.subf %get3A_2731, %get3A_2734 : vector<16xf32>
    %mul3A_2736 = arith.mulf %sub3A_2735, %sub3A_2735 : vector<16xf32>
    %add3A_2737 = arith.addf %add3A_2728, %mul3A_2736 : vector<16xf32>
    %get3A_2738 = arith.constant 496 : index
    %get3A_2739 = tpu.vector_load %arg14[%get3A_2738] {strides = array<i32>} : memref<1024xf32, #tpu.memory_space<vmem>>, vector<16xf32>,
    %get3A_2740 = vector.shape_cast %get3A_2739 : vector<16xf32> to vector<16xf32>
    %get3A_2741 = arith.constant 496 : index
    %get3A_2742 = tpu.vector_load %arg15[%get3A_2741] {strides = array<i32>} : memref<1024xf32, #tpu.memory_space<vmem>>, vector<16xf32>,
    %get3A_2743 = vector.shape_cast %get3A_2742 : vector<16xf32> to vector<16xf32>
    %sub3A_2744 = arith.subf %get3A_2740, %get3A_2743 : vector<16xf32>
    %mul3A_2745 = arith.mulf %sub3A_2744, %sub3A_2744 : vector<16xf32>
    %add3A_2746 = arith.addf %add3A_2737, %mul3A_2745 : vector<16xf32>
    %get3A_2747 = arith.constant 512 : index
    %get3A_2748 = tpu.vector_load %arg14[%get3A_2747] {strides = array<i32>} : memref<1024xf32, #tpu.memory_space<vmem>>, vector<16xf32>,
    %get3A_2749 = vector.shape_cast %get3A_2748 : vector<16xf32> to vector<16xf32>
    %get3A_2750 = arith.constant 512 : index
    %get3A_2751 = tpu.vector_load %arg15[%get3A_2750] {strides = array<i32>} : memref<1024xf32, #tpu.memory_space<vmem>>, vector<16xf32>,
    %get3A_2752 = vector.shape_cast %get3A_2751 : vector<16xf32> to vector<16xf32>
    %sub3A_2753 = arith.subf %get3A_2749, %get3A_2752 : vector<16xf32>
    %mul3A_2754 = arith.mulf %sub3A_2753, %sub3A_2753 : vector<16xf32>
    %add3A_2755 = arith.addf %add3A_2746, %mul3A_2754 : vector<16xf32>
    %get3A_2756 = arith.constant 528 : index
    %get3A_2757 = tpu.vector_load %arg14[%get3A_2756] {strides = array<i32>} : memref<1024xf32, #tpu.memory_space<vmem>>, vector<16xf32>,
    %get3A_2758 = vector.shape_cast %get3A_2757 : vector<16xf32> to vector<16xf32>
    %get3A_2759 = arith.constant 528 : index
    %get3A_2760 = tpu.vector_load %arg15[%get3A_2759] {strides = array<i32>} : memref<1024xf32, #tpu.memory_space<vmem>>, vector<16xf32>,
    %get3A_2761 = vector.shape_cast %get3A_2760 : vector<16xf32> to vector<16xf32>
    %sub3A_2762 = arith.subf %get3A_2758, %get3A_2761 : vector<16xf32>
    %mul3A_2763 = arith.mulf %sub3A_2762, %sub3A_2762 : vector<16xf32>
    %add3A_2764 = arith.addf %add3A_2755, %mul3A_2763 : vector<16xf32>
    %get3A_2765 = arith.constant 544 : index
    %get3A_2766 = tpu.vector_load %arg14[%get3A_2765] {strides = array<i32>} : memref<1024xf32, #tpu.memory_space<vmem>>, vector<16xf32>,
    %get3A_2767 = vector.shape_cast %get3A_2766 : vector<16xf32> to vector<16xf32>
    %get3A_2768 = arith.constant 544 : index
    %get3A_2769 = tpu.vector_load %arg15[%get3A_2768] {strides = array<i32>} : memref<1024xf32, #tpu.memory_space<vmem>>, vector<16xf32>,
    %get3A_2770 = vector.shape_cast %get3A_2769 : vector<16xf32> to vector<16xf32>
    %sub3A_2771 = arith.subf %get3A_2767, %get3A_2770 : vector<16xf32>
    %mul3A_2772 = arith.mulf %sub3A_2771, %sub3A_2771 : vector<16xf32>
    %add3A_2773 = arith.addf %add3A_2764, %mul3A_2772 : vector<16xf32>
    %get3A_2774 = arith.constant 560 : index
    %get3A_2775 = tpu.vector_load %arg14[%get3A_2774] {strides = array<i32>} : memref<1024xf32, #tpu.memory_space<vmem>>, vector<16xf32>,
    %get3A_2776 = vector.shape_cast %get3A_2775 : vector<16xf32> to vector<16xf32>
    %get3A_2777 = arith.constant 560 : index
    %get3A_2778 = tpu.vector_load %arg15[%get3A_2777] {strides = array<i32>} : memref<1024xf32, #tpu.memory_space<vmem>>, vector<16xf32>,
    %get3A_2779 = vector.shape_cast %get3A_2778 : vector<16xf32> to vector<16xf32>
    %sub3A_2780 = arith.subf %get3A_2776, %get3A_2779 : vector<16xf32>
    %mul3A_2781 = arith.mulf %sub3A_2780, %sub3A_2780 : vector<16xf32>
    %add3A_2782 = arith.addf %add3A_2773, %mul3A_2781 : vector<16xf32>
    %get3A_2783 = arith.constant 576 : index
    %get3A_2784 = tpu.vector_load %arg14[%get3A_2783] {strides = array<i32>} : memref<1024xf32, #tpu.memory_space<vmem>>, vector<16xf32>,
    %get3A_2785 = vector.shape_cast %get3A_2784 : vector<16xf32> to vector<16xf32>
    %get3A_2786 = arith.constant 576 : index
    %get3A_2787 = tpu.vector_load %arg15[%get3A_2786] {strides = array<i32>} : memref<1024xf32, #tpu.memory_space<vmem>>, vector<16xf32>,
    %get3A_2788 = vector.shape_cast %get3A_2787 : vector<16xf32> to vector<16xf32>
    %sub3A_2789 = arith.subf %get3A_2785, %get3A_2788 : vector<16xf32>
    %mul3A_2790 = arith.mulf %sub3A_2789, %sub3A_2789 : vector<16xf32>
    %add3A_2791 = arith.addf %add3A_2782, %mul3A_2790 : vector<16xf32>
    %get3A_2792 = arith.constant 592 : index
    %get3A_2793 = tpu.vector_load %arg14[%get3A_2792] {strides = array<i32>} : memref<1024xf32, #tpu.memory_space<vmem>>, vector<16xf32>,
    %get3A_2794 = vector.shape_cast %get3A_2793 : vector<16xf32> to vector<16xf32>
    %get3A_2795 = arith.constant 592 : index
    %get3A_2796 = tpu.vector_load %arg15[%get3A_2795] {strides = array<i32>} : memref<1024xf32, #tpu.memory_space<vmem>>, vector<16xf32>,
    %get3A_2797 = vector.shape_cast %get3A_2796 : vector<16xf32> to vector<16xf32>
    %sub3A_2798 = arith.subf %get3A_2794, %get3A_2797 : vector<16xf32>
    %mul3A_2799 = arith.mulf %sub3A_2798, %sub3A_2798 : vector<16xf32>
    %add3A_2800 = arith.addf %add3A_2791, %mul3A_2799 : vector<16xf32>
    %get3A_2801 = arith.constant 608 : index
    %get3A_2802 = tpu.vector_load %arg14[%get3A_2801] {strides = array<i32>} : memref<1024xf32, #tpu.memory_space<vmem>>, vector<16xf32>,
    %get3A_2803 = vector.shape_cast %get3A_2802 : vector<16xf32> to vector<16xf32>
    %get3A_2804 = arith.constant 608 : index
    %get3A_2805 = tpu.vector_load %arg15[%get3A_2804] {strides = array<i32>} : memref<1024xf32, #tpu.memory_space<vmem>>, vector<16xf32>,
    %get3A_2806 = vector.shape_cast %get3A_2805 : vector<16xf32> to vector<16xf32>
    %sub3A_2807 = arith.subf %get3A_2803, %get3A_2806 : vector<16xf32>
    %mul3A_2808 = arith.mulf %sub3A_2807, %sub3A_2807 : vector<16xf32>
    %add3A_2809 = arith.addf %add3A_2800, %mul3A_2808 : vector<16xf32>
    %get3A_2810 = arith.constant 624 : index
    %get3A_2811 = tpu.vector_load %arg14[%get3A_2810] {strides = array<i32>} : memref<1024xf32, #tpu.memory_space<vmem>>, vector<16xf32>,
    %get3A_2812 = vector.shape_cast %get3A_2811 : vector<16xf32> to vector<16xf32>
    %get3A_2813 = arith.constant 624 : index
    %get3A_2814 = tpu.vector_load %arg15[%get3A_2813] {strides = array<i32>} : memref<1024xf32, #tpu.memory_space<vmem>>, vector<16xf32>,
    %get3A_2815 = vector.shape_cast %get3A_2814 : vector<16xf32> to vector<16xf32>
    %sub3A_2816 = arith.subf %get3A_2812, %get3A_2815 : vector<16xf32>
    %mul3A_2817 = arith.mulf %sub3A_2816, %sub3A_2816 : vector<16xf32>
    %add3A_2818 = arith.addf %add3A_2809, %mul3A_2817 : vector<16xf32>
    %get3A_2819 = arith.constant 640 : index
    %get3A_2820 = tpu.vector_load %arg14[%get3A_2819] {strides = array<i32>} : memref<1024xf32, #tpu.memory_space<vmem>>, vector<16xf32>,
    %get3A_2821 = vector.shape_cast %get3A_2820 : vector<16xf32> to vector<16xf32>
    %get3A_2822 = arith.constant 640 : index
    %get3A_2823 = tpu.vector_load %arg15[%get3A_2822] {strides = array<i32>} : memref<1024xf32, #tpu.memory_space<vmem>>, vector<16xf32>,
    %get3A_2824 = vector.shape_cast %get3A_2823 : vector<16xf32> to vector<16xf32>
    %sub3A_2825 = arith.subf %get3A_2821, %get3A_2824 : vector<16xf32>
    %mul3A_2826 = arith.mulf %sub3A_2825, %sub3A_2825 : vector<16xf32>
    %add3A_2827 = arith.addf %add3A_2818, %mul3A_2826 : vector<16xf32>
    %get3A_2828 = arith.constant 656 : index
    %get3A_2829 = tpu.vector_load %arg14[%get3A_2828] {strides = array<i32>} : memref<1024xf32, #tpu.memory_space<vmem>>, vector<16xf32>,
    %get3A_2830 = vector.shape_cast %get3A_2829 : vector<16xf32> to vector<16xf32>
    %get3A_2831 = arith.constant 656 : index
    %get3A_2832 = tpu.vector_load %arg15[%get3A_2831] {strides = array<i32>} : memref<1024xf32, #tpu.memory_space<vmem>>, vector<16xf32>,
    %get3A_2833 = vector.shape_cast %get3A_2832 : vector<16xf32> to vector<16xf32>
    %sub3A_2834 = arith.subf %get3A_2830, %get3A_2833 : vector<16xf32>
    %mul3A_2835 = arith.mulf %sub3A_2834, %sub3A_2834 : vector<16xf32>
    %add3A_2836 = arith.addf %add3A_2827, %mul3A_2835 : vector<16xf32>
    %get3A_2837 = arith.constant 672 : index
    %get3A_2838 = tpu.vector_load %arg14[%get3A_2837] {strides = array<i32>} : memref<1024xf32, #tpu.memory_space<vmem>>, vector<16xf32>,
    %get3A_2839 = vector.shape_cast %get3A_2838 : vector<16xf32> to vector<16xf32>
    %get3A_2840 = arith.constant 672 : index
    %get3A_2841 = tpu.vector_load %arg15[%get3A_2840] {strides = array<i32>} : memref<1024xf32, #tpu.memory_space<vmem>>, vector<16xf32>,
    %get3A_2842 = vector.shape_cast %get3A_2841 : vector<16xf32> to vector<16xf32>
    %sub3A_2843 = arith.subf %get3A_2839, %get3A_2842 : vector<16xf32>
    %mul3A_2844 = arith.mulf %sub3A_2843, %sub3A_2843 : vector<16xf32>
    %add3A_2845 = arith.addf %add3A_2836, %mul3A_2844 : vector<16xf32>
    %get3A_2846 = arith.constant 688 : index
    %get3A_2847 = tpu.vector_load %arg14[%get3A_2846] {strides = array<i32>} : memref<1024xf32, #tpu.memory_space<vmem>>, vector<16xf32>,
    %get3A_2848 = vector.shape_cast %get3A_2847 : vector<16xf32> to vector<16xf32>
    %get3A_2849 = arith.constant 688 : index
    %get3A_2850 = tpu.vector_load %arg15[%get3A_2849] {strides = array<i32>} : memref<1024xf32, #tpu.memory_space<vmem>>, vector<16xf32>,
    %get3A_2851 = vector.shape_cast %get3A_2850 : vector<16xf32> to vector<16xf32>
    %sub3A_2852 = arith.subf %get3A_2848, %get3A_2851 : vector<16xf32>
    %mul3A_2853 = arith.mulf %sub3A_2852, %sub3A_2852 : vector<16xf32>
    %add3A_2854 = arith.addf %add3A_2845, %mul3A_2853 : vector<16xf32>
    %get3A_2855 = arith.constant 704 : index
    %get3A_2856 = tpu.vector_load %arg14[%get3A_2855] {strides = array<i32>} : memref<1024xf32, #tpu.memory_space<vmem>>, vector<16xf32>,
    %get3A_2857 = vector.shape_cast %get3A_2856 : vector<16xf32> to vector<16xf32>
    %get3A_2858 = arith.constant 704 : index
    %get3A_2859 = tpu.vector_load %arg15[%get3A_2858] {strides = array<i32>} : memref<1024xf32, #tpu.memory_space<vmem>>, vector<16xf32>,
    %get3A_2860 = vector.shape_cast %get3A_2859 : vector<16xf32> to vector<16xf32>
    %sub3A_2861 = arith.subf %get3A_2857, %get3A_2860 : vector<16xf32>
    %mul3A_2862 = arith.mulf %sub3A_2861, %sub3A_2861 : vector<16xf32>
    %add3A_2863 = arith.addf %add3A_2854, %mul3A_2862 : vector<16xf32>
    %get3A_2864 = arith.constant 720 : index
    %get3A_2865 = tpu.vector_load %arg14[%get3A_2864] {strides = array<i32>} : memref<1024xf32, #tpu.memory_space<vmem>>, vector<16xf32>,
    %get3A_2866 = vector.shape_cast %get3A_2865 : vector<16xf32> to vector<16xf32>
    %get3A_2867 = arith.constant 720 : index
    %get3A_2868 = tpu.vector_load %arg15[%get3A_2867] {strides = array<i32>} : memref<1024xf32, #tpu.memory_space<vmem>>, vector<16xf32>,
    %get3A_2869 = vector.shape_cast %get3A_2868 : vector<16xf32> to vector<16xf32>
    %sub3A_2870 = arith.subf %get3A_2866, %get3A_2869 : vector<16xf32>
    %mul3A_2871 = arith.mulf %sub3A_2870, %sub3A_2870 : vector<16xf32>
    %add3A_2872 = arith.addf %add3A_2863, %mul3A_2871 : vector<16xf32>
    %get3A_2873 = arith.constant 736 : index
    %get3A_2874 = tpu.vector_load %arg14[%get3A_2873] {strides = array<i32>} : memref<1024xf32, #tpu.memory_space<vmem>>, vector<16xf32>,
    %get3A_2875 = vector.shape_cast %get3A_2874 : vector<16xf32> to vector<16xf32>
    %get3A_2876 = arith.constant 736 : index
    %get3A_2877 = tpu.vector_load %arg15[%get3A_2876] {strides = array<i32>} : memref<1024xf32, #tpu.memory_space<vmem>>, vector<16xf32>,
    %get3A_2878 = vector.shape_cast %get3A_2877 : vector<16xf32> to vector<16xf32>
    %sub3A_2879 = arith.subf %get3A_2875, %get3A_2878 : vector<16xf32>
    %mul3A_2880 = arith.mulf %sub3A_2879, %sub3A_2879 : vector<16xf32>
    %add3A_2881 = arith.addf %add3A_2872, %mul3A_2880 : vector<16xf32>
    %get3A_2882 = arith.constant 752 : index
    %get3A_2883 = tpu.vector_load %arg14[%get3A_2882] {strides = array<i32>} : memref<1024xf32, #tpu.memory_space<vmem>>, vector<16xf32>,
    %get3A_2884 = vector.shape_cast %get3A_2883 : vector<16xf32> to vector<16xf32>
    %get3A_2885 = arith.constant 752 : index
    %get3A_2886 = tpu.vector_load %arg15[%get3A_2885] {strides = array<i32>} : memref<1024xf32, #tpu.memory_space<vmem>>, vector<16xf32>,
    %get3A_2887 = vector.shape_cast %get3A_2886 : vector<16xf32> to vector<16xf32>
    %sub3A_2888 = arith.subf %get3A_2884, %get3A_2887 : vector<16xf32>
    %mul3A_2889 = arith.mulf %sub3A_2888, %sub3A_2888 : vector<16xf32>
    %add3A_2890 = arith.addf %add3A_2881, %mul3A_2889 : vector<16xf32>
    %get3A_2891 = arith.constant 768 : index
    %get3A_2892 = tpu.vector_load %arg14[%get3A_2891] {strides = array<i32>} : memref<1024xf32, #tpu.memory_space<vmem>>, vector<16xf32>,
    %get3A_2893 = vector.shape_cast %get3A_2892 : vector<16xf32> to vector<16xf32>
    %get3A_2894 = arith.constant 768 : index
    %get3A_2895 = tpu.vector_load %arg15[%get3A_2894] {strides = array<i32>} : memref<1024xf32, #tpu.memory_space<vmem>>, vector<16xf32>,
    %get3A_2896 = vector.shape_cast %get3A_2895 : vector<16xf32> to vector<16xf32>
    %sub3A_2897 = arith.subf %get3A_2893, %get3A_2896 : vector<16xf32>
    %mul3A_2898 = arith.mulf %sub3A_2897, %sub3A_2897 : vector<16xf32>
    %add3A_2899 = arith.addf %add3A_2890, %mul3A_2898 : vector<16xf32>
    %get3A_2900 = arith.constant 784 : index
    %get3A_2901 = tpu.vector_load %arg14[%get3A_2900] {strides = array<i32>} : memref<1024xf32, #tpu.memory_space<vmem>>, vector<16xf32>,
    %get3A_2902 = vector.shape_cast %get3A_2901 : vector<16xf32> to vector<16xf32>
    %get3A_2903 = arith.constant 784 : index
    %get3A_2904 = tpu.vector_load %arg15[%get3A_2903] {strides = array<i32>} : memref<1024xf32, #tpu.memory_space<vmem>>, vector<16xf32>,
    %get3A_2905 = vector.shape_cast %get3A_2904 : vector<16xf32> to vector<16xf32>
    %sub3A_2906 = arith.subf %get3A_2902, %get3A_2905 : vector<16xf32>
    %mul3A_2907 = arith.mulf %sub3A_2906, %sub3A_2906 : vector<16xf32>
    %add3A_2908 = arith.addf %add3A_2899, %mul3A_2907 : vector<16xf32>
    %get3A_2909 = arith.constant 800 : index
    %get3A_2910 = tpu.vector_load %arg14[%get3A_2909] {strides = array<i32>} : memref<1024xf32, #tpu.memory_space<vmem>>, vector<16xf32>,
    %get3A_2911 = vector.shape_cast %get3A_2910 : vector<16xf32> to vector<16xf32>
    %get3A_2912 = arith.constant 800 : index
    %get3A_2913 = tpu.vector_load %arg15[%get3A_2912] {strides = array<i32>} : memref<1024xf32, #tpu.memory_space<vmem>>, vector<16xf32>,
    %get3A_2914 = vector.shape_cast %get3A_2913 : vector<16xf32> to vector<16xf32>
    %sub3A_2915 = arith.subf %get3A_2911, %get3A_2914 : vector<16xf32>
    %mul3A_2916 = arith.mulf %sub3A_2915, %sub3A_2915 : vector<16xf32>
    %add3A_2917 = arith.addf %add3A_2908, %mul3A_2916 : vector<16xf32>
    %get3A_2918 = arith.constant 816 : index
    %get3A_2919 = tpu.vector_load %arg14[%get3A_2918] {strides = array<i32>} : memref<1024xf32, #tpu.memory_space<vmem>>, vector<16xf32>,
    %get3A_2920 = vector.shape_cast %get3A_2919 : vector<16xf32> to vector<16xf32>
    %get3A_2921 = arith.constant 816 : index
    %get3A_2922 = tpu.vector_load %arg15[%get3A_2921] {strides = array<i32>} : memref<1024xf32, #tpu.memory_space<vmem>>, vector<16xf32>,
    %get3A_2923 = vector.shape_cast %get3A_2922 : vector<16xf32> to vector<16xf32>
    %sub3A_2924 = arith.subf %get3A_2920, %get3A_2923 : vector<16xf32>
    %mul3A_2925 = arith.mulf %sub3A_2924, %sub3A_2924 : vector<16xf32>
    %add3A_2926 = arith.addf %add3A_2917, %mul3A_2925 : vector<16xf32>
    %get3A_2927 = arith.constant 832 : index
    %get3A_2928 = tpu.vector_load %arg14[%get3A_2927] {strides = array<i32>} : memref<1024xf32, #tpu.memory_space<vmem>>, vector<16xf32>,
    %get3A_2929 = vector.shape_cast %get3A_2928 : vector<16xf32> to vector<16xf32>
    %get3A_2930 = arith.constant 832 : index
    %get3A_2931 = tpu.vector_load %arg15[%get3A_2930] {strides = array<i32>} : memref<1024xf32, #tpu.memory_space<vmem>>, vector<16xf32>,
    %get3A_2932 = vector.shape_cast %get3A_2931 : vector<16xf32> to vector<16xf32>
    %sub3A_2933 = arith.subf %get3A_2929, %get3A_2932 : vector<16xf32>
    %mul3A_2934 = arith.mulf %sub3A_2933, %sub3A_2933 : vector<16xf32>
    %add3A_2935 = arith.addf %add3A_2926, %mul3A_2934 : vector<16xf32>
    %get3A_2936 = arith.constant 848 : index
    %get3A_2937 = tpu.vector_load %arg14[%get3A_2936] {strides = array<i32>} : memref<1024xf32, #tpu.memory_space<vmem>>, vector<16xf32>,
    %get3A_2938 = vector.shape_cast %get3A_2937 : vector<16xf32> to vector<16xf32>
    %get3A_2939 = arith.constant 848 : index
    %get3A_2940 = tpu.vector_load %arg15[%get3A_2939] {strides = array<i32>} : memref<1024xf32, #tpu.memory_space<vmem>>, vector<16xf32>,
    %get3A_2941 = vector.shape_cast %get3A_2940 : vector<16xf32> to vector<16xf32>
    %sub3A_2942 = arith.subf %get3A_2938, %get3A_2941 : vector<16xf32>
    %mul3A_2943 = arith.mulf %sub3A_2942, %sub3A_2942 : vector<16xf32>
    %add3A_2944 = arith.addf %add3A_2935, %mul3A_2943 : vector<16xf32>
    %get3A_2945 = arith.constant 864 : index
    %get3A_2946 = tpu.vector_load %arg14[%get3A_2945] {strides = array<i32>} : memref<1024xf32, #tpu.memory_space<vmem>>, vector<16xf32>,
    %get3A_2947 = vector.shape_cast %get3A_2946 : vector<16xf32> to vector<16xf32>
    %get3A_2948 = arith.constant 864 : index
    %get3A_2949 = tpu.vector_load %arg15[%get3A_2948] {strides = array<i32>} : memref<1024xf32, #tpu.memory_space<vmem>>, vector<16xf32>,
    %get3A_2950 = vector.shape_cast %get3A_2949 : vector<16xf32> to vector<16xf32>
    %sub3A_2951 = arith.subf %get3A_2947, %get3A_2950 : vector<16xf32>
    %mul3A_2952 = arith.mulf %sub3A_2951, %sub3A_2951 : vector<16xf32>
    %add3A_2953 = arith.addf %add3A_2944, %mul3A_2952 : vector<16xf32>
    %get3A_2954 = arith.constant 880 : index
    %get3A_2955 = tpu.vector_load %arg14[%get3A_2954] {strides = array<i32>} : memref<1024xf32, #tpu.memory_space<vmem>>, vector<16xf32>,
    %get3A_2956 = vector.shape_cast %get3A_2955 : vector<16xf32> to vector<16xf32>
    %get3A_2957 = arith.constant 880 : index
    %get3A_2958 = tpu.vector_load %arg15[%get3A_2957] {strides = array<i32>} : memref<1024xf32, #tpu.memory_space<vmem>>, vector<16xf32>,
    %get3A_2959 = vector.shape_cast %get3A_2958 : vector<16xf32> to vector<16xf32>
    %sub3A_2960 = arith.subf %get3A_2956, %get3A_2959 : vector<16xf32>
    %mul3A_2961 = arith.mulf %sub3A_2960, %sub3A_2960 : vector<16xf32>
    %add3A_2962 = arith.addf %add3A_2953, %mul3A_2961 : vector<16xf32>
    %get3A_2963 = arith.constant 896 : index
    %get3A_2964 = tpu.vector_load %arg14[%get3A_2963] {strides = array<i32>} : memref<1024xf32, #tpu.memory_space<vmem>>, vector<16xf32>,
    %get3A_2965 = vector.shape_cast %get3A_2964 : vector<16xf32> to vector<16xf32>
    %get3A_2966 = arith.constant 896 : index
    %get3A_2967 = tpu.vector_load %arg15[%get3A_2966] {strides = array<i32>} : memref<1024xf32, #tpu.memory_space<vmem>>, vector<16xf32>,
    %get3A_2968 = vector.shape_cast %get3A_2967 : vector<16xf32> to vector<16xf32>
    %sub3A_2969 = arith.subf %get3A_2965, %get3A_2968 : vector<16xf32>
    %mul3A_2970 = arith.mulf %sub3A_2969, %sub3A_2969 : vector<16xf32>
    %add3A_2971 = arith.addf %add3A_2962, %mul3A_2970 : vector<16xf32>
    %get3A_2972 = arith.constant 912 : index
    %get3A_2973 = tpu.vector_load %arg14[%get3A_2972] {strides = array<i32>} : memref<1024xf32, #tpu.memory_space<vmem>>, vector<16xf32>,
    %get3A_2974 = vector.shape_cast %get3A_2973 : vector<16xf32> to vector<16xf32>
    %get3A_2975 = arith.constant 912 : index
    %get3A_2976 = tpu.vector_load %arg15[%get3A_2975] {strides = array<i32>} : memref<1024xf32, #tpu.memory_space<vmem>>, vector<16xf32>,
    %get3A_2977 = vector.shape_cast %get3A_2976 : vector<16xf32> to vector<16xf32>
    %sub3A_2978 = arith.subf %get3A_2974, %get3A_2977 : vector<16xf32>
    %mul3A_2979 = arith.mulf %sub3A_2978, %sub3A_2978 : vector<16xf32>
    %add3A_2980 = arith.addf %add3A_2971, %mul3A_2979 : vector<16xf32>
    %get3A_2981 = arith.constant 928 : index
    %get3A_2982 = tpu.vector_load %arg14[%get3A_2981] {strides = array<i32>} : memref<1024xf32, #tpu.memory_space<vmem>>, vector<16xf32>,
    %get3A_2983 = vector.shape_cast %get3A_2982 : vector<16xf32> to vector<16xf32>
    %get3A_2984 = arith.constant 928 : index
    %get3A_2985 = tpu.vector_load %arg15[%get3A_2984] {strides = array<i32>} : memref<1024xf32, #tpu.memory_space<vmem>>, vector<16xf32>,
    %get3A_2986 = vector.shape_cast %get3A_2985 : vector<16xf32> to vector<16xf32>
    %sub3A_2987 = arith.subf %get3A_2983, %get3A_2986 : vector<16xf32>
    %mul3A_2988 = arith.mulf %sub3A_2987, %sub3A_2987 : vector<16xf32>
    %add3A_2989 = arith.addf %add3A_2980, %mul3A_2988 : vector<16xf32>
    %get3A_2990 = arith.constant 944 : index
    %get3A_2991 = tpu.vector_load %arg14[%get3A_2990] {strides = array<i32>} : memref<1024xf32, #tpu.memory_space<vmem>>, vector<16xf32>,
    %get3A_2992 = vector.shape_cast %get3A_2991 : vector<16xf32> to vector<16xf32>
    %get3A_2993 = arith.constant 944 : index
    %get3A_2994 = tpu.vector_load %arg15[%get3A_2993] {strides = array<i32>} : memref<1024xf32, #tpu.memory_space<vmem>>, vector<16xf32>,
    %get3A_2995 = vector.shape_cast %get3A_2994 : vector<16xf32> to vector<16xf32>
    %sub3A_2996 = arith.subf %get3A_2992, %get3A_2995 : vector<16xf32>
    %mul3A_2997 = arith.mulf %sub3A_2996, %sub3A_2996 : vector<16xf32>
    %add3A_2998 = arith.addf %add3A_2989, %mul3A_2997 : vector<16xf32>
    %get3A_2999 = arith.constant 960 : index
    %get3A_3000 = tpu.vector_load %arg14[%get3A_2999] {strides = array<i32>} : memref<1024xf32, #tpu.memory_space<vmem>>, vector<16xf32>,
    %get3A_3001 = vector.shape_cast %get3A_3000 : vector<16xf32> to vector<16xf32>
    %get3A_3002 = arith.constant 960 : index
    %get3A_3003 = tpu.vector_load %arg15[%get3A_3002] {strides = array<i32>} : memref<1024xf32, #tpu.memory_space<vmem>>, vector<16xf32>,
    %get3A_3004 = vector.shape_cast %get3A_3003 : vector<16xf32> to vector<16xf32>
    %sub3A_3005 = arith.subf %get3A_3001, %get3A_3004 : vector<16xf32>
    %mul3A_3006 = arith.mulf %sub3A_3005, %sub3A_3005 : vector<16xf32>
    %add3A_3007 = arith.addf %add3A_2998, %mul3A_3006 : vector<16xf32>
    %get3A_3008 = arith.constant 976 : index
    %get3A_3009 = tpu.vector_load %arg14[%get3A_3008] {strides = array<i32>} : memref<1024xf32, #tpu.memory_space<vmem>>, vector<16xf32>,
    %get3A_3010 = vector.shape_cast %get3A_3009 : vector<16xf32> to vector<16xf32>
    %get3A_3011 = arith.constant 976 : index
    %get3A_3012 = tpu.vector_load %arg15[%get3A_3011] {strides = array<i32>} : memref<1024xf32, #tpu.memory_space<vmem>>, vector<16xf32>,
    %get3A_3013 = vector.shape_cast %get3A_3012 : vector<16xf32> to vector<16xf32>
    %sub3A_3014 = arith.subf %get3A_3010, %get3A_3013 : vector<16xf32>
    %mul3A_3015 = arith.mulf %sub3A_3014, %sub3A_3014 : vector<16xf32>
    %add3A_3016 = arith.addf %add3A_3007, %mul3A_3015 : vector<16xf32>
    %get3A_3017 = arith.constant 992 : index
    %get3A_3018 = tpu.vector_load %arg14[%get3A_3017] {strides = array<i32>} : memref<1024xf32, #tpu.memory_space<vmem>>, vector<16xf32>,
    %get3A_3019 = vector.shape_cast %get3A_3018 : vector<16xf32> to vector<16xf32>
    %get3A_3020 = arith.constant 992 : index
    %get3A_3021 = tpu.vector_load %arg15[%get3A_3020] {strides = array<i32>} : memref<1024xf32, #tpu.memory_space<vmem>>, vector<16xf32>,
    %get3A_3022 = vector.shape_cast %get3A_3021 : vector<16xf32> to vector<16xf32>
    %sub3A_3023 = arith.subf %get3A_3019, %get3A_3022 : vector<16xf32>
    %mul3A_3024 = arith.mulf %sub3A_3023, %sub3A_3023 : vector<16xf32>
    %add3A_3025 = arith.addf %add3A_3016, %mul3A_3024 : vector<16xf32>
    %get3A_3026 = arith.constant 1008 : index
    %get3A_3027 = tpu.vector_load %arg14[%get3A_3026] {strides = array<i32>} : memref<1024xf32, #tpu.memory_space<vmem>>, vector<16xf32>,
    %get3A_3028 = vector.shape_cast %get3A_3027 : vector<16xf32> to vector<16xf32>
    %get3A_3029 = arith.constant 1008 : index
    %get3A_3030 = tpu.vector_load %arg15[%get3A_3029] {strides = array<i32>} : memref<1024xf32, #tpu.memory_space<vmem>>, vector<16xf32>,
    %get3A_3031 = vector.shape_cast %get3A_3030 : vector<16xf32> to vector<16xf32>
    %sub3A_3032 = arith.subf %get3A_3028, %get3A_3031 : vector<16xf32>
    %mul3A_3033 = arith.mulf %sub3A_3032, %sub3A_3032 : vector<16xf32>
    %add3A_3034 = arith.addf %add3A_3025, %mul3A_3033 : vector<16xf32>
    %bitcast_convert_type3A = tpu.bitcast %add3A_1826 : vector<16xf32> -> vector<16xi32>
    %shift_right_logical3A = arith.constant 1 : i32
    %shift_right_logical3A_3035 = vector.broadcast %shift_right_logical3A : i32 to vector<16xi32>
    %shift_right_logical3A_3036 = arith.shrui %bitcast_convert_type3A, %shift_right_logical3A_3035 : vector<16xi32>
    %sub3A_3037 = arith.constant 1597463007 : i32
    %sub3A_3038 = vector.broadcast %sub3A_3037 : i32 to vector<16xi32>
    %sub3A_3039 = arith.subi %sub3A_3038, %shift_right_logical3A_3036 : vector<16xi32>
    %bitcast_convert_type3A_3040 = tpu.bitcast %sub3A_3039 : vector<16xi32> -> vector<16xf32>
    %mul3A_3041 = arith.constant 5.000000e-01 : f32
    %mul3A_3042 = vector.broadcast %mul3A_3041 : f32 to vector<16xf32>
    %mul3A_3043 = arith.mulf %add3A_1826, %mul3A_3042 : vector<16xf32>
    %mul3A_3044 = arith.mulf %mul3A_3043, %bitcast_convert_type3A_3040 : vector<16xf32>
    %mul3A_3045 = arith.mulf %mul3A_3044, %bitcast_convert_type3A_3040 : vector<16xf32>
    %sub3A_3046 = arith.constant 1.500000e+00 : f32
    %sub3A_3047 = vector.broadcast %sub3A_3046 : f32 to vector<16xf32>
    %sub3A_3048 = arith.subf %sub3A_3047, %mul3A_3045 : vector<16xf32>
    %mul3A_3049 = arith.mulf %bitcast_convert_type3A_3040, %sub3A_3048 : vector<16xf32>
    %mul3A_3050 = arith.mulf %mul3A_3043, %mul3A_3049 : vector<16xf32>
    %mul3A_3051 = arith.mulf %mul3A_3050, %mul3A_3049 : vector<16xf32>
    %sub3A_3052 = arith.constant 1.500000e+00 : f32
    %sub3A_3053 = vector.broadcast %sub3A_3052 : f32 to vector<16xf32>
    %sub3A_3054 = arith.subf %sub3A_3053, %mul3A_3051 : vector<16xf32>
    %mul3A_3055 = arith.mulf %mul3A_3049, %sub3A_3054 : vector<16xf32>
    %mul3A_3056 = arith.mulf %mul3A_3043, %mul3A_3055 : vector<16xf32>
    %mul3A_3057 = arith.mulf %mul3A_3056, %mul3A_3055 : vector<16xf32>
    %sub3A_3058 = arith.constant 1.500000e+00 : f32
    %sub3A_3059 = vector.broadcast %sub3A_3058 : f32 to vector<16xf32>
    %sub3A_3060 = arith.subf %sub3A_3059, %mul3A_3057 : vector<16xf32>
    %mul3A_3061 = arith.mulf %mul3A_3055, %sub3A_3060 : vector<16xf32>
    %mul3A_3062 = arith.mulf %add3A_1826, %mul3A_3061 : vector<16xf32>
    %bitcast_convert_type3A_3063 = tpu.bitcast %add3A_3034 : vector<16xf32> -> vector<16xi32>
    %shift_right_logical3A_3064 = arith.constant 1 : i32
    %shift_right_logical3A_3065 = vector.broadcast %shift_right_logical3A_3064 : i32 to vector<16xi32>
    %shift_right_logical3A_3066 = arith.shrui %bitcast_convert_type3A_3063, %shift_right_logical3A_3065 : vector<16xi32>
    %sub3A_3067 = arith.constant 1597463007 : i32
    %sub3A_3068 = vector.broadcast %sub3A_3067 : i32 to vector<16xi32>
    %sub3A_3069 = arith.subi %sub3A_3068, %shift_right_logical3A_3066 : vector<16xi32>
    %bitcast_convert_type3A_3070 = tpu.bitcast %sub3A_3069 : vector<16xi32> -> vector<16xf32>
    %mul3A_3071 = arith.constant 5.000000e-01 : f32
    %mul3A_3072 = vector.broadcast %mul3A_3071 : f32 to vector<16xf32>
    %mul3A_3073 = arith.mulf %add3A_3034, %mul3A_3072 : vector<16xf32>
    %mul3A_3074 = arith.mulf %mul3A_3073, %bitcast_convert_type3A_3070 : vector<16xf32>
    %mul3A_3075 = arith.mulf %mul3A_3074, %bitcast_convert_type3A_3070 : vector<16xf32>
    %sub3A_3076 = arith.constant 1.500000e+00 : f32
    %sub3A_3077 = vector.broadcast %sub3A_3076 : f32 to vector<16xf32>
    %sub3A_3078 = arith.subf %sub3A_3077, %mul3A_3075 : vector<16xf32>
    %mul3A_3079 = arith.mulf %bitcast_convert_type3A_3070, %sub3A_3078 : vector<16xf32>
    %mul3A_3080 = arith.mulf %mul3A_3073, %mul3A_3079 : vector<16xf32>
    %mul3A_3081 = arith.mulf %mul3A_3080, %mul3A_3079 : vector<16xf32>
    %sub3A_3082 = arith.constant 1.500000e+00 : f32
    %sub3A_3083 = vector.broadcast %sub3A_3082 : f32 to vector<16xf32>
    %sub3A_3084 = arith.subf %sub3A_3083, %mul3A_3081 : vector<16xf32>
    %mul3A_3085 = arith.mulf %mul3A_3079, %sub3A_3084 : vector<16xf32>
    %mul3A_3086 = arith.mulf %mul3A_3073, %mul3A_3085 : vector<16xf32>
    %mul3A_3087 = arith.mulf %mul3A_3086, %mul3A_3085 : vector<16xf32>
    %sub3A_3088 = arith.constant 1.500000e+00 : f32
    %sub3A_3089 = vector.broadcast %sub3A_3088 : f32 to vector<16xf32>
    %sub3A_3090 = arith.subf %sub3A_3089, %mul3A_3087 : vector<16xf32>
    %mul3A_3091 = arith.mulf %mul3A_3085, %sub3A_3090 : vector<16xf32>
    %mul3A_3092 = arith.mulf %add3A_3034, %mul3A_3091 : vector<16xf32>
    %sub3A_3093 = arith.constant 1.000000e+00 : f32
    %sub3A_3094 = vector.broadcast %sub3A_3093 : f32 to vector<16xf32>
    %sub3A_3095 = arith.subf %sub3A_3094, %mul3A_3092 : vector<16xf32>
    %max3A = arith.constant 0.000000e+00 : f32
    %max3A_3096 = vector.broadcast %max3A : f32 to vector<16xf32>
    %max3A_3097 = arith.maximumf %max3A_3096, %sub3A_3095 : vector<16xf32>
    %mul3A_3098 = arith.mulf %max3A_3097, %max3A_3097 : vector<16xf32>
    %add3A_3099 = arith.addf %add3A_1826, %mul3A_3098 : vector<16xf32>
    %mul3A_3100 = arith.constant 0.048828125 : f32
    %mul3A_3101 = vector.broadcast %mul3A_3100 : f32 to vector<16xf32>
    %mul3A_3102 = arith.mulf %add3A_3099, %mul3A_3101 : vector<16xf32>
    %swap3A_3103 = arith.constant 0 : index
    %swap3A_3104 = tpu.vector_load %arg16[%swap3A_3103] {strides = array<i32>} : memref<16xf32, #tpu.memory_space<vmem>>, vector<16xf32>,
    %swap3A_3105 = vector.shape_cast %swap3A_3104 : vector<16xf32> to vector<16xf32>
    %swap3A_3106 = vector.shape_cast %mul3A_3062 : vector<16xf32> to vector<16xf32>
    tpu.vector_store %arg16[%swap3A_3103], %swap3A_3106 {strides = array<i32>} : memref<16xf32, #tpu.memory_space<vmem>>, vector<16xf32>,
    "tpu.region"() ({
      %run_scoped3A_3115 = tpu.sem_alloc : memref<!tpu.dma_semaphore, #tpu.memory_space<semaphore_mem>>
      %dma_start3A_3116 = tpu.memref_slice %arg8[%mul3A_2] : memref<512xf32, #tpu.memory_space<hbm>> -> memref<16xf32, #tpu.memory_space<hbm>>
      %dma_start3A_3117 = tpu.memref_slice %arg8[%mul3A_2] : memref<512xf32, #tpu.memory_space<hbm>> -> memref<16xf32, #tpu.memory_space<hbm>>
      tpu.enqueue_dma source(%arg16 : memref<16xf32, #tpu.memory_space<vmem>>) target(%dma_start3A_3117 : memref<16xf32, #tpu.memory_space<hbm>>) target_semaphore(%run_scoped3A_3115 : memref<!tpu.dma_semaphore, #tpu.memory_space<semaphore_mem>>)
      %dma_wait3A_3118 = tpu.memref_slice %arg8[%mul3A_2] : memref<512xf32, #tpu.memory_space<hbm>> -> memref<16xf32, #tpu.memory_space<hbm>>
      %dma_wait3A_3119 = tpu.memref_slice %arg8[%mul3A_2] : memref<512xf32, #tpu.memory_space<hbm>> -> memref<16xf32, #tpu.memory_space<hbm>>
      tpu.wait_dma2 semaphore(%run_scoped3A_3115 : memref<!tpu.dma_semaphore, #tpu.memory_space<semaphore_mem>>) src(%arg16 : memref<16xf32, #tpu.memory_space<vmem>>) dst(%dma_wait3A_3119 : memref<16xf32, #tpu.memory_space<hbm>>)
      tpu.yield
    }) : () -> ()
    %swap3A_3107 = arith.constant 0 : index
    %swap3A_3108 = tpu.vector_load %arg16[%swap3A_3107] {strides = array<i32>} : memref<16xf32, #tpu.memory_space<vmem>>, vector<16xf32>,
    %swap3A_3109 = vector.shape_cast %swap3A_3108 : vector<16xf32> to vector<16xf32>
    %swap3A_3110 = vector.shape_cast %mul3A_3092 : vector<16xf32> to vector<16xf32>
    tpu.vector_store %arg16[%swap3A_3107], %swap3A_3110 {strides = array<i32>} : memref<16xf32, #tpu.memory_space<vmem>>, vector<16xf32>,
    "tpu.region"() ({
      %run_scoped3A_3115 = tpu.sem_alloc : memref<!tpu.dma_semaphore, #tpu.memory_space<semaphore_mem>>
      %dma_start3A_3116 = tpu.memref_slice %arg9[%mul3A_2] : memref<512xf32, #tpu.memory_space<hbm>> -> memref<16xf32, #tpu.memory_space<hbm>>
      %dma_start3A_3117 = tpu.memref_slice %arg9[%mul3A_2] : memref<512xf32, #tpu.memory_space<hbm>> -> memref<16xf32, #tpu.memory_space<hbm>>
      tpu.enqueue_dma source(%arg16 : memref<16xf32, #tpu.memory_space<vmem>>) target(%dma_start3A_3117 : memref<16xf32, #tpu.memory_space<hbm>>) target_semaphore(%run_scoped3A_3115 : memref<!tpu.dma_semaphore, #tpu.memory_space<semaphore_mem>>)
      %dma_wait3A_3118 = tpu.memref_slice %arg9[%mul3A_2] : memref<512xf32, #tpu.memory_space<hbm>> -> memref<16xf32, #tpu.memory_space<hbm>>
      %dma_wait3A_3119 = tpu.memref_slice %arg9[%mul3A_2] : memref<512xf32, #tpu.memory_space<hbm>> -> memref<16xf32, #tpu.memory_space<hbm>>
      tpu.wait_dma2 semaphore(%run_scoped3A_3115 : memref<!tpu.dma_semaphore, #tpu.memory_space<semaphore_mem>>) src(%arg16 : memref<16xf32, #tpu.memory_space<vmem>>) dst(%dma_wait3A_3119 : memref<16xf32, #tpu.memory_space<hbm>>)
      tpu.yield
    }) : () -> ()
    %swap3A_3111 = arith.constant 0 : index
    %swap3A_3112 = tpu.vector_load %arg16[%swap3A_3111] {strides = array<i32>} : memref<16xf32, #tpu.memory_space<vmem>>, vector<16xf32>,
    %swap3A_3113 = vector.shape_cast %swap3A_3112 : vector<16xf32> to vector<16xf32>
    %swap3A_3114 = vector.shape_cast %mul3A_3102 : vector<16xf32> to vector<16xf32>
    tpu.vector_store %arg16[%swap3A_3111], %swap3A_3114 {strides = array<i32>} : memref<16xf32, #tpu.memory_space<vmem>>, vector<16xf32>,
    "tpu.region"() ({
      %run_scoped3A_3115 = tpu.sem_alloc : memref<!tpu.dma_semaphore, #tpu.memory_space<semaphore_mem>>
      %dma_start3A_3116 = arith.constant 0 : i32
      %dma_start3A_3117 = tpu.memref_slice %arg7[%add3A, %dma_start3A_3116] : memref<32x16xf32, #tpu.memory_space<hbm>> -> memref<1x16xf32, #tpu.memory_space<hbm>>
      %dma_start3A_3118 = tpu.memref_squeeze %dma_start3A_3117 : memref<1x16xf32, #tpu.memory_space<hbm>> -> memref<16xf32, #tpu.memory_space<hbm>>
      %dma_start3A_3119 = arith.constant 0 : i32
      %dma_start3A_3120 = tpu.memref_slice %arg7[%add3A, %dma_start3A_3119] : memref<32x16xf32, #tpu.memory_space<hbm>> -> memref<1x16xf32, #tpu.memory_space<hbm>>
      %dma_start3A_3121 = tpu.memref_squeeze %dma_start3A_3120 : memref<1x16xf32, #tpu.memory_space<hbm>> -> memref<16xf32, #tpu.memory_space<hbm>>
      tpu.enqueue_dma source(%arg16 : memref<16xf32, #tpu.memory_space<vmem>>) target(%dma_start3A_3121 : memref<16xf32, #tpu.memory_space<hbm>>) target_semaphore(%run_scoped3A_3115 : memref<!tpu.dma_semaphore, #tpu.memory_space<semaphore_mem>>)
      %dma_wait3A_3122 = arith.constant 0 : i32
      %dma_wait3A_3123 = tpu.memref_slice %arg7[%add3A, %dma_wait3A_3122] : memref<32x16xf32, #tpu.memory_space<hbm>> -> memref<1x16xf32, #tpu.memory_space<hbm>>
      %dma_wait3A_3124 = tpu.memref_squeeze %dma_wait3A_3123 : memref<1x16xf32, #tpu.memory_space<hbm>> -> memref<16xf32, #tpu.memory_space<hbm>>
      %dma_wait3A_3125 = arith.constant 0 : i32
      %dma_wait3A_3126 = tpu.memref_slice %arg7[%add3A, %dma_wait3A_3125] : memref<32x16xf32, #tpu.memory_space<hbm>> -> memref<1x16xf32, #tpu.memory_space<hbm>>
      %dma_wait3A_3127 = tpu.memref_squeeze %dma_wait3A_3126 : memref<1x16xf32, #tpu.memory_space<hbm>> -> memref<16xf32, #tpu.memory_space<hbm>>
      tpu.wait_dma2 semaphore(%run_scoped3A_3115 : memref<!tpu.dma_semaphore, #tpu.memory_space<semaphore_mem>>) src(%arg16 : memref<16xf32, #tpu.memory_space<vmem>>) dst(%dma_wait3A_3127 : memref<16xf32, #tpu.memory_space<hbm>>)
      tpu.yield
    }) : () -> ()
    return
  }
}

</mosaic_0001>

<sc_bundles>
// kernel: kernel.3.cloned.1.call-start
scs
__scs_entry_jumppad:
0x0: {  	(pc) =	sbr.rel $0x88, $3  }
0x1: {  	(tag) =	ssettag $0x0;
	lr =	simm.s32 $0x1  }
0x2: {  	[smem:$0x3F9C] =	sst lr;
	_ =	strace $0xD0000000  }
0x3: {  	_ = 	snop  }
0x4: {  	_ = 	snop  }
0x5: {  	_ = 	snop  }
0x6: {  	_ = 	snop  }
0x7: {  	_ = 	snop  }
__scs_overlays_trampoline_lowered:
0x8: {  	[smem:$0x3FAB] =	sst s0  }
0x9: {  	[smem:$0x3FAC] =	sst s1  }
0xa: {  	[smem:$0x3FAD] =	sst s2  }
0xb: {  	[smem:$0x3FAE] =	sst s3  }
0xc: {  	[smem:$0x3FAF] =	sst s4  }
0xd: {  	[smem:$0x3FB0] =	sst s5  }
0xe: {  	[smem:$0x3FB1] =	sst s6  }
0xf: {  	[smem:$0x3FB2] =	sst s7  }
0x10: {  	[smem:$0x3FB3] =	sst s8  }
0x11: {  	[smem:$0x3FB4] =	sst s9;
	s0 =	simm.s32 @!p0 $0x0  }
0x12: {  	s1 =	sld [smem:$0x3F9A];
	s0 =	simm.s32 @p0 $0x1  }
0x13: {  	[smem:$0x3FB5] =	sst s0;
	s0 =	simm.s32 @!p1 $0x0  }
0x14: {  	s2 =	sld [smem:$0x3F99];
	s0 =	simm.s32 @p1 $0x1  }
0x15: {  	[smem:$0x3FB6] =	sst s0;
	s0 =	simm.s32 @!p2 $0x0  }
0x16: {  	s3 =	sld [smem:$0x3FDB];
	s0 =	simm.s32 @p2 $0x1  }
0x17: {  	s4 =	simm.s32 $0x1BF5;
	[smem:$0x3FB8] =	sst s0  }
0x18: {  	s0 =	sld [smem:$0x3F9B];
	_ =	swait.ge [sflag:s4], $0x0  }
0x19: {  	s7 =	sld [smem:$0x3F9C]  }
0x1a: {  	s8 =	sadd.s32 $0xFFFFE003, lr  }
0x1b: {  	s9 =	sadd.s32 $0xFFFFFEF7, lr;
	s5 =	simm.s32 $0xFFFFFFFF;
	p2 =	slt.u32 s8, $0xFFFFF086  }
0x1c: {  	p1 =	slt.u32 s9, $0xF7A;
	s5 =	simm.s32 @!p2 $0x0  }
0x1d: {  	s5 =	simm.s32 @p1 $0x1;
	p0 =	seq.s32 s7, s2  }
0x1e: {  	s7 =	smul.u32 @!p0 $0xF7A, s2;
	p2 =	seq.s32 @!p0 s5, $0x0  }
0x1f: {  	s9 =	smul.u32 $0xF7A, s1;
	s8 =	simm.s32 @!p0 $0x1BF5;
	p2 =	por !p2, p0  }
0x20: {  	[sflag:s8] =	ssyncset.s32 @!p0 $0xFFFFF086;
	s6 =	sadd.s32 @!p0 s3, s7;
	s7 =	simm.s32 @!p0 $0x108  }
0x21: {  	s3 =	sadd.s32 s3, s9;
	s6 =	sadd.s32 @!p0 $0x88, s6;
	s7 =	simm.s32 @p2 $0x1082  }
0x22: {  	[simem:s7], [sflag:s8] =	dma.local @!p0 [hbm:s6], $0xF7A  }
0x23: {  	s9 =	sor.u32 $0xD0000000, s2;
	s6 =	simm.s32 $0x108;
	_ =	swait.ge @!p0 [sflag:s8], $0x0  }
0x24: {  	s3 =	sadd.s32 $0x88, s3;
	s6 =	simm.s32 @!p1 $0x1082;
	[sflag:s4] =	ssyncset.s32 $0xFFFFF086  }
0x25: {  	[simem:s6], [sflag:s4] =	dma.local [hbm:s3], $0xF7A  }
0x26: {  	[smem:$0x3F9C] =	sst s1;
	(tag) =	ssettag s2;
	_ =	strace s9  }
0x27: {  	s1 =	sld [smem:$0x3FAC]  }
0x28: {  	s2 =	sld [smem:$0x3FAD]  }
0x29: {  	s4 =	sld [smem:$0x3FAF]  }
0x2a: {  	p0 =	seq.s32 s5, $0x0;
	s5 =	sld [smem:$0x3FB0]  }
0x2b: {  	s6 =	sld [smem:$0x3FB1]  }
0x2c: {  	s7 =	sld [smem:$0x3FB2]  }
0x2d: {  	s3 =	simm.s32 $0x108;
	s8 =	sld [smem:$0x3FB3]  }
0x2e: {  	s3 =	simm.s32 @!p0 $0x1082;
	s9 =	sld [smem:$0x3FB4]  }
0x2f: {  	lr =	sadd.s32 s0, s3;
	s0 =	sld [smem:$0x3FAB]  }
0x30: {  	s3 =	sld [smem:$0x3FAE]  }
0x31: {  	[smem:$0x3FB7] =	sst s10  }
0x32: {  	s10 =	sld [smem:$0x3FB5];
	_ =	sdelay $0x3  }
0x33: {  	p0 =	seq.s32 s10, $0x1;
	s10 =	sld [smem:$0x3FB7];
	_ =	sdelay $0x3  }
0x34: {  	[smem:$0x3FB7] =	sst s10  }
0x35: {  	s10 =	sld [smem:$0x3FB6];
	_ =	sdelay $0x3  }
0x36: {  	p1 =	seq.s32 s10, $0x1;
	s10 =	sld [smem:$0x3FB7];
	_ =	sdelay $0x3  }
0x37: {  	[smem:$0x3FB7] =	sst s10  }
0x38: {  	s10 =	sld [smem:$0x3FB8]  }
0x39: {  	_ = 	snop;
	(pc) =	sbr.ind lr, $3  }
0x3a: {  	_ = 	snop  }
0x3b: {  	_ = 	snop  }
0x3c: {  	p2 =	seq.s32 s10, $0x1;
	s10 =	sld [smem:$0x3FB7]  }
0x3d: {  	_ =	shalt  }
0x3e: {  	_ =	shalt  }
0x3f: {  	_ =	shalt  }
0x40: {  	_ =	shalt  }
0x41: {  	_ =	shalt  }
0x42: {  	_ =	shalt  }
0x43: {  	_ =	shalt  }
0x44: {  	_ =	shalt  }
0x45: {  	_ =	shalt  }
0x46: {  	_ =	shalt  }
0x47: {  	_ =	shalt  }
0x48: {  	_ =	shalt  }
0x49: {  	_ =	shalt  }
0x4a: {  	_ =	shalt  }
0x4b: {  	_ =	shalt  }
0x4c: {  	_ =	shalt  }
0x4d: {  	_ =	shalt  }
0x4e: {  	_ =	shalt  }
0x4f: {  	_ =	shalt  }
0x50: {  	_ =	shalt  }
0x51: {  	_ =	shalt  }
0x52: {  	_ =	shalt  }
0x53: {  	_ =	shalt  }
0x54: {  	_ =	shalt  }
0x55: {  	_ =	shalt  }
0x56: {  	_ =	shalt  }
0x57: {  	_ =	shalt  }
0x58: {  	_ =	shalt  }
0x59: {  	_ =	shalt  }
0x5a: {  	_ =	shalt  }
0x5b: {  	_ =	shalt  }
0x5c: {  	_ =	shalt  }
0x5d: {  	_ =	shalt  }
0x5e: {  	_ =	shalt  }
0x5f: {  	_ =	shalt  }
0x60: {  	_ =	shalt  }
0x61: {  	_ =	shalt  }
0x62: {  	_ =	shalt  }
0x63: {  	_ =	shalt  }
0x64: {  	_ =	shalt  }
0x65: {  	_ =	shalt  }
0x66: {  	_ =	shalt  }
0x67: {  	_ =	shalt  }
0x68: {  	_ =	shalt  }
0x69: {  	_ =	shalt  }
0x6a: {  	_ =	shalt  }
0x6b: {  	_ =	shalt  }
0x6c: {  	_ =	shalt  }
0x6d: {  	_ =	shalt  }
0x6e: {  	_ =	shalt  }
0x6f: {  	_ =	shalt  }
0x70: {  	_ =	shalt  }
0x71: {  	_ =	shalt  }
0x72: {  	_ =	shalt  }
0x73: {  	_ =	shalt  }
0x74: {  	_ =	shalt  }
0x75: {  	_ =	shalt  }
0x76: {  	_ =	shalt  }
0x77: {  	_ =	shalt  }
0x78: {  	_ =	shalt  }
0x79: {  	_ =	shalt  }
0x7a: {  	_ =	shalt  }
0x7b: {  	_ =	shalt  }
0x7c: {  	_ =	shalt  }
0x7d: {  	_ =	shalt  }
0x7e: {  	_ =	shalt  }
0x7f: {  	_ =	shalt  }
0x80: {  	_ =	shalt  }
0x81: {  	_ =	shalt  }
0x82: {  	_ =	shalt  }
0x83: {  	_ =	shalt  }
0x84: {  	_ =	shalt  }
0x85: {  	_ =	shalt  }
0x86: {  	_ =	shalt  }
0x87: {  	_ =	shalt  }
.Lfunc_end0:
.L_simem_size_0:
called_computation_lowered:
.L_overlay_start_0:
0x88: {  	s2 =	sld [smem:$0x3FD9]  }
0x89: {  	s3 =	sld [smem:$0x3FFE];
	_ =	sdelay $0x1  }
0x8a: {  	s1 =	srdreg.scid  }
0x8b: {  	s0 =	sand.u32 $0x1, s1  }
0x8c: {  	s14 =	sshll.u32 s0, $0xA;
	s2 =	sadd.s32 s3, s2  }
0x8d: {  	s2 =	sadd.s32 s2, s14  }
0x8e: {  	[smem:$0x3FC3] =	sst s2  }
0x8f: {  	_ = 	snop  }
0x90: {  	s2 =	sld [smem:$0x3FD0]  }
0x91: {  	s15 =	sld [smem:$0x3FC7]  }
0x92: {  	s4 =	sld [smem:$0x3FC6]  }
0x93: {  	s6 =	simm.s32 $0xA;
	s7 =	simm.s32 $0x10;
	s5 =	sld [smem:$0x3FC5]  }
0x94: {  	[smem:s7], [sflag:s6] =	dma.local [hbm:s2], $0x1  }
0x95: {  	_ =	swait.eq [sflag:s6], $0x1  }
0x96: {  	[sflag:s6] =	ssyncset.done $0x0  }
0x97: {  	s16 =	sld [smem:$0x11];
	[sflag:s6] =	ssyncadd.s32 $0xFFFFFFFF  }
0x98: {  	s17 =	sld [smem:$0x12];
	(tm) =	ssettm $0x1  }
0x99: {  	s18 =	sld [smem:$0x3FFB];
	_ =	sdelay $0x3  }
0x9a: {  	_ =	strace s18  }
0x9b: {  	s7 =	sld [smem:$0x3FFC];
	_ =	sdelay $0x3  }
0x9c: {  	_ =	strace s7  }
0x9d: {  	s7 =	sld [smem:$0x3FFD];
	_ =	sdelay $0x3  }
0x9e: {  	_ =	strace s7  }
0x9f: {  	_ =	strace $0x8FFFFFFF  }
0xa0: {  	s19 =	sld [smem:$0x3FDB];
	_ =	sdelay $0x1  }
0xa1: {  	s8 =	simm.s32 $_scs_section_size  }
0xa2: {  	s9 =	simm.s32 $_size__tile_overlayer_lowered;
	s10 =	simm.s32 $_tile_overlayer_lowered  }
0xa3: {  	s22 =	simm.s32 $0x1BFF;
	s21 =	sshll.u32 s10, $0x1;
	s7 =	sadd.s32 s8, s19  }
0xa4: {  	s11 =	simm.s32 $0x0;
	s20 =	sshll.u32 s9, $0x1;
	s9 =	sadd.s32 s21, s7  }
0xa5: {  	[timem:s11], [sflag:s22] =	dma.local [hbm:s9], s20  }
0xa6: {  	_ =	swait.ge [sflag:s22], s20  }
0xa7: {  	s8 =	ssub.s32 $0x0, s20;
	[sflag:s22] =	ssyncset.done $0x0  }
0xa8: {  	[sflag:s22] =	ssyncadd.s32 s8;
	_ =	sdelay $0x1  }
0xa9: {  	s23 =	simm.s32 $0x1B8B  }
0xaa: {  	_ =	swait.ge [sflag:s23], $0x1  }
0xab: {  	[sflag:s23] =	ssyncset.done $0x0  }
0xac: {  	s25 =	simm.s32 $0x1B8E;
	s24 =	sld [smem:$0x3FFE];
	[sflag:s23] =	ssyncadd.s32 $0xFFFFFFFF  }
0xad: {  	s26 =	simm.s32 $execute0_lowered;
	[smem:$0x3FD2] =	sst s25  }
0xae: {  	s9 =	sshll.u32 s26, $0x1;
	_ =	strace $0x80000046;
	[dreg:$0x1] =	wrdreg $0xFFFFFFFF  }
0xaf: {  	s28 =	simm.s32 $_size_execute0_lowered;
	s7 =	sadd.s32 s7, s9;
	[dreg:$0x0] =	wrdreg $0x0  }
0xb0: {  	s9 =	sshll.u32 s28, $0x1;
	[dreg:$0x2] =	wrdreg s7  }
0xb1: {  	[dreg:$0x3] =	wrdreg s9  }
0xb2: {  	[dreg:$0x4] =	wrdreg $0xC0  }
0xb3: {  	_ =	task [dreg:s11], $0x5FFFF  }
0xb4: {  	[dreg:$0x1] =	wrdreg $0xFFFFFFFF  }
0xb5: {  	[dreg:$0x0] =	wrdreg $0x60  }
0xb6: {  	[dreg:$0x2] =	wrdreg s24  }
0xb7: {  	[dreg:$0x3] =	wrdreg s15  }
0xb8: {  	[dreg:$0x4] =	wrdreg s4  }
0xb9: {  	[dreg:$0x5] =	wrdreg s5  }
0xba: {  	[dreg:$0x6] =	wrdreg s16  }
0xbb: {  	[dreg:$0x7] =	wrdreg s17  }
0xbc: {  	[dreg:$0x8] =	wrdreg $0x9  }
0xbd: {  	_ =	task.clear_ibuf [dreg:s11], $0x9FFFF;
	_ =	strace $0x90000046  }
0xbe: {  	s29 =	simm.s32 $0x9;
	_ =	strace $0x80000048  }
0xbf: {  	_ =	swait.ge [sflag:s29], $0x1  }
0xc0: {  	[sflag:s29] =	ssyncadd.s32 $0xFFFFFFFF  }
0xc1: {  	_ =	strace $0x90000048  }
0xc2: {  	_ =	sfence  }
0xc3: {  	s30 =	sld [smem:$0x0];
	_ =	sdelay $0x2  }
0xc4: {  	s31 =	sshll.u32 s1, $0xD;
	s1 =	sshrl.u32 s1, $0x2  }
0xc5: {  	s3 =	sand.u32 $0x4000, s31;
	s1 =	sadd.s32 s1, s30  }
0xc6: {  	s0 =	sor.u32 s3, s0;
	s1 =	sshll.u32 s1, $0x11  }
0xc7: {  	s0 =	sor.u32 s1, s0  }
0xc8: {  	s0 =	sadd.s32 $0x8F2B, s0  }
0xc9: {  	[sflag:s0] =	ssyncadd.remote.s32 $0x1  }
0xca: {  	_ =	sfence.sel $0xFFFF  }
0xcb: {  	[dreg:$0x0] =	wrdreg $0xFFFFFFFF;
	(pc) =	sbr.abs _section_cstart, $3  }
0xcc: {  	[dreg:$0x1] =	wrdreg $0xFFFFFFFF  }
0xcd: {  	_ =	task.clear_ibuf [dreg:s11], $0x2FFFF;
	_ =	strace $0x9FFFFFFF  }
0xce: {  	(tm) =	ssettm $0x7FFFFFFF  }
0xcf: {  	_ =	shalt  }
tec
execute0_lowered:
.L_overlay_start_1:
0x0: {  	(tag) =	ssettag $0x1  }
0x1: {  	s0 =	rddreg [dreg:$0x0]  }
0x2: {  	s1 =	rddreg [dreg:$0x1]  }
0x3: {  	s2 =	rddreg [dreg:$0x2]  }
0x4: {  	s4 =	rddreg [dreg:$0x3]  }
0x5: {  	s6 =	rddreg [dreg:$0x4]  }
0x6: {  	s7 =	rddreg [dreg:$0x5];
	s10 =	simm.s32 $0x0  }
0x7: {  	s3 =	srdreg.scid;
	[smem:$0x7FF] =	sst s10;
	s13 =	sadd.s32 $0x898400, s0  }
0x8: {  	s15 =	sadd.s32 $0xDF7400, s0;
	_ =	strace $0x80000047;
	[dreg:$0x1b] =	wrdreg s13  }
0x9: {  	s9 =	stileid.u32;
	s23 =	simm.s32 $0x580;
	[dreg:$0x1c] =	wrdreg s15  }
0xa: {  	s24 =	simm.s32 $0x600;
	s25 =	simm.s32 $0x680;
	[dreg:$0x13] =	wrdreg s23  }
0xb: {  	s3 =	sand.u32 $0x1, s3;
	s5 =	sshll.u32 s9, $0x1;
	[dreg:$0x14] =	wrdreg s24  }
0xc: {  	s26 =	simm.s32 $0x700;
	s5 =	sor.u32 s3, s5;
	[dreg:$0x15] =	wrdreg s25  }
0xd: {  	s9 =	sshll.u32 s9, $0x4;
	[dreg:$0x16] =	wrdreg s26;
	s8 =	sshll.u32 s5, $0x1  }
0xe: {  	s17 =	sshll.u32 s5, $0x4;
	s9 =	sor.u32 s9, s8;
	s21 =	sadd.s32 s6, s8  }
0xf: {  	s0 =	sadd.s32 s17, s0;
	s22 =	sadd.s32 s7, s8;
	[dreg:$0x10] =	wrdreg s21  }
0x10: {  	s9 =	sand.u32 $0xCE, s9;
	[dreg:$0x11] =	wrdreg s22;
	s0 =	sadd.s32 $0x400, s0  }
0x11: {  	s28 =	sadd.s32 s1, s9;
	[dreg:$0x12] =	wrdreg s0  }
0x12: {  	s30 =	sadd.s32 s2, s9;
	[dreg:$0x7] =	wrdreg s28  }
0x13: {  	s11 =	sor.u32 $0x10, s9;
	s16 =	sadd.s32 s4, s9;
	[dreg:$0xa] =	wrdreg s30  }
0x14: {  	s12 =	sor.u32 $0x20, s9;
	s29 =	sadd.s32 s1, s11;
	[dreg:$0xd] =	wrdreg s16  }
0x15: {  	s1 =	sadd.s32 s1, s12;
	[dreg:$0x8] =	wrdreg s29  }
0x16: {  	s31 =	sadd.s32 s2, s11;
	[dreg:$0x9] =	wrdreg s1  }
0x17: {  	s14 =	sadd.s32 s2, s12;
	[dreg:$0xb] =	wrdreg s31  }
0x18: {  	v0 =	vimm.s32 $0xECA86420;
	s18 =	sadd.s32 s4, s11;
	[dreg:$0xc] =	wrdreg s14  }
0x19: {  	vm0 =	vcmask $0xB08;
	vm1 =	vcmask $0x1310;
	vm2 =	vcmask $0x1B18;
	s19 =	sadd.s32 s4, s12;
	[dreg:$0xe] =	wrdreg s18  }
0x1a: {  	vm3 =	vcmask $0x300;
	vm4 =	vcmask $0x2320;
	vm5 =	vcmask $0x2B28;
	s28 =	simm.s32 $0x780;
	[dreg:$0xf] =	wrdreg s19  }
0x1b: {  	vm6 =	vcmask $0x3330;
	vm7 =	vcmask $0x3B38;
	v0 =	vunpack.c.l.s4.s8 v0;
	s20 =	ssub.s32 $0x2, s3;
	s30 =	simm.s32 $0x880;
	[dreg:$0x17] =	wrdreg s28  }
0x1c: {  	vm8 =	vmmov $0xff;
	vm12 =	vcmask $0xF0C;
	vm13 =	vcmask $0x1714;
	s3 =	sshrl.u32 s20, $0x1;
	s29 =	simm.s32 $0x800;
	[dreg:$0x19] =	wrdreg s30  }
0x1d: {  	vm14 =	vcmask $0x1F1C;
	v49 =	vunpack.c.0.s8.s32 v0;
	v0 =	vlaneseq.u32;
	s2 =	ssub.s32 s20, s3;
	s31 =	simm.s32 $0x900;
	[dreg:$0x18] =	wrdreg s29  }
0x1e: {  	vm15 =	vcmask $0x2724;
	vm11 =	vcmask $0x3734;
	v1 =	vmul.u32 $0x2, v0;
	s1 =	smax.u32 s2, $0x1;
	[dreg:$0x1a] =	wrdreg s31  }
.LBB2_1:
0x1f: {  	[dreg:$0x1d] =	wrdreg s1  }
0x20: {  	s0 =	rddreg [dreg:$0x7];
	s3 =	simm.s32 $0x0;
	s2 =	simm.s32 $0x2  }
0x21: {  	[tilespmem:s3], [sflag:$0x2] =	stream.linear.gather [hbm4b:s0+s3], $0x10, $0x38;
	[tilespmem:$0xE00] =	vst v63  }
0x22: {  	_ =	swait.ge [sflag:s2], $0x10  }
0x23: {  	[sflag:s2] =	ssyncset.done $0x0  }
0x24: {  	s9 =	simm.s32 $0x80;
	s8 =	rddreg [dreg:$0x8];
	[sflag:s2] =	ssyncadd.s32 $0xFFFFFFF0  }
0x25: {  	[tilespmem:s9], [sflag:$0x2] =	stream.linear.gather [hbm4b:s8+s3], $0x10, $0x38;
	[tilespmem:$0xE00] =	vst v63  }
0x26: {  	_ =	swait.ge [sflag:s2], $0x10  }
0x27: {  	[sflag:s2] =	ssyncset.done $0x0  }
0x28: {  	s11 =	simm.s32 $0x100;
	s10 =	rddreg [dreg:$0x9];
	[sflag:s2] =	ssyncadd.s32 $0xFFFFFFF0  }
0x29: {  	[tilespmem:s11], [sflag:$0x2] =	stream.linear.gather [hbm4b:s10+s3], $0x10, $0x38;
	[tilespmem:$0xE00] =	vst v63  }
0x2a: {  	_ =	swait.ge [sflag:s2], $0x10  }
0x2b: {  	[sflag:s2] =	ssyncset.done $0x0  }
0x2c: {  	[sflag:s2] =	ssyncadd.s32 $0xFFFFFFF0  }
0x2d: {  	v0 =	vld [tilespmem:$0x0];
	_ =	sdelay $0x4  }
0x2e: {  	(v2sf) =	vpush v0, $0xD;
	_ =	sdelay $0x1  }
0x2f: {  	(v2sf) =	vpush v0, $0xC;
	_ =	sdelay $0x1  }
0x30: {  	(v2sf) =	vpush v0, $0xE;
	_ =	sdelay $0x1  }
0x31: {  	(v2sf) =	vpush v0, $0xF;
	_ =	sdelay $0x1  }
0x32: {  	(v2sf) =	vpush v0, $0x9;
	_ =	sdelay $0x1  }
0x33: {  	(v2sf) =	vpush v0, $0x8;
	_ =	sdelay $0x1  }
0x34: {  	(v2sf) =	vpush v0, $0xA;
	_ =	sdelay $0x1  }
0x35: {  	(v2sf) =	vpush v0, $0xB  }
0x36: {  	s12 =	spop (v2sf)  }
0x37: {  	(v2sf) =	vpush v0, $0x0;
	s5 =	smulhi.u32 $0x51EB851F, s12;
	s0 =	sshra.s32 s12, $0x1F  }
0x38: {  	s13 =	spop (v2sf);
	s31 =	smul.u32 $0x51EB851F, s0  }
0x39: {  	(v2sf) =	vpush v0, $0x1;
	s10 =	smulhi.u32 $0x51EB851F, s13;
	s0 =	sshra.s32 s13, $0x1F  }
0x3a: {  	s14 =	spop (v2sf);
	s2 =	smul.u32 $0x51EB851F, s0  }
0x3b: {  	(v2sf) =	vpush v0, $0x2;
	s11 =	smulhi.u32 $0x51EB851F, s14;
	s0 =	sshra.s32 s14, $0x1F  }
0x3c: {  	s15 =	spop (v2sf);
	(v2sf) =	vpush v0, $0x3;
	s8 =	smul.u32 $0x51EB851F, s0  }
0x3d: {  	s12 =	smulhi.u32 $0x51EB851F, s15;
	s0 =	sshra.s32 s15, $0x1F  }
0x3e: {  	s16 =	spop (v2sf);
	(v2sf) =	vpush v0, $0x4;
	s7 =	smul.u32 $0x51EB851F, s0  }
0x3f: {  	s13 =	smulhi.u32 $0x51EB851F, s16;
	s0 =	sshra.s32 s16, $0x1F  }
0x40: {  	s17 =	spop (v2sf);
	s6 =	smul.u32 $0x51EB851F, s0  }
0x41: {  	(v2sf) =	vpush v0, $0x5;
	s14 =	smulhi.u32 $0x51EB851F, s17;
	s0 =	sshra.s32 s17, $0x1F  }
0x42: {  	v2 =	vld [tilespmem:$0x80];
	s18 =	spop (v2sf);
	s4 =	smul.u32 $0x51EB851F, s0  }
0x43: {  	(v2sf) =	vpush v0, $0x6;
	s15 =	smulhi.u32 $0x51EB851F, s18;
	s0 =	sshra.s32 s18, $0x1F  }
0x44: {  	s19 =	spop (v2sf);
	s9 =	smul.u32 $0x51EB851F, s0  }
0x45: {  	(v2sf) =	vpush v0, $0x7;
	s16 =	smulhi.u32 $0x51EB851F, s19;
	s0 =	sshra.s32 s19, $0x1F  }
0x46: {  	s18 =	smul.u32 $0x51EB851F, s0;
	s20 =	spop (v2sf)  }
0x47: {  	(v2sf) =	vpush v2, $0xD;
	s17 =	smulhi.u32 $0x51EB851F, s20;
	s0 =	sshra.s32 s20, $0x1F  }
0x48: {  	s5 =	sadd.s32 s31, s5;
	s21 =	spop (v2sf);
	s0 =	smul.u32 $0x51EB851F, s0  }
0x49: {  	[smem:$0x785] =	sst s5;
	(v2sf) =	vpush v2, $0xC;
	s19 =	smulhi.u32 $0x51EB851F, s21;
	s1 =	sshra.s32 s21, $0x1F  }
0x4a: {  	s23 =	spop (v2sf);
	s22 =	smul.u32 $0x51EB851F, s1  }
0x4b: {  	(v2sf) =	vpush v2, $0xE;
	s24 =	smulhi.u32 $0x51EB851F, s23;
	s3 =	sshra.s32 s23, $0x1F;
	s25 =	spop (v2sf)  }
0x4c: {  	[smem:$0x76C] =	sst s0;
	s26 =	smul.u32 $0x51EB851F, s3  }
0x4d: {  	(v2sf) =	vpush v2, $0xF;
	s28 =	smulhi.u32 $0x51EB851F, s25;
	s3 =	sshra.s32 s25, $0x1F;
	s29 =	spop (v2sf)  }
0x4e: {  	[smem:$0x76D] =	sst s22;
	s25 =	smul.u32 $0x51EB851F, s3  }
0x4f: {  	(v2sf) =	vpush v2, $0x9;
	[smem:$0x76E] =	sst s24;
	s30 =	smulhi.u32 $0x51EB851F, s29;
	s3 =	sshra.s32 s29, $0x1F  }
0x50: {  	s1 =	spop (v2sf);
	s24 =	smul.u32 $0x51EB851F, s3  }
0x51: {  	[smem:$0x76F] =	sst s28;
	s20 =	smulhi.u32 $0x51EB851F, s1;
	s3 =	sshra.s32 s1, $0x1F  }
0x52: {  	s21 =	spop (v2sf);
	s23 =	smul.u32 $0x51EB851F, s3  }
0x53: {  	[smem:$0x770] =	sst s30;
	s22 =	smulhi.u32 $0x51EB851F, s21;
	s3 =	sshra.s32 s21, $0x1F  }
0x54: {  	(v2sf) =	vpush v2, $0x8;
	s28 =	spop (v2sf);
	s21 =	smul.u32 $0x51EB851F, s3  }
0x55: {  	(v2sf) =	vpush v2, $0xA;
	[smem:$0x771] =	sst s20;
	s29 =	smulhi.u32 $0x51EB851F, s28;
	s3 =	sshra.s32 s28, $0x1F  }
0x56: {  	s20 =	smul.u32 $0x51EB851F, s3;
	s30 =	spop (v2sf)  }
0x57: {  	[smem:$0x772] =	sst s22;
	s1 =	smulhi.u32 $0x2E8BA2E9, s30;
	s3 =	sshra.s32 s30, $0x1F  }
0x58: {  	s22 =	spop (v2sf);
	s3 =	smul.u32 $0x2E8BA2E9, s3  }
0x59: {  	[smem:$0x773] =	sst s29;
	s28 =	smulhi.u32 $0x2E8BA2E9, s22  }
0x5a: {  	s30 =	spop (v2sf);
	[smem:$0x774] =	sst s1  }
0x5b: {  	s1 =	smulhi.u32 $0x2E8BA2E9, s30;
	[smem:$0x775] =	sst s3  }
0x5c: {  	(v2sf) =	vpush v2, $0xB;
	[smem:$0x776] =	sst s28;
	s3 =	sshra.s32 s22, $0x1F;
	s22 =	spop (v2sf)  }
0x5d: {  	s29 =	smul.u32 $0x2E8BA2E9, s3;
	[smem:$0x778] =	sst s1  }
0x5e: {  	s3 =	sshra.s32 s30, $0x1F;
	s28 =	smulhi.u32 $0x2E8BA2E9, s22;
	s30 =	spop (v2sf)  }
0x5f: {  	s3 =	smul.u32 $0x2E8BA2E9, s3;
	[smem:$0x777] =	sst s29  }
0x60: {  	s1 =	smulhi.u32 $0x2E8BA2E9, s30;
	[smem:$0x77A] =	sst s28  }
0x61: {  	[smem:$0x779] =	sst s3  }
0x62: {  	s3 =	sshra.s32 s22, $0x1F;
	[smem:$0x77C] =	sst s1  }
0x63: {  	s22 =	spop (v2sf);
	s29 =	smul.u32 $0x2E8BA2E9, s3  }
0x64: {  	s3 =	sshra.s32 s30, $0x1F;
	s28 =	smulhi.u32 $0x2E8BA2E9, s22;
	s30 =	spop (v2sf)  }
0x65: {  	s3 =	smul.u32 $0x2E8BA2E9, s3;
	[smem:$0x77B] =	sst s29  }
0x66: {  	(v2sf) =	vpush v2, $0x0;
	s1 =	smulhi.u32 $0x2E8BA2E9, s30;
	[smem:$0x77E] =	sst s28  }
0x67: {  	[smem:$0x77D] =	sst s3  }
0x68: {  	(v2sf) =	vpush v2, $0x1;
	[smem:$0x780] =	sst s1  }
0x69: {  	s1 =	sadd.s32 s8, s11;
	s11 =	sadd.s32 s6, s13;
	s6 =	sld [smem:$0x76E]  }
0x6a: {  	s8 =	sadd.s32 s7, s12;
	[smem:$0x787] =	sst s1  }
0x6b: {  	(v2sf) =	vpush v2, $0x2;
	s28 =	spop (v2sf);
	[smem:$0x788] =	sst s8  }
0x6c: {  	s3 =	sshra.s32 s22, $0x1F;
	s13 =	sadd.s32 s4, s14;
	[smem:$0x789] =	sst s11  }
0x6d: {  	s29 =	smul.u32 $0x2E8BA2E9, s3;
	[smem:$0x78A] =	sst s13  }
0x6e: {  	(v2sf) =	vpush v2, $0x3;
	s3 =	sshra.s32 s30, $0x1F;
	s30 =	smulhi.u32 $0x2E8BA2E9, s28;
	s8 =	sld [smem:$0x76F]  }
0x6f: {  	s31 =	sshra.s32 s28, $0x1F;
	s13 =	sld [smem:$0x772];
	s22 =	smul.u32 $0x2E8BA2E9, s3  }
0x70: {  	(v2sf) =	vpush v2, $0x4;
	s3 =	smul.u32 $0x2E8BA2E9, s31;
	s31 =	sadd.s32 s9, s15;
	s9 =	sld [smem:$0x770]  }
0x71: {  	[smem:$0x77F] =	sst s29  }
0x72: {  	[smem:$0x782] =	sst s30  }
0x73: {  	s26 =	sadd.s32 s26, s6;
	s6 =	sld [smem:$0x775]  }
0x74: {  	(v2sf) =	vpush v2, $0x5;
	s29 =	sadd.s32 s2, s10;
	[smem:$0x781] =	sst s22  }
0x75: {  	s5 =	spop (v2sf);
	[smem:$0x786] =	sst s29  }
0x76: {  	(v2sf) =	vpush v2, $0x6;
	[smem:$0x783] =	sst s3;
	s10 =	smulhi.u32 $0x2E8BA2E9, s5  }
0x77: {  	v3 =	vld [tilespmem:$0x100];
	s2 =	sshra.s32 s5, $0x1F;
	s12 =	spop (v2sf);
	s3 =	sld [smem:$0x76C]  }
0x78: {  	(v2sf) =	vpush v2, $0x7;
	s5 =	sld [smem:$0x76D];
	s28 =	smul.u32 $0x2E8BA2E9, s2  }
0x79: {  	s25 =	sadd.s32 s25, s8;
	s8 =	sld [smem:$0x776];
	s30 =	smulhi.u32 $0x2E8BA2E9, s12  }
0x7a: {  	s14 =	sshra.s32 s12, $0x1F;
	s15 =	spop (v2sf);
	s12 =	sld [smem:$0x771]  }
0x7b: {  	s2 =	sadd.s32 s18, s16;
	[smem:$0x784] =	sst s10;
	s22 =	smul.u32 $0x2E8BA2E9, s14  }
0x7c: {  	(v2sf) =	vpush v3, $0xD;
	[smem:$0x78B] =	sst s2;
	s29 =	smulhi.u32 $0x2E8BA2E9, s15;
	s0 =	sshra.s32 s15, $0x1F  }
0x7d: {  	s1 =	smul.u32 $0x2E8BA2E9, s0;
	s4 =	spop (v2sf);
	s14 =	sadd.s32 s5, s19  }
0x7e: {  	s5 =	sld [smem:$0x774];
	s19 =	smulhi.u32 $0x2E8BA2E9, s4;
	s0 =	sshra.s32 s4, $0x1F  }
0x7f: {  	s11 =	sadd.s32 s3, s17;
	s7 =	spop (v2sf);
	s17 =	smul.u32 $0x2E8BA2E9, s0  }
0x80: {  	s21 =	sadd.s32 s21, s13;
	s4 =	sld [smem:$0x773];
	s18 =	smulhi.u32 $0x2E8BA2E9, s7  }
0x81: {  	s0 =	sshra.s32 s7, $0x1F;
	s2 =	sadd.s32 s6, s5;
	s5 =	sld [smem:$0x779]  }
0x82: {  	s24 =	sadd.s32 s24, s9;
	s16 =	smul.u32 $0x2E8BA2E9, s0;
	[smem:$0x78C] =	sst s2  }
0x83: {  	s10 =	spop (v2sf);
	s20 =	sadd.s32 s20, s4;
	s4 =	sld [smem:$0x778]  }
0x84: {  	s15 =	smulhi.u32 $0x2E8BA2E9, s10;
	s0 =	sshra.s32 s10, $0x1F;
	s10 =	sld [smem:$0x777]  }
0x85: {  	s23 =	sadd.s32 s23, s12;
	s3 =	spop (v2sf);
	s12 =	smul.u32 $0x2E8BA2E9, s0  }
0x86: {  	s13 =	smulhi.u32 $0x2E8BA2E9, s3;
	s0 =	sshra.s32 s3, $0x1F;
	s3 =	sld [smem:$0x77A]  }
0x87: {  	s9 =	smul.u32 $0x2E8BA2E9, s0;
	s7 =	spop (v2sf);
	s2 =	sadd.s32 s10, s8  }
0x88: {  	s10 =	smulhi.u32 $0x2E8BA2E9, s7;
	[smem:$0x78D] =	sst s2  }
0x89: {  	s0 =	sshra.s32 s7, $0x1F;
	s2 =	sadd.s32 s5, s4;
	s4 =	sld [smem:$0x77B]  }
0x8a: {  	s7 =	smul.u32 $0x2E8BA2E9, s0;
	s5 =	sld [smem:$0x77C]  }
0x8b: {  	(v2sf) =	vpush v3, $0xC;
	[smem:$0x78E] =	sst s2;
	s6 =	spop (v2sf)  }
0x8c: {  	s8 =	smulhi.u32 $0x66666667, s6;
	s0 =	sshra.s32 s6, $0x1F;
	s6 =	sld [smem:$0x77D]  }
0x8d: {  	s2 =	sadd.s32 s4, s3;
	s4 =	sld [smem:$0x77E]  }
0x8e: {  	(v2sf) =	vpush v3, $0xE;
	[smem:$0x78F] =	sst s2  }
0x8f: {  	s2 =	sadd.s32 s6, s5;
	s6 =	sld [smem:$0x77F]  }
0x90: {  	(v2sf) =	vpush v3, $0xF;
	s3 =	sld [smem:$0x780]  }
0x91: {  	[smem:$0x790] =	sst s2  }
0x92: {  	(v2sf) =	vpush v3, $0x9;
	s2 =	sadd.s32 s6, s4;
	s4 =	sld [smem:$0x781];
	_ =	sdelay $0x1  }
0x93: {  	(v2sf) =	vpush v3, $0x8;
	[smem:$0x791] =	sst s2  }
0x94: {  	s2 =	sadd.s32 s4, s3;
	s4 =	sld [smem:$0x783]  }
0x95: {  	(v2sf) =	vpush v3, $0xA;
	[smem:$0x792] =	sst s2  }
0x96: {  	s2 =	sld [smem:$0x782]  }
0x97: {  	s22 =	sadd.s32 s22, s30  }
0x98: {  	s29 =	sadd.s32 s1, s29;
	s19 =	sadd.s32 s17, s19;
	s16 =	sadd.s32 s16, s18;
	(v2sf) =	vpush v3, $0xB  }
0x99: {  	s5 =	smul.u32 $0x66666667, s0;
	s0 =	spop (v2sf);
	s2 =	sadd.s32 s4, s2  }
0x9a: {  	s6 =	smulhi.u32 $0x66666667, s0;
	s0 =	sshra.s32 s0, $0x1F;
	[smem:$0x793] =	sst s2  }
0x9b: {  	s5 =	sadd.s32 s5, s8;
	s3 =	smul.u32 $0x66666667, s0;
	s2 =	sld [smem:$0x784]  }
0x9c: {  	s12 =	sadd.s32 s12, s15;
	[smem:$0x795] =	sst s5;
	s0 =	spop (v2sf)  }
0x9d: {  	s3 =	sadd.s32 s3, s6;
	s4 =	smulhi.u32 $0x66666667, s0;
	s0 =	sshra.s32 s0, $0x1F  }
0x9e: {  	s28 =	sadd.s32 s28, s2;
	s2 =	smul.u32 $0x66666667, s0;
	s0 =	spop (v2sf)  }
0x9f: {  	s6 =	sld [smem:$0x785];
	s30 =	smulhi.u32 $0x66666667, s0;
	s0 =	sshra.s32 s0, $0x1F  }
0xa0: {  	s9 =	sadd.s32 s9, s13;
	s1 =	smul.u32 $0x66666667, s0;
	s0 =	spop (v2sf)  }
0xa1: {  	[smem:$0x796] =	sst s3;
	s17 =	smulhi.u32 $0x66666667, s0;
	s0 =	sshra.s32 s0, $0x1F  }
0xa2: {  	s2 =	sadd.s32 s2, s4;
	s18 =	smul.u32 $0x66666667, s0;
	s0 =	spop (v2sf)  }
0xa3: {  	[smem:$0x797] =	sst s2;
	s15 =	smulhi.u32 $0x66666667, s0;
	s0 =	sshra.s32 s0, $0x1F  }
0xa4: {  	s1 =	sadd.s32 s1, s30;
	s13 =	spop (v2sf);
	s0 =	smul.u32 $0x66666667, s0  }
0xa5: {  	s7 =	sadd.s32 s7, s10;
	[smem:$0x798] =	sst s1;
	s10 =	smulhi.u32 $0x66666667, s13  }
0xa6: {  	s13 =	sshra.s32 s13, $0x1F;
	s30 =	sadd.s32 s18, s17;
	s18 =	sld [smem:$0x787]  }
0xa7: {  	s5 =	smul.u32 $0x66666667, s13;
	s13 =	spop (v2sf)  }
0xa8: {  	[smem:$0x799] =	sst s30;
	s3 =	smulhi.u32 $0x66666667, s13  }
0xa9: {  	s8 =	sshra.s32 s13, $0x1F;
	s0 =	sadd.s32 s0, s15;
	s15 =	sld [smem:$0x786]  }
0xaa: {  	s13 =	smul.u32 $0x66666667, s8;
	[smem:$0x79A] =	sst s0;
	s4 =	sadd.s32 s5, s10  }
0xab: {  	s8 =	sshrl.u32 s6, $0x1F;
	[smem:$0x79B] =	sst s4  }
0xac: {  	s30 =	sshrl.u32 s18, $0x1F;
	s5 =	sadd.s32 s13, s3;
	s13 =	sld [smem:$0x788]  }
0xad: {  	s17 =	sshrl.u32 s15, $0x1F;
	s1 =	sshra.s32 s15, $0x5;
	s15 =	sld [smem:$0x789]  }
0xae: {  	s4 =	sshra.s32 s18, $0x5;
	s18 =	sshrl.u32 s11, $0x1F;
	[dreg:$0x1e] =	wrdreg s5  }
0xaf: {  	s0 =	sshrl.u32 s31, $0x1F;
	v5 =	vmov s18;
	s18 =	sshra.s32 s14, $0x5;
	v4 =	vmov s17;
	s17 =	sld [smem:$0x78A]  }
0xb0: {  	s5 =	sshra.s32 s6, $0x5;
	v4 =	vsel vm0, s8, v4;
	s10 =	sshrl.u32 s13, $0x1F;
	s3 =	sshra.s32 s13, $0x5  }
0xb1: {  	s13 =	sshrl.u32 s15, $0x1F;
	s2 =	sshra.s32 s15, $0x5;
	v4 =	vsel vm1, s30, v4;
	s30 =	sshra.s32 s20, $0x1F  }
0xb2: {  	[smem:$0x794] =	sst s3;
	s15 =	sshrl.u32 s17, $0x1F;
	s6 =	sshra.s32 s17, $0x5  }
0xb3: {  	s3 =	sshra.s32 s31, $0x5;
	s31 =	sld [smem:$0x78B];
	v6 =	vmov s30;
	s30 =	sshra.s32 s11, $0x5  }
0xb4: {  	vm10 =	vcmask $0x704;
	v5 =	vnsel vm3, $0x0, v5;
	v4 =	vsel vm2, s10, v4;
	s11 =	sshra.s32 s11, $0x1F;
	s17 =	sshrl.u32 s14, $0x1F;
	s14 =	sshra.s32 s14, $0x1F  }
0xb5: {  	s10 =	sshra.s32 s25, $0x5;
	v7 =	vmov s15;
	v6 =	vsel vm3, s30, v6;
	v5 =	vsel vm0, s17, v5;
	s30 =	sshra.s32 s26, $0x1F;
	s15 =	sshra.s32 s25, $0x1F  }
0xb6: {  	s17 =	sshra.s32 s24, $0x1F;
	v9 =	vmov s6;
	v7 =	vsel vm0, s13, v7;
	v6 =	vsel vm10, s11, v6;
	s11 =	sshrl.u32 s26, $0x1F;
	s13 =	sshra.s32 s26, $0x5  }
0xb7: {  	(v2sf) =	vpush v3, $0x0;
	s26 =	sshrl.u32 s23, $0x1F;
	v9 =	vsel vm0, s2, v9;
	s2 =	sshrl.u32 s28, $0x1F;
	s8 =	sshrl.u32 s31, $0x1F  }
0xb8: {  	s31 =	sshra.s32 s31, $0x5;
	v5 =	vsel vm1, s11, v5;
	v6 =	vsel vm0, s18, v6;
	s18 =	sshrl.u32 s25, $0x1F;
	s25 =	sshrl.u32 s24, $0x1F;
	v9 =	vsel vm1, s3, v9  }
0xb9: {  	s11 =	sshra.s32 s23, $0x5;
	s3 =	sshra.s32 s22, $0x4;
	v11 =	vmov s2;
	s2 =	sshra.s32 s29, $0x1F;
	v5 =	vsel vm2, s18, v5;
	v6 =	vsel vm12, s14, v6  }
0xba: {  	(v2sf) =	vpush v3, $0x1;
	s18 =	sshra.s32 s23, $0x1F;
	s23 =	sshra.s32 s21, $0x1F;
	v5 =	vsel vm4, s25, v5;
	v6 =	vsel vm1, s13, v6;
	s25 =	sld [smem:$0x78D]  }
0xbb: {  	(v2sf) =	vpush v3, $0x2;
	s13 =	sshra.s32 s21, $0x5;
	v6 =	vsel vm13, s30, v6;
	s30 =	sshrl.u32 s21, $0x1F;
	s21 =	sld [smem:$0x78C]  }
0xbc: {  	v7 =	vsel vm1, s0, v7;
	s14 =	sshra.s32 s24, $0x5;
	v9 =	vsel vm2, s31, v9;
	s31 =	sshra.s32 s7, $0x1F;
	v5 =	vsel vm5, s26, v5;
	s26 =	sld [smem:$0x78E]  }
0xbd: {  	v7 =	vsel vm2, s8, v7;
	s8 =	sshrl.u32 s20, $0x1F;
	v12 =	vmov s31;
	s31 =	sshrl.u32 s9, $0x1F;
	v6 =	vsel vm2, s10, v6;
	s10 =	sshra.s32 s20, $0x5  }
0xbe: {  	(v2sf) =	vpush v3, $0x3;
	v5 =	vsel vm6, s30, v5;
	s30 =	sld [smem:$0x78F];
	v6 =	vsel vm14, s15, v6;
	s0 =	sshrl.u32 s25, $0x1F;
	s24 =	sshrl.u32 s21, $0x1F  }
0xbf: {  	(v2sf) =	vpush v3, $0x4;
	v5 =	vsel vm7, s8, v5;
	v6 =	vsel vm4, s14, v6;
	s14 =	sshrl.u32 s26, $0x1F;
	s8 =	sshra.s32 s26, $0x4;
	s26 =	sld [smem:$0x791]  }
0xc0: {  	(v2sf) =	vpush v3, $0x5;
	v8 =	vmov s1;
	s20 =	sshra.s32 s21, $0x4;
	s21 =	sshra.s32 s25, $0x4;
	v6 =	vsel vm15, s17, v6;
	s17 =	sld [smem:$0x790]  }
0xc1: {  	(v2sf) =	vpush v3, $0x6;
	v8 =	vsel vm0, s5, v8;
	s15 =	sshrl.u32 s30, $0x1F;
	s5 =	sshra.s32 s30, $0x4;
	s30 =	sld [smem:$0x792]  }
0xc2: {  	v10 =	vmov s0;
	s0 =	sshra.s32 s16, $0x1F;
	v14 =	vmov s21;
	s21 =	sld [smem:$0x795];
	v6 =	vsel vm5, s11, v6;
	s11 =	sshrl.u32 s26, $0x1F  }
0xc3: {  	vm9 =	vcmask $0x2F2C;
	s25 =	sshrl.u32 s17, $0x1F;
	s1 =	sshra.s32 s17, $0x4;
	s17 =	sshra.s32 s26, $0x4  }
0xc4: {  	(v2sf) =	vpush v3, $0x7;
	v10 =	vsel vm0, s24, v10;
	v6 =	vsel vm9, s18, v6;
	s26 =	sshrl.u32 s30, $0x1F;
	s6 =	sshra.s32 s30, $0x4;
	s30 =	sld [smem:$0x793]  }
0xc5: {  	s24 =	sshra.s32 s29, $0x4;
	v10 =	vsel vm1, s14, v10;
	s14 =	sshrl.u32 s19, $0x1F;
	v14 =	vsel vm0, s20, v14;
	s20 =	sld [smem:$0x797];
	v6 =	vsel vm6, s13, v6  }
0xc6: {  	s13 =	sshra.s32 s28, $0x4;
	s28 =	sshra.s32 s28, $0x1F;
	v6 =	vsel vm11, s23, v6;
	s23 =	sshra.s32 s19, $0x4  }
0xc7: {  	v8 =	vsel vm1, s4, v8;
	v13 =	vmov s11;
	s18 =	sshrl.u32 s30, $0x1F;
	s4 =	sshra.s32 s30, $0x4;
	s30 =	sld [smem:$0x794]  }
0xc8: {  	v12 =	vsel vm3, s13, v12;
	s13 =	sshra.s32 s19, $0x1F;
	s19 =	sshra.s32 s16, $0x4;
	v13 =	vsel vm0, s25, v13;
	s25 =	spop (v2sf)  }
0xc9: {  	v11 =	vnsel vm3, $0x0, v11;
	v6 =	vsel vm7, s10, v6;
	s10 =	sshrl.u32 s29, $0x1F;
	s29 =	sshrl.u32 s16, $0x1F;
	s16 =	sshra.s32 s12, $0x4  }
0xca: {  	v12 =	vsel vm10, s28, v12;
	v13 =	vsel vm1, s26, v13;
	s26 =	sshrl.u32 s7, $0x1F;
	s28 =	spop (v2sf);
	v8 =	vsel vm2, s30, v8;
	s30 =	sshrl.u32 s22, $0x1F  }
0xcb: {  	s7 =	sshra.s32 s7, $0x4;
	v12 =	vsel vm0, s3, v12;
	s3 =	sshra.s32 s12, $0x1F;
	s22 =	sshra.s32 s22, $0x1F;
	v11 =	vsel vm0, s30, v11  }
0xcc: {  	s30 =	sshrl.u32 s12, $0x1F;
	v12 =	vsel vm12, s22, v12;
	s22 =	smulhi.u32 $0x66666667, s25;
	s12 =	sshra.s32 s25, $0x1F;
	v11 =	vsel vm1, s10, v11  }
0xcd: {  	v4 =	vcombine.low v7, v4;
	s25 =	smulhi.u32 $0x66666667, s28;
	v12 =	vsel vm1, s24, v12;
	s24 =	spop (v2sf);
	v11 =	vsel vm2, s14, v11;
	s14 =	sshra.s32 s9, $0x4  }
0xce: {  	v13 =	vsel vm2, s18, v13;
	s9 =	sshra.s32 s9, $0x1F;
	v12 =	vsel vm13, s2, v12;
	s18 =	spop (v2sf);
	v11 =	vsel vm4, s29, v11;
	s29 =	smul.u32 $0x66666667, s12  }
0xcf: {  	v10 =	vsel vm2, s15, v10;
	v12 =	vsel vm2, s23, v12;
	s15 =	spop (v2sf);
	s23 =	sld [smem:$0x796];
	v11 =	vsel vm5, s30, v11;
	s30 =	sshra.s32 s28, $0x1F  }
0xd0: {  	v15 =	vmov s17;
	s12 =	sshrl.u32 s20, $0x1F;
	v12 =	vsel vm14, s13, v12;
	s2 =	spop (v2sf);
	v11 =	vsel vm6, s31, v11;
	s31 =	smul.u32 $0x66666667, s30  }
0xd1: {  	v15 =	vsel vm0, s1, v15;
	s28 =	sshra.s32 s24, $0x1F;
	v12 =	vsel vm4, s19, v12;
	s19 =	smulhi.u32 $0x66666667, s24;
	s1 =	spop (v2sf)  }
0xd2: {  	v4 =	vperm.xlane v4, v49;
	v60 =	vsel vm1, s6, v15;
	s6 =	sadd.s32 s29, s22;
	s24 =	sld [smem:$0x799];
	s10 =	smulhi.u32 $0x66666667, s2  }
0xd3: {  	v14 =	vsel vm1, s8, v14;
	v8 =	vcombine.low v9, v8;
	s22 =	sld [smem:$0x79B];
	s2 =	sshra.s32 s2, $0x1F;
	v12 =	vsel vm15, s0, v12;
	s0 =	smul.u32 $0x66666667, s28  }
0xd4: {  	v5 =	vperm.xlane v5, v1;
	v14 =	vsel vm2, s5, v14;
	v6 =	vperm.xlane v6, v1;
	s13 =	sshrl.u32 s21, $0x1F;
	s29 =	spop (v2sf);
	s2 =	smul.u32 $0x66666667, s2  }
0xd5: {  	v7 =	vsel vm2, s4, v60;
	v8 =	vperm.xlane v8, v49;
	v11 =	vsel vm7, s26, v11;
	s5 =	sshrl.u32 s23, $0x1F;
	s26 =	sld [smem:$0x798];
	s30 =	smulhi.u32 $0x66666667, s29  }
0xd6: {  	v4 =	vsel vm8, v5, v4;
	v63 =	vcombine.low v7, v14;
	v12 =	vsel vm5, s16, v12;
	s8 =	sadd.s32 s31, s25;
	s11 =	sshra.s32 s29, $0x1F;
	s31 =	smulhi.u32 $0x66666667, s18  }
0xd7: {  	v10 =	vcombine.low v13, v10;
	v62 =	vsel vm8, v6, v8;
	s28 =	sshra.s32 s18, $0x1F;
	s25 =	sld [smem:$0x79A];
	v61 =	vsel vm9, s3, v12;
	s11 =	smul.u32 $0x66666667, s11  }
0xd8: {  	v6 =	vperm.xlane v63, v49;
	v4 =	vadd.s32 v4, v62;
	s29 =	sshrl.u32 s6, $0x1F;
	s3 =	sshrl.u32 s24, $0x1F;
	s17 =	sadd.s32 s0, s19;
	v9 =	vsel vm6, s14, v61  }
0xd9: {  	v14 =	vperm.xlane v11, v1;
	s18 =	sshrl.u32 s22, $0x1F;
	v12 =	vperm.xlane v10, v49;
	v9 =	vsel vm11, s9, v9;
	s9 =	smul.u32 $0x66666667, s28;
	s0 =	sadd.s32 s11, s30  }
0xda: {  	v4 =	vmul.u32 $0x64, v4;
	v15 =	vmov s5;
	s19 =	rddreg [dreg:$0x1e];
	s5 =	sshrl.u32 s8, $0x1F;
	v18 =	vmov s29;
	s11 =	sshra.s32 s0, $0x1F  }
0xdb: {  	s4 =	sshrl.u32 s25, $0x1F;
	v5 =	vsel vm8, v14, v12;
	v13 =	vsel vm7, s7, v9;
	s9 =	sadd.s32 s9, s31;
	v16 =	vmov s11;
	s31 =	sshra.s32 s6, $0x5  }
0xdc: {  	s30 =	sshra.s32 s15, $0x1F;
	v9 =	vsel vm0, s13, v15;
	s13 =	smulhi.u32 $0x66666667, s15;
	v7 =	vperm.xlane v13, v1;
	s6 =	sshra.s32 s6, $0x1F;
	v17 =	vsel vm3, s31, v16  }
0xdd: {  	s29 =	sshra.s32 s8, $0x1F;
	s14 =	smul.u32 $0x66666667, s30;
	s15 =	sshra.s32 s8, $0x5;
	v19 =	vmov s4;
	v9 =	vsel vm1, s12, v9;
	v8 =	vsel vm10, s6, v17  }
0xde: {  	s2 =	sadd.s32 s2, s10;
	s16 =	sshrl.u32 s26, $0x1F;
	s30 =	smulhi.u32 $0x66666667, s1;
	v6 =	vsel vm8, v7, v6;
	v7 =	vnsel vm3, $0x0, v18;
	v8 =	vsel vm0, s15, v8  }
0xdf: {  	s1 =	sshra.s32 s1, $0x1F;
	s11 =	sshrl.u32 s17, $0x1F;
	v10 =	vsel vm0, s3, v19;
	s31 =	sshra.s32 s17, $0x5;
	v7 =	vsel vm0, s5, v7;
	v8 =	vsel vm12, s29, v8  }
0xe0: {  	s7 =	sshrl.u32 s19, $0x1F;
	s1 =	smul.u32 $0x66666667, s1;
	v10 =	vsel vm1, s18, v10;
	v7 =	vsel vm1, s11, v7;
	s11 =	sshra.s32 s17, $0x1F;
	v8 =	vsel vm1, s31, v8  }
0xe1: {  	s28 =	sshrl.u32 s9, $0x1F;
	v9 =	vsel vm2, s16, v9;
	s8 =	sadd.s32 s14, s13;
	s14 =	sshra.s32 s9, $0x5;
	v10 =	vsel vm2, s7, v10;
	v8 =	vsel vm13, s11, v8  }
0xe2: {  	s16 =	sshra.s32 s9, $0x1F;
	s13 =	sshrl.u32 s8, $0x1F;
	v9 =	vcombine.low v10, v9;
	v5 =	vadd.s32 v5, v6;
	s29 =	sshra.s32 s25, $0x5;
	v8 =	vsel vm2, s14, v8  }
0xe3: {  	s1 =	sadd.s32 s1, s30;
	s18 =	sshra.s32 s8, $0x5;
	v7 =	vsel vm2, s28, v7;
	s28 =	sshra.s32 s23, $0x5;
	v21 =	vmov s29;
	v8 =	vsel vm14, s16, v8  }
0xe4: {  	s4 =	sshra.s32 s8, $0x1F;
	s15 =	sshrl.u32 s2, $0x1F;
	s31 =	sshra.s32 s24, $0x5;
	v7 =	vsel vm4, s13, v7;
	v20 =	vmov s28;
	v8 =	vsel vm4, s18, v8  }
0xe5: {  	s30 =	sshra.s32 s21, $0x5;
	s6 =	sshra.s32 s2, $0x5;
	s8 =	sshra.s32 s22, $0x5;
	v11 =	vsel vm0, s31, v21;
	v7 =	vsel vm5, s15, v7;
	v8 =	vsel vm15, s4, v8  }
0xe6: {  	s7 =	sshra.s32 s20, $0x5;
	s2 =	sshra.s32 s2, $0x1F;
	s17 =	sshrl.u32 s1, $0x1F;
	v10 =	vsel vm0, s30, v20;
	v11 =	vsel vm1, s8, v11;
	v8 =	vsel vm5, s6, v8  }
0xe7: {  	s10 =	sshra.s32 s19, $0x5;
	s9 =	sshra.s32 s26, $0x5;
	s11 =	sshra.s32 s1, $0x5;
	v7 =	vsel vm6, s17, v7;
	v10 =	vsel vm1, s7, v10;
	v8 =	vsel vm9, s2, v8  }
0xe8: {  	s12 =	sshrl.u32 s0, $0x1F;
	s1 =	sshra.s32 s1, $0x1F;
	v11 =	vsel vm2, s10, v11;
	v10 =	vsel vm2, s9, v10;
	v8 =	vsel vm6, s11, v8  }
0xe9: {  	s0 =	sshra.s32 s0, $0x5;
	v7 =	vsel vm7, s12, v7;
	v10 =	vcombine.low v11, v10;
	v8 =	vsel vm11, s1, v8  }
0xea: {  	v9 =	vperm.xlane v9, v49;
	v7 =	vperm.xlane v7, v1;
	v8 =	vsel vm7, s0, v8  }
0xeb: {  	v23 =	vmul.u32 $0x58, v5;
	v22 =	vperm.xlane v10, v49;
	v8 =	vperm.xlane v8, v1  }
0xec: {  	v0 =	vsub.s32 v0, v4  }
0xed: {  	v2 =	vsub.s32 v2, v23;
	v24 =	vsel vm8, v7, v9;
	v6 =	vsel vm8, v8, v22  }
0xee: {  	v25 =	vadd.s32 $0x64, v0;
	vm10 =	vlt.s32 v2, $0x0;
	v26 =	vadd.s32 v24, v6  }
0xef: {  	v27 =	vadd.s32 $0x58, v2;
	vm9 =	vlt.s32 v0, $0x0;
	v4 =	vmul.u32 $0x50, v26  }
0xf0: {  	v2 =	vsel vm10, v27, v2;
	v0 =	vsel vm9, v25, v0  }
0xf1: {  	v2 =	vmul.u32 $0x50, v2;
	v0 =	vmul.u32 $0x1B80, v0;
	v3 =	vsub.s32 v3, v4  }
0xf2: {  	vm9 =	vlt.s32 v3, $0x0;
	v4 =	vadd.s32 $0x50, v3  }
0xf3: {  	v0 =	vadd.s32 v0, v2;
	v3 =	vsel vm9, v4, v3  }
0xf4: {  	v0 =	vadd.s32 v3, v0  }
0xf5: {  	[tilespmem:$0x180] =	vst v0;
	v2 =	vadd.s32 $0xABE00, v0  }
0xf6: {  	[tilespmem:$0x190] =	vst v2;
	v2 =	vadd.s32 $0x157C00, v0  }
0xf7: {  	[tilespmem:$0x1A0] =	vst v2;
	v2 =	vadd.s32 $0x203A00, v0  }
0xf8: {  	[tilespmem:$0x1B0] =	vst v2;
	v2 =	vadd.s32 $0x2AF800, v0  }
0xf9: {  	[tilespmem:$0x1C0] =	vst v2;
	v2 =	vadd.s32 $0x35B600, v0  }
0xfa: {  	[tilespmem:$0x1D0] =	vst v2;
	v2 =	vadd.s32 $0x407400, v0  }
0xfb: {  	[tilespmem:$0x1E0] =	vst v2;
	v2 =	vadd.s32 $0x4B3200, v0  }
0xfc: {  	[tilespmem:$0x1F0] =	vst v2;
	v2 =	vadd.s32 $0x55F000, v0  }
0xfd: {  	[tilespmem:$0x200] =	vst v2;
	v2 =	vadd.s32 $0x60AE00, v0  }
0xfe: {  	[tilespmem:$0x210] =	vst v2;
	v2 =	vadd.s32 $0x6B6C00, v0  }
0xff: {  	[tilespmem:$0x220] =	vst v2;
	v2 =	vadd.s32 $0x762A00, v0  }
0x100: {  	[tilespmem:$0x230] =	vst v2;
	v2 =	vadd.s32 $0x80E800, v0  }
0x101: {  	[tilespmem:$0x240] =	vst v2;
	v2 =	vadd.s32 $0x8BA600, v0  }
0x102: {  	[tilespmem:$0x250] =	vst v2;
	v2 =	vadd.s32 $0x966400, v0  }
0x103: {  	[tilespmem:$0x260] =	vst v2;
	v2 =	vadd.s32 $0xA12200, v0  }
0x104: {  	[tilespmem:$0x270] =	vst v2;
	v2 =	vadd.s32 $0xABE000, v0  }
0x105: {  	[tilespmem:$0x280] =	vst v2;
	v2 =	vadd.s32 $0xB69E00, v0  }
0x106: {  	[tilespmem:$0x290] =	vst v2;
	v2 =	vadd.s32 $0xC15C00, v0  }
0x107: {  	[tilespmem:$0x2A0] =	vst v2;
	v2 =	vadd.s32 $0xCC1A00, v0  }
0x108: {  	[tilespmem:$0x2B0] =	vst v2;
	v2 =	vadd.s32 $0xD6D800, v0  }
0x109: {  	[tilespmem:$0x2C0] =	vst v2;
	v2 =	vadd.s32 $0xE19600, v0  }
0x10a: {  	[tilespmem:$0x2D0] =	vst v2;
	v2 =	vadd.s32 $0xEC5400, v0  }
0x10b: {  	[tilespmem:$0x2E0] =	vst v2;
	v2 =	vadd.s32 $0xF71200, v0  }
0x10c: {  	[tilespmem:$0x2F0] =	vst v2;
	v2 =	vadd.s32 $0x101D000, v0  }
0x10d: {  	[tilespmem:$0x300] =	vst v2;
	v2 =	vadd.s32 $0x10C8E00, v0  }
0x10e: {  	[tilespmem:$0x310] =	vst v2;
	v2 =	vadd.s32 $0x1174C00, v0  }
0x10f: {  	[tilespmem:$0x320] =	vst v2;
	v2 =	vadd.s32 $0x1220A00, v0  }
0x110: {  	[tilespmem:$0x330] =	vst v2;
	v2 =	vadd.s32 $0x12CC800, v0  }
0x111: {  	[tilespmem:$0x340] =	vst v2;
	v2 =	vadd.s32 $0x1378600, v0  }
0x112: {  	[tilespmem:$0x350] =	vst v2;
	v2 =	vadd.s32 $0x1424400, v0  }
0x113: {  	[tilespmem:$0x360] =	vst v2;
	v2 =	vadd.s32 $0x14D0200, v0  }
0x114: {  	[tilespmem:$0x370] =	vst v2;
	v2 =	vadd.s32 $0x157C000, v0  }
0x115: {  	[tilespmem:$0x380] =	vst v2;
	v2 =	vadd.s32 $0x1627E00, v0  }
0x116: {  	[tilespmem:$0x390] =	vst v2;
	v2 =	vadd.s32 $0x16D3C00, v0  }
0x117: {  	[tilespmem:$0x3A0] =	vst v2;
	v2 =	vadd.s32 $0x177FA00, v0  }
0x118: {  	[tilespmem:$0x3B0] =	vst v2;
	v2 =	vadd.s32 $0x182B800, v0  }
0x119: {  	[tilespmem:$0x3C0] =	vst v2;
	v2 =	vadd.s32 $0x18D7600, v0  }
0x11a: {  	[tilespmem:$0x3D0] =	vst v2;
	v2 =	vadd.s32 $0x1983400, v0  }
0x11b: {  	[tilespmem:$0x3E0] =	vst v2;
	v2 =	vadd.s32 $0x1A2F200, v0  }
0x11c: {  	[tilespmem:$0x3F0] =	vst v2;
	v2 =	vadd.s32 $0x1ADB000, v0  }
0x11d: {  	[tilespmem:$0x400] =	vst v2;
	v2 =	vadd.s32 $0x1B86E00, v0  }
0x11e: {  	[tilespmem:$0x410] =	vst v2;
	v2 =	vadd.s32 $0x1C32C00, v0  }
0x11f: {  	[tilespmem:$0x420] =	vst v2;
	v2 =	vadd.s32 $0x1CDEA00, v0  }
0x120: {  	[tilespmem:$0x430] =	vst v2;
	v2 =	vadd.s32 $0x1D8A800, v0  }
0x121: {  	[tilespmem:$0x440] =	vst v2;
	v2 =	vadd.s32 $0x1E36600, v0  }
0x122: {  	[tilespmem:$0x450] =	vst v2;
	v2 =	vadd.s32 $0x1EE2400, v0  }
0x123: {  	[tilespmem:$0x460] =	vst v2;
	v2 =	vadd.s32 $0x1F8E200, v0  }
0x124: {  	[tilespmem:$0x470] =	vst v2;
	v2 =	vadd.s32 $0x203A000, v0  }
0x125: {  	[tilespmem:$0x480] =	vst v2;
	v2 =	vadd.s32 $0x20E5E00, v0  }
0x126: {  	[tilespmem:$0x490] =	vst v2;
	v2 =	vadd.s32 $0x2191C00, v0  }
0x127: {  	[tilespmem:$0x4A0] =	vst v2;
	v2 =	vadd.s32 $0x223DA00, v0  }
0x128: {  	[tilespmem:$0x4B0] =	vst v2;
	v2 =	vadd.s32 $0x22E9800, v0  }
0x129: {  	[tilespmem:$0x4C0] =	vst v2;
	v2 =	vadd.s32 $0x2395600, v0  }
0x12a: {  	[tilespmem:$0x4D0] =	vst v2;
	v2 =	vadd.s32 $0x2441400, v0  }
0x12b: {  	[tilespmem:$0x4E0] =	vst v2;
	v2 =	vadd.s32 $0x24ED200, v0  }
0x12c: {  	[tilespmem:$0x4F0] =	vst v2;
	v2 =	vadd.s32 $0x2599000, v0  }
0x12d: {  	[tilespmem:$0x500] =	vst v2;
	v2 =	vadd.s32 $0x2644E00, v0  }
0x12e: {  	[tilespmem:$0x510] =	vst v2;
	v2 =	vadd.s32 $0x26F0C00, v0  }
0x12f: {  	[tilespmem:$0x520] =	vst v2;
	v2 =	vadd.s32 $0x279CA00, v0  }
0x130: {  	[tilespmem:$0x530] =	vst v2;
	v2 =	vadd.s32 $0x2848800, v0  }
0x131: {  	[tilespmem:$0x540] =	vst v2;
	v2 =	vadd.s32 $0x28F4600, v0  }
0x132: {  	[tilespmem:$0x550] =	vst v2;
	v2 =	vadd.s32 $0x29A0400, v0  }
0x133: {  	s13 =	rddreg [dreg:$0x13];
	v0 =	vadd.s32 $0x2A4C200, v0;
	[tilespmem:$0x560] =	vst v2  }
0x134: {  	s15 =	rddreg [dreg:$0x1b];
	s16 =	simm.s32 $0x180;
	s17 =	simm.s32 $0x80;
	[tilespmem:$0x570] =	vst v0  }
0x135: {  	[tilespmem:s13], [sflag:$0x1] =	stream.indirect.gather [hbm4b:s15+s17], $0x1, s16, s17, $0xb8;
	[tilespmem:$0xE00] =	vst v63  }
0x136: {  	s19 =	simm.s32 $0x200;
	s14 =	rddreg [dreg:$0x14]  }
0x137: {  	[tilespmem:s14], [sflag:$0x1] =	stream.indirect.gather [hbm4b:s15+s17], $0x1, s19, s17, $0xb8;
	[tilespmem:$0xE00] =	vst v63  }
0x138: {  	s21 =	simm.s32 $0x280;
	s18 =	rddreg [dreg:$0x15]  }
0x139: {  	[tilespmem:s18], [sflag:$0x1] =	stream.indirect.gather [hbm4b:s15+s17], $0x1, s21, s17, $0xb8;
	[tilespmem:$0xE00] =	vst v63  }
0x13a: {  	s20 =	rddreg [dreg:$0x16];
	s23 =	simm.s32 $0x300  }
0x13b: {  	[tilespmem:s20], [sflag:$0x1] =	stream.indirect.gather [hbm4b:s15+s17], $0x1, s23, s17, $0xb8;
	[tilespmem:$0xE00] =	vst v63  }
0x13c: {  	s22 =	rddreg [dreg:$0x17];
	s25 =	simm.s32 $0x380  }
0x13d: {  	[tilespmem:s22], [sflag:$0x1] =	stream.indirect.gather [hbm4b:s15+s17], $0x1, s25, s17, $0xb8;
	[tilespmem:$0xE00] =	vst v63  }
0x13e: {  	s24 =	rddreg [dreg:$0x18];
	s28 =	simm.s32 $0x400  }
0x13f: {  	[tilespmem:s24], [sflag:$0x1] =	stream.indirect.gather [hbm4b:s15+s17], $0x1, s28, s17, $0xb8;
	[tilespmem:$0xE00] =	vst v63  }
0x140: {  	s26 =	rddreg [dreg:$0x19];
	s30 =	simm.s32 $0x480  }
0x141: {  	[tilespmem:s26], [sflag:$0x1] =	stream.indirect.gather [hbm4b:s15+s17], $0x1, s30, s17, $0xb8;
	[tilespmem:$0xE00] =	vst v63  }
0x142: {  	s29 =	rddreg [dreg:$0x1a];
	s31 =	simm.s32 $0x500;
	s4 =	simm.s32 $0x1  }
0x143: {  	[tilespmem:s29], [sflag:$0x1] =	stream.indirect.gather [hbm4b:s15+s17], $0x1, s31, s17, $0xb8;
	[tilespmem:$0xE00] =	vst v63  }
0x144: {  	_ =	swait.ge [sflag:s4], $0x80  }
0x145: {  	[sflag:s4] =	ssyncset.done $0x0  }
0x146: {  	[sflag:s4] =	ssyncadd.s32 $0xFFFFFF80  }
0x147: {  	_ =	swait.ge [sflag:s4], $0x80  }
0x148: {  	[sflag:s4] =	ssyncset.done $0x0  }
0x149: {  	[sflag:s4] =	ssyncadd.s32 $0xFFFFFF80  }
0x14a: {  	_ =	swait.ge [sflag:s4], $0x80  }
0x14b: {  	[sflag:s4] =	ssyncset.done $0x0  }
0x14c: {  	[sflag:s4] =	ssyncadd.s32 $0xFFFFFF80  }
0x14d: {  	_ =	swait.ge [sflag:s4], $0x80  }
0x14e: {  	[sflag:s4] =	ssyncset.done $0x0  }
0x14f: {  	[sflag:s4] =	ssyncadd.s32 $0xFFFFFF80  }
0x150: {  	_ =	swait.ge [sflag:s4], $0x80  }
0x151: {  	[sflag:s4] =	ssyncset.done $0x0  }
0x152: {  	[sflag:s4] =	ssyncadd.s32 $0xFFFFFF80  }
0x153: {  	_ =	swait.ge [sflag:s4], $0x80  }
0x154: {  	[sflag:s4] =	ssyncset.done $0x0  }
0x155: {  	[sflag:s4] =	ssyncadd.s32 $0xFFFFFF80  }
0x156: {  	_ =	swait.ge [sflag:s4], $0x80  }
0x157: {  	[sflag:s4] =	ssyncset.done $0x0  }
0x158: {  	[sflag:s4] =	ssyncadd.s32 $0xFFFFFF80  }
0x159: {  	_ =	swait.ge [sflag:s4], $0x80  }
0x15a: {  	s7 =	simm.s32 $0x2;
	[sflag:s4] =	ssyncset.done $0x0  }
0x15b: {  	s6 =	simm.s32 $0x0;
	s5 =	rddreg [dreg:$0xa];
	[sflag:s4] =	ssyncadd.s32 $0xFFFFFF80  }
0x15c: {  	[tilespmem:s6], [sflag:$0x2] =	stream.linear.gather [hbm4b:s5+s6], $0x10, $0x38;
	[tilespmem:$0xE00] =	vst v63  }
0x15d: {  	_ =	swait.ge [sflag:s7], $0x10  }
0x15e: {  	[sflag:s7] =	ssyncset.done $0x0  }
0x15f: {  	s3 =	simm.s32 $0x80;
	s8 =	rddreg [dreg:$0xb];
	[sflag:s7] =	ssyncadd.s32 $0xFFFFFFF0  }
0x160: {  	[tilespmem:s3], [sflag:$0x2] =	stream.linear.gather [hbm4b:s8+s6], $0x10, $0x38;
	[tilespmem:$0xE00] =	vst v63  }
0x161: {  	_ =	swait.ge [sflag:s7], $0x10  }
0x162: {  	s9 =	simm.s32 $0x0;
	[sflag:s7] =	ssyncset.done $0x0  }
0x163: {  	s11 =	simm.s32 $0x100;
	s10 =	rddreg [dreg:$0xc];
	[sflag:s7] =	ssyncadd.s32 $0xFFFFFFF0  }
0x164: {  	[tilespmem:s11], [sflag:$0x2] =	stream.linear.gather [hbm4b:s10+s9], $0x10, $0x38;
	[tilespmem:$0xE00] =	vst v63  }
0x165: {  	_ =	swait.ge [sflag:s7], $0x10  }
0x166: {  	[sflag:s7] =	ssyncset.done $0x0  }
0x167: {  	[sflag:s7] =	ssyncadd.s32 $0xFFFFFFF0  }
0x168: {  	v0 =	vld [tilespmem:$0x0];
	_ =	sdelay $0x4  }
0x169: {  	(v2sf) =	vpush v0, $0xD;
	_ =	sdelay $0x1  }
0x16a: {  	(v2sf) =	vpush v0, $0xC;
	_ =	sdelay $0x1  }
0x16b: {  	(v2sf) =	vpush v0, $0xE;
	_ =	sdelay $0x1  }
0x16c: {  	(v2sf) =	vpush v0, $0xF;
	_ =	sdelay $0x1  }
0x16d: {  	(v2sf) =	vpush v0, $0x9;
	_ =	sdelay $0x1  }
0x16e: {  	(v2sf) =	vpush v0, $0x8;
	_ =	sdelay $0x1  }
0x16f: {  	(v2sf) =	vpush v0, $0xA;
	_ =	sdelay $0x1  }
0x170: {  	(v2sf) =	vpush v0, $0xB  }
0x171: {  	s12 =	spop (v2sf)  }
0x172: {  	(v2sf) =	vpush v0, $0x0;
	s5 =	smulhi.u32 $0x51EB851F, s12;
	s0 =	sshra.s32 s12, $0x1F  }
0x173: {  	s13 =	spop (v2sf);
	s31 =	smul.u32 $0x51EB851F, s0  }
0x174: {  	(v2sf) =	vpush v0, $0x1;
	s10 =	smulhi.u32 $0x51EB851F, s13;
	s0 =	sshra.s32 s13, $0x1F  }
0x175: {  	s14 =	spop (v2sf);
	s2 =	smul.u32 $0x51EB851F, s0  }
0x176: {  	(v2sf) =	vpush v0, $0x2;
	s11 =	smulhi.u32 $0x51EB851F, s14;
	s0 =	sshra.s32 s14, $0x1F  }
0x177: {  	s15 =	spop (v2sf);
	(v2sf) =	vpush v0, $0x3;
	s8 =	smul.u32 $0x51EB851F, s0  }
0x178: {  	s12 =	smulhi.u32 $0x51EB851F, s15;
	s0 =	sshra.s32 s15, $0x1F  }
0x179: {  	s16 =	spop (v2sf);
	(v2sf) =	vpush v0, $0x4;
	s7 =	smul.u32 $0x51EB851F, s0  }
0x17a: {  	s13 =	smulhi.u32 $0x51EB851F, s16;
	s0 =	sshra.s32 s16, $0x1F  }
0x17b: {  	s17 =	spop (v2sf);
	s6 =	smul.u32 $0x51EB851F, s0  }
0x17c: {  	s14 =	smulhi.u32 $0x51EB851F, s17;
	s0 =	sshra.s32 s17, $0x1F;
	(v2sf) =	vpush v0, $0x5  }
0x17d: {  	s4 =	smul.u32 $0x51EB851F, s0;
	s18 =	spop (v2sf);
	v2 =	vld [tilespmem:$0x80]  }
0x17e: {  	(v2sf) =	vpush v0, $0x6;
	s15 =	smulhi.u32 $0x51EB851F, s18;
	s0 =	sshra.s32 s18, $0x1F  }
0x17f: {  	s19 =	spop (v2sf);
	s9 =	smul.u32 $0x51EB851F, s0  }
0x180: {  	(v2sf) =	vpush v0, $0x7;
	s16 =	smulhi.u32 $0x51EB851F, s19;
	s0 =	sshra.s32 s19, $0x1F  }
0x181: {  	s18 =	smul.u32 $0x51EB851F, s0;
	s20 =	spop (v2sf)  }
0x182: {  	(v2sf) =	vpush v2, $0xD;
	s17 =	smulhi.u32 $0x51EB851F, s20;
	s0 =	sshra.s32 s20, $0x1F  }
0x183: {  	s5 =	sadd.s32 s31, s5;
	s21 =	spop (v2sf);
	s0 =	smul.u32 $0x51EB851F, s0  }
0x184: {  	[smem:$0x7B5] =	sst s5;
	(v2sf) =	vpush v2, $0xC;
	s19 =	smulhi.u32 $0x51EB851F, s21;
	s1 =	sshra.s32 s21, $0x1F  }
0x185: {  	s23 =	spop (v2sf);
	s22 =	smul.u32 $0x51EB851F, s1  }
0x186: {  	(v2sf) =	vpush v2, $0xE;
	s24 =	smulhi.u32 $0x51EB851F, s23;
	s3 =	sshra.s32 s23, $0x1F;
	s25 =	spop (v2sf)  }
0x187: {  	[smem:$0x79C] =	sst s0;
	s26 =	smul.u32 $0x51EB851F, s3  }
0x188: {  	(v2sf) =	vpush v2, $0xF;
	s28 =	smulhi.u32 $0x51EB851F, s25;
	s3 =	sshra.s32 s25, $0x1F;
	s29 =	spop (v2sf)  }
0x189: {  	[smem:$0x79D] =	sst s22;
	s25 =	smul.u32 $0x51EB851F, s3  }
0x18a: {  	(v2sf) =	vpush v2, $0x9;
	[smem:$0x79E] =	sst s24;
	s30 =	smulhi.u32 $0x51EB851F, s29;
	s3 =	sshra.s32 s29, $0x1F  }
0x18b: {  	s24 =	smul.u32 $0x51EB851F, s3;
	s1 =	spop (v2sf)  }
0x18c: {  	[smem:$0x79F] =	sst s28;
	s20 =	smulhi.u32 $0x51EB851F, s1;
	s3 =	sshra.s32 s1, $0x1F  }
0x18d: {  	s21 =	spop (v2sf);
	s23 =	smul.u32 $0x51EB851F, s3  }
0x18e: {  	[smem:$0x7A0] =	sst s30;
	s22 =	smulhi.u32 $0x51EB851F, s21;
	s3 =	sshra.s32 s21, $0x1F  }
0x18f: {  	(v2sf) =	vpush v2, $0x8;
	s28 =	spop (v2sf);
	s21 =	smul.u32 $0x51EB851F, s3  }
0x190: {  	(v2sf) =	vpush v2, $0xA;
	[smem:$0x7A1] =	sst s20;
	s29 =	smulhi.u32 $0x51EB851F, s28;
	s3 =	sshra.s32 s28, $0x1F  }
0x191: {  	s20 =	smul.u32 $0x51EB851F, s3;
	s30 =	spop (v2sf)  }
0x192: {  	[smem:$0x7A2] =	sst s22;
	s1 =	smulhi.u32 $0x2E8BA2E9, s30;
	s3 =	sshra.s32 s30, $0x1F  }
0x193: {  	s22 =	spop (v2sf);
	s3 =	smul.u32 $0x2E8BA2E9, s3  }
0x194: {  	[smem:$0x7A3] =	sst s29;
	s28 =	smulhi.u32 $0x2E8BA2E9, s22  }
0x195: {  	s30 =	spop (v2sf);
	[smem:$0x7A4] =	sst s1  }
0x196: {  	s1 =	smulhi.u32 $0x2E8BA2E9, s30;
	[smem:$0x7A5] =	sst s3  }
0x197: {  	(v2sf) =	vpush v2, $0xB;
	[smem:$0x7A6] =	sst s28;
	s3 =	sshra.s32 s22, $0x1F;
	s22 =	spop (v2sf)  }
0x198: {  	s29 =	smul.u32 $0x2E8BA2E9, s3;
	[smem:$0x7A8] =	sst s1  }
0x199: {  	s3 =	sshra.s32 s30, $0x1F;
	s28 =	smulhi.u32 $0x2E8BA2E9, s22;
	s30 =	spop (v2sf)  }
0x19a: {  	s3 =	smul.u32 $0x2E8BA2E9, s3;
	[smem:$0x7A7] =	sst s29  }
0x19b: {  	s1 =	smulhi.u32 $0x2E8BA2E9, s30;
	[smem:$0x7AA] =	sst s28  }
0x19c: {  	[smem:$0x7A9] =	sst s3  }
0x19d: {  	s3 =	sshra.s32 s22, $0x1F;
	[smem:$0x7AC] =	sst s1  }
0x19e: {  	s22 =	spop (v2sf);
	s29 =	smul.u32 $0x2E8BA2E9, s3  }
0x19f: {  	s3 =	sshra.s32 s30, $0x1F;
	s28 =	smulhi.u32 $0x2E8BA2E9, s22;
	s30 =	spop (v2sf)  }
0x1a0: {  	s3 =	smul.u32 $0x2E8BA2E9, s3;
	[smem:$0x7AB] =	sst s29  }
0x1a1: {  	(v2sf) =	vpush v2, $0x0;
	s1 =	smulhi.u32 $0x2E8BA2E9, s30;
	[smem:$0x7AE] =	sst s28  }
0x1a2: {  	[smem:$0x7AD] =	sst s3  }
0x1a3: {  	(v2sf) =	vpush v2, $0x1;
	[smem:$0x7B0] =	sst s1  }
0x1a4: {  	s1 =	sadd.s32 s8, s11;
	s11 =	sadd.s32 s6, s13;
	s6 =	sld [smem:$0x79E]  }
0x1a5: {  	s8 =	sadd.s32 s7, s12;
	[smem:$0x7B7] =	sst s1  }
0x1a6: {  	(v2sf) =	vpush v2, $0x2;
	s28 =	spop (v2sf);
	[smem:$0x7B8] =	sst s8  }
0x1a7: {  	s3 =	sshra.s32 s22, $0x1F;
	s13 =	sadd.s32 s4, s14;
	[smem:$0x7B9] =	sst s11  }
0x1a8: {  	s29 =	smul.u32 $0x2E8BA2E9, s3;
	[smem:$0x7BA] =	sst s13  }
0x1a9: {  	(v2sf) =	vpush v2, $0x3;
	s3 =	sshra.s32 s30, $0x1F;
	s30 =	smulhi.u32 $0x2E8BA2E9, s28;
	s8 =	sld [smem:$0x79F]  }
0x1aa: {  	s31 =	sshra.s32 s28, $0x1F;
	s13 =	sld [smem:$0x7A2];
	s22 =	smul.u32 $0x2E8BA2E9, s3  }
0x1ab: {  	(v2sf) =	vpush v2, $0x4;
	s3 =	smul.u32 $0x2E8BA2E9, s31;
	s31 =	sadd.s32 s9, s15;
	s9 =	sld [smem:$0x7A0]  }
0x1ac: {  	[smem:$0x7AF] =	sst s29  }
0x1ad: {  	[smem:$0x7B2] =	sst s30  }
0x1ae: {  	s26 =	sadd.s32 s26, s6;
	s6 =	sld [smem:$0x7A5]  }
0x1af: {  	(v2sf) =	vpush v2, $0x5;
	s29 =	sadd.s32 s2, s10;
	[smem:$0x7B1] =	sst s22  }
0x1b0: {  	s5 =	spop (v2sf);
	[smem:$0x7B6] =	sst s29  }
0x1b1: {  	(v2sf) =	vpush v2, $0x6;
	[smem:$0x7B3] =	sst s3;
	s10 =	smulhi.u32 $0x2E8BA2E9, s5  }
0x1b2: {  	v3 =	vld [tilespmem:$0x100];
	s2 =	sshra.s32 s5, $0x1F;
	s12 =	spop (v2sf);
	s3 =	sld [smem:$0x79C]  }
0x1b3: {  	(v2sf) =	vpush v2, $0x7;
	s5 =	sld [smem:$0x79D];
	s28 =	smul.u32 $0x2E8BA2E9, s2  }
0x1b4: {  	s25 =	sadd.s32 s25, s8;
	s8 =	sld [smem:$0x7A6];
	s30 =	smulhi.u32 $0x2E8BA2E9, s12  }
0x1b5: {  	s14 =	sshra.s32 s12, $0x1F;
	s15 =	spop (v2sf);
	s12 =	sld [smem:$0x7A1]  }
0x1b6: {  	s2 =	sadd.s32 s18, s16;
	[smem:$0x7B4] =	sst s10;
	s22 =	smul.u32 $0x2E8BA2E9, s14  }
0x1b7: {  	(v2sf) =	vpush v3, $0xD;
	[smem:$0x7BB] =	sst s2;
	s29 =	smulhi.u32 $0x2E8BA2E9, s15;
	s0 =	sshra.s32 s15, $0x1F  }
0x1b8: {  	s1 =	smul.u32 $0x2E8BA2E9, s0;
	s4 =	spop (v2sf);
	s14 =	sadd.s32 s5, s19  }
0x1b9: {  	s5 =	sld [smem:$0x7A4];
	s19 =	smulhi.u32 $0x2E8BA2E9, s4;
	s0 =	sshra.s32 s4, $0x1F  }
0x1ba: {  	s11 =	sadd.s32 s3, s17;
	s7 =	spop (v2sf);
	s17 =	smul.u32 $0x2E8BA2E9, s0  }
0x1bb: {  	s21 =	sadd.s32 s21, s13;
	s4 =	sld [smem:$0x7A3];
	s18 =	smulhi.u32 $0x2E8BA2E9, s7  }
0x1bc: {  	s0 =	sshra.s32 s7, $0x1F;
	s2 =	sadd.s32 s6, s5;
	s5 =	sld [smem:$0x7A9]  }
0x1bd: {  	s24 =	sadd.s32 s24, s9;
	s16 =	smul.u32 $0x2E8BA2E9, s0;
	[smem:$0x7BC] =	sst s2  }
0x1be: {  	s10 =	spop (v2sf);
	s20 =	sadd.s32 s20, s4;
	s4 =	sld [smem:$0x7A8]  }
0x1bf: {  	s15 =	smulhi.u32 $0x2E8BA2E9, s10;
	s0 =	sshra.s32 s10, $0x1F;
	s10 =	sld [smem:$0x7A7]  }
0x1c0: {  	s23 =	sadd.s32 s23, s12;
	s3 =	spop (v2sf);
	s12 =	smul.u32 $0x2E8BA2E9, s0  }
0x1c1: {  	s13 =	smulhi.u32 $0x2E8BA2E9, s3;
	s0 =	sshra.s32 s3, $0x1F;
	s3 =	sld [smem:$0x7AA]  }
0x1c2: {  	s9 =	smul.u32 $0x2E8BA2E9, s0;
	s7 =	spop (v2sf);
	s2 =	sadd.s32 s10, s8  }
0x1c3: {  	s10 =	smulhi.u32 $0x2E8BA2E9, s7;
	[smem:$0x7BD] =	sst s2  }
0x1c4: {  	s0 =	sshra.s32 s7, $0x1F;
	s2 =	sadd.s32 s5, s4;
	s4 =	sld [smem:$0x7AB]  }
0x1c5: {  	s7 =	smul.u32 $0x2E8BA2E9, s0;
	s5 =	sld [smem:$0x7AC]  }
0x1c6: {  	(v2sf) =	vpush v3, $0xC;
	[smem:$0x7BE] =	sst s2;
	s6 =	spop (v2sf)  }
0x1c7: {  	s8 =	smulhi.u32 $0x66666667, s6;
	s0 =	sshra.s32 s6, $0x1F;
	s6 =	sld [smem:$0x7AD]  }
0x1c8: {  	s2 =	sadd.s32 s4, s3;
	s4 =	sld [smem:$0x7AE]  }
0x1c9: {  	(v2sf) =	vpush v3, $0xE;
	[smem:$0x7BF] =	sst s2  }
0x1ca: {  	s2 =	sadd.s32 s6, s5;
	s6 =	sld [smem:$0x7AF]  }
0x1cb: {  	(v2sf) =	vpush v3, $0xF;
	s3 =	sld [smem:$0x7B0]  }
0x1cc: {  	[smem:$0x7C0] =	sst s2  }
0x1cd: {  	(v2sf) =	vpush v3, $0x9;
	s2 =	sadd.s32 s6, s4;
	s4 =	sld [smem:$0x7B1];
	_ =	sdelay $0x1  }
0x1ce: {  	(v2sf) =	vpush v3, $0x8;
	[smem:$0x7C1] =	sst s2  }
0x1cf: {  	s2 =	sadd.s32 s4, s3;
	s4 =	sld [smem:$0x7B3]  }
0x1d0: {  	(v2sf) =	vpush v3, $0xA;
	[smem:$0x7C2] =	sst s2  }
0x1d1: {  	s2 =	sld [smem:$0x7B2]  }
0x1d2: {  	s22 =	sadd.s32 s22, s30  }
0x1d3: {  	s29 =	sadd.s32 s1, s29;
	s19 =	sadd.s32 s17, s19;
	s16 =	sadd.s32 s16, s18;
	(v2sf) =	vpush v3, $0xB  }
0x1d4: {  	s5 =	smul.u32 $0x66666667, s0;
	s0 =	spop (v2sf);
	s2 =	sadd.s32 s4, s2  }
0x1d5: {  	s6 =	smulhi.u32 $0x66666667, s0;
	s0 =	sshra.s32 s0, $0x1F;
	[smem:$0x7C3] =	sst s2  }
0x1d6: {  	s5 =	sadd.s32 s5, s8;
	s3 =	smul.u32 $0x66666667, s0;
	s2 =	sld [smem:$0x7B4]  }
0x1d7: {  	s12 =	sadd.s32 s12, s15;
	[smem:$0x7C5] =	sst s5;
	s0 =	spop (v2sf)  }
0x1d8: {  	s3 =	sadd.s32 s3, s6;
	s4 =	smulhi.u32 $0x66666667, s0;
	s0 =	sshra.s32 s0, $0x1F  }
0x1d9: {  	s28 =	sadd.s32 s28, s2;
	s2 =	smul.u32 $0x66666667, s0;
	s0 =	spop (v2sf)  }
0x1da: {  	s6 =	sld [smem:$0x7B5];
	s30 =	smulhi.u32 $0x66666667, s0;
	s0 =	sshra.s32 s0, $0x1F  }
0x1db: {  	s9 =	sadd.s32 s9, s13;
	s1 =	smul.u32 $0x66666667, s0;
	s0 =	spop (v2sf)  }
0x1dc: {  	[smem:$0x7C6] =	sst s3;
	s17 =	smulhi.u32 $0x66666667, s0;
	s0 =	sshra.s32 s0, $0x1F  }
0x1dd: {  	s2 =	sadd.s32 s2, s4;
	s18 =	smul.u32 $0x66666667, s0;
	s0 =	spop (v2sf)  }
0x1de: {  	[smem:$0x7C7] =	sst s2;
	s15 =	smulhi.u32 $0x66666667, s0;
	s0 =	sshra.s32 s0, $0x1F  }
0x1df: {  	s1 =	sadd.s32 s1, s30;
	s13 =	spop (v2sf);
	s0 =	smul.u32 $0x66666667, s0  }
0x1e0: {  	s7 =	sadd.s32 s7, s10;
	[smem:$0x7C8] =	sst s1;
	s10 =	smulhi.u32 $0x66666667, s13  }
0x1e1: {  	s13 =	sshra.s32 s13, $0x1F;
	s30 =	sadd.s32 s18, s17;
	s18 =	sld [smem:$0x7B7]  }
0x1e2: {  	s5 =	smul.u32 $0x66666667, s13;
	s13 =	spop (v2sf)  }
0x1e3: {  	[smem:$0x7C9] =	sst s30;
	s3 =	smulhi.u32 $0x66666667, s13  }
0x1e4: {  	s8 =	sshra.s32 s13, $0x1F;
	s0 =	sadd.s32 s0, s15;
	s15 =	sld [smem:$0x7B6]  }
0x1e5: {  	s13 =	smul.u32 $0x66666667, s8;
	[smem:$0x7CA] =	sst s0;
	s4 =	sadd.s32 s5, s10  }
0x1e6: {  	s8 =	sshrl.u32 s6, $0x1F;
	s30 =	sshrl.u32 s18, $0x1F;
	[smem:$0x7CB] =	sst s4  }
0x1e7: {  	s0 =	sshrl.u32 s31, $0x1F;
	s5 =	sadd.s32 s13, s3;
	s13 =	sld [smem:$0x7B8]  }
0x1e8: {  	s17 =	sshrl.u32 s15, $0x1F;
	s1 =	sshra.s32 s15, $0x5;
	s15 =	sld [smem:$0x7B9]  }
0x1e9: {  	s4 =	sshra.s32 s18, $0x5;
	s18 =	sshrl.u32 s11, $0x1F;
	[dreg:$0x1f] =	wrdreg s5  }
0x1ea: {  	v29 =	vmov s18;
	s18 =	sshra.s32 s14, $0x5;
	s5 =	sshra.s32 s6, $0x5;
	v28 =	vmov s17;
	s17 =	sld [smem:$0x7BA]  }
0x1eb: {  	v4 =	vsel vm0, s8, v28;
	s10 =	sshrl.u32 s13, $0x1F;
	s3 =	sshra.s32 s13, $0x5;
	s13 =	sshrl.u32 s15, $0x1F  }
0x1ec: {  	s2 =	sshra.s32 s15, $0x5;
	v4 =	vsel vm1, s30, v4;
	s30 =	sshra.s32 s20, $0x1F;
	[smem:$0x7C4] =	sst s3  }
0x1ed: {  	s15 =	sshrl.u32 s17, $0x1F;
	s6 =	sshra.s32 s17, $0x5;
	s3 =	sshra.s32 s31, $0x5  }
0x1ee: {  	vm10 =	vcmask $0x704;
	s31 =	sld [smem:$0x7BB];
	v30 =	vmov s30;
	s30 =	sshra.s32 s11, $0x5;
	s11 =	sshra.s32 s11, $0x1F  }
0x1ef: {  	v5 =	vnsel vm3, $0x0, v29;
	v4 =	vsel vm2, s10, v4;
	s17 =	sshrl.u32 s14, $0x1F;
	s14 =	sshra.s32 s14, $0x1F;
	s10 =	sshra.s32 s25, $0x5;
	v6 =	vsel vm3, s30, v30  }
0x1f0: {  	v31 =	vmov s15;
	v5 =	vsel vm0, s17, v5;
	s30 =	sshra.s32 s26, $0x1F;
	s15 =	sshra.s32 s25, $0x1F;
	v6 =	vsel vm10, s11, v6;
	s11 =	sshrl.u32 s26, $0x1F  }
0x1f1: {  	s17 =	sshra.s32 s24, $0x1F;
	v7 =	vsel vm0, s13, v31;
	s13 =	sshra.s32 s26, $0x5;
	v5 =	vsel vm1, s11, v5;
	v6 =	vsel vm0, s18, v6;
	s18 =	sshrl.u32 s25, $0x1F  }
0x1f2: {  	s26 =	sshrl.u32 s23, $0x1F;
	s8 =	sshrl.u32 s31, $0x1F;
	s25 =	sshrl.u32 s24, $0x1F;
	v5 =	vsel vm2, s18, v5;
	v6 =	vsel vm12, s14, v6  }
0x1f3: {  	s11 =	sshra.s32 s23, $0x5;
	s14 =	sshra.s32 s24, $0x5;
	v5 =	vsel vm4, s25, v5;
	v6 =	vsel vm1, s13, v6;
	s25 =	sld [smem:$0x7BD]  }
0x1f4: {  	s18 =	sshra.s32 s23, $0x1F;
	s23 =	sshra.s32 s21, $0x1F;
	v5 =	vsel vm5, s26, v5;
	v6 =	vsel vm13, s30, v6;
	s26 =	sld [smem:$0x7BE]  }
0x1f5: {  	(v2sf) =	vpush v3, $0x0;
	v7 =	vsel vm1, s0, v7;
	s13 =	sshra.s32 s21, $0x5;
	s30 =	sshrl.u32 s21, $0x1F;
	s21 =	sld [smem:$0x7BC];
	v6 =	vsel vm2, s10, v6  }
0x1f6: {  	v7 =	vsel vm2, s8, v7;
	s8 =	sshrl.u32 s20, $0x1F;
	v5 =	vsel vm6, s30, v5;
	s10 =	sshra.s32 s20, $0x5;
	s30 =	sld [smem:$0x7BF];
	v6 =	vsel vm14, s15, v6  }
0x1f7: {  	(v2sf) =	vpush v3, $0x1;
	v5 =	vsel vm7, s8, v5;
	v6 =	vsel vm4, s14, v6;
	s14 =	sshrl.u32 s26, $0x1F;
	s8 =	sshra.s32 s26, $0x4;
	s26 =	sld [smem:$0x7C1]  }
0x1f8: {  	(v2sf) =	vpush v3, $0x2;
	v32 =	vmov s1;
	s0 =	sshrl.u32 s25, $0x1F;
	s24 =	sshrl.u32 s21, $0x1F;
	v6 =	vsel vm15, s17, v6;
	s17 =	sld [smem:$0x7C0]  }
0x1f9: {  	(v2sf) =	vpush v3, $0x3;
	v8 =	vsel vm0, s5, v32;
	s15 =	sshrl.u32 s30, $0x1F;
	s5 =	sshra.s32 s30, $0x4;
	s30 =	sld [smem:$0x7C2]  }
0x1fa: {  	(v2sf) =	vpush v3, $0x4;
	s20 =	sshra.s32 s21, $0x4;
	s21 =	sshra.s32 s25, $0x4;
	v6 =	vsel vm5, s11, v6;
	s11 =	sshrl.u32 s26, $0x1F  }
0x1fb: {  	(v2sf) =	vpush v3, $0x5;
	s25 =	sshrl.u32 s17, $0x1F;
	s1 =	sshra.s32 s17, $0x4;
	s17 =	sshra.s32 s26, $0x4  }
0x1fc: {  	vm9 =	vcmask $0x2F2C;
	(v2sf) =	vpush v3, $0x6;
	v33 =	vmov s6;
	s26 =	sshrl.u32 s30, $0x1F;
	s6 =	sshra.s32 s30, $0x4;
	s30 =	sld [smem:$0x7C3]  }
0x1fd: {  	(v2sf) =	vpush v3, $0x7;
	v8 =	vsel vm1, s4, v8;
	v9 =	vsel vm0, s2, v33;
	s2 =	sshrl.u32 s28, $0x1F;
	s31 =	sshra.s32 s31, $0x5  }
0x1fe: {  	v9 =	vsel vm1, s3, v9;
	s3 =	sshra.s32 s22, $0x4;
	v35 =	vmov s2;
	s2 =	sshra.s32 s29, $0x1F;
	v34 =	vmov s0;
	s0 =	sshrl.u32 s22, $0x1F  }
0x1ff: {  	v9 =	vsel vm2, s31, v9;
	v11 =	vnsel vm3, $0x0, v35;
	v6 =	vsel vm9, s18, v6;
	s18 =	sshrl.u32 s30, $0x1F;
	s4 =	sshra.s32 s30, $0x4;
	s30 =	sld [smem:$0x7C4]  }
0x200: {  	s31 =	sshrl.u32 s16, $0x1F;
	s22 =	sshra.s32 s22, $0x1F;
	v10 =	vsel vm0, s24, v34;
	s24 =	sshra.s32 s29, $0x4;
	v11 =	vsel vm0, s0, v11;
	v6 =	vsel vm6, s13, v6  }
0x201: {  	s0 =	sshra.s32 s16, $0x1F;
	v38 =	vmov s21;
	s21 =	sld [smem:$0x7C5];
	v10 =	vsel vm1, s14, v10;
	s14 =	sshrl.u32 s19, $0x1F;
	v6 =	vsel vm11, s23, v6  }
0x202: {  	v14 =	vsel vm0, s20, v38;
	s20 =	sld [smem:$0x7C7];
	v6 =	vsel vm7, s10, v6;
	s10 =	sshrl.u32 s29, $0x1F;
	v8 =	vsel vm2, s30, v8;
	s30 =	sshra.s32 s7, $0x1F  }
0x203: {  	s13 =	sshra.s32 s28, $0x4;
	s28 =	sshra.s32 s28, $0x1F;
	s23 =	sshra.s32 s19, $0x4;
	v11 =	vsel vm1, s10, v11;
	v36 =	vmov s30  }
0x204: {  	s29 =	sshrl.u32 s9, $0x1F;
	v11 =	vsel vm2, s14, v11;
	s14 =	sshra.s32 s9, $0x4;
	s9 =	sshra.s32 s9, $0x1F;
	v12 =	vsel vm3, s13, v36  }
0x205: {  	v11 =	vsel vm4, s31, v11;
	s31 =	sshrl.u32 s7, $0x1F;
	s30 =	spop (v2sf);
	s13 =	sshra.s32 s19, $0x1F;
	v12 =	vsel vm10, s28, v12  }
0x206: {  	v37 =	vmov s11;
	s19 =	sshra.s32 s16, $0x4;
	s16 =	sshra.s32 s12, $0x4;
	s28 =	sshrl.u32 s12, $0x1F;
	v12 =	vsel vm0, s3, v12  }
0x207: {  	v13 =	vsel vm0, s25, v37;
	s3 =	sshra.s32 s12, $0x1F;
	s12 =	sshra.s32 s30, $0x1F;
	v12 =	vsel vm12, s22, v12;
	s22 =	smulhi.u32 $0x66666667, s30  }
0x208: {  	v39 =	vmov s17;
	s7 =	sshra.s32 s7, $0x4;
	v11 =	vsel vm5, s28, v11;
	s25 =	smul.u32 $0x66666667, s12;
	v12 =	vsel vm1, s24, v12;
	s24 =	spop (v2sf)  }
0x209: {  	v13 =	vsel vm1, s26, v13;
	v15 =	vsel vm0, s1, v39;
	v11 =	vsel vm6, s29, v11;
	s26 =	spop (v2sf);
	s28 =	smulhi.u32 $0x66666667, s24;
	s29 =	sshra.s32 s24, $0x1F  }
0x20a: {  	v4 =	vcombine.low v7, v4;
	v40 =	vsel vm1, s6, v15;
	v12 =	vsel vm13, s2, v12;
	s6 =	sadd.s32 s25, s22;
	s22 =	sld [smem:$0x7CB];
	s30 =	spop (v2sf)  }
0x20b: {  	s12 =	sshrl.u32 s20, $0x1F;
	v11 =	vsel vm7, s31, v11;
	v12 =	vsel vm2, s23, v12;
	s31 =	smul.u32 $0x66666667, s29;
	s23 =	sld [smem:$0x7C6]  }
0x20c: {  	v4 =	vperm.xlane v4, v49;
	s24 =	sshra.s32 s26, $0x1F;
	v12 =	vsel vm14, s13, v12;
	s13 =	sshrl.u32 s21, $0x1F;
	s29 =	smulhi.u32 $0x66666667, s30  }
0x20d: {  	v10 =	vsel vm2, s15, v10;
	v14 =	vsel vm1, s8, v14;
	s15 =	spop (v2sf);
	s30 =	sshra.s32 s30, $0x1F;
	v12 =	vsel vm4, s19, v12;
	s19 =	smulhi.u32 $0x66666667, s26  }
0x20e: {  	v5 =	vperm.xlane v5, v1;
	v14 =	vsel vm2, s5, v14;
	v8 =	vcombine.low v9, v8;
	s2 =	spop (v2sf);
	s26 =	sld [smem:$0x7C8];
	s8 =	sadd.s32 s31, s28  }
0x20f: {  	v6 =	vperm.xlane v6, v1;
	v13 =	vsel vm2, s18, v13;
	s18 =	sshrl.u32 s22, $0x1F;
	v12 =	vsel vm15, s0, v12;
	s1 =	spop (v2sf);
	s0 =	smul.u32 $0x66666667, s24  }
0x210: {  	v7 =	vsel vm2, s4, v40;
	v10 =	vcombine.low v13, v10;
	v8 =	vperm.xlane v8, v49;
	s31 =	sshrl.u32 s6, $0x1F;
	s10 =	smulhi.u32 $0x66666667, s2;
	s25 =	spop (v2sf)  }
0x211: {  	v4 =	vsel vm8, v5, v4;
	v43 =	vcombine.low v7, v14;
	s5 =	sshrl.u32 s23, $0x1F;
	s28 =	smulhi.u32 $0x66666667, s25;
	s11 =	sshra.s32 s25, $0x1F  }
0x212: {  	v44 =	vperm.xlane v10, v49;
	v42 =	vsel vm8, v6, v8;
	s24 =	sld [smem:$0x7C9];
	s2 =	sshra.s32 s2, $0x1F;
	v12 =	vsel vm5, s16, v12;
	s11 =	smul.u32 $0x66666667, s11  }
0x213: {  	v46 =	vperm.xlane v11, v1;
	v47 =	vmov s5;
	s5 =	sshrl.u32 s8, $0x1F;
	s2 =	smul.u32 $0x66666667, s2;
	v41 =	vsel vm9, s3, v12;
	s16 =	sshrl.u32 s26, $0x1F  }
0x214: {  	v6 =	vperm.xlane v43, v49;
	v4 =	vadd.s32 v4, v42;
	s25 =	sld [smem:$0x7CA];
	s17 =	sadd.s32 s0, s19;
	v9 =	vsel vm6, s14, v41;
	s0 =	sadd.s32 s11, s28  }
0x215: {  	v4 =	vmul.u32 $0x64, v4;
	v5 =	vsel vm8, v46, v44;
	s19 =	rddreg [dreg:$0x1f];
	s3 =	sshrl.u32 s24, $0x1F;
	v9 =	vsel vm11, s9, v9;
	s11 =	sshra.s32 s0, $0x1F  }
0x216: {  	v51 =	vmov s31;
	s2 =	sadd.s32 s2, s10;
	s9 =	smul.u32 $0x66666667, s30;
	v45 =	vsel vm7, s7, v9;
	s28 =	sshra.s32 s6, $0x5;
	v48 =	vmov s11  }
0x217: {  	s30 =	sshra.s32 s8, $0x5;
	s4 =	sshrl.u32 s25, $0x1F;
	v9 =	vsel vm0, s13, v47;
	s6 =	sshra.s32 s6, $0x1F;
	v7 =	vperm.xlane v45, v1;
	v50 =	vsel vm3, s28, v48  }
0x218: {  	s10 =	sshrl.u32 s2, $0x1F;
	s13 =	smulhi.u32 $0x66666667, s15;
	s15 =	sshra.s32 s15, $0x1F;
	v9 =	vsel vm1, s12, v9;
	v52 =	vmov s4;
	v8 =	vsel vm10, s6, v50  }
0x219: {  	s7 =	sshrl.u32 s19, $0x1F;
	s14 =	smul.u32 $0x66666667, s15;
	s15 =	sshra.s32 s8, $0x1F;
	v9 =	vsel vm2, s16, v9;
	v10 =	vsel vm0, s3, v52;
	v8 =	vsel vm0, s30, v8  }
0x21a: {  	s9 =	sadd.s32 s9, s29;
	s29 =	sshrl.u32 s17, $0x1F;
	v6 =	vsel vm8, v7, v6;
	v7 =	vnsel vm3, $0x0, v51;
	s28 =	sshra.s32 s17, $0x5;
	v8 =	vsel vm12, s15, v8  }
0x21b: {  	s31 =	sshrl.u32 s9, $0x1F;
	s16 =	smulhi.u32 $0x66666667, s1;
	v10 =	vsel vm1, s18, v10;
	v7 =	vsel vm0, s5, v7;
	s30 =	sshra.s32 s17, $0x1F;
	v8 =	vsel vm1, s28, v8  }
0x21c: {  	s1 =	sshra.s32 s1, $0x1F;
	s8 =	sshra.s32 s9, $0x5;
	s11 =	sshra.s32 s9, $0x1F;
	v10 =	vsel vm2, s7, v10;
	v5 =	vadd.s32 v5, v6;
	v8 =	vsel vm13, s30, v8  }
0x21d: {  	s1 =	smul.u32 $0x66666667, s1;
	v7 =	vsel vm1, s29, v7;
	s29 =	sadd.s32 s14, s13;
	v9 =	vcombine.low v10, v9;
	s14 =	sshra.s32 s23, $0x5;
	v8 =	vsel vm2, s8, v8  }
0x21e: {  	v7 =	vsel vm2, s31, v7;
	s31 =	sshrl.u32 s29, $0x1F;
	s13 =	sshra.s32 s29, $0x5;
	s15 =	sshra.s32 s25, $0x5;
	v53 =	vmov s14;
	v8 =	vsel vm14, s11, v8  }
0x21f: {  	s1 =	sadd.s32 s1, s16;
	s16 =	sshra.s32 s21, $0x5;
	s4 =	sshra.s32 s29, $0x1F;
	v7 =	vsel vm4, s31, v7;
	v54 =	vmov s15;
	v8 =	vsel vm4, s13, v8  }
0x220: {  	s18 =	sshra.s32 s2, $0x5;
	s17 =	sshra.s32 s24, $0x5;
	s21 =	sshra.s32 s20, $0x5;
	v10 =	vsel vm0, s16, v53;
	v7 =	vsel vm5, s10, v7;
	v8 =	vsel vm15, s4, v8  }
0x221: {  	s22 =	sshra.s32 s22, $0x5;
	s2 =	sshra.s32 s2, $0x1F;
	s12 =	sshrl.u32 s1, $0x1F;
	v11 =	vsel vm0, s17, v54;
	v10 =	vsel vm1, s21, v10;
	v8 =	vsel vm5, s18, v8  }
0x222: {  	s23 =	sshra.s32 s26, $0x5;
	s24 =	sshra.s32 s19, $0x5;
	s25 =	sshra.s32 s1, $0x5;
	v7 =	vsel vm6, s12, v7;
	v11 =	vsel vm1, s22, v11;
	v8 =	vsel vm9, s2, v8  }
0x223: {  	s26 =	sshrl.u32 s0, $0x1F;
	s1 =	sshra.s32 s1, $0x1F;
	v10 =	vsel vm2, s23, v10;
	v11 =	vsel vm2, s24, v11;
	v8 =	vsel vm6, s25, v8  }
0x224: {  	s0 =	sshra.s32 s0, $0x5;
	v7 =	vsel vm7, s26, v7;
	v10 =	vcombine.low v11, v10;
	v8 =	vsel vm11, s1, v8  }
0x225: {  	v9 =	vperm.xlane v9, v49;
	v7 =	vperm.xlane v7, v1;
	v8 =	vsel vm7, s0, v8  }
0x226: {  	v56 =	vmul.u32 $0x58, v5;
	v55 =	vperm.xlane v10, v49;
	v8 =	vperm.xlane v8, v1  }
0x227: {  	v0 =	vsub.s32 v0, v4  }
0x228: {  	v2 =	vsub.s32 v2, v56;
	v57 =	vsel vm8, v7, v9;
	v6 =	vsel vm8, v8, v55  }
0x229: {  	v58 =	vadd.s32 $0x64, v0;
	vm10 =	vlt.s32 v2, $0x0;
	v59 =	vadd.s32 v57, v6  }
0x22a: {  	v60 =	vadd.s32 $0x58, v2;
	vm9 =	vlt.s32 v0, $0x0;
	v4 =	vmul.u32 $0x50, v59  }
0x22b: {  	v2 =	vsel vm10, v60, v2;
	v0 =	vsel vm9, v58, v0  }
0x22c: {  	v2 =	vmul.u32 $0x50, v2;
	v0 =	vmul.u32 $0x1B80, v0;
	v3 =	vsub.s32 v3, v4  }
0x22d: {  	vm9 =	vlt.s32 v3, $0x0;
	v4 =	vadd.s32 $0x50, v3  }
0x22e: {  	v0 =	vadd.s32 v0, v2;
	v3 =	vsel vm9, v4, v3  }
0x22f: {  	v0 =	vadd.s32 v3, v0  }
0x230: {  	[tilespmem:$0x180] =	vst v0;
	v2 =	vadd.s32 $0xABE00, v0  }
0x231: {  	[tilespmem:$0x190] =	vst v2;
	v2 =	vadd.s32 $0x157C00, v0  }
0x232: {  	[tilespmem:$0x1A0] =	vst v2;
	v2 =	vadd.s32 $0x203A00, v0  }
0x233: {  	[tilespmem:$0x1B0] =	vst v2;
	v2 =	vadd.s32 $0x2AF800, v0  }
0x234: {  	[tilespmem:$0x1C0] =	vst v2;
	v2 =	vadd.s32 $0x35B600, v0  }
0x235: {  	[tilespmem:$0x1D0] =	vst v2;
	v2 =	vadd.s32 $0x407400, v0  }
0x236: {  	[tilespmem:$0x1E0] =	vst v2;
	v2 =	vadd.s32 $0x4B3200, v0  }
0x237: {  	[tilespmem:$0x1F0] =	vst v2;
	v2 =	vadd.s32 $0x55F000, v0  }
0x238: {  	[tilespmem:$0x200] =	vst v2;
	v2 =	vadd.s32 $0x60AE00, v0  }
0x239: {  	[tilespmem:$0x210] =	vst v2;
	v2 =	vadd.s32 $0x6B6C00, v0  }
0x23a: {  	[tilespmem:$0x220] =	vst v2;
	v2 =	vadd.s32 $0x762A00, v0  }
0x23b: {  	[tilespmem:$0x230] =	vst v2;
	v2 =	vadd.s32 $0x80E800, v0  }
0x23c: {  	[tilespmem:$0x240] =	vst v2;
	v2 =	vadd.s32 $0x8BA600, v0  }
0x23d: {  	[tilespmem:$0x250] =	vst v2;
	v2 =	vadd.s32 $0x966400, v0  }
0x23e: {  	[tilespmem:$0x260] =	vst v2;
	v2 =	vadd.s32 $0xA12200, v0  }
0x23f: {  	[tilespmem:$0x270] =	vst v2;
	v2 =	vadd.s32 $0xABE000, v0  }
0x240: {  	[tilespmem:$0x280] =	vst v2;
	v2 =	vadd.s32 $0xB69E00, v0  }
0x241: {  	[tilespmem:$0x290] =	vst v2;
	v2 =	vadd.s32 $0xC15C00, v0  }
0x242: {  	[tilespmem:$0x2A0] =	vst v2;
	v2 =	vadd.s32 $0xCC1A00, v0  }
0x243: {  	[tilespmem:$0x2B0] =	vst v2;
	v2 =	vadd.s32 $0xD6D800, v0  }
0x244: {  	[tilespmem:$0x2C0] =	vst v2;
	v2 =	vadd.s32 $0xE19600, v0  }
0x245: {  	[tilespmem:$0x2D0] =	vst v2;
	v2 =	vadd.s32 $0xEC5400, v0  }
0x246: {  	[tilespmem:$0x2E0] =	vst v2;
	v2 =	vadd.s32 $0xF71200, v0  }
0x247: {  	[tilespmem:$0x2F0] =	vst v2;
	v2 =	vadd.s32 $0x101D000, v0  }
0x248: {  	[tilespmem:$0x300] =	vst v2;
	v2 =	vadd.s32 $0x10C8E00, v0  }
0x249: {  	[tilespmem:$0x310] =	vst v2;
	v2 =	vadd.s32 $0x1174C00, v0  }
0x24a: {  	[tilespmem:$0x320] =	vst v2;
	v2 =	vadd.s32 $0x1220A00, v0  }
0x24b: {  	[tilespmem:$0x330] =	vst v2;
	v2 =	vadd.s32 $0x12CC800, v0  }
0x24c: {  	[tilespmem:$0x340] =	vst v2;
	v2 =	vadd.s32 $0x1378600, v0  }
0x24d: {  	[tilespmem:$0x350] =	vst v2;
	v2 =	vadd.s32 $0x1424400, v0  }
0x24e: {  	[tilespmem:$0x360] =	vst v2;
	v2 =	vadd.s32 $0x14D0200, v0  }
0x24f: {  	[tilespmem:$0x370] =	vst v2;
	v2 =	vadd.s32 $0x157C000, v0  }
0x250: {  	[tilespmem:$0x380] =	vst v2;
	v2 =	vadd.s32 $0x1627E00, v0  }
0x251: {  	[tilespmem:$0x390] =	vst v2;
	v2 =	vadd.s32 $0x16D3C00, v0  }
0x252: {  	[tilespmem:$0x3A0] =	vst v2;
	v2 =	vadd.s32 $0x177FA00, v0  }
0x253: {  	[tilespmem:$0x3B0] =	vst v2;
	v2 =	vadd.s32 $0x182B800, v0  }
0x254: {  	[tilespmem:$0x3C0] =	vst v2;
	v2 =	vadd.s32 $0x18D7600, v0  }
0x255: {  	[tilespmem:$0x3D0] =	vst v2;
	v2 =	vadd.s32 $0x1983400, v0  }
0x256: {  	[tilespmem:$0x3E0] =	vst v2;
	v2 =	vadd.s32 $0x1A2F200, v0  }
0x257: {  	[tilespmem:$0x3F0] =	vst v2;
	v2 =	vadd.s32 $0x1ADB000, v0  }
0x258: {  	[tilespmem:$0x400] =	vst v2;
	v2 =	vadd.s32 $0x1B86E00, v0  }
0x259: {  	[tilespmem:$0x410] =	vst v2;
	v2 =	vadd.s32 $0x1C32C00, v0  }
0x25a: {  	[tilespmem:$0x420] =	vst v2;
	v2 =	vadd.s32 $0x1CDEA00, v0  }
0x25b: {  	[tilespmem:$0x430] =	vst v2;
	v2 =	vadd.s32 $0x1D8A800, v0  }
0x25c: {  	[tilespmem:$0x440] =	vst v2;
	v2 =	vadd.s32 $0x1E36600, v0  }
0x25d: {  	[tilespmem:$0x450] =	vst v2;
	v2 =	vadd.s32 $0x1EE2400, v0  }
0x25e: {  	[tilespmem:$0x460] =	vst v2;
	v2 =	vadd.s32 $0x1F8E200, v0  }
0x25f: {  	[tilespmem:$0x470] =	vst v2;
	v2 =	vadd.s32 $0x203A000, v0  }
0x260: {  	[tilespmem:$0x480] =	vst v2;
	v2 =	vadd.s32 $0x20E5E00, v0  }
0x261: {  	[tilespmem:$0x490] =	vst v2;
	v2 =	vadd.s32 $0x2191C00, v0  }
0x262: {  	[tilespmem:$0x4A0] =	vst v2;
	v2 =	vadd.s32 $0x223DA00, v0  }
0x263: {  	[tilespmem:$0x4B0] =	vst v2;
	v2 =	vadd.s32 $0x22E9800, v0  }
0x264: {  	[tilespmem:$0x4C0] =	vst v2;
	v2 =	vadd.s32 $0x2395600, v0  }
0x265: {  	[tilespmem:$0x4D0] =	vst v2;
	v2 =	vadd.s32 $0x2441400, v0  }
0x266: {  	[tilespmem:$0x4E0] =	vst v2;
	v2 =	vadd.s32 $0x24ED200, v0  }
0x267: {  	[tilespmem:$0x4F0] =	vst v2;
	v2 =	vadd.s32 $0x2599000, v0  }
0x268: {  	[tilespmem:$0x500] =	vst v2;
	v2 =	vadd.s32 $0x2644E00, v0  }
0x269: {  	[tilespmem:$0x510] =	vst v2;
	v2 =	vadd.s32 $0x26F0C00, v0  }
0x26a: {  	[tilespmem:$0x520] =	vst v2;
	v2 =	vadd.s32 $0x279CA00, v0  }
0x26b: {  	[tilespmem:$0x530] =	vst v2;
	v2 =	vadd.s32 $0x2848800, v0  }
0x26c: {  	[tilespmem:$0x540] =	vst v2;
	v2 =	vadd.s32 $0x28F4600, v0  }
0x26d: {  	[tilespmem:$0x550] =	vst v2;
	v2 =	vadd.s32 $0x29A0400, v0  }
0x26e: {  	s29 =	simm.s32 $0x980;
	v0 =	vadd.s32 $0x2A4C200, v0;
	[tilespmem:$0x560] =	vst v2  }
0x26f: {  	s28 =	rddreg [dreg:$0x1c];
	s31 =	simm.s32 $0x180;
	s30 =	simm.s32 $0x80;
	[tilespmem:$0x570] =	vst v0  }
0x270: {  	[tilespmem:s29], [sflag:$0x1] =	stream.indirect.gather [hbm4b:s28+s30], $0x1, s31, s30, $0xb8;
	[tilespmem:$0xE00] =	vst v63  }
0x271: {  	s4 =	simm.s32 $0x200;
	s1 =	simm.s32 $0xA00  }
0x272: {  	[tilespmem:s1], [sflag:$0x1] =	stream.indirect.gather [hbm4b:s28+s30], $0x1, s4, s30, $0xb8;
	[tilespmem:$0xE00] =	vst v63  }
0x273: {  	s5 =	simm.s32 $0xA80;
	s6 =	simm.s32 $0x280  }
0x274: {  	[tilespmem:s5], [sflag:$0x1] =	stream.indirect.gather [hbm4b:s28+s30], $0x1, s6, s30, $0xb8;
	[tilespmem:$0xE00] =	vst v63  }
0x275: {  	s7 =	simm.s32 $0xB00;
	s8 =	simm.s32 $0x300  }
0x276: {  	[tilespmem:s7], [sflag:$0x1] =	stream.indirect.gather [hbm4b:s28+s30], $0x1, s8, s30, $0xb8;
	[tilespmem:$0xE00] =	vst v63  }
0x277: {  	s9 =	simm.s32 $0xB80;
	s10 =	simm.s32 $0x380  }
0x278: {  	[tilespmem:s9], [sflag:$0x1] =	stream.indirect.gather [hbm4b:s28+s30], $0x1, s10, s30, $0xb8;
	[tilespmem:$0xE00] =	vst v63  }
0x279: {  	s12 =	simm.s32 $0x400;
	s11 =	simm.s32 $0xC00  }
0x27a: {  	[tilespmem:s11], [sflag:$0x1] =	stream.indirect.gather [hbm4b:s28+s30], $0x1, s12, s30, $0xb8;
	[tilespmem:$0xE00] =	vst v63  }
0x27b: {  	s14 =	simm.s32 $0x480;
	s13 =	simm.s32 $0xC80  }
0x27c: {  	[tilespmem:s13], [sflag:$0x1] =	stream.indirect.gather [hbm4b:s28+s30], $0x1, s14, s30, $0xb8;
	[tilespmem:$0xE00] =	vst v63  }
0x27d: {  	s15 =	simm.s32 $0xD00;
	s16 =	simm.s32 $0x500;
	s18 =	simm.s32 $0x1  }
0x27e: {  	[tilespmem:s15], [sflag:$0x1] =	stream.indirect.gather [hbm4b:s28+s30], $0x1, s16, s30, $0xb8;
	[tilespmem:$0xE00] =	vst v63  }
0x27f: {  	_ =	swait.ge [sflag:s18], $0x80  }
0x280: {  	[sflag:s18] =	ssyncset.done $0x0  }
0x281: {  	[sflag:s18] =	ssyncadd.s32 $0xFFFFFF80  }
0x282: {  	_ =	swait.ge [sflag:s18], $0x80  }
0x283: {  	[sflag:s18] =	ssyncset.done $0x0  }
0x284: {  	[sflag:s18] =	ssyncadd.s32 $0xFFFFFF80  }
0x285: {  	_ =	swait.ge [sflag:s18], $0x80  }
0x286: {  	[sflag:s18] =	ssyncset.done $0x0  }
0x287: {  	[sflag:s18] =	ssyncadd.s32 $0xFFFFFF80  }
0x288: {  	_ =	swait.ge [sflag:s18], $0x80  }
0x289: {  	[sflag:s18] =	ssyncset.done $0x0  }
0x28a: {  	[sflag:s18] =	ssyncadd.s32 $0xFFFFFF80  }
0x28b: {  	_ =	swait.ge [sflag:s18], $0x80  }
0x28c: {  	[sflag:s18] =	ssyncset.done $0x0  }
0x28d: {  	[sflag:s18] =	ssyncadd.s32 $0xFFFFFF80  }
0x28e: {  	_ =	swait.ge [sflag:s18], $0x80  }
0x28f: {  	[sflag:s18] =	ssyncset.done $0x0  }
0x290: {  	[sflag:s18] =	ssyncadd.s32 $0xFFFFFF80  }
0x291: {  	_ =	swait.ge [sflag:s18], $0x80  }
0x292: {  	[sflag:s18] =	ssyncset.done $0x0  }
0x293: {  	[sflag:s18] =	ssyncadd.s32 $0xFFFFFF80  }
0x294: {  	_ =	swait.ge [sflag:s18], $0x80  }
0x295: {  	[sflag:s18] =	ssyncset.done $0x0  }
0x296: {  	[sflag:s18] =	ssyncadd.s32 $0xFFFFFF80  }
0x297: {  	v0 =	vld [tilespmem:$0x6F0];
	_ =	sdelay $0x4  }
0x298: {  	[tilespmem:$0x1FAF0] =	vst v0;
	v0 =	vld [tilespmem:$0x700];
	_ =	sdelay $0x4  }
0x299: {  	[tilespmem:$0x1FB00] =	vst v0;
	v0 =	vld [tilespmem:$0xB00];
	_ =	sdelay $0x4  }
0x29a: {  	[tilespmem:$0x1FB10] =	vst v0;
	v0 =	vld [tilespmem:$0x710];
	_ =	sdelay $0x4  }
0x29b: {  	[tilespmem:$0x1FB20] =	vst v0;
	v0 =	vld [tilespmem:$0xB10];
	_ =	sdelay $0x4  }
0x29c: {  	[tilespmem:$0x1FB30] =	vst v0;
	v0 =	vld [tilespmem:$0x720];
	_ =	sdelay $0x4  }
0x29d: {  	[tilespmem:$0x1FB40] =	vst v0;
	v0 =	vld [tilespmem:$0xB20];
	_ =	sdelay $0x4  }
0x29e: {  	[tilespmem:$0x1FB50] =	vst v0;
	v0 =	vld [tilespmem:$0x730];
	_ =	sdelay $0x4  }
0x29f: {  	[tilespmem:$0x1FB60] =	vst v0;
	v0 =	vld [tilespmem:$0xB30];
	_ =	sdelay $0x4  }
0x2a0: {  	[tilespmem:$0x1FB70] =	vst v0;
	v0 =	vld [tilespmem:$0x740];
	_ =	sdelay $0x4  }
0x2a1: {  	[tilespmem:$0x1FB80] =	vst v0;
	v0 =	vld [tilespmem:$0xB40];
	_ =	sdelay $0x4  }
0x2a2: {  	[tilespmem:$0x1FB90] =	vst v0;
	v0 =	vld [tilespmem:$0x750];
	_ =	sdelay $0x4  }
0x2a3: {  	[tilespmem:$0x1FBA0] =	vst v0;
	v0 =	vld [tilespmem:$0xB50];
	_ =	sdelay $0x4  }
0x2a4: {  	[tilespmem:$0x1FBB0] =	vst v0;
	v0 =	vld [tilespmem:$0x760];
	_ =	sdelay $0x4  }
0x2a5: {  	[tilespmem:$0x1FBC0] =	vst v0;
	v0 =	vld [tilespmem:$0xB60];
	_ =	sdelay $0x4  }
0x2a6: {  	[tilespmem:$0x1FBD0] =	vst v0;
	v0 =	vld [tilespmem:$0x770];
	_ =	sdelay $0x4  }
0x2a7: {  	[tilespmem:$0x1FBE0] =	vst v0;
	v0 =	vld [tilespmem:$0xB70];
	_ =	sdelay $0x4  }
0x2a8: {  	[tilespmem:$0x1FBF0] =	vst v0;
	v0 =	vld [tilespmem:$0x780];
	_ =	sdelay $0x4  }
0x2a9: {  	[tilespmem:$0x1FC00] =	vst v0;
	v0 =	vld [tilespmem:$0xB80];
	_ =	sdelay $0x4  }
0x2aa: {  	[tilespmem:$0x1FC10] =	vst v0;
	v0 =	vld [tilespmem:$0x790];
	_ =	sdelay $0x4  }
0x2ab: {  	[tilespmem:$0x1FC20] =	vst v0;
	v0 =	vld [tilespmem:$0xB90];
	_ =	sdelay $0x4  }
0x2ac: {  	[tilespmem:$0x1FC30] =	vst v0;
	v0 =	vld [tilespmem:$0x7A0];
	_ =	sdelay $0x4  }
0x2ad: {  	[tilespmem:$0x1FC40] =	vst v0;
	v0 =	vld [tilespmem:$0xBA0];
	_ =	sdelay $0x4  }
0x2ae: {  	[tilespmem:$0x1FC50] =	vst v0;
	v0 =	vld [tilespmem:$0x7B0];
	_ =	sdelay $0x4  }
0x2af: {  	[tilespmem:$0x1FC60] =	vst v0;
	v0 =	vld [tilespmem:$0xBB0];
	_ =	sdelay $0x4  }
0x2b0: {  	[tilespmem:$0x1FC70] =	vst v0;
	v0 =	vld [tilespmem:$0x7C0];
	_ =	sdelay $0x4  }
0x2b1: {  	[tilespmem:$0x1FC80] =	vst v0;
	v0 =	vld [tilespmem:$0xBC0];
	_ =	sdelay $0x4  }
0x2b2: {  	[tilespmem:$0x1FC90] =	vst v0;
	v0 =	vld [tilespmem:$0x7D0];
	_ =	sdelay $0x4  }
0x2b3: {  	[tilespmem:$0x1FCA0] =	vst v0;
	v0 =	vld [tilespmem:$0xBD0];
	_ =	sdelay $0x4  }
0x2b4: {  	[tilespmem:$0x1FCB0] =	vst v0;
	v0 =	vld [tilespmem:$0x7E0];
	_ =	sdelay $0x4  }
0x2b5: {  	[tilespmem:$0x1FCC0] =	vst v0;
	v0 =	vld [tilespmem:$0xBE0];
	_ =	sdelay $0x4  }
0x2b6: {  	[tilespmem:$0x1FCD0] =	vst v0;
	v0 =	vld [tilespmem:$0x7F0];
	_ =	sdelay $0x4  }
0x2b7: {  	[tilespmem:$0x1FCE0] =	vst v0;
	v0 =	vld [tilespmem:$0xBF0];
	_ =	sdelay $0x4  }
0x2b8: {  	[tilespmem:$0x1FCF0] =	vst v0;
	v0 =	vld [tilespmem:$0x800];
	_ =	sdelay $0x4  }
0x2b9: {  	[tilespmem:$0x1FD00] =	vst v0;
	v0 =	vld [tilespmem:$0xC00];
	_ =	sdelay $0x4  }
0x2ba: {  	[tilespmem:$0x1FD10] =	vst v0;
	v0 =	vld [tilespmem:$0x810];
	_ =	sdelay $0x4  }
0x2bb: {  	[tilespmem:$0x1FD20] =	vst v0;
	v0 =	vld [tilespmem:$0xC10];
	_ =	sdelay $0x4  }
0x2bc: {  	[tilespmem:$0x1FD30] =	vst v0;
	v0 =	vld [tilespmem:$0x820];
	_ =	sdelay $0x4  }
0x2bd: {  	[tilespmem:$0x1FD40] =	vst v0;
	v0 =	vld [tilespmem:$0xC20];
	_ =	sdelay $0x4  }
0x2be: {  	[tilespmem:$0x1FD50] =	vst v0;
	v0 =	vld [tilespmem:$0x830];
	_ =	sdelay $0x4  }
0x2bf: {  	[tilespmem:$0x1FD60] =	vst v0;
	v0 =	vld [tilespmem:$0xC30];
	_ =	sdelay $0x4  }
0x2c0: {  	[tilespmem:$0x1FD70] =	vst v0;
	v0 =	vld [tilespmem:$0x840];
	_ =	sdelay $0x4  }
0x2c1: {  	[tilespmem:$0x1FD80] =	vst v0;
	v0 =	vld [tilespmem:$0xC40];
	_ =	sdelay $0x4  }
0x2c2: {  	[tilespmem:$0x1FD90] =	vst v0;
	v0 =	vld [tilespmem:$0x850];
	_ =	sdelay $0x4  }
0x2c3: {  	[tilespmem:$0x1FDA0] =	vst v0;
	v0 =	vld [tilespmem:$0xC50];
	_ =	sdelay $0x4  }
0x2c4: {  	[tilespmem:$0x1FDB0] =	vst v0;
	v0 =	vld [tilespmem:$0x860];
	_ =	sdelay $0x4  }
0x2c5: {  	[tilespmem:$0x1FDC0] =	vst v0;
	v0 =	vld [tilespmem:$0xC60];
	_ =	sdelay $0x4  }
0x2c6: {  	[tilespmem:$0x1FDD0] =	vst v0;
	v0 =	vld [tilespmem:$0x870];
	_ =	sdelay $0x4  }
0x2c7: {  	[tilespmem:$0x1FDE0] =	vst v0;
	v0 =	vld [tilespmem:$0xC70];
	_ =	sdelay $0x4  }
0x2c8: {  	[tilespmem:$0x1FDF0] =	vst v0;
	v0 =	vld [tilespmem:$0x880];
	_ =	sdelay $0x4  }
0x2c9: {  	[tilespmem:$0x1FE00] =	vst v0;
	v0 =	vld [tilespmem:$0xC80];
	_ =	sdelay $0x4  }
0x2ca: {  	[tilespmem:$0x1FE10] =	vst v0;
	v0 =	vld [tilespmem:$0x890];
	_ =	sdelay $0x4  }
0x2cb: {  	[tilespmem:$0x1FE20] =	vst v0;
	v0 =	vld [tilespmem:$0xC90];
	_ =	sdelay $0x4  }
0x2cc: {  	[tilespmem:$0x1FE30] =	vst v0;
	v0 =	vld [tilespmem:$0x8A0];
	_ =	sdelay $0x4  }
0x2cd: {  	[tilespmem:$0x1FE40] =	vst v0;
	v0 =	vld [tilespmem:$0xCA0];
	_ =	sdelay $0x4  }
0x2ce: {  	[tilespmem:$0x1FE50] =	vst v0;
	v0 =	vld [tilespmem:$0x8B0];
	_ =	sdelay $0x4  }
0x2cf: {  	[tilespmem:$0x1FE60] =	vst v0;
	v0 =	vld [tilespmem:$0xCB0];
	_ =	sdelay $0x4  }
0x2d0: {  	[tilespmem:$0x1FE70] =	vst v0;
	v0 =	vld [tilespmem:$0x8C0];
	_ =	sdelay $0x4  }
0x2d1: {  	[tilespmem:$0x1FE80] =	vst v0;
	v0 =	vld [tilespmem:$0xCC0];
	_ =	sdelay $0x4  }
0x2d2: {  	[tilespmem:$0x1FE90] =	vst v0;
	v0 =	vld [tilespmem:$0x8D0];
	_ =	sdelay $0x4  }
0x2d3: {  	[tilespmem:$0x1FEA0] =	vst v0;
	v0 =	vld [tilespmem:$0xCD0];
	_ =	sdelay $0x4  }
0x2d4: {  	[tilespmem:$0x1FEB0] =	vst v0;
	v0 =	vld [tilespmem:$0x8E0];
	_ =	sdelay $0x4  }
0x2d5: {  	[tilespmem:$0x1FEC0] =	vst v0;
	v0 =	vld [tilespmem:$0xCE0];
	_ =	sdelay $0x4  }
0x2d6: {  	[tilespmem:$0x1FED0] =	vst v0;
	v0 =	vld [tilespmem:$0x8F0];
	_ =	sdelay $0x4  }
0x2d7: {  	[tilespmem:$0x1FEE0] =	vst v0;
	v0 =	vld [tilespmem:$0xCF0];
	_ =	sdelay $0x4  }
0x2d8: {  	[tilespmem:$0x1FEF0] =	vst v0;
	v0 =	vld [tilespmem:$0x900];
	_ =	sdelay $0x4  }
0x2d9: {  	[tilespmem:$0x1FF00] =	vst v0;
	v0 =	vld [tilespmem:$0xD00];
	_ =	sdelay $0x4  }
0x2da: {  	[tilespmem:$0x1FF10] =	vst v0;
	v0 =	vld [tilespmem:$0x910];
	_ =	sdelay $0x4  }
0x2db: {  	[tilespmem:$0x1FF20] =	vst v0;
	v0 =	vld [tilespmem:$0xD10];
	_ =	sdelay $0x4  }
0x2dc: {  	[tilespmem:$0x1FF30] =	vst v0;
	v0 =	vld [tilespmem:$0x920];
	_ =	sdelay $0x1  }
0x2dd: {  	v5 =	vld [tilespmem:$0x580]  }
0x2de: {  	v4 =	vld [tilespmem:$0x980]  }
0x2df: {  	v3 =	vld [tilespmem:$0x590]  }
0x2e0: {  	[tilespmem:$0x1FF40] =	vst v0;
	v0 =	vld [tilespmem:$0xD20]  }
0x2e1: {  	v2 =	vld [tilespmem:$0x990]  }
0x2e2: {  	v7 =	vld [tilespmem:$0x5A0]  }
0x2e3: {  	v6 =	vld [tilespmem:$0x9A0]  }
0x2e4: {  	v9 =	vld [tilespmem:$0x5B0]  }
0x2e5: {  	[tilespmem:$0x1FF50] =	vst v0;
	v0 =	vld [tilespmem:$0x930]  }
0x2e6: {  	v8 =	vld [tilespmem:$0x9B0]  }
0x2e7: {  	v11 =	vld [tilespmem:$0x5C0]  }
0x2e8: {  	v10 =	vld [tilespmem:$0x9C0]  }
0x2e9: {  	v13 =	vld [tilespmem:$0x5D0]  }
0x2ea: {  	[tilespmem:$0x1FF60] =	vst v0;
	v0 =	vld [tilespmem:$0xD30]  }
0x2eb: {  	v12 =	vld [tilespmem:$0x9D0]  }
0x2ec: {  	v15 =	vld [tilespmem:$0x5E0]  }
0x2ed: {  	v14 =	vld [tilespmem:$0x9E0]  }
0x2ee: {  	v17 =	vld [tilespmem:$0x5F0]  }
0x2ef: {  	[tilespmem:$0x1FF70] =	vst v0;
	v0 =	vld [tilespmem:$0x940]  }
0x2f0: {  	v16 =	vld [tilespmem:$0x9F0]  }
0x2f1: {  	v19 =	vld [tilespmem:$0x600]  }
0x2f2: {  	v18 =	vld [tilespmem:$0xA00]  }
0x2f3: {  	v21 =	vld [tilespmem:$0x610]  }
0x2f4: {  	[tilespmem:$0x1FF80] =	vst v0;
	v0 =	vld [tilespmem:$0xD40]  }
0x2f5: {  	v20 =	vld [tilespmem:$0xA10]  }
0x2f6: {  	v23 =	vld [tilespmem:$0x620]  }
0x2f7: {  	v22 =	vld [tilespmem:$0xA20]  }
0x2f8: {  	v25 =	vld [tilespmem:$0x630]  }
0x2f9: {  	[tilespmem:$0x1FF90] =	vst v0;
	v0 =	vld [tilespmem:$0x950]  }
0x2fa: {  	v24 =	vld [tilespmem:$0xA30]  }
0x2fb: {  	v27 =	vld [tilespmem:$0x640]  }
0x2fc: {  	v26 =	vld [tilespmem:$0xA40]  }
0x2fd: {  	v29 =	vld [tilespmem:$0x650]  }
0x2fe: {  	[tilespmem:$0x1FFA0] =	vst v0;
	v0 =	vld [tilespmem:$0xD50]  }
0x2ff: {  	v28 =	vld [tilespmem:$0xA50]  }
0x300: {  	v31 =	vld [tilespmem:$0x660]  }
0x301: {  	v30 =	vld [tilespmem:$0xA60]  }
0x302: {  	v33 =	vld [tilespmem:$0x670]  }
0x303: {  	[tilespmem:$0x1FFB0] =	vst v0;
	v0 =	vld [tilespmem:$0x960]  }
0x304: {  	v32 =	vld [tilespmem:$0xA70]  }
0x305: {  	v35 =	vld [tilespmem:$0x680]  }
0x306: {  	v34 =	vld [tilespmem:$0xA80]  }
0x307: {  	v37 =	vld [tilespmem:$0x690]  }
0x308: {  	[tilespmem:$0x1FFC0] =	vst v0;
	v0 =	vld [tilespmem:$0xD60]  }
0x309: {  	v36 =	vld [tilespmem:$0xA90]  }
0x30a: {  	v39 =	vld [tilespmem:$0x6A0]  }
0x30b: {  	v38 =	vld [tilespmem:$0xAA0]  }
0x30c: {  	v41 =	vld [tilespmem:$0x6B0]  }
0x30d: {  	[tilespmem:$0x1FFD0] =	vst v0;
	v0 =	vld [tilespmem:$0x970]  }
0x30e: {  	v40 =	vld [tilespmem:$0xAB0]  }
0x30f: {  	v43 =	vld [tilespmem:$0x6C0]  }
0x310: {  	v42 =	vld [tilespmem:$0xAC0]  }
0x311: {  	v45 =	vld [tilespmem:$0x6D0]  }
0x312: {  	[tilespmem:$0x1FFE0] =	vst v0;
	v0 =	vld [tilespmem:$0xD70]  }
0x313: {  	v44 =	vld [tilespmem:$0xAD0]  }
0x314: {  	v47 =	vld [tilespmem:$0x6E0]  }
0x315: {  	s20 =	simm.s32 $0x0;
	s19 =	rddreg [dreg:$0xd];
	v46 =	vld [tilespmem:$0xAE0]  }
0x316: {  	v48 =	vld [tilespmem:$0xAF0];
	[tilespmem:s20], [sflag:$0x2] =	stream.linear.gather [hbm4b:s19+s20], $0x10, $0x38  }
0x317: {  	s21 =	simm.s32 $0x2;
	[tilespmem:$0x1FFF0] =	vst v0  }
0x318: {  	_ =	swait.ge [sflag:s21], $0x10  }
0x319: {  	[sflag:s21] =	ssyncset.done $0x0  }
0x31a: {  	s17 =	simm.s32 $0x80;
	s22 =	rddreg [dreg:$0xe];
	[sflag:s21] =	ssyncadd.s32 $0xFFFFFFF0  }
0x31b: {  	[tilespmem:s17], [sflag:$0x2] =	stream.linear.gather [hbm4b:s22+s20], $0x10, $0x38;
	[tilespmem:$0xE00] =	vst v63  }
0x31c: {  	_ =	swait.ge [sflag:s21], $0x10  }
0x31d: {  	[sflag:s21] =	ssyncset.done $0x0  }
0x31e: {  	s24 =	simm.s32 $0x100;
	s23 =	rddreg [dreg:$0xf];
	[sflag:s21] =	ssyncadd.s32 $0xFFFFFFF0  }
0x31f: {  	[tilespmem:s24], [sflag:$0x2] =	stream.linear.gather [hbm4b:s23+s20], $0x10, $0x38;
	[tilespmem:$0xE00] =	vst v63  }
0x320: {  	_ =	swait.ge [sflag:s21], $0x10  }
0x321: {  	[sflag:s21] =	ssyncset.done $0x0  }
0x322: {  	[sflag:s21] =	ssyncadd.s32 $0xFFFFFFF0  }
0x323: {  	v0 =	vld [tilespmem:$0x0];
	_ =	sdelay $0x4  }
0x324: {  	(v2sf) =	vpush v0, $0xD;
	_ =	sdelay $0x1  }
0x325: {  	(v2sf) =	vpush v0, $0xC;
	_ =	sdelay $0x1  }
0x326: {  	(v2sf) =	vpush v0, $0xE;
	_ =	sdelay $0x1  }
0x327: {  	(v2sf) =	vpush v0, $0xF;
	_ =	sdelay $0x1  }
0x328: {  	(v2sf) =	vpush v0, $0x9;
	_ =	sdelay $0x1  }
0x329: {  	(v2sf) =	vpush v0, $0x8;
	_ =	sdelay $0x1  }
0x32a: {  	(v2sf) =	vpush v0, $0xA;
	_ =	sdelay $0x1  }
0x32b: {  	(v2sf) =	vpush v0, $0xB  }
0x32c: {  	s25 =	spop (v2sf)  }
0x32d: {  	(v2sf) =	vpush v0, $0x0;
	s3 =	smulhi.u32 $0x51EB851F, s25;
	s0 =	sshra.s32 s25, $0x1F  }
0x32e: {  	s26 =	spop (v2sf);
	s8 =	smul.u32 $0x51EB851F, s0  }
0x32f: {  	(v2sf) =	vpush v0, $0x1;
	s15 =	smulhi.u32 $0x51EB851F, s26;
	s0 =	sshra.s32 s26, $0x1F  }
0x330: {  	s28 =	spop (v2sf);
	s2 =	smul.u32 $0x51EB851F, s0  }
0x331: {  	s16 =	smulhi.u32 $0x51EB851F, s28;
	s0 =	sshra.s32 s28, $0x1F;
	(v2sf) =	vpush v0, $0x2  }
0x332: {  	s29 =	spop (v2sf);
	s1 =	smul.u32 $0x51EB851F, s0  }
0x333: {  	s18 =	smulhi.u32 $0x51EB851F, s29;
	s0 =	sshra.s32 s29, $0x1F;
	(v2sf) =	vpush v0, $0x3  }
0x334: {  	s30 =	spop (v2sf);
	s6 =	smul.u32 $0x51EB851F, s0;
	(v2sf) =	vpush v0, $0x4  }
0x335: {  	s19 =	smulhi.u32 $0x51EB851F, s30;
	s0 =	sshra.s32 s30, $0x1F  }
0x336: {  	s31 =	spop (v2sf);
	s13 =	smul.u32 $0x51EB851F, s0;
	(v2sf) =	vpush v0, $0x5  }
0x337: {  	s20 =	smulhi.u32 $0x51EB851F, s31;
	s0 =	sshra.s32 s31, $0x1F  }
0x338: {  	s4 =	spop (v2sf);
	s10 =	smul.u32 $0x51EB851F, s0;
	(v2sf) =	vpush v0, $0x6  }
0x339: {  	v63 =	vld [tilespmem:$0x80];
	s21 =	smulhi.u32 $0x51EB851F, s4;
	s0 =	sshra.s32 s4, $0x1F  }
0x33a: {  	s3 =	sadd.s32 s8, s3;
	s5 =	spop (v2sf);
	s12 =	smul.u32 $0x51EB851F, s0;
	(v2sf) =	vpush v0, $0x7  }
0x33b: {  	[smem:$0x7E6] =	sst s3;
	s22 =	smulhi.u32 $0x51EB851F, s5;
	s0 =	sshra.s32 s5, $0x1F  }
0x33c: {  	s6 =	sadd.s32 s6, s18;
	s11 =	smul.u32 $0x51EB851F, s0;
	s7 =	spop (v2sf)  }
0x33d: {  	[smem:$0x7EA] =	sst s6;
	s24 =	smulhi.u32 $0x51EB851F, s7;
	s0 =	sshra.s32 s7, $0x1F  }
0x33e: {  	s13 =	sadd.s32 s13, s19;
	(v2sf) =	vpush v63, $0xD;
	s9 =	spop (v2sf);
	s26 =	smul.u32 $0x51EB851F, s0  }
0x33f: {  	[smem:$0x7EB] =	sst s13;
	s25 =	smulhi.u32 $0x51EB851F, s9;
	s4 =	sshra.s32 s9, $0x1F  }
0x340: {  	s19 =	sadd.s32 s12, s21;
	(v2sf) =	vpush v63, $0xC;
	s23 =	smul.u32 $0x51EB851F, s4;
	s14 =	spop (v2sf)  }
0x341: {  	[smem:$0x7EC] =	sst s19;
	(v2sf) =	vpush v63, $0xE;
	s17 =	smulhi.u32 $0x51EB851F, s14;
	s4 =	sshra.s32 s14, $0x1F  }
0x342: {  	s28 =	spop (v2sf);
	s31 =	smul.u32 $0x51EB851F, s4  }
0x343: {  	s29 =	smulhi.u32 $0x51EB851F, s28;
	s4 =	sshra.s32 s28, $0x1F;
	s30 =	spop (v2sf)  }
0x344: {  	(v2sf) =	vpush v63, $0xF;
	[smem:$0x7CC] =	sst s17;
	s17 =	smul.u32 $0x51EB851F, s4  }
0x345: {  	s5 =	smulhi.u32 $0x51EB851F, s30;
	s4 =	sshra.s32 s30, $0x1F;
	s7 =	spop (v2sf)  }
0x346: {  	[smem:$0x7CD] =	sst s29;
	s14 =	smul.u32 $0x51EB851F, s4  }
0x347: {  	(v2sf) =	vpush v63, $0x9;
	s9 =	smulhi.u32 $0x51EB851F, s7;
	s4 =	sshra.s32 s7, $0x1F;
	s29 =	spop (v2sf)  }
0x348: {  	[smem:$0x7CE] =	sst s5;
	s28 =	smul.u32 $0x51EB851F, s4  }
0x349: {  	(v2sf) =	vpush v63, $0x8;
	s5 =	sshra.s32 s29, $0x1F;
	s0 =	spop (v2sf);
	s6 =	sld [smem:$0x7CD]  }
0x34a: {  	[smem:$0x7CF] =	sst s9;
	s30 =	smul.u32 $0x51EB851F, s5  }
0x34b: {  	s4 =	smulhi.u32 $0x51EB851F, s29;
	s7 =	sshra.s32 s0, $0x1F;
	[smem:$0x7D0] =	sst s28  }
0x34c: {  	(v2sf) =	vpush v63, $0xA;
	s9 =	smul.u32 $0x51EB851F, s7;
	[smem:$0x7D1] =	sst s30  }
0x34d: {  	s12 =	sld [smem:$0x7D0];
	s28 =	spop (v2sf)  }
0x34e: {  	(v2sf) =	vpush v63, $0xB;
	[smem:$0x7D2] =	sst s9;
	s7 =	smulhi.u32 $0x2E8BA2E9, s28;
	s9 =	sshra.s32 s28, $0x1F  }
0x34f: {  	s30 =	spop (v2sf);
	s29 =	smul.u32 $0x2E8BA2E9, s9  }
0x350: {  	s28 =	smulhi.u32 $0x2E8BA2E9, s30;
	s9 =	sshra.s32 s30, $0x1F;
	s30 =	spop (v2sf)  }
0x351: {  	(v2sf) =	vpush v63, $0x0;
	[smem:$0x7D3] =	sst s29;
	s29 =	smul.u32 $0x2E8BA2E9, s9  }
0x352: {  	[smem:$0x7D4] =	sst s28;
	s28 =	smulhi.u32 $0x2E8BA2E9, s30  }
0x353: {  	s9 =	sshra.s32 s30, $0x1F;
	s30 =	spop (v2sf);
	[smem:$0x7D5] =	sst s29  }
0x354: {  	[smem:$0x7D6] =	sst s28;
	s29 =	smul.u32 $0x2E8BA2E9, s9  }
0x355: {  	s17 =	sadd.s32 s17, s6;
	s28 =	smulhi.u32 $0x2E8BA2E9, s30;
	s6 =	sld [smem:$0x7D5]  }
0x356: {  	s9 =	sshra.s32 s30, $0x1F;
	s30 =	spop (v2sf);
	[smem:$0x7D7] =	sst s29  }
0x357: {  	[smem:$0x7D8] =	sst s28;
	s29 =	smul.u32 $0x2E8BA2E9, s9  }
0x358: {  	s28 =	smulhi.u32 $0x2E8BA2E9, s30;
	s9 =	sshra.s32 s30, $0x1F;
	s30 =	spop (v2sf)  }
0x359: {  	(v2sf) =	vpush v63, $0x1;
	[smem:$0x7D9] =	sst s29;
	s29 =	smul.u32 $0x2E8BA2E9, s9  }
0x35a: {  	[smem:$0x7DA] =	sst s28;
	s28 =	smulhi.u32 $0x2E8BA2E9, s30  }
0x35b: {  	(v2sf) =	vpush v63, $0x2;
	s9 =	sshra.s32 s30, $0x1F;
	s30 =	spop (v2sf);
	[smem:$0x7DB] =	sst s29  }
0x35c: {  	[smem:$0x7DC] =	sst s28;
	s29 =	smul.u32 $0x2E8BA2E9, s9  }
0x35d: {  	(v2sf) =	vpush v63, $0x3;
	s28 =	smulhi.u32 $0x2E8BA2E9, s30;
	s9 =	sshra.s32 s30, $0x1F;
	s30 =	spop (v2sf)  }
0x35e: {  	[smem:$0x7DD] =	sst s29;
	s29 =	smul.u32 $0x2E8BA2E9, s9  }
0x35f: {  	(v2sf) =	vpush v63, $0x4;
	[smem:$0x7DE] =	sst s28;
	s28 =	smulhi.u32 $0x2E8BA2E9, s30  }
0x360: {  	s9 =	sshra.s32 s30, $0x1F;
	s30 =	spop (v2sf);
	[smem:$0x7DF] =	sst s29  }
0x361: {  	[smem:$0x7E0] =	sst s28;
	s29 =	smul.u32 $0x2E8BA2E9, s9  }
0x362: {  	s8 =	smulhi.u32 $0x2E8BA2E9, s30;
	s9 =	sshra.s32 s30, $0x1F;
	s28 =	sadd.s32 s2, s15  }
0x363: {  	(v2sf) =	vpush v63, $0x5;
	s30 =	sadd.s32 s1, s16;
	s16 =	sadd.s32 s10, s20;
	s10 =	sld [smem:$0x7CF]  }
0x364: {  	[smem:$0x7E7] =	sst s28  }
0x365: {  	(v2sf) =	vpush v63, $0x6;
	[smem:$0x7E8] =	sst s30  }
0x366: {  	s5 =	smulhi.u32 $0x51EB851F, s0;
	s20 =	sadd.s32 s11, s22;
	[smem:$0x7E9] =	sst s16  }
0x367: {  	s3 =	smul.u32 $0x2E8BA2E9, s9;
	[smem:$0x7ED] =	sst s20  }
0x368: {  	v62 =	vld [tilespmem:$0x100];
	[smem:$0x7E1] =	sst s29;
	s29 =	spop (v2sf)  }
0x369: {  	(v2sf) =	vpush v63, $0x7;
	[smem:$0x7E2] =	sst s8;
	s1 =	smulhi.u32 $0x2E8BA2E9, s29;
	s2 =	sshra.s32 s29, $0x1F  }
0x36a: {  	s9 =	spop (v2sf);
	s8 =	smul.u32 $0x2E8BA2E9, s2  }
0x36b: {  	s20 =	sadd.s32 s12, s10;
	s10 =	sld [smem:$0x7D7];
	s15 =	smulhi.u32 $0x2E8BA2E9, s9  }
0x36c: {  	s18 =	spop (v2sf);
	s2 =	sld [smem:$0x7CC]  }
0x36d: {  	(v2sf) =	vpush v62, $0xD;
	[smem:$0x7E3] =	sst s1;
	s29 =	smulhi.u32 $0x2E8BA2E9, s18  }
0x36e: {  	s1 =	sshra.s32 s9, $0x1F;
	s21 =	spop (v2sf);
	s9 =	sld [smem:$0x7CE]  }
0x36f: {  	s11 =	sadd.s32 s26, s24;
	[smem:$0x7E5] =	sst s15;
	s30 =	smul.u32 $0x2E8BA2E9, s1  }
0x370: {  	(v2sf) =	vpush v62, $0xC;
	s1 =	sshra.s32 s18, $0x1F;
	s26 =	smulhi.u32 $0x2E8BA2E9, s21;
	s15 =	sld [smem:$0x7D1]  }
0x371: {  	s0 =	sshra.s32 s21, $0x1F;
	s21 =	sld [smem:$0x7D2];
	s28 =	smul.u32 $0x2E8BA2E9, s1  }
0x372: {  	s23 =	sadd.s32 s23, s25;
	(v2sf) =	vpush v62, $0xE;
	s24 =	smul.u32 $0x2E8BA2E9, s0;
	s22 =	spop (v2sf)  }
0x373: {  	[smem:$0x7E4] =	sst s8;
	s25 =	smulhi.u32 $0x2E8BA2E9, s22;
	s0 =	sshra.s32 s22, $0x1F  }
0x374: {  	s18 =	smul.u32 $0x2E8BA2E9, s0;
	s8 =	spop (v2sf)  }
0x375: {  	s22 =	sadd.s32 s15, s4;
	s21 =	sadd.s32 s21, s5;
	s4 =	sld [smem:$0x7D3]  }
0x376: {  	s5 =	sld [smem:$0x7D4];
	s19 =	smulhi.u32 $0x2E8BA2E9, s8;
	s0 =	sshra.s32 s8, $0x1F  }
0x377: {  	s16 =	sadd.s32 s14, s9;
	s8 =	sld [smem:$0x7D6];
	s14 =	smul.u32 $0x2E8BA2E9, s0  }
0x378: {  	s13 =	spop (v2sf);
	s1 =	sadd.s32 s4, s7;
	s4 =	sld [smem:$0x7D8]  }
0x379: {  	s15 =	smulhi.u32 $0x2E8BA2E9, s13;
	[smem:$0x7EE] =	sst s1  }
0x37a: {  	s0 =	sshra.s32 s13, $0x1F;
	s1 =	sadd.s32 s6, s5;
	s5 =	sld [smem:$0x7D9]  }
0x37b: {  	s12 =	smul.u32 $0x2E8BA2E9, s0;
	[smem:$0x7EF] =	sst s1;
	s1 =	sadd.s32 s10, s8  }
0x37c: {  	s31 =	sadd.s32 s31, s2;
	s2 =	spop (v2sf);
	[smem:$0x7F0] =	sst s1  }
0x37d: {  	s13 =	smulhi.u32 $0x66666667, s2;
	s0 =	sshra.s32 s2, $0x1F;
	s2 =	sld [smem:$0x7DA]  }
0x37e: {  	s9 =	smul.u32 $0x66666667, s0;
	s1 =	sadd.s32 s5, s4;
	s4 =	sld [smem:$0x7DB]  }
0x37f: {  	s5 =	sld [smem:$0x7DC];
	s7 =	spop (v2sf)  }
0x380: {  	[smem:$0x7F2] =	sst s1;
	s10 =	smulhi.u32 $0x66666667, s7;
	s0 =	sshra.s32 s7, $0x1F  }
0x381: {  	s6 =	spop (v2sf);
	s7 =	smul.u32 $0x66666667, s0  }
0x382: {  	(v2sf) =	vpush v62, $0xF;
	s8 =	smulhi.u32 $0x66666667, s6;
	s0 =	sshra.s32 s6, $0x1F;
	s6 =	sld [smem:$0x7DD]  }
0x383: {  	s1 =	sadd.s32 s4, s2;
	s4 =	sld [smem:$0x7DE]  }
0x384: {  	[smem:$0x7F3] =	sst s1  }
0x385: {  	(v2sf) =	vpush v62, $0x9;
	s1 =	sadd.s32 s6, s5;
	s6 =	sld [smem:$0x7DF]  }
0x386: {  	s2 =	sld [smem:$0x7E0]  }
0x387: {  	(v2sf) =	vpush v62, $0x8;
	[smem:$0x7F5] =	sst s1  }
0x388: {  	(v2sf) =	vpush v62, $0xA;
	s1 =	sadd.s32 s6, s4;
	s4 =	sld [smem:$0x7E1];
	_ =	sdelay $0x1  }
0x389: {  	[smem:$0x7F7] =	sst s1  }
0x38a: {  	(v2sf) =	vpush v62, $0xB;
	s9 =	sadd.s32 s9, s13;
	s1 =	sadd.s32 s4, s2;
	s2 =	sld [smem:$0x7E2]  }
0x38b: {  	[smem:$0x7F9] =	sst s9  }
0x38c: {  	[smem:$0x7F8] =	sst s1  }
0x38d: {  	(v2sf) =	vpush v62, $0x0;
	s1 =	sadd.s32 s3, s2;
	s2 =	sld [smem:$0x7E4]  }
0x38e: {  	[smem:$0x7F1] =	sst s1  }
0x38f: {  	s1 =	sld [smem:$0x7E3]  }
0x390: {  	(v2sf) =	vpush v62, $0x1;
	s5 =	smul.u32 $0x66666667, s0;
	s0 =	spop (v2sf)  }
0x391: {  	s7 =	sadd.s32 s7, s10;
	s6 =	smulhi.u32 $0x66666667, s0;
	s0 =	sshra.s32 s0, $0x1F  }
0x392: {  	[smem:$0x7FA] =	sst s7;
	s4 =	smul.u32 $0x66666667, s0;
	s1 =	sadd.s32 s2, s1  }
0x393: {  	s0 =	spop (v2sf);
	[smem:$0x7F4] =	sst s1  }
0x394: {  	s3 =	smulhi.u32 $0x66666667, s0;
	s0 =	sshra.s32 s0, $0x1F;
	s1 =	sld [smem:$0x7E5]  }
0x395: {  	s5 =	sadd.s32 s5, s8;
	s2 =	smul.u32 $0x66666667, s0;
	s0 =	spop (v2sf)  }
0x396: {  	s29 =	sadd.s32 s28, s29;
	[smem:$0x7FB] =	sst s5;
	s28 =	spop (v2sf)  }
0x397: {  	s1 =	sadd.s32 s30, s1;
	s30 =	sadd.s32 s24, s26;
	s24 =	smulhi.u32 $0x66666667, s28  }
0x398: {  	s26 =	sshra.s32 s28, $0x1F;
	[smem:$0x7F6] =	sst s1;
	s1 =	smulhi.u32 $0x66666667, s0  }
0x399: {  	s28 =	sadd.s32 s18, s25;
	s25 =	spop (v2sf);
	s18 =	smul.u32 $0x66666667, s26  }
0x39a: {  	s0 =	sshra.s32 s0, $0x1F;
	s26 =	sadd.s32 s14, s19;
	s14 =	smulhi.u32 $0x66666667, s25  }
0x39b: {  	s2 =	sadd.s32 s2, s3;
	s19 =	sshra.s32 s25, $0x1F;
	s0 =	smul.u32 $0x66666667, s0  }
0x39c: {  	s25 =	sadd.s32 s12, s15;
	s12 =	smul.u32 $0x66666667, s19;
	s19 =	spop (v2sf)  }
0x39d: {  	[smem:$0x7FD] =	sst s2;
	s9 =	smulhi.u32 $0x66666667, s19  }
0x39e: {  	s24 =	sadd.s32 s18, s24;
	s18 =	sadd.s32 s12, s14;
	s14 =	sld [smem:$0x7E6]  }
0x39f: {  	s13 =	spop (v2sf);
	s0 =	sadd.s32 s0, s1;
	s12 =	sld [smem:$0x7E9]  }
0x3a0: {  	s15 =	smulhi.u32 $0x66666667, s13;
	s10 =	sshra.s32 s13, $0x1F;
	[smem:$0x7FC] =	sst s0  }
0x3a1: {  	s19 =	sshra.s32 s19, $0x1F;
	s13 =	smul.u32 $0x66666667, s10;
	s0 =	sld [smem:$0x7E7]  }
0x3a2: {  	s7 =	smul.u32 $0x66666667, s19;
	s19 =	sadd.s32 s4, s6;
	s4 =	sld [smem:$0x7E8]  }
0x3a3: {  	s6 =	sadd.s32 s13, s15;
	s15 =	sshrl.u32 s14, $0x1F;
	s5 =	sshra.s32 s14, $0x5  }
0x3a4: {  	s13 =	sshrl.u32 s12, $0x1F;
	s14 =	sld [smem:$0x7EA];
	s3 =	sshrl.u32 s0, $0x1F  }
0x3a5: {  	v60 =	vmov s13;
	s13 =	sld [smem:$0x7EC];
	v61 =	vmov s3  }
0x3a6: {  	s7 =	sadd.s32 s7, s9;
	s9 =	sshrl.u32 s4, $0x1F;
	v61 =	vsel vm0, s15, v61;
	s15 =	sld [smem:$0x7EB]  }
0x3a7: {  	s8 =	sshra.s32 s0, $0x5;
	s0 =	sshra.s32 s4, $0x5;
	s4 =	sshrl.u32 s11, $0x1F  }
0x3a8: {  	v57 =	vmov s8;
	s8 =	sshra.s32 s20, $0x1F;
	s1 =	sshrl.u32 s14, $0x1F;
	s3 =	sshra.s32 s14, $0x5  }
0x3a9: {  	v57 =	vsel vm0, s5, v57;
	s5 =	sshra.s32 s22, $0x1F;
	s14 =	sshrl.u32 s13, $0x1F;
	s10 =	sshrl.u32 s15, $0x1F  }
0x3aa: {  	v61 =	vsel vm1, s9, v61;
	s9 =	sshra.s32 s12, $0x5;
	s2 =	sshra.s32 s15, $0x5;
	s15 =	sshra.s32 s21, $0x1F;
	v60 =	vsel vm0, s10, v60  }
0x3ab: {  	v58 =	vmov s4;
	s12 =	sshra.s32 s11, $0x5;
	s4 =	sshra.s32 s13, $0x5;
	v59 =	vmov s15;
	v60 =	vsel vm1, s14, v60;
	s14 =	sld [smem:$0x7ED]  }
0x3ac: {  	vm9 =	vcmask $0x704;
	(v2sf) =	vpush v62, $0x2;
	s13 =	sshra.s32 s11, $0x1F;
	s11 =	sshrl.u32 s23, $0x1F;
	s10 =	sshra.s32 s16, $0x1F;
	v59 =	vsel vm3, s12, v59  }
0x3ad: {  	s12 =	sshra.s32 s23, $0x5;
	v59 =	vsel vm9, s13, v59;
	s13 =	sshra.s32 s23, $0x1F;
	s23 =	sshrl.u32 s17, $0x1F  }
0x3ae: {  	v58 =	vnsel vm3, $0x0, v58;
	v61 =	vsel vm2, s1, v61;
	v59 =	vsel vm0, s12, v59;
	s12 =	sshra.s32 s21, $0x5;
	s15 =	sshrl.u32 s14, $0x1F;
	s1 =	sshra.s32 s14, $0x5  }
0x3af: {  	v58 =	vsel vm0, s11, v58;
	s14 =	sshrl.u32 s31, $0x1F;
	v59 =	vsel vm12, s13, v59;
	s13 =	sshra.s32 s31, $0x1F;
	v60 =	vsel vm2, s15, v60;
	s15 =	sshra.s32 s31, $0x5  }
0x3b0: {  	v58 =	vsel vm1, s14, v58;
	s31 =	sshra.s32 s17, $0x5;
	s14 =	sshra.s32 s17, $0x1F;
	s17 =	sshra.s32 s16, $0x5;
	v59 =	vsel vm1, s15, v59  }
0x3b1: {  	v58 =	vsel vm2, s23, v58;
	s15 =	sshrl.u32 s16, $0x1F;
	s16 =	sshrl.u32 s21, $0x1F;
	s21 =	sld [smem:$0x7F0];
	v59 =	vsel vm13, s13, v59  }
0x3b2: {  	(v2sf) =	vpush v62, $0x3;
	s23 =	sshrl.u32 s20, $0x1F;
	v58 =	vsel vm4, s15, v58;
	s15 =	sshra.s32 s20, $0x5;
	s20 =	sld [smem:$0x7EF];
	v59 =	vsel vm2, s31, v59  }
0x3b3: {  	(v2sf) =	vpush v62, $0x4;
	s13 =	sshra.s32 s22, $0x5;
	v58 =	vsel vm5, s23, v58;
	s31 =	sshrl.u32 s22, $0x1F;
	s22 =	sld [smem:$0x7F1];
	v59 =	vsel vm14, s14, v59  }
0x3b4: {  	v58 =	vsel vm6, s31, v58;
	s31 =	sld [smem:$0x7F2];
	v59 =	vsel vm4, s17, v59  }
0x3b5: {  	v56 =	vmov s9;
	s9 =	sshrl.u32 s21, $0x1F;
	v59 =	vsel vm15, s10, v59;
	s10 =	sshra.s32 s21, $0x4;
	s21 =	sld [smem:$0x7F4]  }
0x3b6: {  	vm10 =	vcmask $0x2F2C;
	(v2sf) =	vpush v62, $0x5;
	s17 =	sld [smem:$0x7EE];
	s23 =	sshrl.u32 s22, $0x1F  }
0x3b7: {  	(v2sf) =	vpush v62, $0x6;
	v57 =	vsel vm1, s0, v57;
	v55 =	vmov s23;
	s23 =	sld [smem:$0x7F5]  }
0x3b8: {  	v57 =	vsel vm2, s3, v57;
	s14 =	sshrl.u32 s20, $0x1F;
	s3 =	sshra.s32 s20, $0x4;
	v59 =	vsel vm5, s15, v59;
	v55 =	vnsel vm3, $0x0, v55;
	s20 =	sshrl.u32 s21, $0x1F  }
0x3b9: {  	v56 =	vsel vm0, s2, v56;
	s15 =	sshrl.u32 s31, $0x1F;
	s0 =	sshrl.u32 s17, $0x1F;
	v59 =	vsel vm10, s8, v59;
	v55 =	vsel vm0, s20, v55;
	s20 =	sld [smem:$0x7F6]  }
0x3ba: {  	v56 =	vsel vm1, s4, v56;
	v54 =	vmov s14;
	v59 =	vsel vm6, s13, v59;
	s4 =	sshrl.u32 s23, $0x1F;
	s13 =	sshra.s32 s23, $0x4;
	s23 =	sld [smem:$0x7F7]  }
0x3bb: {  	(v2sf) =	vpush v62, $0x7;
	s11 =	sshra.s32 s17, $0x4;
	s17 =	sld [smem:$0x7F3];
	v54 =	vsel vm0, s0, v54;
	s0 =	spop (v2sf)  }
0x3bc: {  	v58 =	vsel vm7, s16, v58;
	s16 =	sshra.s32 s31, $0x4;
	v54 =	vsel vm1, s9, v54;
	s9 =	smulhi.u32 $0x66666667, s0;
	s31 =	sshrl.u32 s20, $0x1F  }
0x3bd: {  	v56 =	vsel vm2, s1, v56;
	v52 =	vmov s3;
	v59 =	vsel vm11, s5, v59;
	s1 =	sshrl.u32 s23, $0x1F;
	s5 =	sshra.s32 s23, $0x4;
	s23 =	sld [smem:$0x7F8]  }
0x3be: {  	v52 =	vsel vm0, s11, v52;
	s0 =	sshra.s32 s0, $0x1F;
	s2 =	sshrl.u32 s17, $0x1F;
	v55 =	vsel vm1, s31, v55;
	s31 =	sshrl.u32 s29, $0x1F  }
0x3bf: {  	v52 =	vsel vm1, s10, v52;
	s8 =	sshra.s32 s17, $0x4;
	s17 =	sshra.s32 s22, $0x4;
	v55 =	vsel vm2, s31, v55;
	s31 =	sshrl.u32 s30, $0x1F  }
0x3c0: {  	v59 =	vsel vm7, s12, v59;
	v53 =	vmov s4;
	s12 =	sshrl.u32 s23, $0x1F;
	s14 =	sshra.s32 s23, $0x4;
	v55 =	vsel vm4, s31, v55;
	s23 =	sshrl.u32 s28, $0x1F  }
0x3c1: {  	v54 =	vsel vm2, s15, v54;
	s15 =	spop (v2sf);
	v51 =	vmov s13;
	s13 =	sshra.s32 s21, $0x1F;
	s31 =	sshrl.u32 s26, $0x1F;
	v55 =	vsel vm5, s23, v55  }
0x3c2: {  	v52 =	vsel vm2, s16, v52;
	s16 =	sld [smem:$0x7FB];
	v53 =	vsel vm0, s2, v53;
	s3 =	spop (v2sf);
	v55 =	vsel vm6, s31, v55;
	s31 =	sshra.s32 s25, $0x1F  }
0x3c3: {  	v51 =	vsel vm0, s8, v51;
	s8 =	smulhi.u32 $0x66666667, s15;
	v53 =	vsel vm1, s1, v53;
	s1 =	sshra.s32 s15, $0x1F;
	s15 =	sld [smem:$0x7F9];
	v50 =	vmov s31  }
0x3c4: {  	s2 =	sshra.s32 s22, $0x1F;
	s1 =	smul.u32 $0x66666667, s1;
	v50 =	vsel vm3, s17, v50;
	s17 =	sld [smem:$0x7FA]  }
0x3c5: {  	s22 =	spop (v2sf);
	v51 =	vsel vm1, s5, v51;
	v53 =	vsel vm2, s12, v53;
	s12 =	sshra.s32 s21, $0x4;
	s21 =	smul.u32 $0x66666667, s0  }
0x3c6: {  	s23 =	sshrl.u32 s25, $0x1F;
	s0 =	spop (v2sf);
	v51 =	vsel vm2, s14, v51;
	s14 =	sshrl.u32 s16, $0x1F  }
0x3c7: {  	v55 =	vsel vm7, s23, v55;
	s23 =	sshrl.u32 s15, $0x1F;
	v50 =	vsel vm9, s2, v50;
	s2 =	sadd.s32 s21, s9;
	s31 =	sshrl.u32 s17, $0x1F  }
0x3c8: {  	v60 =	vcombine.low v60, v61;
	v56 =	vcombine.low v56, v57;
	s9 =	smulhi.u32 $0x66666667, s3;
	s3 =	sshra.s32 s3, $0x1F;
	s21 =	sshrl.u32 s19, $0x1F;
	v61 =	vmov s31  }
0x3c9: {  	v50 =	vsel vm0, s12, v50;
	s12 =	smulhi.u32 $0x66666667, s22;
	v57 =	vsel vm0, s23, v61;
	s23 =	sshra.s32 s22, $0x1F;
	s22 =	sld [smem:$0x7FC]  }
0x3ca: {  	v56 =	vperm.xlane v56, v49;
	v58 =	vperm.xlane v58, v1;
	s11 =	smul.u32 $0x66666667, s3;
	s3 =	sadd.s32 s1, s8;
	s8 =	spop (v2sf);
	v57 =	vsel vm1, s14, v57  }
0x3cb: {  	v59 =	vperm.xlane v59, v1;
	v50 =	vsel vm12, s13, v50;
	s13 =	smulhi.u32 $0x66666667, s8;
	v57 =	vsel vm2, s21, v57;
	s21 =	sld [smem:$0x7FD]  }
0x3cc: {  	v53 =	vcombine.low v53, v54;
	v54 =	vperm.xlane v60, v49;
	s4 =	sshra.s32 s8, $0x1F;
	s1 =	smul.u32 $0x66666667, s23;
	s31 =	sshrl.u32 s22, $0x1F  }
0x3cd: {  	v56 =	vsel vm8, v59, v56;
	v51 =	vcombine.low v51, v52;
	v60 =	vmov s31;
	s31 =	smul.u32 $0x66666667, s4  }
0x3ce: {  	s5 =	sshrl.u32 s24, $0x1F;
	v53 =	vperm.xlane v53, v49;
	v55 =	vperm.xlane v55, v1;
	v54 =	vsel vm8, v58, v54;
	s23 =	sshra.s32 s20, $0x4;
	s10 =	sshrl.u32 s21, $0x1F  }
0x3cf: {  	v51 =	vperm.xlane v51, v49;
	v54 =	vadd.s32 v54, v56;
	s14 =	sshra.s32 s20, $0x1F;
	s4 =	sadd.s32 s1, s12;
	v60 =	vsel vm0, s10, v60;
	s1 =	sadd.s32 s31, s13  }
0x3d0: {  	v53 =	vsel vm8, v55, v53;
	v50 =	vsel vm1, s23, v50;
	s13 =	sshra.s32 s17, $0x5;
	v60 =	vsel vm1, s5, v60;
	s5 =	sadd.s32 s11, s9;
	s11 =	sshrl.u32 s18, $0x1F  }
0x3d1: {  	v50 =	vsel vm13, s14, v50;
	s17 =	sshra.s32 s22, $0x5;
	s22 =	sshra.s32 s15, $0x5;
	s20 =	sshra.s32 s1, $0x1F;
	v55 =	vmov s13;
	v59 =	vsel vm2, s11, v60  }
0x3d2: {  	s12 =	sshra.s32 s16, $0x5;
	s31 =	sshra.s32 s7, $0x5;
	s9 =	sshra.s32 s29, $0x4;
	v60 =	vmov s17;
	v61 =	vmov s20;
	v55 =	vsel vm0, s22, v55  }
0x3d3: {  	s16 =	sshra.s32 s7, $0x1F;
	s23 =	sshra.s32 s21, $0x5;
	s13 =	sshra.s32 s24, $0x5;
	v50 =	vsel vm2, s9, v50;
	v52 =	vcombine.low v59, v57;
	v57 =	vsel vm3, s31, v61  }
0x3d4: {  	s17 =	sshra.s32 s19, $0x5;
	s19 =	sshra.s32 s6, $0x5;
	s20 =	sshra.s32 s29, $0x1F;
	v56 =	vsel vm0, s23, v60;
	v55 =	vsel vm1, s12, v55;
	v57 =	vsel vm9, s16, v57  }
0x3d5: {  	s21 =	sshra.s32 s30, $0x4;
	s18 =	sshra.s32 s18, $0x5;
	s22 =	sshra.s32 s6, $0x1F;
	v50 =	vsel vm14, s20, v50;
	v56 =	vsel vm1, s13, v56;
	v57 =	vsel vm0, s19, v57  }
0x3d6: {  	s7 =	sshrl.u32 s7, $0x1F;
	s15 =	smulhi.u32 $0x66666667, s0;
	s24 =	sshra.s32 s2, $0x5;
	v55 =	vsel vm2, s17, v55;
	v56 =	vsel vm2, s18, v56;
	v60 =	vsel vm12, s22, v57  }
0x3d7: {  	s0 =	sshra.s32 s0, $0x1F;
	s23 =	sshra.s32 s30, $0x1F;
	s31 =	sshra.s32 s2, $0x1F;
	v50 =	vsel vm4, s21, v50;
	v55 =	vcombine.low v56, v55;
	v56 =	vsel vm1, s24, v60  }
0x3d8: {  	s25 =	sshra.s32 s25, $0x4;
	s14 =	sshra.s32 s3, $0x5;
	s0 =	smul.u32 $0x66666667, s0;
	v61 =	vmov s7;
	v50 =	vsel vm15, s23, v50;
	v56 =	vsel vm13, s31, v56  }
0x3d9: {  	s29 =	sshra.s32 s28, $0x4;
	s6 =	sshrl.u32 s6, $0x1F;
	s16 =	sshra.s32 s3, $0x1F;
	v52 =	vperm.xlane v52, v49;
	v57 =	vnsel vm3, $0x0, v61;
	v56 =	vsel vm2, s14, v56  }
0x3da: {  	s30 =	sshra.s32 s28, $0x1F;
	s2 =	sshrl.u32 s2, $0x1F;
	s18 =	sshra.s32 s5, $0x5;
	v50 =	vsel vm5, s29, v50;
	v57 =	vsel vm0, s6, v57;
	v56 =	vsel vm14, s16, v56  }
0x3db: {  	s20 =	sshrl.u32 s5, $0x1F;
	s19 =	sshra.s32 s26, $0x4;
	s5 =	sshra.s32 s5, $0x1F;
	v50 =	vsel vm10, s30, v50;
	v60 =	vmul.u32 $0x64, v54;
	v56 =	vsel vm4, s18, v56  }
0x3dc: {  	s17 =	sshrl.u32 s3, $0x1F;
	s23 =	sshra.s32 s26, $0x1F;
	s22 =	sshra.s32 s4, $0x5;
	v57 =	vsel vm1, s2, v57;
	v50 =	vsel vm6, s19, v50;
	v56 =	vsel vm15, s5, v56  }
0x3dd: {  	s0 =	sadd.s32 s0, s15;
	s21 =	sshrl.u32 s4, $0x1F;
	s4 =	sshra.s32 s4, $0x1F;
	v57 =	vsel vm2, s17, v57;
	v50 =	vsel vm11, s23, v50;
	v56 =	vsel vm5, s22, v56  }
0x3de: {  	s28 =	sshra.s32 s0, $0x5;
	v57 =	vsel vm4, s20, v57;
	v50 =	vsel vm7, s25, v50;
	v56 =	vsel vm10, s4, v56  }
0x3df: {  	s24 =	sshrl.u32 s0, $0x1F;
	s0 =	sshra.s32 s0, $0x1F;
	v57 =	vsel vm5, s21, v57;
	v50 =	vperm.xlane v50, v1;
	v56 =	vsel vm6, s28, v56  }
0x3e0: {  	s26 =	sshrl.u32 s1, $0x1F;
	s29 =	sshra.s32 s1, $0x5;
	v58 =	vperm.xlane v55, v49;
	v57 =	vsel vm6, s24, v57;
	v56 =	vsel vm11, s0, v56  }
0x3e1: {  	v57 =	vsel vm7, s26, v57;
	v50 =	vsel vm8, v50, v51;
	v56 =	vsel vm7, s29, v56  }
0x3e2: {  	v57 =	vperm.xlane v57, v1;
	v50 =	vadd.s32 v53, v50;
	v59 =	vperm.xlane v56, v1  }
0x3e3: {  	v0 =	vsub.s32 v0, v60;
	v50 =	vmul.u32 $0x58, v50  }
0x3e4: {  	vm9 =	vlt.s32 v0, $0x0;
	v52 =	vsel vm8, v57, v52;
	v51 =	vsel vm8, v59, v58  }
0x3e5: {  	v61 =	vadd.s32 $0x64, v0;
	v50 =	vsub.s32 v63, v50;
	v51 =	vadd.s32 v52, v51  }
0x3e6: {  	vm10 =	vlt.s32 v50, $0x0;
	v63 =	vadd.s32 $0x58, v50;
	v51 =	vmul.u32 $0x50, v51  }
0x3e7: {  	v0 =	vsel vm9, v61, v0;
	v50 =	vsel vm10, v63, v50  }
0x3e8: {  	v0 =	vmul.u32 $0x1B80, v0;
	v50 =	vmul.u32 $0x50, v50;
	v51 =	vsub.s32 v62, v51  }
0x3e9: {  	vm9 =	vlt.s32 v51, $0x0;
	v56 =	vadd.s32 $0x50, v51  }
0x3ea: {  	v0 =	vadd.s32 v0, v50;
	v51 =	vsel vm9, v56, v51  }
0x3eb: {  	v0 =	vadd.s32 v51, v0  }
0x3ec: {  	v57 =	vadd.s32 $0xABE00, v0;
	[tilespmem:$0x180] =	vst v0  }
0x3ed: {  	v58 =	vadd.s32 $0x157C00, v0;
	[tilespmem:$0x190] =	vst v57  }
0x3ee: {  	v59 =	vadd.s32 $0x203A00, v0;
	[tilespmem:$0x1A0] =	vst v58  }
0x3ef: {  	v60 =	vadd.s32 $0x2AF800, v0;
	[tilespmem:$0x1B0] =	vst v59  }
0x3f0: {  	v61 =	vadd.s32 $0x35B600, v0;
	[tilespmem:$0x1C0] =	vst v60  }
0x3f1: {  	v62 =	vadd.s32 $0x407400, v0;
	[tilespmem:$0x1D0] =	vst v61  }
0x3f2: {  	v63 =	vadd.s32 $0x4B3200, v0;
	[tilespmem:$0x1E0] =	vst v62  }
0x3f3: {  	v52 =	vadd.s32 $0x55F000, v0;
	[tilespmem:$0x1F0] =	vst v63  }
0x3f4: {  	v53 =	vadd.s32 $0x60AE00, v0;
	[tilespmem:$0x200] =	vst v52  }
0x3f5: {  	v54 =	vadd.s32 $0x6B6C00, v0;
	[tilespmem:$0x210] =	vst v53  }
0x3f6: {  	v55 =	vadd.s32 $0x762A00, v0;
	[tilespmem:$0x220] =	vst v54  }
0x3f7: {  	v56 =	vadd.s32 $0x80E800, v0;
	[tilespmem:$0x230] =	vst v55  }
0x3f8: {  	[tilespmem:$0x240] =	vst v56;
	v57 =	vadd.s32 $0x8BA600, v0  }
0x3f9: {  	v58 =	vadd.s32 $0x966400, v0;
	[tilespmem:$0x250] =	vst v57  }
0x3fa: {  	v59 =	vadd.s32 $0xA12200, v0;
	[tilespmem:$0x260] =	vst v58  }
0x3fb: {  	v60 =	vadd.s32 $0xABE000, v0;
	[tilespmem:$0x270] =	vst v59  }
0x3fc: {  	v61 =	vadd.s32 $0xB69E00, v0;
	[tilespmem:$0x280] =	vst v60  }
0x3fd: {  	v62 =	vadd.s32 $0xC15C00, v0;
	[tilespmem:$0x290] =	vst v61  }
0x3fe: {  	v63 =	vadd.s32 $0xCC1A00, v0;
	[tilespmem:$0x2A0] =	vst v62  }
0x3ff: {  	v52 =	vadd.s32 $0xD6D800, v0;
	[tilespmem:$0x2B0] =	vst v63  }
0x400: {  	v53 =	vadd.s32 $0xE19600, v0;
	[tilespmem:$0x2C0] =	vst v52  }
0x401: {  	v54 =	vadd.s32 $0xEC5400, v0;
	[tilespmem:$0x2D0] =	vst v53  }
0x402: {  	v55 =	vadd.s32 $0xF71200, v0;
	[tilespmem:$0x2E0] =	vst v54  }
0x403: {  	v56 =	vadd.s32 $0x101D000, v0;
	[tilespmem:$0x2F0] =	vst v55  }
0x404: {  	[tilespmem:$0x300] =	vst v56;
	v57 =	vadd.s32 $0x10C8E00, v0  }
0x405: {  	v58 =	vadd.s32 $0x1174C00, v0;
	[tilespmem:$0x310] =	vst v57  }
0x406: {  	v59 =	vadd.s32 $0x1220A00, v0;
	[tilespmem:$0x320] =	vst v58  }
0x407: {  	v60 =	vadd.s32 $0x12CC800, v0;
	[tilespmem:$0x330] =	vst v59  }
0x408: {  	v61 =	vadd.s32 $0x1378600, v0;
	[tilespmem:$0x340] =	vst v60  }
0x409: {  	v62 =	vadd.s32 $0x1424400, v0;
	[tilespmem:$0x350] =	vst v61  }
0x40a: {  	v63 =	vadd.s32 $0x14D0200, v0;
	[tilespmem:$0x360] =	vst v62  }
0x40b: {  	v52 =	vadd.s32 $0x157C000, v0;
	[tilespmem:$0x370] =	vst v63  }
0x40c: {  	v53 =	vadd.s32 $0x1627E00, v0;
	[tilespmem:$0x380] =	vst v52  }
0x40d: {  	v54 =	vadd.s32 $0x16D3C00, v0;
	[tilespmem:$0x390] =	vst v53  }
0x40e: {  	v55 =	vadd.s32 $0x177FA00, v0;
	[tilespmem:$0x3A0] =	vst v54  }
0x40f: {  	v56 =	vadd.s32 $0x182B800, v0;
	[tilespmem:$0x3B0] =	vst v55  }
0x410: {  	[tilespmem:$0x3C0] =	vst v56;
	v57 =	vadd.s32 $0x18D7600, v0  }
0x411: {  	v58 =	vadd.s32 $0x1983400, v0;
	[tilespmem:$0x3D0] =	vst v57  }
0x412: {  	v59 =	vadd.s32 $0x1A2F200, v0;
	[tilespmem:$0x3E0] =	vst v58  }
0x413: {  	v60 =	vadd.s32 $0x1ADB000, v0;
	[tilespmem:$0x3F0] =	vst v59  }
0x414: {  	v61 =	vadd.s32 $0x1B86E00, v0;
	[tilespmem:$0x400] =	vst v60  }
0x415: {  	v62 =	vadd.s32 $0x1C32C00, v0;
	[tilespmem:$0x410] =	vst v61  }
0x416: {  	v63 =	vadd.s32 $0x1CDEA00, v0;
	[tilespmem:$0x420] =	vst v62  }
0x417: {  	v52 =	vadd.s32 $0x1D8A800, v0;
	[tilespmem:$0x430] =	vst v63  }
0x418: {  	v53 =	vadd.s32 $0x1E36600, v0;
	[tilespmem:$0x440] =	vst v52  }
0x419: {  	v54 =	vadd.s32 $0x1EE2400, v0;
	[tilespmem:$0x450] =	vst v53  }
0x41a: {  	v55 =	vadd.s32 $0x1F8E200, v0;
	[tilespmem:$0x460] =	vst v54  }
0x41b: {  	v56 =	vadd.s32 $0x203A000, v0;
	[tilespmem:$0x470] =	vst v55  }
0x41c: {  	[tilespmem:$0x480] =	vst v56;
	v57 =	vadd.s32 $0x20E5E00, v0  }
0x41d: {  	v58 =	vadd.s32 $0x2191C00, v0;
	[tilespmem:$0x490] =	vst v57  }
0x41e: {  	v59 =	vadd.s32 $0x223DA00, v0;
	[tilespmem:$0x4A0] =	vst v58  }
0x41f: {  	v60 =	vadd.s32 $0x22E9800, v0;
	[tilespmem:$0x4B0] =	vst v59  }
0x420: {  	v61 =	vadd.s32 $0x2395600, v0;
	[tilespmem:$0x4C0] =	vst v60  }
0x421: {  	v62 =	vadd.s32 $0x2441400, v0;
	[tilespmem:$0x4D0] =	vst v61  }
0x422: {  	v63 =	vadd.s32 $0x24ED200, v0;
	[tilespmem:$0x4E0] =	vst v62  }
0x423: {  	v52 =	vadd.s32 $0x2599000, v0;
	[tilespmem:$0x4F0] =	vst v63  }
0x424: {  	v53 =	vadd.s32 $0x2644E00, v0;
	[tilespmem:$0x500] =	vst v52  }
0x425: {  	v54 =	vadd.s32 $0x26F0C00, v0;
	[tilespmem:$0x510] =	vst v53  }
0x426: {  	v55 =	vadd.s32 $0x279CA00, v0;
	[tilespmem:$0x520] =	vst v54  }
0x427: {  	v56 =	vadd.s32 $0x2848800, v0;
	[tilespmem:$0x530] =	vst v55  }
0x428: {  	[tilespmem:$0x540] =	vst v56;
	v57 =	vadd.s32 $0x28F4600, v0  }
0x429: {  	v58 =	vadd.s32 $0x29A0400, v0;
	[tilespmem:$0x550] =	vst v57  }
0x42a: {  	s30 =	simm.s32 $0x180;
	v0 =	vadd.s32 $0x2A4C200, v0;
	[tilespmem:$0x560] =	vst v58  }
0x42b: {  	s6 =	simm.s32 $0x80;
	s31 =	rddreg [dreg:$0x1c];
	s5 =	simm.s32 $0x980;
	[tilespmem:$0x570] =	vst v0  }
0x42c: {  	[tilespmem:s5], [sflag:$0x1] =	stream.indirect.gather [hbm4b:s31+s6], $0x1, s30, s6, $0xb8;
	[tilespmem:$0xE00] =	vst v63  }
0x42d: {  	s8 =	simm.s32 $0xA00;
	s7 =	simm.s32 $0x200  }
0x42e: {  	[tilespmem:s8], [sflag:$0x1] =	stream.indirect.gather [hbm4b:s31+s6], $0x1, s7, s6, $0xb8;
	[tilespmem:$0xE00] =	vst v63  }
0x42f: {  	s10 =	simm.s32 $0xA80;
	s9 =	simm.s32 $0x280  }
0x430: {  	[tilespmem:s10], [sflag:$0x1] =	stream.indirect.gather [hbm4b:s31+s6], $0x1, s9, s6, $0xb8;
	[tilespmem:$0xE00] =	vst v63  }
0x431: {  	s11 =	simm.s32 $0x300;
	s12 =	simm.s32 $0xB00  }
0x432: {  	[tilespmem:s12], [sflag:$0x1] =	stream.indirect.gather [hbm4b:s31+s6], $0x1, s11, s6, $0xb8;
	[tilespmem:$0xE00] =	vst v63  }
0x433: {  	s13 =	simm.s32 $0x380;
	s14 =	simm.s32 $0xB80  }
0x434: {  	[tilespmem:s14], [sflag:$0x1] =	stream.indirect.gather [hbm4b:s31+s6], $0x1, s13, s6, $0xb8;
	[tilespmem:$0xE00] =	vst v63  }
0x435: {  	s15 =	simm.s32 $0x400;
	s16 =	simm.s32 $0xC00  }
0x436: {  	[tilespmem:s16], [sflag:$0x1] =	stream.indirect.gather [hbm4b:s31+s6], $0x1, s15, s6, $0xb8;
	[tilespmem:$0xE00] =	vst v63  }
0x437: {  	s19 =	simm.s32 $0x80;
	s17 =	simm.s32 $0x480;
	s18 =	simm.s32 $0xC80  }
0x438: {  	[tilespmem:s18], [sflag:$0x1] =	stream.indirect.gather [hbm4b:s31+s6], $0x1, s17, s6, $0xb8;
	[tilespmem:$0xE00] =	vst v63  }
0x439: {  	s20 =	simm.s32 $0x500;
	s21 =	simm.s32 $0xD00;
	s22 =	simm.s32 $0x1  }
0x43a: {  	[tilespmem:s21], [sflag:$0x1] =	stream.indirect.gather [hbm4b:s31+s19], $0x1, s20, s19, $0xb8;
	[tilespmem:$0xE00] =	vst v63  }
0x43b: {  	s1 =	rddreg [dreg:$0x1d];
	_ =	swait.ge [sflag:s22], $0x80  }
0x43c: {  	[sflag:s22] =	ssyncset.done $0x0  }
0x43d: {  	[sflag:s22] =	ssyncadd.s32 $0xFFFFFF80  }
0x43e: {  	_ =	swait.ge [sflag:s22], $0x80  }
0x43f: {  	[sflag:s22] =	ssyncset.done $0x0  }
0x440: {  	[sflag:s22] =	ssyncadd.s32 $0xFFFFFF80  }
0x441: {  	_ =	swait.ge [sflag:s22], $0x80  }
0x442: {  	[sflag:s22] =	ssyncset.done $0x0  }
0x443: {  	[sflag:s22] =	ssyncadd.s32 $0xFFFFFF80  }
0x444: {  	_ =	swait.ge [sflag:s22], $0x80  }
0x445: {  	[sflag:s22] =	ssyncset.done $0x0  }
0x446: {  	[sflag:s22] =	ssyncadd.s32 $0xFFFFFF80  }
0x447: {  	_ =	swait.ge [sflag:s22], $0x80  }
0x448: {  	[sflag:s22] =	ssyncset.done $0x0  }
0x449: {  	[sflag:s22] =	ssyncadd.s32 $0xFFFFFF80  }
0x44a: {  	_ =	swait.ge [sflag:s22], $0x80  }
0x44b: {  	[sflag:s22] =	ssyncset.done $0x0  }
0x44c: {  	[sflag:s22] =	ssyncadd.s32 $0xFFFFFF80  }
0x44d: {  	_ =	swait.ge [sflag:s22], $0x80  }
0x44e: {  	[sflag:s22] =	ssyncset.done $0x0  }
0x44f: {  	[sflag:s22] =	ssyncadd.s32 $0xFFFFFF80  }
0x450: {  	_ =	swait.ge [sflag:s22], $0x80  }
0x451: {  	[sflag:s22] =	ssyncset.done $0x0  }
0x452: {  	[sflag:s22] =	ssyncadd.s32 $0xFFFFFF80  }
0x453: {  	v0 =	vld [tilespmem:$0x580]  }
0x454: {  	v59 =	vld [tilespmem:$0x980]  }
0x455: {  	v60 =	vld [tilespmem:$0x590]  }
0x456: {  	v61 =	vld [tilespmem:$0x990]  }
0x457: {  	v62 =	vld [tilespmem:$0x5A0]  }
0x458: {  	v63 =	vld [tilespmem:$0x9A0]  }
0x459: {  	v55 =	vld [tilespmem:$0x5B0]  }
0x45a: {  	v2 =	vsub.f32 v3, v2;
	v3 =	vld [tilespmem:$0x9B0]  }
0x45b: {  	v58 =	vld [tilespmem:$0x5C0]  }
0x45c: {  	v54 =	vld [tilespmem:$0x5E0]  }
0x45d: {  	v56 =	vld [tilespmem:$0x9E0]  }
0x45e: {  	v51 =	vld [tilespmem:$0x610]  }
0x45f: {  	v4 =	vsub.f32 v5, v4;
	v52 =	vsub.f32 v17, v16;
	v17 =	vld [tilespmem:$0x650]  }
0x460: {  	v0 =	vsub.f32 v0, v59;
	v59 =	vld [tilespmem:$0x9C0]  }
0x461: {  	v4 =	vmul.f32 v4, v4;
	v2 =	vmul.f32 v2, v2;
	v57 =	vsub.f32 v60, v61;
	v61 =	vld [tilespmem:$0x5D0]  }
0x462: {  	v6 =	vsub.f32 v7, v6;
	v60 =	vsub.f32 v62, v63;
	v63 =	vld [tilespmem:$0x9D0]  }
0x463: {  	v2 =	vadd.f32 v2, v4;
	v50 =	vsub.f32 v54, v56;
	v54 =	vld [tilespmem:$0x620]  }
0x464: {  	v6 =	vmul.f32 v6, v6;
	v3 =	vsub.f32 v55, v3;
	v55 =	vsub.f32 v11, v10;
	v56 =	vld [tilespmem:$0xA20]  }
0x465: {  	v53 =	vmul.f32 v60, v60;
	v60 =	vld [tilespmem:$0x9F0]  }
0x466: {  	v2 =	vadd.f32 v6, v2;
	v6 =	vmul.f32 v55, v55;
	v55 =	vsub.f32 v19, v18;
	v19 =	vld [tilespmem:$0xA50]  }
0x467: {  	v18 =	vsub.f32 v25, v24;
	v24 =	vld [tilespmem:$0x670]  }
0x468: {  	v62 =	vsub.f32 v9, v8;
	v25 =	vsub.f32 v29, v28;
	v29 =	vld [tilespmem:$0xA80]  }
0x469: {  	v0 =	vmul.f32 v0, v0;
	v5 =	vmul.f32 v57, v57;
	v28 =	vsub.f32 v31, v30;
	v31 =	vld [tilespmem:$0x690]  }
0x46a: {  	v4 =	vmul.f32 v62, v62;
	v57 =	vsub.f32 v58, v59;
	v58 =	vld [tilespmem:$0x5F0]  }
0x46b: {  	v0 =	vadd.f32 v5, v0;
	v16 =	vsub.f32 v54, v56;
	v54 =	vld [tilespmem:$0xAA0]  }
0x46c: {  	v62 =	vsub.f32 v15, v14;
	v2 =	vadd.f32 v4, v2;
	v56 =	vld [tilespmem:$0x6B0]  }
0x46d: {  	v59 =	vsub.f32 v13, v12;
	v0 =	vadd.f32 v53, v0;
	v53 =	vld [tilespmem:$0xA10]  }
0x46e: {  	v2 =	vadd.f32 v6, v2;
	v6 =	vmul.f32 v62, v62;
	v62 =	vsub.f32 v23, v22;
	v22 =	vld [tilespmem:$0xA60]  }
0x46f: {  	v4 =	vmul.f32 v59, v59;
	v59 =	vsub.f32 v21, v20;
	v20 =	vld [tilespmem:$0x660]  }
0x470: {  	v3 =	vmul.f32 v3, v3;
	v21 =	vsub.f32 v27, v26;
	v26 =	vld [tilespmem:$0xA70]  }
0x471: {  	v27 =	vld [tilespmem:$0x680]  }
0x472: {  	v5 =	vmul.f32 v57, v57;
	v0 =	vadd.f32 v3, v0;
	v3 =	vsub.f32 v61, v63;
	v61 =	vld [tilespmem:$0x600]  }
0x473: {  	v63 =	vld [tilespmem:$0xA00]  }
0x474: {  	v2 =	vadd.f32 v4, v2;
	v4 =	vmul.f32 v52, v52;
	v52 =	vld [tilespmem:$0x6A0];
	v0 =	vadd.f32 v5, v0  }
0x475: {  	v3 =	vmul.f32 v3, v3;
	v5 =	vmul.f32 v50, v50;
	v50 =	vsub.f32 v33, v32;
	v32 =	vld [tilespmem:$0x720]  }
0x476: {  	v33 =	vld [tilespmem:$0x1FB00]  }
0x477: {  	v0 =	vadd.f32 v3, v0;
	v3 =	vsub.f32 v58, v60;
	v58 =	vld [tilespmem:$0x630]  }
0x478: {  	v60 =	vld [tilespmem:$0xA30]  }
0x479: {  	v30 =	vsub.f32 v20, v22;
	v20 =	vld [tilespmem:$0xAE0]  }
0x47a: {  	v22 =	vld [tilespmem:$0x6F0]  }
0x47b: {  	v2 =	vadd.f32 v6, v2;
	v6 =	vmul.f32 v55, v55;
	v55 =	vsub.f32 v27, v29;
	v27 =	vld [tilespmem:$0xB00]  }
0x47c: {  	v29 =	vld [tilespmem:$0x710]  }
0x47d: {  	v57 =	vsub.f32 v61, v63;
	v61 =	vld [tilespmem:$0x640]  }
0x47e: {  	v63 =	vld [tilespmem:$0xA40]  }
0x47f: {  	v2 =	vadd.f32 v4, v2;
	v4 =	vmul.f32 v59, v59;
	v59 =	vld [tilespmem:$0x6C0];
	v0 =	vadd.f32 v5, v0  }
0x480: {  	v3 =	vmul.f32 v3, v3;
	v5 =	vmul.f32 v57, v57;
	v57 =	vsub.f32 v37, v36;
	v37 =	vld [tilespmem:$0x730]  }
0x481: {  	v2 =	vadd.f32 v6, v2;
	v6 =	vmul.f32 v62, v62;
	v62 =	vsub.f32 v52, v54;
	v52 =	vld [tilespmem:$0x1FB80]  }
0x482: {  	v54 =	vld [tilespmem:$0xB60]  }
0x483: {  	v0 =	vadd.f32 v3, v0;
	v3 =	vsub.f32 v51, v53;
	v51 =	vld [tilespmem:$0xA90]  }
0x484: {  	v53 =	vsub.f32 v35, v34;
	v34 =	vld [tilespmem:$0x1FB10]  }
0x485: {  	v35 =	vld [tilespmem:$0xB20]  }
0x486: {  	v2 =	vadd.f32 v4, v2;
	v4 =	vmul.f32 v18, v18;
	v18 =	vld [tilespmem:$0x6E0]  }
0x487: {  	v23 =	vsub.f32 v61, v63;
	v61 =	vld [tilespmem:$0xAC0]  }
0x488: {  	v0 =	vadd.f32 v5, v0;
	v63 =	vld [tilespmem:$0x6D0]  }
0x489: {  	v3 =	vmul.f32 v3, v3;
	v5 =	vmul.f32 v16, v16;
	v16 =	vsub.f32 v41, v40;
	v40 =	vld [tilespmem:$0xB30]  }
0x48a: {  	v41 =	vld [tilespmem:$0x740]  }
0x48b: {  	v0 =	vadd.f32 v3, v0;
	v3 =	vsub.f32 v58, v60;
	v58 =	vld [tilespmem:$0xAB0]  }
0x48c: {  	v2 =	vadd.f32 v6, v2;
	v60 =	vsub.f32 v39, v38;
	v38 =	vld [tilespmem:$0x1FB20]  }
0x48d: {  	v39 =	vld [tilespmem:$0x1FB30]  }
0x48e: {  	v2 =	vadd.f32 v4, v2;
	v4 =	vmul.f32 v25, v25;
	v25 =	vld [tilespmem:$0x700]  }
0x48f: {  	v0 =	vadd.f32 v5, v0;
	v5 =	vmul.f32 v23, v23;
	v23 =	vsub.f32 v45, v44;
	v44 =	vld [tilespmem:$0xB40]  }
0x490: {  	v45 =	vsub.f32 v32, v35;
	v32 =	vld [tilespmem:$0x1FC50]  }
0x491: {  	v35 =	vld [tilespmem:$0x7D0]  }
0x492: {  	v6 =	vmul.f32 v21, v21;
	v21 =	vsub.f32 v59, v61;
	v59 =	vld [tilespmem:$0xB70]  }
0x493: {  	v3 =	vmul.f32 v3, v3;
	v61 =	vld [tilespmem:$0x1FBC0]  }
0x494: {  	v2 =	vadd.f32 v6, v2;
	v6 =	vmul.f32 v28, v28;
	v28 =	vsub.f32 v18, v20;
	v18 =	vld [tilespmem:$0x1FBE0]  }
0x495: {  	v20 =	vld [tilespmem:$0xB90]  }
0x496: {  	v0 =	vadd.f32 v3, v0;
	v3 =	vsub.f32 v17, v19;
	v17 =	vld [tilespmem:$0xAD0]  }
0x497: {  	v19 =	vsub.f32 v43, v42;
	v42 =	vld [tilespmem:$0x1FB40]  }
0x498: {  	v43 =	vld [tilespmem:$0x1FB50]  }
0x499: {  	v2 =	vadd.f32 v4, v2;
	v4 =	vmul.f32 v50, v50;
	v50 =	vld [tilespmem:$0xB50]  }
0x49a: {  	v0 =	vadd.f32 v5, v0;
	v5 =	vmul.f32 v30, v30;
	v30 =	vld [tilespmem:$0x1FAF0]  }
0x49b: {  	v3 =	vmul.f32 v3, v3;
	v36 =	vsub.f32 v25, v27;
	v27 =	vld [tilespmem:$0x1FC20]  }
0x49c: {  	v2 =	vadd.f32 v6, v2;
	v6 =	vmul.f32 v53, v53;
	v53 =	vld [tilespmem:$0x1FB90]  }
0x49d: {  	v0 =	vadd.f32 v3, v0;
	v3 =	vsub.f32 v24, v26;
	v24 =	vld [tilespmem:$0xAF0]  }
0x49e: {  	v26 =	vsub.f32 v47, v46;
	v46 =	vld [tilespmem:$0x750]  }
0x49f: {  	v47 =	vld [tilespmem:$0x1FB60]  }
0x4a0: {  	v2 =	vadd.f32 v4, v2;
	v4 =	vmul.f32 v57, v57;
	v57 =	vld [tilespmem:$0x1FBA0]  }
0x4a1: {  	v0 =	vadd.f32 v5, v0;
	v5 =	vmul.f32 v55, v55;
	v55 =	vsub.f32 v41, v44;
	v41 =	vld [tilespmem:$0x1FC90]  }
0x4a2: {  	v3 =	vmul.f32 v3, v3;
	v44 =	vld [tilespmem:$0x7F0]  }
0x4a3: {  	v2 =	vadd.f32 v6, v2;
	v6 =	vmul.f32 v60, v60;
	v60 =	vld [tilespmem:$0x780]  }
0x4a4: {  	v0 =	vadd.f32 v3, v0;
	v3 =	vsub.f32 v31, v51;
	v31 =	vld [tilespmem:$0xB10]  }
0x4a5: {  	v51 =	vld [tilespmem:$0x760];
	v2 =	vadd.f32 v4, v2  }
0x4a6: {  	v0 =	vadd.f32 v5, v0;
	v3 =	vmul.f32 v3, v3;
	v5 =	vmul.f32 v62, v62;
	v62 =	vld [tilespmem:$0x1FBD0]  }
0x4a7: {  	v2 =	vadd.f32 v6, v2;
	v6 =	vmul.f32 v19, v19;
	v19 =	vld [tilespmem:$0x1FBF0]  }
0x4a8: {  	v4 =	vmul.f32 v16, v16;
	v0 =	vadd.f32 v3, v0;
	v3 =	vsub.f32 v56, v58;
	v56 =	vld [tilespmem:$0x770]  }
0x4a9: {  	v58 =	vld [tilespmem:$0x1FBB0]  }
0x4aa: {  	v2 =	vadd.f32 v4, v2;
	v4 =	vmul.f32 v23, v23;
	v23 =	vld [tilespmem:$0x1FC10]  }
0x4ab: {  	v16 =	vsub.f32 v51, v54;
	v51 =	vld [tilespmem:$0x800]  }
0x4ac: {  	v54 =	vld [tilespmem:$0x1FCD0]  }
0x4ad: {  	v0 =	vadd.f32 v5, v0;
	v3 =	vmul.f32 v3, v3;
	v5 =	vmul.f32 v21, v21;
	v21 =	vld [tilespmem:$0x7A0]  }
0x4ae: {  	v2 =	vadd.f32 v6, v2;
	v6 =	vmul.f32 v26, v26;
	v26 =	vld [tilespmem:$0x7B0]  }
0x4af: {  	v0 =	vadd.f32 v3, v0;
	v3 =	vsub.f32 v63, v17;
	v63 =	vld [tilespmem:$0xB80]  }
0x4b0: {  	v17 =	vld [tilespmem:$0x790]  }
0x4b1: {  	v2 =	vadd.f32 v4, v2;
	v4 =	vsub.f32 v30, v48;
	v48 =	vld [tilespmem:$0x1FB70]  }
0x4b2: {  	v30 =	vld [tilespmem:$0x7C0]  }
0x4b3: {  	v0 =	vadd.f32 v5, v0;
	v3 =	vmul.f32 v3, v3;
	v5 =	vmul.f32 v28, v28;
	v28 =	vld [tilespmem:$0x1FC30]  }
0x4b4: {  	v2 =	vadd.f32 v6, v2;
	v6 =	vsub.f32 v33, v34;
	v33 =	vld [tilespmem:$0xBC0]  }
0x4b5: {  	v4 =	vmul.f32 v4, v4;
	v0 =	vadd.f32 v3, v0;
	v3 =	vsub.f32 v22, v24;
	v22 =	vld [tilespmem:$0x1FC00]  }
0x4b6: {  	v24 =	vld [tilespmem:$0xBA0]  }
0x4b7: {  	v2 =	vadd.f32 v4, v2;
	v4 =	vsub.f32 v38, v39;
	v38 =	vld [tilespmem:$0xBD0]  }
0x4b8: {  	v39 =	vld [tilespmem:$0x7E0]  }
0x4b9: {  	v25 =	vsub.f32 v60, v63;
	v60 =	vld [tilespmem:$0x1FCF0]  }
0x4ba: {  	v6 =	vmul.f32 v6, v6;
	v63 =	vld [tilespmem:$0x820]  }
0x4bb: {  	v0 =	vadd.f32 v5, v0;
	v3 =	vmul.f32 v3, v3;
	v5 =	vmul.f32 v36, v36;
	v36 =	vld [tilespmem:$0x1FC60]  }
0x4bc: {  	v2 =	vadd.f32 v6, v2;
	v6 =	vsub.f32 v42, v43;
	v42 =	vld [tilespmem:$0xBE0]  }
0x4bd: {  	v0 =	vadd.f32 v3, v0;
	v3 =	vsub.f32 v29, v31;
	v29 =	vld [tilespmem:$0xBB0]  }
0x4be: {  	v31 =	vld [tilespmem:$0x1FC40]  }
0x4bf: {  	v4 =	vmul.f32 v4, v4;
	v43 =	vsub.f32 v30, v33;
	v30 =	vld [tilespmem:$0x1FD50]  }
0x4c0: {  	v33 =	vld [tilespmem:$0x850]  }
0x4c1: {  	v2 =	vadd.f32 v4, v2;
	v4 =	vsub.f32 v47, v48;
	v47 =	vld [tilespmem:$0x1FCB0]  }
0x4c2: {  	v48 =	vld [tilespmem:$0xBF0]  }
0x4c3: {  	v6 =	vmul.f32 v6, v6;
	v34 =	vsub.f32 v21, v24;
	v21 =	vld [tilespmem:$0x830]  }
0x4c4: {  	v24 =	vld [tilespmem:$0x1FD30];
	v0 =	vadd.f32 v5, v0;
	v3 =	vmul.f32 v3, v3  }
0x4c5: {  	v2 =	vadd.f32 v6, v2;
	v6 =	vsub.f32 v52, v53;
	v53 =	vld [tilespmem:$0x1FCC0]  }
0x4c6: {  	v4 =	vmul.f32 v4, v4;
	v0 =	vadd.f32 v3, v0;
	v3 =	vsub.f32 v37, v40;
	v37 =	vld [tilespmem:$0x1FC70]  }
0x4c7: {  	v5 =	vmul.f32 v45, v45;
	v40 =	vld [tilespmem:$0x1FC80]  }
0x4c8: {  	v2 =	vadd.f32 v4, v2;
	v4 =	vsub.f32 v57, v58;
	v6 =	vmul.f32 v6, v6;
	v57 =	vld [tilespmem:$0x810]  }
0x4c9: {  	v0 =	vadd.f32 v5, v0;
	v5 =	vmul.f32 v55, v55;
	v55 =	vld [tilespmem:$0xC00]  }
0x4ca: {  	v3 =	vmul.f32 v3, v3;
	v2 =	vadd.f32 v6, v2;
	v6 =	vsub.f32 v61, v62;
	v61 =	vld [tilespmem:$0xC10]  }
0x4cb: {  	v62 =	vsub.f32 v44, v48;
	v48 =	vld [tilespmem:$0x1FDB0]  }
0x4cc: {  	v4 =	vmul.f32 v4, v4;
	v0 =	vadd.f32 v3, v0;
	v3 =	vsub.f32 v46, v50;
	v46 =	vld [tilespmem:$0x1FCA0]  }
0x4cd: {  	v50 =	vsub.f32 v35, v38;
	v35 =	vld [tilespmem:$0x1FD60]  }
0x4ce: {  	v2 =	vadd.f32 v4, v2;
	v4 =	vsub.f32 v18, v19;
	v6 =	vmul.f32 v6, v6;
	v18 =	vld [tilespmem:$0x1FD10]  }
0x4cf: {  	v19 =	vld [tilespmem:$0xC20];
	v0 =	vadd.f32 v5, v0;
	v3 =	vmul.f32 v3, v3  }
0x4d0: {  	v2 =	vadd.f32 v6, v2;
	v6 =	vsub.f32 v22, v23;
	v23 =	vld [tilespmem:$0x1FD20]  }
0x4d1: {  	v0 =	vadd.f32 v3, v0;
	v3 =	vsub.f32 v56, v59;
	v59 =	vld [tilespmem:$0x1FCE0]  }
0x4d2: {  	v4 =	vmul.f32 v4, v4;
	v56 =	vsub.f32 v39, v42;
	v39 =	vld [tilespmem:$0x860]  }
0x4d3: {  	v5 =	vmul.f32 v16, v16;
	v42 =	vld [tilespmem:$0x1FD90]  }
0x4d4: {  	v2 =	vadd.f32 v4, v2;
	v4 =	vsub.f32 v27, v28;
	v6 =	vmul.f32 v6, v6;
	v27 =	vld [tilespmem:$0x840]  }
0x4d5: {  	v0 =	vadd.f32 v5, v0;
	v5 =	vmul.f32 v25, v25;
	v25 =	vld [tilespmem:$0xC30]  }
0x4d6: {  	v3 =	vmul.f32 v3, v3;
	v2 =	vadd.f32 v6, v2;
	v6 =	vsub.f32 v31, v32;
	v31 =	vld [tilespmem:$0xC40]  }
0x4d7: {  	v32 =	vsub.f32 v63, v19;
	v19 =	vld [tilespmem:$0x1FE10]  }
0x4d8: {  	v4 =	vmul.f32 v4, v4;
	v0 =	vadd.f32 v3, v0;
	v3 =	vsub.f32 v17, v20;
	v17 =	vld [tilespmem:$0x1FD00]  }
0x4d9: {  	v20 =	vsub.f32 v51, v55;
	v55 =	vld [tilespmem:$0x1FDD0]  }
0x4da: {  	v2 =	vadd.f32 v4, v2;
	v4 =	vsub.f32 v36, v37;
	v6 =	vmul.f32 v6, v6;
	v36 =	vld [tilespmem:$0x1FD70]  }
0x4db: {  	v37 =	vld [tilespmem:$0xC50];
	v0 =	vadd.f32 v5, v0  }
0x4dc: {  	v3 =	vmul.f32 v3, v3;
	v2 =	vadd.f32 v6, v2;
	v6 =	vsub.f32 v40, v41;
	v41 =	vld [tilespmem:$0x1FD80]  }
0x4dd: {  	v38 =	vsub.f32 v21, v25;
	v25 =	vld [tilespmem:$0x1FE30]  }
0x4de: {  	v0 =	vadd.f32 v3, v0;
	v3 =	vsub.f32 v26, v29;
	v29 =	vld [tilespmem:$0x1FD40]  }
0x4df: {  	v4 =	vmul.f32 v4, v4;
	v26 =	vsub.f32 v57, v61;
	v61 =	vld [tilespmem:$0x1FDF0]  }
0x4e0: {  	v5 =	vmul.f32 v34, v34;
	v44 =	vsub.f32 v27, v31;
	v31 =	vld [tilespmem:$0x1FE50]  }
0x4e1: {  	v2 =	vadd.f32 v4, v2;
	v45 =	vmul.f32 v6, v6;
	v6 =	vsub.f32 v46, v47;
	v47 =	vld [tilespmem:$0x1FDA0]  }
0x4e2: {  	v51 =	vsub.f32 v33, v37;
	v37 =	vld [tilespmem:$0x1FE70]  }
0x4e3: {  	v0 =	vadd.f32 v5, v0;
	v3 =	vmul.f32 v3, v3;
	v2 =	vadd.f32 v45, v2;
	v45 =	vld [tilespmem:$0x870]  }
0x4e4: {  	v52 =	vmul.f32 v6, v6;
	v6 =	vsub.f32 v53, v54;
	v54 =	vld [tilespmem:$0x1FDC0]  }
0x4e5: {  	v0 =	vadd.f32 v3, v0;
	v3 =	vmul.f32 v43, v43;
	v43 =	vld [tilespmem:$0xC60]  }
0x4e6: {  	v2 =	vadd.f32 v52, v2;
	v52 =	vld [tilespmem:$0x880]  }
0x4e7: {  	v58 =	vmul.f32 v6, v6;
	v6 =	vsub.f32 v59, v60;
	v60 =	vld [tilespmem:$0x1FDE0]  }
0x4e8: {  	v0 =	vadd.f32 v3, v0;
	v3 =	vmul.f32 v50, v50;
	v50 =	vld [tilespmem:$0xC70]  }
0x4e9: {  	v2 =	vadd.f32 v58, v2;
	v58 =	vld [tilespmem:$0x890]  }
0x4ea: {  	v16 =	vmul.f32 v6, v6;
	v6 =	vsub.f32 v17, v18;
	v18 =	vld [tilespmem:$0x1FE00]  }
0x4eb: {  	v0 =	vadd.f32 v3, v0;
	v3 =	vmul.f32 v56, v56;
	v56 =	vld [tilespmem:$0xC80]  }
0x4ec: {  	v2 =	vadd.f32 v16, v2;
	v16 =	vld [tilespmem:$0x8A0]  }
0x4ed: {  	v22 =	vmul.f32 v6, v6;
	v6 =	vsub.f32 v23, v24;
	v24 =	vld [tilespmem:$0x1FE20]  }
0x4ee: {  	v57 =	vsub.f32 v39, v43;
	v43 =	vld [tilespmem:$0x1FE90]  }
0x4ef: {  	v0 =	vadd.f32 v3, v0;
	v3 =	vmul.f32 v62, v62;
	v62 =	vld [tilespmem:$0xC90]  }
0x4f0: {  	v2 =	vadd.f32 v22, v2;
	v22 =	vld [tilespmem:$0x8B0]  }
0x4f1: {  	v28 =	vmul.f32 v6, v6;
	v6 =	vsub.f32 v29, v30;
	v30 =	vld [tilespmem:$0x1FE40]  }
0x4f2: {  	v63 =	vsub.f32 v45, v50;
	v50 =	vld [tilespmem:$0x1FEB0]  }
0x4f3: {  	v0 =	vadd.f32 v3, v0;
	v3 =	vmul.f32 v20, v20;
	v20 =	vld [tilespmem:$0xCA0]  }
0x4f4: {  	v2 =	vadd.f32 v28, v2;
	v28 =	vld [tilespmem:$0x8C0]  }
0x4f5: {  	v34 =	vmul.f32 v6, v6;
	v6 =	vsub.f32 v35, v36;
	v36 =	vld [tilespmem:$0x1FE60]  }
0x4f6: {  	v21 =	vsub.f32 v52, v56;
	v56 =	vld [tilespmem:$0x1FED0]  }
0x4f7: {  	v0 =	vadd.f32 v3, v0;
	v3 =	vmul.f32 v26, v26;
	v26 =	vld [tilespmem:$0xCB0]  }
0x4f8: {  	v2 =	vadd.f32 v34, v2;
	v34 =	vld [tilespmem:$0x8D0]  }
0x4f9: {  	v40 =	vmul.f32 v6, v6;
	v6 =	vsub.f32 v41, v42;
	v42 =	vld [tilespmem:$0x1FE80]  }
0x4fa: {  	v27 =	vsub.f32 v58, v62;
	v62 =	vld [tilespmem:$0x1FEF0]  }
0x4fb: {  	v0 =	vadd.f32 v3, v0;
	v3 =	vmul.f32 v32, v32;
	v32 =	vld [tilespmem:$0xCC0]  }
0x4fc: {  	v2 =	vadd.f32 v40, v2;
	v40 =	vld [tilespmem:$0x8E0]  }
0x4fd: {  	v46 =	vmul.f32 v6, v6;
	v6 =	vsub.f32 v47, v48;
	v48 =	vld [tilespmem:$0x1FEA0]  }
0x4fe: {  	v33 =	vsub.f32 v16, v20;
	v16 =	vld [tilespmem:$0x920]  }
0x4ff: {  	v20 =	vld [tilespmem:$0xD20]  }
0x500: {  	v0 =	vadd.f32 v3, v0;
	v3 =	vmul.f32 v38, v38;
	v38 =	vld [tilespmem:$0xCD0]  }
0x501: {  	v2 =	vadd.f32 v46, v2;
	v46 =	vld [tilespmem:$0x8F0]  }
0x502: {  	v53 =	vmul.f32 v6, v6;
	v6 =	vsub.f32 v54, v55;
	v55 =	vld [tilespmem:$0x1FEC0]  }
0x503: {  	v39 =	vsub.f32 v22, v26;
	v22 =	vld [tilespmem:$0x930]  }
0x504: {  	v26 =	vld [tilespmem:$0xD30];
	v0 =	vadd.f32 v3, v0;
	v3 =	vmul.f32 v44, v44  }
0x505: {  	v44 =	vld [tilespmem:$0xCE0]  }
0x506: {  	v2 =	vadd.f32 v53, v2;
	v53 =	vld [tilespmem:$0x900];
	v0 =	vadd.f32 v3, v0;
	v3 =	vmul.f32 v51, v51  }
0x507: {  	v59 =	vmul.f32 v6, v6;
	v6 =	vsub.f32 v60, v61;
	v61 =	vld [tilespmem:$0x1FEE0]  }
0x508: {  	v45 =	vsub.f32 v28, v32;
	v28 =	vld [tilespmem:$0x940];
	v0 =	vadd.f32 v3, v0;
	v3 =	vmul.f32 v57, v57  }
0x509: {  	v32 =	vld [tilespmem:$0xD40];
	v2 =	vadd.f32 v59, v2;
	v17 =	vmul.f32 v6, v6;
	v6 =	vsub.f32 v18, v19  }
0x50a: {  	v51 =	vld [tilespmem:$0xCF0];
	v0 =	vadd.f32 v3, v0;
	v3 =	vmul.f32 v63, v63  }
0x50b: {  	v59 =	vld [tilespmem:$0x910];
	v2 =	vadd.f32 v17, v2;
	v23 =	vmul.f32 v6, v6;
	v6 =	vsub.f32 v24, v25  }
0x50c: {  	v18 =	vld [tilespmem:$0x1FF00];
	v0 =	vadd.f32 v3, v0;
	v3 =	vmul.f32 v21, v21  }
0x50d: {  	v19 =	vld [tilespmem:$0x1FF10];
	v2 =	vadd.f32 v23, v2;
	v29 =	vmul.f32 v6, v6;
	v6 =	vsub.f32 v30, v31  }
0x50e: {  	v52 =	vsub.f32 v34, v38;
	v34 =	vld [tilespmem:$0x950];
	v0 =	vadd.f32 v3, v0;
	v3 =	vmul.f32 v27, v27  }
0x50f: {  	v38 =	vld [tilespmem:$0xD50];
	v2 =	vadd.f32 v29, v2;
	v35 =	vmul.f32 v6, v6;
	v6 =	vsub.f32 v36, v37  }
0x510: {  	v57 =	vld [tilespmem:$0xD00];
	v0 =	vadd.f32 v3, v0;
	v3 =	vmul.f32 v33, v33  }
0x511: {  	v24 =	vld [tilespmem:$0x1FF20];
	v2 =	vadd.f32 v35, v2;
	v41 =	vmul.f32 v6, v6;
	v6 =	vsub.f32 v42, v43  }
0x512: {  	v58 =	vsub.f32 v40, v44;
	v25 =	vld [tilespmem:$0x1FF30];
	v0 =	vadd.f32 v3, v0;
	v3 =	vmul.f32 v39, v39  }
0x513: {  	v40 =	vld [tilespmem:$0x960];
	v2 =	vadd.f32 v41, v2;
	v47 =	vmul.f32 v6, v6;
	v6 =	vsub.f32 v48, v50  }
0x514: {  	v44 =	vld [tilespmem:$0xD60];
	v0 =	vadd.f32 v3, v0;
	v3 =	vmul.f32 v45, v45  }
0x515: {  	v63 =	vld [tilespmem:$0xD10];
	v2 =	vadd.f32 v47, v2;
	v54 =	vmul.f32 v6, v6;
	v6 =	vsub.f32 v55, v56  }
0x516: {  	v30 =	vld [tilespmem:$0x1FF40];
	v0 =	vadd.f32 v3, v0;
	v3 =	vmul.f32 v52, v52  }
0x517: {  	v31 =	vld [tilespmem:$0x1FF50];
	v2 =	vadd.f32 v54, v2;
	v60 =	vmul.f32 v6, v6;
	v6 =	vsub.f32 v61, v62  }
0x518: {  	v15 =	vsub.f32 v46, v51;
	v46 =	vld [tilespmem:$0x970];
	v0 =	vadd.f32 v3, v0;
	v3 =	vmul.f32 v58, v58  }
0x519: {  	v36 =	vld [tilespmem:$0x1FF60];
	v2 =	vadd.f32 v60, v2;
	v17 =	vmul.f32 v6, v6;
	v6 =	vsub.f32 v18, v19  }
0x51a: {  	v21 =	vsub.f32 v53, v57;
	v37 =	vld [tilespmem:$0x1FF70];
	v0 =	vadd.f32 v3, v0;
	v3 =	vmul.f32 v15, v15  }
0x51b: {  	v42 =	vld [tilespmem:$0x1FF80];
	v2 =	vadd.f32 v17, v2;
	v23 =	vmul.f32 v6, v6;
	v6 =	vsub.f32 v24, v25  }
0x51c: {  	v27 =	vsub.f32 v59, v63;
	v43 =	vld [tilespmem:$0x1FF90];
	v0 =	vadd.f32 v3, v0;
	v3 =	vmul.f32 v21, v21  }
0x51d: {  	v48 =	vld [tilespmem:$0x1FFA0];
	v2 =	vadd.f32 v23, v2;
	v29 =	vmul.f32 v6, v6;
	v6 =	vsub.f32 v30, v31  }
0x51e: {  	v33 =	vsub.f32 v16, v20;
	v50 =	vld [tilespmem:$0x1FFB0];
	v0 =	vadd.f32 v3, v0;
	v3 =	vmul.f32 v27, v27  }
0x51f: {  	v53 =	vld [tilespmem:$0x1FFD0];
	v2 =	vadd.f32 v29, v2;
	v35 =	vmul.f32 v6, v6;
	v6 =	vsub.f32 v36, v37  }
0x520: {  	v39 =	vsub.f32 v22, v26;
	v52 =	vld [tilespmem:$0x1FFC0];
	v0 =	vadd.f32 v3, v0;
	v3 =	vmul.f32 v33, v33  }
0x521: {  	v55 =	vld [tilespmem:$0x1FFE0];
	v2 =	vadd.f32 v35, v2;
	v41 =	vmul.f32 v6, v6;
	v6 =	vsub.f32 v42, v43  }
0x522: {  	v56 =	vld [tilespmem:$0x1FFF0];
	v45 =	vsub.f32 v28, v32;
	v0 =	vadd.f32 v3, v0;
	v3 =	vmul.f32 v39, v39  }
0x523: {  	v51 =	vld [tilespmem:$0xD70];
	v2 =	vadd.f32 v41, v2;
	v47 =	vmul.f32 v6, v6;
	v6 =	vsub.f32 v48, v50  }
0x524: {  	v5 =	vmul.f32 v45, v45;
	v0 =	vadd.f32 v3, v0;
	v3 =	vsub.f32 v34, v38  }
0x525: {  	v4 =	vsub.f32 v52, v53;
	v2 =	vadd.f32 v47, v2;
	v6 =	vmul.f32 v6, v6  }
0x526: {  	v54 =	vsub.f32 v40, v44;
	v0 =	vadd.f32 v5, v0;
	v3 =	vmul.f32 v3, v3  }
0x527: {  	v4 =	vmul.f32 v4, v4;
	v2 =	vadd.f32 v6, v2;
	v6 =	vsub.f32 v55, v56  }
0x528: {  	v57 =	vsub.f32 v46, v51;
	v0 =	vadd.f32 v3, v0;
	v3 =	vmul.f32 v54, v54  }
0x529: {  	v2 =	vadd.f32 v4, v2;
	v58 =	vmul.f32 v6, v6  }
0x52a: {  	v0 =	vadd.f32 v3, v0;
	v3 =	vmul.f32 v57, v57  }
0x52b: {  	v2 =	vadd.f32 v58, v2  }
0x52c: {  	v0 =	vadd.f32 v3, v0  }
0x52d: {  	v4 =	vmul.f32 $5.000000000e-01, v2;
	v3 =	vshrl.u32 v2, $0x1  }
0x52e: {  	v3 =	vsub.s32 $0x5F3759DF, v3;
	v59 =	vshrl.u32 v0, $0x1;
	v60 =	vmul.f32 $5.000000000e-01, v0  }
0x52f: {  	v61 =	vmul.f32 v3, v4;
	v5 =	vsub.s32 $0x5F3759DF, v59  }
0x530: {  	v62 =	vmul.f32 v5, v60  }
0x531: {  	v7 =	vmul.f32 v3, v61  }
0x532: {  	v8 =	vmul.f32 v5, v62  }
0x533: {  	v7 =	vsub.f32 $1.500000000e+00, v7  }
0x534: {  	v8 =	vsub.f32 $1.500000000e+00, v8  }
0x535: {  	v3 =	vmul.f32 v3, v7  }
0x536: {  	v5 =	vmul.f32 v5, v8  }
0x537: {  	v7 =	vmul.f32 v3, v4  }
0x538: {  	v8 =	vmul.f32 v5, v60  }
0x539: {  	v7 =	vmul.f32 v7, v3  }
0x53a: {  	v8 =	vmul.f32 v8, v5  }
0x53b: {  	v7 =	vsub.f32 $1.500000000e+00, v7  }
0x53c: {  	v8 =	vsub.f32 $1.500000000e+00, v8  }
0x53d: {  	v3 =	vmul.f32 v7, v3  }
0x53e: {  	v5 =	vmul.f32 v8, v5  }
0x53f: {  	v4 =	vmul.f32 v3, v4  }
0x540: {  	v6 =	vmul.f32 v5, v60  }
0x541: {  	v4 =	vmul.f32 v4, v3  }
0x542: {  	v6 =	vmul.f32 v6, v5  }
0x543: {  	v4 =	vsub.f32 $1.500000000e+00, v4  }
0x544: {  	v6 =	vsub.f32 $1.500000000e+00, v6  }
0x545: {  	v3 =	vmul.f32 v4, v3  }
0x546: {  	v63 =	vmul.f32 v6, v5  }
0x547: {  	v3 =	vmul.f32 v3, v2  }
0x548: {  	s25 =	simm.s32 $0x0;
	v0 =	vmul.f32 v63, v0  }
0x549: {  	s24 =	simm.s32 $0xD80;
	s26 =	simm.s32 $0x2;
	s23 =	rddreg [dreg:$0x10];
	[tilespmem:$0xD80] =	vst v3  }
0x54a: {  	[hbm4b:s23+s25] =	stream.linear.scatter [tilespmem:s24], [sflag:$0x2], $0x10, $0x38;
	v3 =	vsub.f32 $1.000000000e+00, v0;
	[tilespmem:$0xE00] =	vst v63  }
0x54b: {  	_ =	swait.ge [sflag:s26], $0x10  }
0x54c: {  	[sflag:s26] =	ssyncset.done $0x0;
	v3 =	vmax.f32 v3, $0.0e+00  }
0x54d: {  	[sflag:s26] =	ssyncadd.s32 $0xFFFFFFF0;
	v3 =	vmul.f32 v3, v3  }
0x54e: {  	s28 =	rddreg [dreg:$0x11];
	[tilespmem:$0xD80] =	vst v0  }
0x54f: {  	[hbm4b:s28+s25] =	stream.linear.scatter [tilespmem:s24], [sflag:$0x2], $0x10, $0x38;
	v0 =	vadd.f32 v3, v2;
	[tilespmem:$0xE00] =	vst v63  }
0x550: {  	_ =	swait.ge [sflag:s26], $0x10  }
0x551: {  	[sflag:s26] =	ssyncset.done $0x0;
	v0 =	vmul.f32 $4.882812500e-02, v0  }
0x552: {  	p0 =	sne.s32 s1, $0x1;
	[sflag:s26] =	ssyncadd.s32 $0xFFFFFFF0  }
.Ltmp0:
0x553: {  	s29 =	simm.s32 $0x0;
	s30 =	rddreg [dreg:$0x12];
	[tilespmem:$0xD80] =	vst v0;
	(pc) =	sbr.rel @p0 .LBB2_1-.Ltmp0, $4  }
0x554: {  	[hbm4b:s30+s29] =	stream.linear.scatter [tilespmem:s24], [sflag:$0x2], $0x80, $0x38;
	[tilespmem:$0xE00] =	vst v63  }
0x555: {  	_ =	swait.ge [sflag:s26], $0x80  }
0x556: {  	s31 =	simm.s32 $0x2;
	[sflag:s26] =	ssyncset.done $0x0  }
0x557: {  	s1 =	sadd.s32 $0xFFFFFFFF, s1;
	[sflag:s31] =	ssyncadd.s32 $0xFFFFFF80  }
0x558: {  	_ =	sfence.sel $0x180000  }
0x559: {  	[bflag:$0x0] =	sbarrier.arrive $0xFFFF  }
0x55a: {  	_ =	strace $0x90000047  }
0x55b: {  	s0 =	stileid.u32;
	[bflag:$0x2] =	sbarrier.arrive $0xFFFF  }
0x55c: {  	p0 =	sne.s32 s0, $0x0;
	s0 =	rddreg [dreg:$0x6]  }
0x55d: {  	s0 =	sadd.s32 @!p0 $0x100000, s0  }
0x55e: {  	[sflag:s0] =	ssyncadd.tile.s32 @!p0 $0x1;
	_ =	shalt  }
.Lfunc_end2:
_tile_overlayer_lowered:
.L_overlay_start_2:
0x55f: {  	(tag) =	ssettag $0x2  }
0x560: {  	s0 =	rddreg [dreg:$0x0];
	s2 =	stileid.u32  }
0x561: {  	s1 =	rddreg [dreg:$0x1];
	p0 =	sne.s32 s2, $0x0  }
0x562: {  	s3 =	rddreg [dreg:$0x2];
	[bflag:$0x3] =	sbarrier.arrive $0xFFFF;
	s2 =	simm.s32 @!p0 $0x1C02  }
0x563: {  	[timem:s3], [sflag:s2] =	dma.local @!p0 [hbm:s0], s1  }
0x564: {  	s0 =	simm.s32 @!p0 $0x2  }
0x565: {  	_ =	swait.ge @!p0 [sflag:s0], s1  }
0x566: {  	s1 =	ssub.s32 @!p0 $0x0, s1;
	[sflag:s0] =	ssyncset.done @!p0 $0x0  }
0x567: {  	[sflag:s0] =	ssyncadd.s32 @!p0 s1  }
0x568: {  	[bflag:$0x3] =	sbarrier.arrive $0xFFFF  }
0x569: {  	_ =	shalt  }

</sc_bundles>
